<compile_context>
chip_gen: v7x
topology: tpu7x:2x2x1
jax: 0.10.2.dev20260603
libtpu: 0.0.44.dev20260713+nightly
codegen_flags: <defaults>
</compile_context>

<pallas_src>
import functools

import jax
import jax.numpy as jnp
from jax import lax
from jax.experimental import pallas as pl
from jax.experimental.pallas import tpu as pltpu
from jax.experimental.pallas import tpu_sc as plsc

_N = 100000
_E = 1600000
_ED = 16
_D = 128

_NC = 2
_NS = 16

_CH = 128
_ROWS = _E // _CH
_NDUM = 8
_RPAD = 12544
_BASE = _RPAD // _NS
_K = 4
_NSLABS = _BASE // _K

_ZSTART = 6240
_ZLEN = 6400
_CPY = 320

assert _K * _NSLABS == _BASE and _NSLABS % 2 == 0
assert (_NS - 1) * _ZSTART + _ZLEN == _N
assert _ZLEN % _CPY == 0 and _ZSTART % 8 == 0 and _CPY % 8 == 0
assert _CPY <= _K * _CH


def _sc_body(row_hbm, attr_hbm, zero_hbm, ones_hbm,
             sum_out, cnt_out,
             acc_sh, idx_v, attr_v,
             sem_i0, sem_i1, sem_a0, sem_a1, sem_s):
  cid = lax.axis_index("c")
  sid = lax.axis_index("s")

  sem_i = (sem_i0, sem_i1)
  sem_a = (sem_a0, sem_a1)

  n0 = sid * _ZSTART
  pltpu.sync_copy(zero_hbm, attr_v.at[0, pl.ds(0, _CPY), :])
  for j in range(_ZLEN // _CPY):
    pltpu.sync_copy(attr_v.at[0, pl.ds(0, _CPY), :],
                    acc_sh.at[pl.ds(n0 + j * _CPY, _CPY), :])

  @pl.when(cid == 1)
  def _():
    pltpu.sync_copy(ones_hbm, attr_v.at[0])
    pltpu.sync_copy(ones_hbm, attr_v.at[1])

  plsc.subcore_barrier()

  base = sid * _BASE

  def _fetch(slab, b):
    r = base + slab * _K
    ra = jnp.minimum(r, _ROWS - _K)
    pltpu.async_copy(row_hbm.at[pl.ds(r, _K), :, :], idx_v.at[b], sem_i[b])

    @pl.when(cid == 0)
    def _():
      pltpu.async_copy(attr_hbm.at[pl.ds(ra * _CH, _K * _CH), :],
                       attr_v.at[b], sem_a[b])

  def _wait_fetch(slab, b):
    r = base + slab * _K
    ra = jnp.minimum(r, _ROWS - _K)
    pltpu.make_async_copy(row_hbm.at[pl.ds(r, _K), :, :], idx_v.at[b],
                          sem_i[b]).wait()

    @pl.when(cid == 0)
    def _():
      pltpu.make_async_copy(attr_hbm.at[pl.ds(ra * _CH, _K * _CH), :],
                            attr_v.at[b], sem_a[b]).wait()

  def _scatter_slab(b):
    handles = []
    for k in range(_K):
      idx = idx_v.at[b, k, 0]
      handles.append(
          pltpu.async_copy(attr_v.at[b, pl.ds(k * _CH, _CH), :],
                           acc_sh.at[idx], sem_s, add=True))
    for hs in handles:
      hs.wait()

  _fetch(0, 0)

  def _loop_body(i, carry):
    s0 = i * 2
    _wait_fetch(s0, 0)
    _fetch(s0 + 1, 1)
    _scatter_slab(0)
    _wait_fetch(s0 + 1, 1)
    _fetch(s0 + 2, 0)
    _scatter_slab(1)
    return carry

  lax.fori_loop(0, _NSLABS // 2 - 1, _loop_body, 0)

  _wait_fetch(_NSLABS - 2, 0)
  _fetch(_NSLABS - 1, 1)
  _scatter_slab(0)
  _wait_fetch(_NSLABS - 1, 1)
  _scatter_slab(1)

  plsc.subcore_barrier()

  for j in range(_ZLEN // _CPY):
    o = n0 + j * _CPY
    pltpu.sync_copy(acc_sh.at[pl.ds(o, _CPY), :],
                    attr_v.at[0, pl.ds(0, _CPY), :])

    @pl.when(cid == 0)
    def _():
      pltpu.sync_copy(attr_v.at[0, pl.ds(0, _CPY), :],
                      sum_out.at[pl.ds(o, _CPY), :])

    @pl.when(cid == 1)
    def _():
      pltpu.sync_copy(attr_v.at[0, pl.ds(0, _CPY), :],
                      cnt_out.at[pl.ds(o, _CPY), :])


_segment_sums = functools.partial(
    pl.kernel,
    mesh=plsc.VectorSubcoreMesh(core_axis_name="c", subcore_axis_name="s"),
    out_type=[jax.ShapeDtypeStruct((_N, _ED), jnp.float32),
              jax.ShapeDtypeStruct((_N, _ED), jnp.float32)],
    scratch_types=[
        pltpu.VMEM_SHARED((_N + _NDUM, _ED), jnp.float32),
        pltpu.VMEM((2, _K, 1, _CH), jnp.int32),
        pltpu.VMEM((2, _K * _CH, _ED), jnp.float32),
        pltpu.SemaphoreType.DMA,
        pltpu.SemaphoreType.DMA,
        pltpu.SemaphoreType.DMA,
        pltpu.SemaphoreType.DMA,
        pltpu.SemaphoreType.DMA,
    ],
    compiler_params=pltpu.CompilerParams(use_tc_tiling_on_sc=False),
)(_sc_body)


_BN = 4096
_NBLK = (_N + _BN - 1) // _BN


def _mlp_body(x_ref, s_ref, c_ref,
              w1x_ref, w1e_ref, b1_ref, w2_ref, b2_ref, wa_ref, ba_ref,
              w3x_ref, w3h_ref, b3_ref, w4_ref, b4_ref, o_ref):
  f32 = jnp.float32
  x = x_ref[...]
  agg = s_ref[...] / jnp.maximum(c_ref[:, 0:1], 1.0)
  h = (jnp.dot(x, w1x_ref[...], preferred_element_type=f32)
       + jnp.dot(agg, w1e_ref[...], preferred_element_type=f32)
       + b1_ref[...])
  h = jnp.maximum(h, 0.0)
  h = jnp.dot(h, w2_ref[...], preferred_element_type=f32) + b2_ref[...]
  att = jax.nn.sigmoid(
      jnp.dot(h, wa_ref[...], preferred_element_type=f32) + ba_ref[...])
  h = h * att
  h = jnp.maximum(
      jnp.dot(x, w3x_ref[...], preferred_element_type=f32)
      + jnp.dot(h, w3h_ref[...], preferred_element_type=f32)
      + b3_ref[...], 0.0)
  o_ref[...] = jnp.dot(h, w4_ref[...], preferred_element_type=f32) + b4_ref[...]


def _row_spec(c):
  return pl.BlockSpec((_BN, c), lambda i: (i, 0))


def _const_spec(shape):
  return pl.BlockSpec(shape, lambda i: (0, 0))


_mlp = pl.pallas_call(
    _mlp_body,
    grid=(_NBLK,),
    in_specs=[
        _row_spec(_D),
        _row_spec(_ED),
        _row_spec(_ED),
        _const_spec((_D, _D)),
        _const_spec((_ED, _D)),
        _const_spec((1, _D)),
        _const_spec((_D, _D)),
        _const_spec((1, _D)),
        _const_spec((_D, 1)),
        _const_spec((1, 1)),
        _const_spec((_D, _D)),
        _const_spec((_D, _D)),
        _const_spec((1, _D)),
        _const_spec((_D, _D)),
        _const_spec((1, _D)),
    ],
    out_specs=_row_spec(_D),
    out_shape=jax.ShapeDtypeStruct((_N, _D), jnp.float32),
    compiler_params=pltpu.CompilerParams(dimension_semantics=("arbitrary",)),
)


def kernel(x, edge_index, edge_attr, u, batch,
           W1, b1, W2, b2, Wa, ba, W3, b3, W4, b4):
  del u, batch
  row = edge_index[0].astype(jnp.int32).reshape(_ROWS, 1, _CH)
  pad = jnp.broadcast_to(
      (jnp.arange(_CH, dtype=jnp.int32) % _NDUM) + _N,
      (_RPAD - _ROWS, 1, _CH))
  row = jnp.concatenate([row, pad], axis=0)
  zero = jnp.zeros((_CPY, _ED), jnp.float32)
  ones = jnp.ones((_K * _CH, _ED), jnp.float32)
  psum, pcnt = _segment_sums(row, edge_attr, zero, ones)
  return _mlp(x, psum, pcnt,
              W1[:_D], W1[_D:], b1.reshape(1, _D),
              W2, b2.reshape(1, _D),
              Wa, ba.reshape(1, 1),
              W3[:_D], W3[_D:], b3.reshape(1, _D),
              W4, b4.reshape(1, _D))

# --- scband reference (transcript-rebuilt; emitter-appended) ---
"""Pipeline reference for scband-node-model-40175124087394 (READ-ONLY COPY).

The authoritative reference and input builder live on the scoring server;
editing this copy changes nothing except your own understanding.
"""

import jax, jax.numpy as jnp
import numpy as np

N_NODES = 100000
N_EDGES = 1600000
NODE_DIM = 128
EDGE_DIM = 16
HIDDEN = 128

def setup_inputs(seed: int = 0) -> dict:
    key = jax.random.key(seed)
    ks = jax.random.split(key, 16)
    x = jax.random.normal(ks[0], (N_NODES, NODE_DIM), dtype=jnp.float32)
    edge_index = jax.random.randint(ks[1], (2, N_EDGES), 0, N_NODES, dtype=jnp.int64)
    edge_attr = jax.random.normal(ks[2], (N_EDGES, EDGE_DIM), dtype=jnp.float32)
    u = jax.random.normal(ks[3], (1, NODE_DIM), dtype=jnp.float32)
    batch = jnp.zeros((N_NODES,), dtype=jnp.int64)
    def lin(k, fan_in, fan_out):
        bound = 1.0 / np.sqrt(fan_in)
        kw, kb = jax.random.split(k)
        W = jax.random.uniform(kw, (fan_in, fan_out), minval=-bound, maxval=bound, dtype=jnp.float32)
        b = jax.random.uniform(kb, (fan_out,), minval=-bound, maxval=bound, dtype=jnp.float32)
        return W, b
    W1, b1 = lin(ks[4], NODE_DIM + EDGE_DIM, HIDDEN)
    W2, b2 = lin(ks[5], HIDDEN, HIDDEN)
    Wa, ba = lin(ks[6], HIDDEN, 1)
    W3, b3 = lin(ks[7], NODE_DIM + HIDDEN, HIDDEN)
    W4, b4 = lin(ks[8], HIDDEN, NODE_DIM)
    return {"x": x, "edge_index": edge_index, "edge_attr": edge_attr, "u": u, "batch": batch,
            "W1": W1, "b1": b1, "W2": W2, "b2": b2, "Wa": Wa, "ba": ba,
            "W3": W3, "b3": b3, "W4": W4, "b4": b4}

def reference(x, edge_index, edge_attr, u, batch, W1, b1, W2, b2, Wa, ba, W3, b3, W4, b4):
    row = edge_index[0]
    n = x.shape[0]
    summed = jax.ops.segment_sum(edge_attr, row, num_segments=n)
    counts = jax.ops.segment_sum(jnp.ones((edge_attr.shape[0],), dtype=edge_attr.dtype), row, num_segments=n)
    edge_agg = summed / jnp.maximum(counts, 1.0)[:, None]
    node_features = jnp.concatenate([x, edge_agg], axis=1)
    h = jnp.maximum(node_features @ W1 + b1, 0.0) @ W2 + b2
    att = jax.nn.sigmoid(h @ Wa + ba)
    h = h * att
    h = jnp.concatenate([x, h], axis=1)
    node_updates = jnp.maximum(h @ W3 + b3, 0.0) @ W4 + b4
    return node_updates

if __name__ == "__main__":
    import jax
    _d = setup_inputs()
    print(jax.jit(kernel)(*tuple(_d.values())))

</pallas_src>

<mosaic_0001>
#map = affine_map<(d0, d1) -> (0, 0, 0)>
#map1 = affine_map<(d0, d1) -> (0, 0)>
module attributes {stable_mosaic.version = 14 : i64} {
  func.func @_sc_body(%arg0: i32, %arg1: i32, %arg2: memref<12544x1x128xi32, #tpu.memory_space<hbm>>, %arg3: memref<1600000x16xf32, #tpu.memory_space<hbm>>, %arg4: memref<320x16xf32, #tpu.memory_space<hbm>>, %arg5: memref<512x16xf32, #tpu.memory_space<hbm>>, %arg6: memref<100000x16xf32, #tpu.memory_space<hbm>>, %arg7: memref<100000x16xf32, #tpu.memory_space<hbm>>, %arg8: memref<100008x16xf32, #tpu.memory_space<vmem_shared>>, %arg9: memref<2x4x1x128xi32, #tpu.memory_space<vmem>>, %arg10: memref<2x512x16xf32, #tpu.memory_space<vmem>>, %arg11: memref<!tpu.dma_semaphore, #tpu.memory_space<semaphore_mem>>, %arg12: memref<!tpu.dma_semaphore, #tpu.memory_space<semaphore_mem>>, %arg13: memref<!tpu.dma_semaphore, #tpu.memory_space<semaphore_mem>>, %arg14: memref<!tpu.dma_semaphore, #tpu.memory_space<semaphore_mem>>, %arg15: memref<!tpu.dma_semaphore, #tpu.memory_space<semaphore_mem>>) attributes {dimension_semantics = [#tpu.dimension_semantics<core_parallel>, #tpu.dimension_semantics<subcore_parallel>], iteration_bounds = array<i64: 2, 16>, scalar_prefetch = 0 : i64, scratch_operands = 8 : i64, tpu.core_type = #tpu.core_type<sc_vector_subcore>, window_params = [{transform_indices = #map}, {transform_indices = #map1}, {transform_indices = #map1}, {transform_indices = #map1}, {transform_indices = #map1}, {transform_indices = #map1}]} {
    %mul3A = arith.constant 6240 : i32
    %mul3A_0 = arith.muli %arg1, %mul3A : i32
    %run_scoped3A = arith.constant 0 : i32
    "tpu.region"() ({
      %run_scoped3A_655 = tpu.sem_alloc : memref<!tpu.dma_semaphore, #tpu.memory_space<semaphore_mem>>
      %dma_start3A_656 = arith.constant 0 : i32
      %dma_start3A_657 = arith.constant 0 : i32
      %dma_start3A_658 = tpu.memref_slice %arg10[%run_scoped3A, %dma_start3A_656, %dma_start3A_657] : memref<2x512x16xf32, #tpu.memory_space<vmem>> -> memref<1x320x16xf32, #tpu.memory_space<vmem>>
      %dma_start3A_659 = tpu.memref_squeeze %dma_start3A_658 : memref<1x320x16xf32, #tpu.memory_space<vmem>> -> memref<320x16xf32, #tpu.memory_space<vmem>>
      %dma_start3A_660 = arith.constant 0 : i32
      %dma_start3A_661 = arith.constant 0 : i32
      %dma_start3A_662 = tpu.memref_slice %arg10[%run_scoped3A, %dma_start3A_660, %dma_start3A_661] : memref<2x512x16xf32, #tpu.memory_space<vmem>> -> memref<1x320x16xf32, #tpu.memory_space<vmem>>
      %dma_start3A_663 = tpu.memref_squeeze %dma_start3A_662 : memref<1x320x16xf32, #tpu.memory_space<vmem>> -> memref<320x16xf32, #tpu.memory_space<vmem>>
      tpu.enqueue_dma source(%arg4 : memref<320x16xf32, #tpu.memory_space<hbm>>) target(%dma_start3A_663 : memref<320x16xf32, #tpu.memory_space<vmem>>) target_semaphore(%run_scoped3A_655 : memref<!tpu.dma_semaphore, #tpu.memory_space<semaphore_mem>>)
      %dma_wait3A_664 = arith.constant 0 : i32
      %dma_wait3A_665 = arith.constant 0 : i32
      %dma_wait3A_666 = tpu.memref_slice %arg10[%run_scoped3A, %dma_wait3A_664, %dma_wait3A_665] : memref<2x512x16xf32, #tpu.memory_space<vmem>> -> memref<1x320x16xf32, #tpu.memory_space<vmem>>
      %dma_wait3A_667 = tpu.memref_squeeze %dma_wait3A_666 : memref<1x320x16xf32, #tpu.memory_space<vmem>> -> memref<320x16xf32, #tpu.memory_space<vmem>>
      %dma_wait3A_668 = arith.constant 0 : i32
      %dma_wait3A_669 = arith.constant 0 : i32
      %dma_wait3A_670 = tpu.memref_slice %arg10[%run_scoped3A, %dma_wait3A_668, %dma_wait3A_669] : memref<2x512x16xf32, #tpu.memory_space<vmem>> -> memref<1x320x16xf32, #tpu.memory_space<vmem>>
      %dma_wait3A_671 = tpu.memref_squeeze %dma_wait3A_670 : memref<1x320x16xf32, #tpu.memory_space<vmem>> -> memref<320x16xf32, #tpu.memory_space<vmem>>
      tpu.wait_dma2 semaphore(%run_scoped3A_655 : memref<!tpu.dma_semaphore, #tpu.memory_space<semaphore_mem>>) src(%arg4 : memref<320x16xf32, #tpu.memory_space<hbm>>) dst(%dma_wait3A_671 : memref<320x16xf32, #tpu.memory_space<vmem>>)
      tpu.yield
    }) : () -> ()
    %add3A = arith.constant 0 : i32
    %add3A_1 = arith.addi %mul3A_0, %add3A : i32
    %run_scoped3A_2 = arith.constant 0 : i32
    "tpu.region"() ({
      %run_scoped3A_655 = tpu.sem_alloc : memref<!tpu.dma_semaphore, #tpu.memory_space<semaphore_mem>>
      %dma_start3A_656 = arith.constant 0 : i32
      %dma_start3A_657 = arith.constant 0 : i32
      %dma_start3A_658 = tpu.memref_slice %arg10[%run_scoped3A_2, %dma_start3A_656, %dma_start3A_657] : memref<2x512x16xf32, #tpu.memory_space<vmem>> -> memref<1x320x16xf32, #tpu.memory_space<vmem>>
      %dma_start3A_659 = tpu.memref_squeeze %dma_start3A_658 : memref<1x320x16xf32, #tpu.memory_space<vmem>> -> memref<320x16xf32, #tpu.memory_space<vmem>>
      %dma_start3A_660 = arith.constant 0 : i32
      %dma_start3A_661 = tpu.memref_slice %arg8[%add3A_1, %dma_start3A_660] : memref<100008x16xf32, #tpu.memory_space<vmem_shared>> -> memref<320x16xf32, #tpu.memory_space<vmem_shared>>
      %dma_start3A_662 = arith.constant 0 : i32
      %dma_start3A_663 = tpu.memref_slice %arg8[%add3A_1, %dma_start3A_662] : memref<100008x16xf32, #tpu.memory_space<vmem_shared>> -> memref<320x16xf32, #tpu.memory_space<vmem_shared>>
      %dma_start3A_664 = arith.constant 0 : i32
      %dma_start3A_665 = arith.constant 0 : i32
      %dma_start3A_666 = tpu.memref_slice %arg10[%run_scoped3A_2, %dma_start3A_664, %dma_start3A_665] : memref<2x512x16xf32, #tpu.memory_space<vmem>> -> memref<1x320x16xf32, #tpu.memory_space<vmem>>
      %dma_start3A_667 = tpu.memref_squeeze %dma_start3A_666 : memref<1x320x16xf32, #tpu.memory_space<vmem>> -> memref<320x16xf32, #tpu.memory_space<vmem>>
      tpu.enqueue_dma source(%dma_start3A_667 : memref<320x16xf32, #tpu.memory_space<vmem>>) target(%dma_start3A_663 : memref<320x16xf32, #tpu.memory_space<vmem_shared>>) target_semaphore(%run_scoped3A_655 : memref<!tpu.dma_semaphore, #tpu.memory_space<semaphore_mem>>)
      %dma_wait3A_668 = arith.constant 0 : i32
      %dma_wait3A_669 = arith.constant 0 : i32
      %dma_wait3A_670 = tpu.memref_slice %arg10[%run_scoped3A_2, %dma_wait3A_668, %dma_wait3A_669] : memref<2x512x16xf32, #tpu.memory_space<vmem>> -> memref<1x320x16xf32, #tpu.memory_space<vmem>>
      %dma_wait3A_671 = tpu.memref_squeeze %dma_wait3A_670 : memref<1x320x16xf32, #tpu.memory_space<vmem>> -> memref<320x16xf32, #tpu.memory_space<vmem>>
      %dma_wait3A_672 = arith.constant 0 : i32
      %dma_wait3A_673 = tpu.memref_slice %arg8[%add3A_1, %dma_wait3A_672] : memref<100008x16xf32, #tpu.memory_space<vmem_shared>> -> memref<320x16xf32, #tpu.memory_space<vmem_shared>>
      %dma_wait3A_674 = arith.constant 0 : i32
      %dma_wait3A_675 = tpu.memref_slice %arg8[%add3A_1, %dma_wait3A_674] : memref<100008x16xf32, #tpu.memory_space<vmem_shared>> -> memref<320x16xf32, #tpu.memory_space<vmem_shared>>
      %dma_wait3A_676 = arith.constant 0 : i32
      %dma_wait3A_677 = arith.constant 0 : i32
      %dma_wait3A_678 = tpu.memref_slice %arg10[%run_scoped3A_2, %dma_wait3A_676, %dma_wait3A_677] : memref<2x512x16xf32, #tpu.memory_space<vmem>> -> memref<1x320x16xf32, #tpu.memory_space<vmem>>
      %dma_wait3A_679 = tpu.memref_squeeze %dma_wait3A_678 : memref<1x320x16xf32, #tpu.memory_space<vmem>> -> memref<320x16xf32, #tpu.memory_space<vmem>>
      tpu.wait_dma2 semaphore(%run_scoped3A_655 : memref<!tpu.dma_semaphore, #tpu.memory_space<semaphore_mem>>) src(%dma_wait3A_679 : memref<320x16xf32, #tpu.memory_space<vmem>>) dst(%dma_wait3A_675 : memref<320x16xf32, #tpu.memory_space<vmem_shared>>)
      tpu.yield
    }) : () -> ()
    %add3A_3 = arith.constant 320 : i32
    %add3A_4 = arith.addi %mul3A_0, %add3A_3 : i32
    %run_scoped3A_5 = arith.constant 0 : i32
    "tpu.region"() ({
      %run_scoped3A_655 = tpu.sem_alloc : memref<!tpu.dma_semaphore, #tpu.memory_space<semaphore_mem>>
      %dma_start3A_656 = arith.constant 0 : i32
      %dma_start3A_657 = arith.constant 0 : i32
      %dma_start3A_658 = tpu.memref_slice %arg10[%run_scoped3A_5, %dma_start3A_656, %dma_start3A_657] : memref<2x512x16xf32, #tpu.memory_space<vmem>> -> memref<1x320x16xf32, #tpu.memory_space<vmem>>
      %dma_start3A_659 = tpu.memref_squeeze %dma_start3A_658 : memref<1x320x16xf32, #tpu.memory_space<vmem>> -> memref<320x16xf32, #tpu.memory_space<vmem>>
      %dma_start3A_660 = arith.constant 0 : i32
      %dma_start3A_661 = tpu.memref_slice %arg8[%add3A_4, %dma_start3A_660] : memref<100008x16xf32, #tpu.memory_space<vmem_shared>> -> memref<320x16xf32, #tpu.memory_space<vmem_shared>>
      %dma_start3A_662 = arith.constant 0 : i32
      %dma_start3A_663 = tpu.memref_slice %arg8[%add3A_4, %dma_start3A_662] : memref<100008x16xf32, #tpu.memory_space<vmem_shared>> -> memref<320x16xf32, #tpu.memory_space<vmem_shared>>
      %dma_start3A_664 = arith.constant 0 : i32
      %dma_start3A_665 = arith.constant 0 : i32
      %dma_start3A_666 = tpu.memref_slice %arg10[%run_scoped3A_5, %dma_start3A_664, %dma_start3A_665] : memref<2x512x16xf32, #tpu.memory_space<vmem>> -> memref<1x320x16xf32, #tpu.memory_space<vmem>>
      %dma_start3A_667 = tpu.memref_squeeze %dma_start3A_666 : memref<1x320x16xf32, #tpu.memory_space<vmem>> -> memref<320x16xf32, #tpu.memory_space<vmem>>
      tpu.enqueue_dma source(%dma_start3A_667 : memref<320x16xf32, #tpu.memory_space<vmem>>) target(%dma_start3A_663 : memref<320x16xf32, #tpu.memory_space<vmem_shared>>) target_semaphore(%run_scoped3A_655 : memref<!tpu.dma_semaphore, #tpu.memory_space<semaphore_mem>>)
      %dma_wait3A_668 = arith.constant 0 : i32
      %dma_wait3A_669 = arith.constant 0 : i32
      %dma_wait3A_670 = tpu.memref_slice %arg10[%run_scoped3A_5, %dma_wait3A_668, %dma_wait3A_669] : memref<2x512x16xf32, #tpu.memory_space<vmem>> -> memref<1x320x16xf32, #tpu.memory_space<vmem>>
      %dma_wait3A_671 = tpu.memref_squeeze %dma_wait3A_670 : memref<1x320x16xf32, #tpu.memory_space<vmem>> -> memref<320x16xf32, #tpu.memory_space<vmem>>
      %dma_wait3A_672 = arith.constant 0 : i32
      %dma_wait3A_673 = tpu.memref_slice %arg8[%add3A_4, %dma_wait3A_672] : memref<100008x16xf32, #tpu.memory_space<vmem_shared>> -> memref<320x16xf32, #tpu.memory_space<vmem_shared>>
      %dma_wait3A_674 = arith.constant 0 : i32
      %dma_wait3A_675 = tpu.memref_slice %arg8[%add3A_4, %dma_wait3A_674] : memref<100008x16xf32, #tpu.memory_space<vmem_shared>> -> memref<320x16xf32, #tpu.memory_space<vmem_shared>>
      %dma_wait3A_676 = arith.constant 0 : i32
      %dma_wait3A_677 = arith.constant 0 : i32
      %dma_wait3A_678 = tpu.memref_slice %arg10[%run_scoped3A_5, %dma_wait3A_676, %dma_wait3A_677] : memref<2x512x16xf32, #tpu.memory_space<vmem>> -> memref<1x320x16xf32, #tpu.memory_space<vmem>>
      %dma_wait3A_679 = tpu.memref_squeeze %dma_wait3A_678 : memref<1x320x16xf32, #tpu.memory_space<vmem>> -> memref<320x16xf32, #tpu.memory_space<vmem>>
      tpu.wait_dma2 semaphore(%run_scoped3A_655 : memref<!tpu.dma_semaphore, #tpu.memory_space<semaphore_mem>>) src(%dma_wait3A_679 : memref<320x16xf32, #tpu.memory_space<vmem>>) dst(%dma_wait3A_675 : memref<320x16xf32, #tpu.memory_space<vmem_shared>>)
      tpu.yield
    }) : () -> ()
    %add3A_6 = arith.constant 640 : i32
    %add3A_7 = arith.addi %mul3A_0, %add3A_6 : i32
    %run_scoped3A_8 = arith.constant 0 : i32
    "tpu.region"() ({
      %run_scoped3A_655 = tpu.sem_alloc : memref<!tpu.dma_semaphore, #tpu.memory_space<semaphore_mem>>
      %dma_start3A_656 = arith.constant 0 : i32
      %dma_start3A_657 = arith.constant 0 : i32
      %dma_start3A_658 = tpu.memref_slice %arg10[%run_scoped3A_8, %dma_start3A_656, %dma_start3A_657] : memref<2x512x16xf32, #tpu.memory_space<vmem>> -> memref<1x320x16xf32, #tpu.memory_space<vmem>>
      %dma_start3A_659 = tpu.memref_squeeze %dma_start3A_658 : memref<1x320x16xf32, #tpu.memory_space<vmem>> -> memref<320x16xf32, #tpu.memory_space<vmem>>
      %dma_start3A_660 = arith.constant 0 : i32
      %dma_start3A_661 = tpu.memref_slice %arg8[%add3A_7, %dma_start3A_660] : memref<100008x16xf32, #tpu.memory_space<vmem_shared>> -> memref<320x16xf32, #tpu.memory_space<vmem_shared>>
      %dma_start3A_662 = arith.constant 0 : i32
      %dma_start3A_663 = tpu.memref_slice %arg8[%add3A_7, %dma_start3A_662] : memref<100008x16xf32, #tpu.memory_space<vmem_shared>> -> memref<320x16xf32, #tpu.memory_space<vmem_shared>>
      %dma_start3A_664 = arith.constant 0 : i32
      %dma_start3A_665 = arith.constant 0 : i32
      %dma_start3A_666 = tpu.memref_slice %arg10[%run_scoped3A_8, %dma_start3A_664, %dma_start3A_665] : memref<2x512x16xf32, #tpu.memory_space<vmem>> -> memref<1x320x16xf32, #tpu.memory_space<vmem>>
      %dma_start3A_667 = tpu.memref_squeeze %dma_start3A_666 : memref<1x320x16xf32, #tpu.memory_space<vmem>> -> memref<320x16xf32, #tpu.memory_space<vmem>>
      tpu.enqueue_dma source(%dma_start3A_667 : memref<320x16xf32, #tpu.memory_space<vmem>>) target(%dma_start3A_663 : memref<320x16xf32, #tpu.memory_space<vmem_shared>>) target_semaphore(%run_scoped3A_655 : memref<!tpu.dma_semaphore, #tpu.memory_space<semaphore_mem>>)
      %dma_wait3A_668 = arith.constant 0 : i32
      %dma_wait3A_669 = arith.constant 0 : i32
      %dma_wait3A_670 = tpu.memref_slice %arg10[%run_scoped3A_8, %dma_wait3A_668, %dma_wait3A_669] : memref<2x512x16xf32, #tpu.memory_space<vmem>> -> memref<1x320x16xf32, #tpu.memory_space<vmem>>
      %dma_wait3A_671 = tpu.memref_squeeze %dma_wait3A_670 : memref<1x320x16xf32, #tpu.memory_space<vmem>> -> memref<320x16xf32, #tpu.memory_space<vmem>>
      %dma_wait3A_672 = arith.constant 0 : i32
      %dma_wait3A_673 = tpu.memref_slice %arg8[%add3A_7, %dma_wait3A_672] : memref<100008x16xf32, #tpu.memory_space<vmem_shared>> -> memref<320x16xf32, #tpu.memory_space<vmem_shared>>
      %dma_wait3A_674 = arith.constant 0 : i32
      %dma_wait3A_675 = tpu.memref_slice %arg8[%add3A_7, %dma_wait3A_674] : memref<100008x16xf32, #tpu.memory_space<vmem_shared>> -> memref<320x16xf32, #tpu.memory_space<vmem_shared>>
      %dma_wait3A_676 = arith.constant 0 : i32
      %dma_wait3A_677 = arith.constant 0 : i32
      %dma_wait3A_678 = tpu.memref_slice %arg10[%run_scoped3A_8, %dma_wait3A_676, %dma_wait3A_677] : memref<2x512x16xf32, #tpu.memory_space<vmem>> -> memref<1x320x16xf32, #tpu.memory_space<vmem>>
      %dma_wait3A_679 = tpu.memref_squeeze %dma_wait3A_678 : memref<1x320x16xf32, #tpu.memory_space<vmem>> -> memref<320x16xf32, #tpu.memory_space<vmem>>
      tpu.wait_dma2 semaphore(%run_scoped3A_655 : memref<!tpu.dma_semaphore, #tpu.memory_space<semaphore_mem>>) src(%dma_wait3A_679 : memref<320x16xf32, #tpu.memory_space<vmem>>) dst(%dma_wait3A_675 : memref<320x16xf32, #tpu.memory_space<vmem_shared>>)
      tpu.yield
    }) : () -> ()
    %add3A_9 = arith.constant 960 : i32
    %add3A_10 = arith.addi %mul3A_0, %add3A_9 : i32
    %run_scoped3A_11 = arith.constant 0 : i32
    "tpu.region"() ({
      %run_scoped3A_655 = tpu.sem_alloc : memref<!tpu.dma_semaphore, #tpu.memory_space<semaphore_mem>>
      %dma_start3A_656 = arith.constant 0 : i32
      %dma_start3A_657 = arith.constant 0 : i32
      %dma_start3A_658 = tpu.memref_slice %arg10[%run_scoped3A_11, %dma_start3A_656, %dma_start3A_657] : memref<2x512x16xf32, #tpu.memory_space<vmem>> -> memref<1x320x16xf32, #tpu.memory_space<vmem>>
      %dma_start3A_659 = tpu.memref_squeeze %dma_start3A_658 : memref<1x320x16xf32, #tpu.memory_space<vmem>> -> memref<320x16xf32, #tpu.memory_space<vmem>>
      %dma_start3A_660 = arith.constant 0 : i32
      %dma_start3A_661 = tpu.memref_slice %arg8[%add3A_10, %dma_start3A_660] : memref<100008x16xf32, #tpu.memory_space<vmem_shared>> -> memref<320x16xf32, #tpu.memory_space<vmem_shared>>
      %dma_start3A_662 = arith.constant 0 : i32
      %dma_start3A_663 = tpu.memref_slice %arg8[%add3A_10, %dma_start3A_662] : memref<100008x16xf32, #tpu.memory_space<vmem_shared>> -> memref<320x16xf32, #tpu.memory_space<vmem_shared>>
      %dma_start3A_664 = arith.constant 0 : i32
      %dma_start3A_665 = arith.constant 0 : i32
      %dma_start3A_666 = tpu.memref_slice %arg10[%run_scoped3A_11, %dma_start3A_664, %dma_start3A_665] : memref<2x512x16xf32, #tpu.memory_space<vmem>> -> memref<1x320x16xf32, #tpu.memory_space<vmem>>
      %dma_start3A_667 = tpu.memref_squeeze %dma_start3A_666 : memref<1x320x16xf32, #tpu.memory_space<vmem>> -> memref<320x16xf32, #tpu.memory_space<vmem>>
      tpu.enqueue_dma source(%dma_start3A_667 : memref<320x16xf32, #tpu.memory_space<vmem>>) target(%dma_start3A_663 : memref<320x16xf32, #tpu.memory_space<vmem_shared>>) target_semaphore(%run_scoped3A_655 : memref<!tpu.dma_semaphore, #tpu.memory_space<semaphore_mem>>)
      %dma_wait3A_668 = arith.constant 0 : i32
      %dma_wait3A_669 = arith.constant 0 : i32
      %dma_wait3A_670 = tpu.memref_slice %arg10[%run_scoped3A_11, %dma_wait3A_668, %dma_wait3A_669] : memref<2x512x16xf32, #tpu.memory_space<vmem>> -> memref<1x320x16xf32, #tpu.memory_space<vmem>>
      %dma_wait3A_671 = tpu.memref_squeeze %dma_wait3A_670 : memref<1x320x16xf32, #tpu.memory_space<vmem>> -> memref<320x16xf32, #tpu.memory_space<vmem>>
      %dma_wait3A_672 = arith.constant 0 : i32
      %dma_wait3A_673 = tpu.memref_slice %arg8[%add3A_10, %dma_wait3A_672] : memref<100008x16xf32, #tpu.memory_space<vmem_shared>> -> memref<320x16xf32, #tpu.memory_space<vmem_shared>>
      %dma_wait3A_674 = arith.constant 0 : i32
      %dma_wait3A_675 = tpu.memref_slice %arg8[%add3A_10, %dma_wait3A_674] : memref<100008x16xf32, #tpu.memory_space<vmem_shared>> -> memref<320x16xf32, #tpu.memory_space<vmem_shared>>
      %dma_wait3A_676 = arith.constant 0 : i32
      %dma_wait3A_677 = arith.constant 0 : i32
      %dma_wait3A_678 = tpu.memref_slice %arg10[%run_scoped3A_11, %dma_wait3A_676, %dma_wait3A_677] : memref<2x512x16xf32, #tpu.memory_space<vmem>> -> memref<1x320x16xf32, #tpu.memory_space<vmem>>
      %dma_wait3A_679 = tpu.memref_squeeze %dma_wait3A_678 : memref<1x320x16xf32, #tpu.memory_space<vmem>> -> memref<320x16xf32, #tpu.memory_space<vmem>>
      tpu.wait_dma2 semaphore(%run_scoped3A_655 : memref<!tpu.dma_semaphore, #tpu.memory_space<semaphore_mem>>) src(%dma_wait3A_679 : memref<320x16xf32, #tpu.memory_space<vmem>>) dst(%dma_wait3A_675 : memref<320x16xf32, #tpu.memory_space<vmem_shared>>)
      tpu.yield
    }) : () -> ()
    %add3A_12 = arith.constant 1280 : i32
    %add3A_13 = arith.addi %mul3A_0, %add3A_12 : i32
    %run_scoped3A_14 = arith.constant 0 : i32
    "tpu.region"() ({
      %run_scoped3A_655 = tpu.sem_alloc : memref<!tpu.dma_semaphore, #tpu.memory_space<semaphore_mem>>
      %dma_start3A_656 = arith.constant 0 : i32
      %dma_start3A_657 = arith.constant 0 : i32
      %dma_start3A_658 = tpu.memref_slice %arg10[%run_scoped3A_14, %dma_start3A_656, %dma_start3A_657] : memref<2x512x16xf32, #tpu.memory_space<vmem>> -> memref<1x320x16xf32, #tpu.memory_space<vmem>>
      %dma_start3A_659 = tpu.memref_squeeze %dma_start3A_658 : memref<1x320x16xf32, #tpu.memory_space<vmem>> -> memref<320x16xf32, #tpu.memory_space<vmem>>
      %dma_start3A_660 = arith.constant 0 : i32
      %dma_start3A_661 = tpu.memref_slice %arg8[%add3A_13, %dma_start3A_660] : memref<100008x16xf32, #tpu.memory_space<vmem_shared>> -> memref<320x16xf32, #tpu.memory_space<vmem_shared>>
      %dma_start3A_662 = arith.constant 0 : i32
      %dma_start3A_663 = tpu.memref_slice %arg8[%add3A_13, %dma_start3A_662] : memref<100008x16xf32, #tpu.memory_space<vmem_shared>> -> memref<320x16xf32, #tpu.memory_space<vmem_shared>>
      %dma_start3A_664 = arith.constant 0 : i32
      %dma_start3A_665 = arith.constant 0 : i32
      %dma_start3A_666 = tpu.memref_slice %arg10[%run_scoped3A_14, %dma_start3A_664, %dma_start3A_665] : memref<2x512x16xf32, #tpu.memory_space<vmem>> -> memref<1x320x16xf32, #tpu.memory_space<vmem>>
      %dma_start3A_667 = tpu.memref_squeeze %dma_start3A_666 : memref<1x320x16xf32, #tpu.memory_space<vmem>> -> memref<320x16xf32, #tpu.memory_space<vmem>>
      tpu.enqueue_dma source(%dma_start3A_667 : memref<320x16xf32, #tpu.memory_space<vmem>>) target(%dma_start3A_663 : memref<320x16xf32, #tpu.memory_space<vmem_shared>>) target_semaphore(%run_scoped3A_655 : memref<!tpu.dma_semaphore, #tpu.memory_space<semaphore_mem>>)
      %dma_wait3A_668 = arith.constant 0 : i32
      %dma_wait3A_669 = arith.constant 0 : i32
      %dma_wait3A_670 = tpu.memref_slice %arg10[%run_scoped3A_14, %dma_wait3A_668, %dma_wait3A_669] : memref<2x512x16xf32, #tpu.memory_space<vmem>> -> memref<1x320x16xf32, #tpu.memory_space<vmem>>
      %dma_wait3A_671 = tpu.memref_squeeze %dma_wait3A_670 : memref<1x320x16xf32, #tpu.memory_space<vmem>> -> memref<320x16xf32, #tpu.memory_space<vmem>>
      %dma_wait3A_672 = arith.constant 0 : i32
      %dma_wait3A_673 = tpu.memref_slice %arg8[%add3A_13, %dma_wait3A_672] : memref<100008x16xf32, #tpu.memory_space<vmem_shared>> -> memref<320x16xf32, #tpu.memory_space<vmem_shared>>
      %dma_wait3A_674 = arith.constant 0 : i32
      %dma_wait3A_675 = tpu.memref_slice %arg8[%add3A_13, %dma_wait3A_674] : memref<100008x16xf32, #tpu.memory_space<vmem_shared>> -> memref<320x16xf32, #tpu.memory_space<vmem_shared>>
      %dma_wait3A_676 = arith.constant 0 : i32
      %dma_wait3A_677 = arith.constant 0 : i32
      %dma_wait3A_678 = tpu.memref_slice %arg10[%run_scoped3A_14, %dma_wait3A_676, %dma_wait3A_677] : memref<2x512x16xf32, #tpu.memory_space<vmem>> -> memref<1x320x16xf32, #tpu.memory_space<vmem>>
      %dma_wait3A_679 = tpu.memref_squeeze %dma_wait3A_678 : memref<1x320x16xf32, #tpu.memory_space<vmem>> -> memref<320x16xf32, #tpu.memory_space<vmem>>
      tpu.wait_dma2 semaphore(%run_scoped3A_655 : memref<!tpu.dma_semaphore, #tpu.memory_space<semaphore_mem>>) src(%dma_wait3A_679 : memref<320x16xf32, #tpu.memory_space<vmem>>) dst(%dma_wait3A_675 : memref<320x16xf32, #tpu.memory_space<vmem_shared>>)
      tpu.yield
    }) : () -> ()
    %add3A_15 = arith.constant 1600 : i32
    %add3A_16 = arith.addi %mul3A_0, %add3A_15 : i32
    %run_scoped3A_17 = arith.constant 0 : i32
    "tpu.region"() ({
      %run_scoped3A_655 = tpu.sem_alloc : memref<!tpu.dma_semaphore, #tpu.memory_space<semaphore_mem>>
      %dma_start3A_656 = arith.constant 0 : i32
      %dma_start3A_657 = arith.constant 0 : i32
      %dma_start3A_658 = tpu.memref_slice %arg10[%run_scoped3A_17, %dma_start3A_656, %dma_start3A_657] : memref<2x512x16xf32, #tpu.memory_space<vmem>> -> memref<1x320x16xf32, #tpu.memory_space<vmem>>
      %dma_start3A_659 = tpu.memref_squeeze %dma_start3A_658 : memref<1x320x16xf32, #tpu.memory_space<vmem>> -> memref<320x16xf32, #tpu.memory_space<vmem>>
      %dma_start3A_660 = arith.constant 0 : i32
      %dma_start3A_661 = tpu.memref_slice %arg8[%add3A_16, %dma_start3A_660] : memref<100008x16xf32, #tpu.memory_space<vmem_shared>> -> memref<320x16xf32, #tpu.memory_space<vmem_shared>>
      %dma_start3A_662 = arith.constant 0 : i32
      %dma_start3A_663 = tpu.memref_slice %arg8[%add3A_16, %dma_start3A_662] : memref<100008x16xf32, #tpu.memory_space<vmem_shared>> -> memref<320x16xf32, #tpu.memory_space<vmem_shared>>
      %dma_start3A_664 = arith.constant 0 : i32
      %dma_start3A_665 = arith.constant 0 : i32
      %dma_start3A_666 = tpu.memref_slice %arg10[%run_scoped3A_17, %dma_start3A_664, %dma_start3A_665] : memref<2x512x16xf32, #tpu.memory_space<vmem>> -> memref<1x320x16xf32, #tpu.memory_space<vmem>>
      %dma_start3A_667 = tpu.memref_squeeze %dma_start3A_666 : memref<1x320x16xf32, #tpu.memory_space<vmem>> -> memref<320x16xf32, #tpu.memory_space<vmem>>
      tpu.enqueue_dma source(%dma_start3A_667 : memref<320x16xf32, #tpu.memory_space<vmem>>) target(%dma_start3A_663 : memref<320x16xf32, #tpu.memory_space<vmem_shared>>) target_semaphore(%run_scoped3A_655 : memref<!tpu.dma_semaphore, #tpu.memory_space<semaphore_mem>>)
      %dma_wait3A_668 = arith.constant 0 : i32
      %dma_wait3A_669 = arith.constant 0 : i32
      %dma_wait3A_670 = tpu.memref_slice %arg10[%run_scoped3A_17, %dma_wait3A_668, %dma_wait3A_669] : memref<2x512x16xf32, #tpu.memory_space<vmem>> -> memref<1x320x16xf32, #tpu.memory_space<vmem>>
      %dma_wait3A_671 = tpu.memref_squeeze %dma_wait3A_670 : memref<1x320x16xf32, #tpu.memory_space<vmem>> -> memref<320x16xf32, #tpu.memory_space<vmem>>
      %dma_wait3A_672 = arith.constant 0 : i32
      %dma_wait3A_673 = tpu.memref_slice %arg8[%add3A_16, %dma_wait3A_672] : memref<100008x16xf32, #tpu.memory_space<vmem_shared>> -> memref<320x16xf32, #tpu.memory_space<vmem_shared>>
      %dma_wait3A_674 = arith.constant 0 : i32
      %dma_wait3A_675 = tpu.memref_slice %arg8[%add3A_16, %dma_wait3A_674] : memref<100008x16xf32, #tpu.memory_space<vmem_shared>> -> memref<320x16xf32, #tpu.memory_space<vmem_shared>>
      %dma_wait3A_676 = arith.constant 0 : i32
      %dma_wait3A_677 = arith.constant 0 : i32
      %dma_wait3A_678 = tpu.memref_slice %arg10[%run_scoped3A_17, %dma_wait3A_676, %dma_wait3A_677] : memref<2x512x16xf32, #tpu.memory_space<vmem>> -> memref<1x320x16xf32, #tpu.memory_space<vmem>>
      %dma_wait3A_679 = tpu.memref_squeeze %dma_wait3A_678 : memref<1x320x16xf32, #tpu.memory_space<vmem>> -> memref<320x16xf32, #tpu.memory_space<vmem>>
      tpu.wait_dma2 semaphore(%run_scoped3A_655 : memref<!tpu.dma_semaphore, #tpu.memory_space<semaphore_mem>>) src(%dma_wait3A_679 : memref<320x16xf32, #tpu.memory_space<vmem>>) dst(%dma_wait3A_675 : memref<320x16xf32, #tpu.memory_space<vmem_shared>>)
      tpu.yield
    }) : () -> ()
    %add3A_18 = arith.constant 1920 : i32
    %add3A_19 = arith.addi %mul3A_0, %add3A_18 : i32
    %run_scoped3A_20 = arith.constant 0 : i32
    "tpu.region"() ({
      %run_scoped3A_655 = tpu.sem_alloc : memref<!tpu.dma_semaphore, #tpu.memory_space<semaphore_mem>>
      %dma_start3A_656 = arith.constant 0 : i32
      %dma_start3A_657 = arith.constant 0 : i32
      %dma_start3A_658 = tpu.memref_slice %arg10[%run_scoped3A_20, %dma_start3A_656, %dma_start3A_657] : memref<2x512x16xf32, #tpu.memory_space<vmem>> -> memref<1x320x16xf32, #tpu.memory_space<vmem>>
      %dma_start3A_659 = tpu.memref_squeeze %dma_start3A_658 : memref<1x320x16xf32, #tpu.memory_space<vmem>> -> memref<320x16xf32, #tpu.memory_space<vmem>>
      %dma_start3A_660 = arith.constant 0 : i32
      %dma_start3A_661 = tpu.memref_slice %arg8[%add3A_19, %dma_start3A_660] : memref<100008x16xf32, #tpu.memory_space<vmem_shared>> -> memref<320x16xf32, #tpu.memory_space<vmem_shared>>
      %dma_start3A_662 = arith.constant 0 : i32
      %dma_start3A_663 = tpu.memref_slice %arg8[%add3A_19, %dma_start3A_662] : memref<100008x16xf32, #tpu.memory_space<vmem_shared>> -> memref<320x16xf32, #tpu.memory_space<vmem_shared>>
      %dma_start3A_664 = arith.constant 0 : i32
      %dma_start3A_665 = arith.constant 0 : i32
      %dma_start3A_666 = tpu.memref_slice %arg10[%run_scoped3A_20, %dma_start3A_664, %dma_start3A_665] : memref<2x512x16xf32, #tpu.memory_space<vmem>> -> memref<1x320x16xf32, #tpu.memory_space<vmem>>
      %dma_start3A_667 = tpu.memref_squeeze %dma_start3A_666 : memref<1x320x16xf32, #tpu.memory_space<vmem>> -> memref<320x16xf32, #tpu.memory_space<vmem>>
      tpu.enqueue_dma source(%dma_start3A_667 : memref<320x16xf32, #tpu.memory_space<vmem>>) target(%dma_start3A_663 : memref<320x16xf32, #tpu.memory_space<vmem_shared>>) target_semaphore(%run_scoped3A_655 : memref<!tpu.dma_semaphore, #tpu.memory_space<semaphore_mem>>)
      %dma_wait3A_668 = arith.constant 0 : i32
      %dma_wait3A_669 = arith.constant 0 : i32
      %dma_wait3A_670 = tpu.memref_slice %arg10[%run_scoped3A_20, %dma_wait3A_668, %dma_wait3A_669] : memref<2x512x16xf32, #tpu.memory_space<vmem>> -> memref<1x320x16xf32, #tpu.memory_space<vmem>>
      %dma_wait3A_671 = tpu.memref_squeeze %dma_wait3A_670 : memref<1x320x16xf32, #tpu.memory_space<vmem>> -> memref<320x16xf32, #tpu.memory_space<vmem>>
      %dma_wait3A_672 = arith.constant 0 : i32
      %dma_wait3A_673 = tpu.memref_slice %arg8[%add3A_19, %dma_wait3A_672] : memref<100008x16xf32, #tpu.memory_space<vmem_shared>> -> memref<320x16xf32, #tpu.memory_space<vmem_shared>>
      %dma_wait3A_674 = arith.constant 0 : i32
      %dma_wait3A_675 = tpu.memref_slice %arg8[%add3A_19, %dma_wait3A_674] : memref<100008x16xf32, #tpu.memory_space<vmem_shared>> -> memref<320x16xf32, #tpu.memory_space<vmem_shared>>
      %dma_wait3A_676 = arith.constant 0 : i32
      %dma_wait3A_677 = arith.constant 0 : i32
      %dma_wait3A_678 = tpu.memref_slice %arg10[%run_scoped3A_20, %dma_wait3A_676, %dma_wait3A_677] : memref<2x512x16xf32, #tpu.memory_space<vmem>> -> memref<1x320x16xf32, #tpu.memory_space<vmem>>
      %dma_wait3A_679 = tpu.memref_squeeze %dma_wait3A_678 : memref<1x320x16xf32, #tpu.memory_space<vmem>> -> memref<320x16xf32, #tpu.memory_space<vmem>>
      tpu.wait_dma2 semaphore(%run_scoped3A_655 : memref<!tpu.dma_semaphore, #tpu.memory_space<semaphore_mem>>) src(%dma_wait3A_679 : memref<320x16xf32, #tpu.memory_space<vmem>>) dst(%dma_wait3A_675 : memref<320x16xf32, #tpu.memory_space<vmem_shared>>)
      tpu.yield
    }) : () -> ()
    %add3A_21 = arith.constant 2240 : i32
    %add3A_22 = arith.addi %mul3A_0, %add3A_21 : i32
    %run_scoped3A_23 = arith.constant 0 : i32
    "tpu.region"() ({
      %run_scoped3A_655 = tpu.sem_alloc : memref<!tpu.dma_semaphore, #tpu.memory_space<semaphore_mem>>
      %dma_start3A_656 = arith.constant 0 : i32
      %dma_start3A_657 = arith.constant 0 : i32
      %dma_start3A_658 = tpu.memref_slice %arg10[%run_scoped3A_23, %dma_start3A_656, %dma_start3A_657] : memref<2x512x16xf32, #tpu.memory_space<vmem>> -> memref<1x320x16xf32, #tpu.memory_space<vmem>>
      %dma_start3A_659 = tpu.memref_squeeze %dma_start3A_658 : memref<1x320x16xf32, #tpu.memory_space<vmem>> -> memref<320x16xf32, #tpu.memory_space<vmem>>
      %dma_start3A_660 = arith.constant 0 : i32
      %dma_start3A_661 = tpu.memref_slice %arg8[%add3A_22, %dma_start3A_660] : memref<100008x16xf32, #tpu.memory_space<vmem_shared>> -> memref<320x16xf32, #tpu.memory_space<vmem_shared>>
      %dma_start3A_662 = arith.constant 0 : i32
      %dma_start3A_663 = tpu.memref_slice %arg8[%add3A_22, %dma_start3A_662] : memref<100008x16xf32, #tpu.memory_space<vmem_shared>> -> memref<320x16xf32, #tpu.memory_space<vmem_shared>>
      %dma_start3A_664 = arith.constant 0 : i32
      %dma_start3A_665 = arith.constant 0 : i32
      %dma_start3A_666 = tpu.memref_slice %arg10[%run_scoped3A_23, %dma_start3A_664, %dma_start3A_665] : memref<2x512x16xf32, #tpu.memory_space<vmem>> -> memref<1x320x16xf32, #tpu.memory_space<vmem>>
      %dma_start3A_667 = tpu.memref_squeeze %dma_start3A_666 : memref<1x320x16xf32, #tpu.memory_space<vmem>> -> memref<320x16xf32, #tpu.memory_space<vmem>>
      tpu.enqueue_dma source(%dma_start3A_667 : memref<320x16xf32, #tpu.memory_space<vmem>>) target(%dma_start3A_663 : memref<320x16xf32, #tpu.memory_space<vmem_shared>>) target_semaphore(%run_scoped3A_655 : memref<!tpu.dma_semaphore, #tpu.memory_space<semaphore_mem>>)
      %dma_wait3A_668 = arith.constant 0 : i32
      %dma_wait3A_669 = arith.constant 0 : i32
      %dma_wait3A_670 = tpu.memref_slice %arg10[%run_scoped3A_23, %dma_wait3A_668, %dma_wait3A_669] : memref<2x512x16xf32, #tpu.memory_space<vmem>> -> memref<1x320x16xf32, #tpu.memory_space<vmem>>
      %dma_wait3A_671 = tpu.memref_squeeze %dma_wait3A_670 : memref<1x320x16xf32, #tpu.memory_space<vmem>> -> memref<320x16xf32, #tpu.memory_space<vmem>>
      %dma_wait3A_672 = arith.constant 0 : i32
      %dma_wait3A_673 = tpu.memref_slice %arg8[%add3A_22, %dma_wait3A_672] : memref<100008x16xf32, #tpu.memory_space<vmem_shared>> -> memref<320x16xf32, #tpu.memory_space<vmem_shared>>
      %dma_wait3A_674 = arith.constant 0 : i32
      %dma_wait3A_675 = tpu.memref_slice %arg8[%add3A_22, %dma_wait3A_674] : memref<100008x16xf32, #tpu.memory_space<vmem_shared>> -> memref<320x16xf32, #tpu.memory_space<vmem_shared>>
      %dma_wait3A_676 = arith.constant 0 : i32
      %dma_wait3A_677 = arith.constant 0 : i32
      %dma_wait3A_678 = tpu.memref_slice %arg10[%run_scoped3A_23, %dma_wait3A_676, %dma_wait3A_677] : memref<2x512x16xf32, #tpu.memory_space<vmem>> -> memref<1x320x16xf32, #tpu.memory_space<vmem>>
      %dma_wait3A_679 = tpu.memref_squeeze %dma_wait3A_678 : memref<1x320x16xf32, #tpu.memory_space<vmem>> -> memref<320x16xf32, #tpu.memory_space<vmem>>
      tpu.wait_dma2 semaphore(%run_scoped3A_655 : memref<!tpu.dma_semaphore, #tpu.memory_space<semaphore_mem>>) src(%dma_wait3A_679 : memref<320x16xf32, #tpu.memory_space<vmem>>) dst(%dma_wait3A_675 : memref<320x16xf32, #tpu.memory_space<vmem_shared>>)
      tpu.yield
    }) : () -> ()
    %add3A_24 = arith.constant 2560 : i32
    %add3A_25 = arith.addi %mul3A_0, %add3A_24 : i32
    %run_scoped3A_26 = arith.constant 0 : i32
    "tpu.region"() ({
      %run_scoped3A_655 = tpu.sem_alloc : memref<!tpu.dma_semaphore, #tpu.memory_space<semaphore_mem>>
      %dma_start3A_656 = arith.constant 0 : i32
      %dma_start3A_657 = arith.constant 0 : i32
      %dma_start3A_658 = tpu.memref_slice %arg10[%run_scoped3A_26, %dma_start3A_656, %dma_start3A_657] : memref<2x512x16xf32, #tpu.memory_space<vmem>> -> memref<1x320x16xf32, #tpu.memory_space<vmem>>
      %dma_start3A_659 = tpu.memref_squeeze %dma_start3A_658 : memref<1x320x16xf32, #tpu.memory_space<vmem>> -> memref<320x16xf32, #tpu.memory_space<vmem>>
      %dma_start3A_660 = arith.constant 0 : i32
      %dma_start3A_661 = tpu.memref_slice %arg8[%add3A_25, %dma_start3A_660] : memref<100008x16xf32, #tpu.memory_space<vmem_shared>> -> memref<320x16xf32, #tpu.memory_space<vmem_shared>>
      %dma_start3A_662 = arith.constant 0 : i32
      %dma_start3A_663 = tpu.memref_slice %arg8[%add3A_25, %dma_start3A_662] : memref<100008x16xf32, #tpu.memory_space<vmem_shared>> -> memref<320x16xf32, #tpu.memory_space<vmem_shared>>
      %dma_start3A_664 = arith.constant 0 : i32
      %dma_start3A_665 = arith.constant 0 : i32
      %dma_start3A_666 = tpu.memref_slice %arg10[%run_scoped3A_26, %dma_start3A_664, %dma_start3A_665] : memref<2x512x16xf32, #tpu.memory_space<vmem>> -> memref<1x320x16xf32, #tpu.memory_space<vmem>>
      %dma_start3A_667 = tpu.memref_squeeze %dma_start3A_666 : memref<1x320x16xf32, #tpu.memory_space<vmem>> -> memref<320x16xf32, #tpu.memory_space<vmem>>
      tpu.enqueue_dma source(%dma_start3A_667 : memref<320x16xf32, #tpu.memory_space<vmem>>) target(%dma_start3A_663 : memref<320x16xf32, #tpu.memory_space<vmem_shared>>) target_semaphore(%run_scoped3A_655 : memref<!tpu.dma_semaphore, #tpu.memory_space<semaphore_mem>>)
      %dma_wait3A_668 = arith.constant 0 : i32
      %dma_wait3A_669 = arith.constant 0 : i32
      %dma_wait3A_670 = tpu.memref_slice %arg10[%run_scoped3A_26, %dma_wait3A_668, %dma_wait3A_669] : memref<2x512x16xf32, #tpu.memory_space<vmem>> -> memref<1x320x16xf32, #tpu.memory_space<vmem>>
      %dma_wait3A_671 = tpu.memref_squeeze %dma_wait3A_670 : memref<1x320x16xf32, #tpu.memory_space<vmem>> -> memref<320x16xf32, #tpu.memory_space<vmem>>
      %dma_wait3A_672 = arith.constant 0 : i32
      %dma_wait3A_673 = tpu.memref_slice %arg8[%add3A_25, %dma_wait3A_672] : memref<100008x16xf32, #tpu.memory_space<vmem_shared>> -> memref<320x16xf32, #tpu.memory_space<vmem_shared>>
      %dma_wait3A_674 = arith.constant 0 : i32
      %dma_wait3A_675 = tpu.memref_slice %arg8[%add3A_25, %dma_wait3A_674] : memref<100008x16xf32, #tpu.memory_space<vmem_shared>> -> memref<320x16xf32, #tpu.memory_space<vmem_shared>>
      %dma_wait3A_676 = arith.constant 0 : i32
      %dma_wait3A_677 = arith.constant 0 : i32
      %dma_wait3A_678 = tpu.memref_slice %arg10[%run_scoped3A_26, %dma_wait3A_676, %dma_wait3A_677] : memref<2x512x16xf32, #tpu.memory_space<vmem>> -> memref<1x320x16xf32, #tpu.memory_space<vmem>>
      %dma_wait3A_679 = tpu.memref_squeeze %dma_wait3A_678 : memref<1x320x16xf32, #tpu.memory_space<vmem>> -> memref<320x16xf32, #tpu.memory_space<vmem>>
      tpu.wait_dma2 semaphore(%run_scoped3A_655 : memref<!tpu.dma_semaphore, #tpu.memory_space<semaphore_mem>>) src(%dma_wait3A_679 : memref<320x16xf32, #tpu.memory_space<vmem>>) dst(%dma_wait3A_675 : memref<320x16xf32, #tpu.memory_space<vmem_shared>>)
      tpu.yield
    }) : () -> ()
    %add3A_27 = arith.constant 2880 : i32
    %add3A_28 = arith.addi %mul3A_0, %add3A_27 : i32
    %run_scoped3A_29 = arith.constant 0 : i32
    "tpu.region"() ({
      %run_scoped3A_655 = tpu.sem_alloc : memref<!tpu.dma_semaphore, #tpu.memory_space<semaphore_mem>>
      %dma_start3A_656 = arith.constant 0 : i32
      %dma_start3A_657 = arith.constant 0 : i32
      %dma_start3A_658 = tpu.memref_slice %arg10[%run_scoped3A_29, %dma_start3A_656, %dma_start3A_657] : memref<2x512x16xf32, #tpu.memory_space<vmem>> -> memref<1x320x16xf32, #tpu.memory_space<vmem>>
      %dma_start3A_659 = tpu.memref_squeeze %dma_start3A_658 : memref<1x320x16xf32, #tpu.memory_space<vmem>> -> memref<320x16xf32, #tpu.memory_space<vmem>>
      %dma_start3A_660 = arith.constant 0 : i32
      %dma_start3A_661 = tpu.memref_slice %arg8[%add3A_28, %dma_start3A_660] : memref<100008x16xf32, #tpu.memory_space<vmem_shared>> -> memref<320x16xf32, #tpu.memory_space<vmem_shared>>
      %dma_start3A_662 = arith.constant 0 : i32
      %dma_start3A_663 = tpu.memref_slice %arg8[%add3A_28, %dma_start3A_662] : memref<100008x16xf32, #tpu.memory_space<vmem_shared>> -> memref<320x16xf32, #tpu.memory_space<vmem_shared>>
      %dma_start3A_664 = arith.constant 0 : i32
      %dma_start3A_665 = arith.constant 0 : i32
      %dma_start3A_666 = tpu.memref_slice %arg10[%run_scoped3A_29, %dma_start3A_664, %dma_start3A_665] : memref<2x512x16xf32, #tpu.memory_space<vmem>> -> memref<1x320x16xf32, #tpu.memory_space<vmem>>
      %dma_start3A_667 = tpu.memref_squeeze %dma_start3A_666 : memref<1x320x16xf32, #tpu.memory_space<vmem>> -> memref<320x16xf32, #tpu.memory_space<vmem>>
      tpu.enqueue_dma source(%dma_start3A_667 : memref<320x16xf32, #tpu.memory_space<vmem>>) target(%dma_start3A_663 : memref<320x16xf32, #tpu.memory_space<vmem_shared>>) target_semaphore(%run_scoped3A_655 : memref<!tpu.dma_semaphore, #tpu.memory_space<semaphore_mem>>)
      %dma_wait3A_668 = arith.constant 0 : i32
      %dma_wait3A_669 = arith.constant 0 : i32
      %dma_wait3A_670 = tpu.memref_slice %arg10[%run_scoped3A_29, %dma_wait3A_668, %dma_wait3A_669] : memref<2x512x16xf32, #tpu.memory_space<vmem>> -> memref<1x320x16xf32, #tpu.memory_space<vmem>>
      %dma_wait3A_671 = tpu.memref_squeeze %dma_wait3A_670 : memref<1x320x16xf32, #tpu.memory_space<vmem>> -> memref<320x16xf32, #tpu.memory_space<vmem>>
      %dma_wait3A_672 = arith.constant 0 : i32
      %dma_wait3A_673 = tpu.memref_slice %arg8[%add3A_28, %dma_wait3A_672] : memref<100008x16xf32, #tpu.memory_space<vmem_shared>> -> memref<320x16xf32, #tpu.memory_space<vmem_shared>>
      %dma_wait3A_674 = arith.constant 0 : i32
      %dma_wait3A_675 = tpu.memref_slice %arg8[%add3A_28, %dma_wait3A_674] : memref<100008x16xf32, #tpu.memory_space<vmem_shared>> -> memref<320x16xf32, #tpu.memory_space<vmem_shared>>
      %dma_wait3A_676 = arith.constant 0 : i32
      %dma_wait3A_677 = arith.constant 0 : i32
      %dma_wait3A_678 = tpu.memref_slice %arg10[%run_scoped3A_29, %dma_wait3A_676, %dma_wait3A_677] : memref<2x512x16xf32, #tpu.memory_space<vmem>> -> memref<1x320x16xf32, #tpu.memory_space<vmem>>
      %dma_wait3A_679 = tpu.memref_squeeze %dma_wait3A_678 : memref<1x320x16xf32, #tpu.memory_space<vmem>> -> memref<320x16xf32, #tpu.memory_space<vmem>>
      tpu.wait_dma2 semaphore(%run_scoped3A_655 : memref<!tpu.dma_semaphore, #tpu.memory_space<semaphore_mem>>) src(%dma_wait3A_679 : memref<320x16xf32, #tpu.memory_space<vmem>>) dst(%dma_wait3A_675 : memref<320x16xf32, #tpu.memory_space<vmem_shared>>)
      tpu.yield
    }) : () -> ()
    %add3A_30 = arith.constant 3200 : i32
    %add3A_31 = arith.addi %mul3A_0, %add3A_30 : i32
    %run_scoped3A_32 = arith.constant 0 : i32
    "tpu.region"() ({
      %run_scoped3A_655 = tpu.sem_alloc : memref<!tpu.dma_semaphore, #tpu.memory_space<semaphore_mem>>
      %dma_start3A_656 = arith.constant 0 : i32
      %dma_start3A_657 = arith.constant 0 : i32
      %dma_start3A_658 = tpu.memref_slice %arg10[%run_scoped3A_32, %dma_start3A_656, %dma_start3A_657] : memref<2x512x16xf32, #tpu.memory_space<vmem>> -> memref<1x320x16xf32, #tpu.memory_space<vmem>>
      %dma_start3A_659 = tpu.memref_squeeze %dma_start3A_658 : memref<1x320x16xf32, #tpu.memory_space<vmem>> -> memref<320x16xf32, #tpu.memory_space<vmem>>
      %dma_start3A_660 = arith.constant 0 : i32
      %dma_start3A_661 = tpu.memref_slice %arg8[%add3A_31, %dma_start3A_660] : memref<100008x16xf32, #tpu.memory_space<vmem_shared>> -> memref<320x16xf32, #tpu.memory_space<vmem_shared>>
      %dma_start3A_662 = arith.constant 0 : i32
      %dma_start3A_663 = tpu.memref_slice %arg8[%add3A_31, %dma_start3A_662] : memref<100008x16xf32, #tpu.memory_space<vmem_shared>> -> memref<320x16xf32, #tpu.memory_space<vmem_shared>>
      %dma_start3A_664 = arith.constant 0 : i32
      %dma_start3A_665 = arith.constant 0 : i32
      %dma_start3A_666 = tpu.memref_slice %arg10[%run_scoped3A_32, %dma_start3A_664, %dma_start3A_665] : memref<2x512x16xf32, #tpu.memory_space<vmem>> -> memref<1x320x16xf32, #tpu.memory_space<vmem>>
      %dma_start3A_667 = tpu.memref_squeeze %dma_start3A_666 : memref<1x320x16xf32, #tpu.memory_space<vmem>> -> memref<320x16xf32, #tpu.memory_space<vmem>>
      tpu.enqueue_dma source(%dma_start3A_667 : memref<320x16xf32, #tpu.memory_space<vmem>>) target(%dma_start3A_663 : memref<320x16xf32, #tpu.memory_space<vmem_shared>>) target_semaphore(%run_scoped3A_655 : memref<!tpu.dma_semaphore, #tpu.memory_space<semaphore_mem>>)
      %dma_wait3A_668 = arith.constant 0 : i32
      %dma_wait3A_669 = arith.constant 0 : i32
      %dma_wait3A_670 = tpu.memref_slice %arg10[%run_scoped3A_32, %dma_wait3A_668, %dma_wait3A_669] : memref<2x512x16xf32, #tpu.memory_space<vmem>> -> memref<1x320x16xf32, #tpu.memory_space<vmem>>
      %dma_wait3A_671 = tpu.memref_squeeze %dma_wait3A_670 : memref<1x320x16xf32, #tpu.memory_space<vmem>> -> memref<320x16xf32, #tpu.memory_space<vmem>>
      %dma_wait3A_672 = arith.constant 0 : i32
      %dma_wait3A_673 = tpu.memref_slice %arg8[%add3A_31, %dma_wait3A_672] : memref<100008x16xf32, #tpu.memory_space<vmem_shared>> -> memref<320x16xf32, #tpu.memory_space<vmem_shared>>
      %dma_wait3A_674 = arith.constant 0 : i32
      %dma_wait3A_675 = tpu.memref_slice %arg8[%add3A_31, %dma_wait3A_674] : memref<100008x16xf32, #tpu.memory_space<vmem_shared>> -> memref<320x16xf32, #tpu.memory_space<vmem_shared>>
      %dma_wait3A_676 = arith.constant 0 : i32
      %dma_wait3A_677 = arith.constant 0 : i32
      %dma_wait3A_678 = tpu.memref_slice %arg10[%run_scoped3A_32, %dma_wait3A_676, %dma_wait3A_677] : memref<2x512x16xf32, #tpu.memory_space<vmem>> -> memref<1x320x16xf32, #tpu.memory_space<vmem>>
      %dma_wait3A_679 = tpu.memref_squeeze %dma_wait3A_678 : memref<1x320x16xf32, #tpu.memory_space<vmem>> -> memref<320x16xf32, #tpu.memory_space<vmem>>
      tpu.wait_dma2 semaphore(%run_scoped3A_655 : memref<!tpu.dma_semaphore, #tpu.memory_space<semaphore_mem>>) src(%dma_wait3A_679 : memref<320x16xf32, #tpu.memory_space<vmem>>) dst(%dma_wait3A_675 : memref<320x16xf32, #tpu.memory_space<vmem_shared>>)
      tpu.yield
    }) : () -> ()
    %add3A_33 = arith.constant 3520 : i32
    %add3A_34 = arith.addi %mul3A_0, %add3A_33 : i32
    %run_scoped3A_35 = arith.constant 0 : i32
    "tpu.region"() ({
      %run_scoped3A_655 = tpu.sem_alloc : memref<!tpu.dma_semaphore, #tpu.memory_space<semaphore_mem>>
      %dma_start3A_656 = arith.constant 0 : i32
      %dma_start3A_657 = arith.constant 0 : i32
      %dma_start3A_658 = tpu.memref_slice %arg10[%run_scoped3A_35, %dma_start3A_656, %dma_start3A_657] : memref<2x512x16xf32, #tpu.memory_space<vmem>> -> memref<1x320x16xf32, #tpu.memory_space<vmem>>
      %dma_start3A_659 = tpu.memref_squeeze %dma_start3A_658 : memref<1x320x16xf32, #tpu.memory_space<vmem>> -> memref<320x16xf32, #tpu.memory_space<vmem>>
      %dma_start3A_660 = arith.constant 0 : i32
      %dma_start3A_661 = tpu.memref_slice %arg8[%add3A_34, %dma_start3A_660] : memref<100008x16xf32, #tpu.memory_space<vmem_shared>> -> memref<320x16xf32, #tpu.memory_space<vmem_shared>>
      %dma_start3A_662 = arith.constant 0 : i32
      %dma_start3A_663 = tpu.memref_slice %arg8[%add3A_34, %dma_start3A_662] : memref<100008x16xf32, #tpu.memory_space<vmem_shared>> -> memref<320x16xf32, #tpu.memory_space<vmem_shared>>
      %dma_start3A_664 = arith.constant 0 : i32
      %dma_start3A_665 = arith.constant 0 : i32
      %dma_start3A_666 = tpu.memref_slice %arg10[%run_scoped3A_35, %dma_start3A_664, %dma_start3A_665] : memref<2x512x16xf32, #tpu.memory_space<vmem>> -> memref<1x320x16xf32, #tpu.memory_space<vmem>>
      %dma_start3A_667 = tpu.memref_squeeze %dma_start3A_666 : memref<1x320x16xf32, #tpu.memory_space<vmem>> -> memref<320x16xf32, #tpu.memory_space<vmem>>
      tpu.enqueue_dma source(%dma_start3A_667 : memref<320x16xf32, #tpu.memory_space<vmem>>) target(%dma_start3A_663 : memref<320x16xf32, #tpu.memory_space<vmem_shared>>) target_semaphore(%run_scoped3A_655 : memref<!tpu.dma_semaphore, #tpu.memory_space<semaphore_mem>>)
      %dma_wait3A_668 = arith.constant 0 : i32
      %dma_wait3A_669 = arith.constant 0 : i32
      %dma_wait3A_670 = tpu.memref_slice %arg10[%run_scoped3A_35, %dma_wait3A_668, %dma_wait3A_669] : memref<2x512x16xf32, #tpu.memory_space<vmem>> -> memref<1x320x16xf32, #tpu.memory_space<vmem>>
      %dma_wait3A_671 = tpu.memref_squeeze %dma_wait3A_670 : memref<1x320x16xf32, #tpu.memory_space<vmem>> -> memref<320x16xf32, #tpu.memory_space<vmem>>
      %dma_wait3A_672 = arith.constant 0 : i32
      %dma_wait3A_673 = tpu.memref_slice %arg8[%add3A_34, %dma_wait3A_672] : memref<100008x16xf32, #tpu.memory_space<vmem_shared>> -> memref<320x16xf32, #tpu.memory_space<vmem_shared>>
      %dma_wait3A_674 = arith.constant 0 : i32
      %dma_wait3A_675 = tpu.memref_slice %arg8[%add3A_34, %dma_wait3A_674] : memref<100008x16xf32, #tpu.memory_space<vmem_shared>> -> memref<320x16xf32, #tpu.memory_space<vmem_shared>>
      %dma_wait3A_676 = arith.constant 0 : i32
      %dma_wait3A_677 = arith.constant 0 : i32
      %dma_wait3A_678 = tpu.memref_slice %arg10[%run_scoped3A_35, %dma_wait3A_676, %dma_wait3A_677] : memref<2x512x16xf32, #tpu.memory_space<vmem>> -> memref<1x320x16xf32, #tpu.memory_space<vmem>>
      %dma_wait3A_679 = tpu.memref_squeeze %dma_wait3A_678 : memref<1x320x16xf32, #tpu.memory_space<vmem>> -> memref<320x16xf32, #tpu.memory_space<vmem>>
      tpu.wait_dma2 semaphore(%run_scoped3A_655 : memref<!tpu.dma_semaphore, #tpu.memory_space<semaphore_mem>>) src(%dma_wait3A_679 : memref<320x16xf32, #tpu.memory_space<vmem>>) dst(%dma_wait3A_675 : memref<320x16xf32, #tpu.memory_space<vmem_shared>>)
      tpu.yield
    }) : () -> ()
    %add3A_36 = arith.constant 3840 : i32
    %add3A_37 = arith.addi %mul3A_0, %add3A_36 : i32
    %run_scoped3A_38 = arith.constant 0 : i32
    "tpu.region"() ({
      %run_scoped3A_655 = tpu.sem_alloc : memref<!tpu.dma_semaphore, #tpu.memory_space<semaphore_mem>>
      %dma_start3A_656 = arith.constant 0 : i32
      %dma_start3A_657 = arith.constant 0 : i32
      %dma_start3A_658 = tpu.memref_slice %arg10[%run_scoped3A_38, %dma_start3A_656, %dma_start3A_657] : memref<2x512x16xf32, #tpu.memory_space<vmem>> -> memref<1x320x16xf32, #tpu.memory_space<vmem>>
      %dma_start3A_659 = tpu.memref_squeeze %dma_start3A_658 : memref<1x320x16xf32, #tpu.memory_space<vmem>> -> memref<320x16xf32, #tpu.memory_space<vmem>>
      %dma_start3A_660 = arith.constant 0 : i32
      %dma_start3A_661 = tpu.memref_slice %arg8[%add3A_37, %dma_start3A_660] : memref<100008x16xf32, #tpu.memory_space<vmem_shared>> -> memref<320x16xf32, #tpu.memory_space<vmem_shared>>
      %dma_start3A_662 = arith.constant 0 : i32
      %dma_start3A_663 = tpu.memref_slice %arg8[%add3A_37, %dma_start3A_662] : memref<100008x16xf32, #tpu.memory_space<vmem_shared>> -> memref<320x16xf32, #tpu.memory_space<vmem_shared>>
      %dma_start3A_664 = arith.constant 0 : i32
      %dma_start3A_665 = arith.constant 0 : i32
      %dma_start3A_666 = tpu.memref_slice %arg10[%run_scoped3A_38, %dma_start3A_664, %dma_start3A_665] : memref<2x512x16xf32, #tpu.memory_space<vmem>> -> memref<1x320x16xf32, #tpu.memory_space<vmem>>
      %dma_start3A_667 = tpu.memref_squeeze %dma_start3A_666 : memref<1x320x16xf32, #tpu.memory_space<vmem>> -> memref<320x16xf32, #tpu.memory_space<vmem>>
      tpu.enqueue_dma source(%dma_start3A_667 : memref<320x16xf32, #tpu.memory_space<vmem>>) target(%dma_start3A_663 : memref<320x16xf32, #tpu.memory_space<vmem_shared>>) target_semaphore(%run_scoped3A_655 : memref<!tpu.dma_semaphore, #tpu.memory_space<semaphore_mem>>)
      %dma_wait3A_668 = arith.constant 0 : i32
      %dma_wait3A_669 = arith.constant 0 : i32
      %dma_wait3A_670 = tpu.memref_slice %arg10[%run_scoped3A_38, %dma_wait3A_668, %dma_wait3A_669] : memref<2x512x16xf32, #tpu.memory_space<vmem>> -> memref<1x320x16xf32, #tpu.memory_space<vmem>>
      %dma_wait3A_671 = tpu.memref_squeeze %dma_wait3A_670 : memref<1x320x16xf32, #tpu.memory_space<vmem>> -> memref<320x16xf32, #tpu.memory_space<vmem>>
      %dma_wait3A_672 = arith.constant 0 : i32
      %dma_wait3A_673 = tpu.memref_slice %arg8[%add3A_37, %dma_wait3A_672] : memref<100008x16xf32, #tpu.memory_space<vmem_shared>> -> memref<320x16xf32, #tpu.memory_space<vmem_shared>>
      %dma_wait3A_674 = arith.constant 0 : i32
      %dma_wait3A_675 = tpu.memref_slice %arg8[%add3A_37, %dma_wait3A_674] : memref<100008x16xf32, #tpu.memory_space<vmem_shared>> -> memref<320x16xf32, #tpu.memory_space<vmem_shared>>
      %dma_wait3A_676 = arith.constant 0 : i32
      %dma_wait3A_677 = arith.constant 0 : i32
      %dma_wait3A_678 = tpu.memref_slice %arg10[%run_scoped3A_38, %dma_wait3A_676, %dma_wait3A_677] : memref<2x512x16xf32, #tpu.memory_space<vmem>> -> memref<1x320x16xf32, #tpu.memory_space<vmem>>
      %dma_wait3A_679 = tpu.memref_squeeze %dma_wait3A_678 : memref<1x320x16xf32, #tpu.memory_space<vmem>> -> memref<320x16xf32, #tpu.memory_space<vmem>>
      tpu.wait_dma2 semaphore(%run_scoped3A_655 : memref<!tpu.dma_semaphore, #tpu.memory_space<semaphore_mem>>) src(%dma_wait3A_679 : memref<320x16xf32, #tpu.memory_space<vmem>>) dst(%dma_wait3A_675 : memref<320x16xf32, #tpu.memory_space<vmem_shared>>)
      tpu.yield
    }) : () -> ()
    %add3A_39 = arith.constant 4160 : i32
    %add3A_40 = arith.addi %mul3A_0, %add3A_39 : i32
    %run_scoped3A_41 = arith.constant 0 : i32
    "tpu.region"() ({
      %run_scoped3A_655 = tpu.sem_alloc : memref<!tpu.dma_semaphore, #tpu.memory_space<semaphore_mem>>
      %dma_start3A_656 = arith.constant 0 : i32
      %dma_start3A_657 = arith.constant 0 : i32
      %dma_start3A_658 = tpu.memref_slice %arg10[%run_scoped3A_41, %dma_start3A_656, %dma_start3A_657] : memref<2x512x16xf32, #tpu.memory_space<vmem>> -> memref<1x320x16xf32, #tpu.memory_space<vmem>>
      %dma_start3A_659 = tpu.memref_squeeze %dma_start3A_658 : memref<1x320x16xf32, #tpu.memory_space<vmem>> -> memref<320x16xf32, #tpu.memory_space<vmem>>
      %dma_start3A_660 = arith.constant 0 : i32
      %dma_start3A_661 = tpu.memref_slice %arg8[%add3A_40, %dma_start3A_660] : memref<100008x16xf32, #tpu.memory_space<vmem_shared>> -> memref<320x16xf32, #tpu.memory_space<vmem_shared>>
      %dma_start3A_662 = arith.constant 0 : i32
      %dma_start3A_663 = tpu.memref_slice %arg8[%add3A_40, %dma_start3A_662] : memref<100008x16xf32, #tpu.memory_space<vmem_shared>> -> memref<320x16xf32, #tpu.memory_space<vmem_shared>>
      %dma_start3A_664 = arith.constant 0 : i32
      %dma_start3A_665 = arith.constant 0 : i32
      %dma_start3A_666 = tpu.memref_slice %arg10[%run_scoped3A_41, %dma_start3A_664, %dma_start3A_665] : memref<2x512x16xf32, #tpu.memory_space<vmem>> -> memref<1x320x16xf32, #tpu.memory_space<vmem>>
      %dma_start3A_667 = tpu.memref_squeeze %dma_start3A_666 : memref<1x320x16xf32, #tpu.memory_space<vmem>> -> memref<320x16xf32, #tpu.memory_space<vmem>>
      tpu.enqueue_dma source(%dma_start3A_667 : memref<320x16xf32, #tpu.memory_space<vmem>>) target(%dma_start3A_663 : memref<320x16xf32, #tpu.memory_space<vmem_shared>>) target_semaphore(%run_scoped3A_655 : memref<!tpu.dma_semaphore, #tpu.memory_space<semaphore_mem>>)
      %dma_wait3A_668 = arith.constant 0 : i32
      %dma_wait3A_669 = arith.constant 0 : i32
      %dma_wait3A_670 = tpu.memref_slice %arg10[%run_scoped3A_41, %dma_wait3A_668, %dma_wait3A_669] : memref<2x512x16xf32, #tpu.memory_space<vmem>> -> memref<1x320x16xf32, #tpu.memory_space<vmem>>
      %dma_wait3A_671 = tpu.memref_squeeze %dma_wait3A_670 : memref<1x320x16xf32, #tpu.memory_space<vmem>> -> memref<320x16xf32, #tpu.memory_space<vmem>>
      %dma_wait3A_672 = arith.constant 0 : i32
      %dma_wait3A_673 = tpu.memref_slice %arg8[%add3A_40, %dma_wait3A_672] : memref<100008x16xf32, #tpu.memory_space<vmem_shared>> -> memref<320x16xf32, #tpu.memory_space<vmem_shared>>
      %dma_wait3A_674 = arith.constant 0 : i32
      %dma_wait3A_675 = tpu.memref_slice %arg8[%add3A_40, %dma_wait3A_674] : memref<100008x16xf32, #tpu.memory_space<vmem_shared>> -> memref<320x16xf32, #tpu.memory_space<vmem_shared>>
      %dma_wait3A_676 = arith.constant 0 : i32
      %dma_wait3A_677 = arith.constant 0 : i32
      %dma_wait3A_678 = tpu.memref_slice %arg10[%run_scoped3A_41, %dma_wait3A_676, %dma_wait3A_677] : memref<2x512x16xf32, #tpu.memory_space<vmem>> -> memref<1x320x16xf32, #tpu.memory_space<vmem>>
      %dma_wait3A_679 = tpu.memref_squeeze %dma_wait3A_678 : memref<1x320x16xf32, #tpu.memory_space<vmem>> -> memref<320x16xf32, #tpu.memory_space<vmem>>
      tpu.wait_dma2 semaphore(%run_scoped3A_655 : memref<!tpu.dma_semaphore, #tpu.memory_space<semaphore_mem>>) src(%dma_wait3A_679 : memref<320x16xf32, #tpu.memory_space<vmem>>) dst(%dma_wait3A_675 : memref<320x16xf32, #tpu.memory_space<vmem_shared>>)
      tpu.yield
    }) : () -> ()
    %add3A_42 = arith.constant 4480 : i32
    %add3A_43 = arith.addi %mul3A_0, %add3A_42 : i32
    %run_scoped3A_44 = arith.constant 0 : i32
    "tpu.region"() ({
      %run_scoped3A_655 = tpu.sem_alloc : memref<!tpu.dma_semaphore, #tpu.memory_space<semaphore_mem>>
      %dma_start3A_656 = arith.constant 0 : i32
      %dma_start3A_657 = arith.constant 0 : i32
      %dma_start3A_658 = tpu.memref_slice %arg10[%run_scoped3A_44, %dma_start3A_656, %dma_start3A_657] : memref<2x512x16xf32, #tpu.memory_space<vmem>> -> memref<1x320x16xf32, #tpu.memory_space<vmem>>
      %dma_start3A_659 = tpu.memref_squeeze %dma_start3A_658 : memref<1x320x16xf32, #tpu.memory_space<vmem>> -> memref<320x16xf32, #tpu.memory_space<vmem>>
      %dma_start3A_660 = arith.constant 0 : i32
      %dma_start3A_661 = tpu.memref_slice %arg8[%add3A_43, %dma_start3A_660] : memref<100008x16xf32, #tpu.memory_space<vmem_shared>> -> memref<320x16xf32, #tpu.memory_space<vmem_shared>>
      %dma_start3A_662 = arith.constant 0 : i32
      %dma_start3A_663 = tpu.memref_slice %arg8[%add3A_43, %dma_start3A_662] : memref<100008x16xf32, #tpu.memory_space<vmem_shared>> -> memref<320x16xf32, #tpu.memory_space<vmem_shared>>
      %dma_start3A_664 = arith.constant 0 : i32
      %dma_start3A_665 = arith.constant 0 : i32
      %dma_start3A_666 = tpu.memref_slice %arg10[%run_scoped3A_44, %dma_start3A_664, %dma_start3A_665] : memref<2x512x16xf32, #tpu.memory_space<vmem>> -> memref<1x320x16xf32, #tpu.memory_space<vmem>>
      %dma_start3A_667 = tpu.memref_squeeze %dma_start3A_666 : memref<1x320x16xf32, #tpu.memory_space<vmem>> -> memref<320x16xf32, #tpu.memory_space<vmem>>
      tpu.enqueue_dma source(%dma_start3A_667 : memref<320x16xf32, #tpu.memory_space<vmem>>) target(%dma_start3A_663 : memref<320x16xf32, #tpu.memory_space<vmem_shared>>) target_semaphore(%run_scoped3A_655 : memref<!tpu.dma_semaphore, #tpu.memory_space<semaphore_mem>>)
      %dma_wait3A_668 = arith.constant 0 : i32
      %dma_wait3A_669 = arith.constant 0 : i32
      %dma_wait3A_670 = tpu.memref_slice %arg10[%run_scoped3A_44, %dma_wait3A_668, %dma_wait3A_669] : memref<2x512x16xf32, #tpu.memory_space<vmem>> -> memref<1x320x16xf32, #tpu.memory_space<vmem>>
      %dma_wait3A_671 = tpu.memref_squeeze %dma_wait3A_670 : memref<1x320x16xf32, #tpu.memory_space<vmem>> -> memref<320x16xf32, #tpu.memory_space<vmem>>
      %dma_wait3A_672 = arith.constant 0 : i32
      %dma_wait3A_673 = tpu.memref_slice %arg8[%add3A_43, %dma_wait3A_672] : memref<100008x16xf32, #tpu.memory_space<vmem_shared>> -> memref<320x16xf32, #tpu.memory_space<vmem_shared>>
      %dma_wait3A_674 = arith.constant 0 : i32
      %dma_wait3A_675 = tpu.memref_slice %arg8[%add3A_43, %dma_wait3A_674] : memref<100008x16xf32, #tpu.memory_space<vmem_shared>> -> memref<320x16xf32, #tpu.memory_space<vmem_shared>>
      %dma_wait3A_676 = arith.constant 0 : i32
      %dma_wait3A_677 = arith.constant 0 : i32
      %dma_wait3A_678 = tpu.memref_slice %arg10[%run_scoped3A_44, %dma_wait3A_676, %dma_wait3A_677] : memref<2x512x16xf32, #tpu.memory_space<vmem>> -> memref<1x320x16xf32, #tpu.memory_space<vmem>>
      %dma_wait3A_679 = tpu.memref_squeeze %dma_wait3A_678 : memref<1x320x16xf32, #tpu.memory_space<vmem>> -> memref<320x16xf32, #tpu.memory_space<vmem>>
      tpu.wait_dma2 semaphore(%run_scoped3A_655 : memref<!tpu.dma_semaphore, #tpu.memory_space<semaphore_mem>>) src(%dma_wait3A_679 : memref<320x16xf32, #tpu.memory_space<vmem>>) dst(%dma_wait3A_675 : memref<320x16xf32, #tpu.memory_space<vmem_shared>>)
      tpu.yield
    }) : () -> ()
    %add3A_45 = arith.constant 4800 : i32
    %add3A_46 = arith.addi %mul3A_0, %add3A_45 : i32
    %run_scoped3A_47 = arith.constant 0 : i32
    "tpu.region"() ({
      %run_scoped3A_655 = tpu.sem_alloc : memref<!tpu.dma_semaphore, #tpu.memory_space<semaphore_mem>>
      %dma_start3A_656 = arith.constant 0 : i32
      %dma_start3A_657 = arith.constant 0 : i32
      %dma_start3A_658 = tpu.memref_slice %arg10[%run_scoped3A_47, %dma_start3A_656, %dma_start3A_657] : memref<2x512x16xf32, #tpu.memory_space<vmem>> -> memref<1x320x16xf32, #tpu.memory_space<vmem>>
      %dma_start3A_659 = tpu.memref_squeeze %dma_start3A_658 : memref<1x320x16xf32, #tpu.memory_space<vmem>> -> memref<320x16xf32, #tpu.memory_space<vmem>>
      %dma_start3A_660 = arith.constant 0 : i32
      %dma_start3A_661 = tpu.memref_slice %arg8[%add3A_46, %dma_start3A_660] : memref<100008x16xf32, #tpu.memory_space<vmem_shared>> -> memref<320x16xf32, #tpu.memory_space<vmem_shared>>
      %dma_start3A_662 = arith.constant 0 : i32
      %dma_start3A_663 = tpu.memref_slice %arg8[%add3A_46, %dma_start3A_662] : memref<100008x16xf32, #tpu.memory_space<vmem_shared>> -> memref<320x16xf32, #tpu.memory_space<vmem_shared>>
      %dma_start3A_664 = arith.constant 0 : i32
      %dma_start3A_665 = arith.constant 0 : i32
      %dma_start3A_666 = tpu.memref_slice %arg10[%run_scoped3A_47, %dma_start3A_664, %dma_start3A_665] : memref<2x512x16xf32, #tpu.memory_space<vmem>> -> memref<1x320x16xf32, #tpu.memory_space<vmem>>
      %dma_start3A_667 = tpu.memref_squeeze %dma_start3A_666 : memref<1x320x16xf32, #tpu.memory_space<vmem>> -> memref<320x16xf32, #tpu.memory_space<vmem>>
      tpu.enqueue_dma source(%dma_start3A_667 : memref<320x16xf32, #tpu.memory_space<vmem>>) target(%dma_start3A_663 : memref<320x16xf32, #tpu.memory_space<vmem_shared>>) target_semaphore(%run_scoped3A_655 : memref<!tpu.dma_semaphore, #tpu.memory_space<semaphore_mem>>)
      %dma_wait3A_668 = arith.constant 0 : i32
      %dma_wait3A_669 = arith.constant 0 : i32
      %dma_wait3A_670 = tpu.memref_slice %arg10[%run_scoped3A_47, %dma_wait3A_668, %dma_wait3A_669] : memref<2x512x16xf32, #tpu.memory_space<vmem>> -> memref<1x320x16xf32, #tpu.memory_space<vmem>>
      %dma_wait3A_671 = tpu.memref_squeeze %dma_wait3A_670 : memref<1x320x16xf32, #tpu.memory_space<vmem>> -> memref<320x16xf32, #tpu.memory_space<vmem>>
      %dma_wait3A_672 = arith.constant 0 : i32
      %dma_wait3A_673 = tpu.memref_slice %arg8[%add3A_46, %dma_wait3A_672] : memref<100008x16xf32, #tpu.memory_space<vmem_shared>> -> memref<320x16xf32, #tpu.memory_space<vmem_shared>>
      %dma_wait3A_674 = arith.constant 0 : i32
      %dma_wait3A_675 = tpu.memref_slice %arg8[%add3A_46, %dma_wait3A_674] : memref<100008x16xf32, #tpu.memory_space<vmem_shared>> -> memref<320x16xf32, #tpu.memory_space<vmem_shared>>
      %dma_wait3A_676 = arith.constant 0 : i32
      %dma_wait3A_677 = arith.constant 0 : i32
      %dma_wait3A_678 = tpu.memref_slice %arg10[%run_scoped3A_47, %dma_wait3A_676, %dma_wait3A_677] : memref<2x512x16xf32, #tpu.memory_space<vmem>> -> memref<1x320x16xf32, #tpu.memory_space<vmem>>
      %dma_wait3A_679 = tpu.memref_squeeze %dma_wait3A_678 : memref<1x320x16xf32, #tpu.memory_space<vmem>> -> memref<320x16xf32, #tpu.memory_space<vmem>>
      tpu.wait_dma2 semaphore(%run_scoped3A_655 : memref<!tpu.dma_semaphore, #tpu.memory_space<semaphore_mem>>) src(%dma_wait3A_679 : memref<320x16xf32, #tpu.memory_space<vmem>>) dst(%dma_wait3A_675 : memref<320x16xf32, #tpu.memory_space<vmem_shared>>)
      tpu.yield
    }) : () -> ()
    %add3A_48 = arith.constant 5120 : i32
    %add3A_49 = arith.addi %mul3A_0, %add3A_48 : i32
    %run_scoped3A_50 = arith.constant 0 : i32
    "tpu.region"() ({
      %run_scoped3A_655 = tpu.sem_alloc : memref<!tpu.dma_semaphore, #tpu.memory_space<semaphore_mem>>
      %dma_start3A_656 = arith.constant 0 : i32
      %dma_start3A_657 = arith.constant 0 : i32
      %dma_start3A_658 = tpu.memref_slice %arg10[%run_scoped3A_50, %dma_start3A_656, %dma_start3A_657] : memref<2x512x16xf32, #tpu.memory_space<vmem>> -> memref<1x320x16xf32, #tpu.memory_space<vmem>>
      %dma_start3A_659 = tpu.memref_squeeze %dma_start3A_658 : memref<1x320x16xf32, #tpu.memory_space<vmem>> -> memref<320x16xf32, #tpu.memory_space<vmem>>
      %dma_start3A_660 = arith.constant 0 : i32
      %dma_start3A_661 = tpu.memref_slice %arg8[%add3A_49, %dma_start3A_660] : memref<100008x16xf32, #tpu.memory_space<vmem_shared>> -> memref<320x16xf32, #tpu.memory_space<vmem_shared>>
      %dma_start3A_662 = arith.constant 0 : i32
      %dma_start3A_663 = tpu.memref_slice %arg8[%add3A_49, %dma_start3A_662] : memref<100008x16xf32, #tpu.memory_space<vmem_shared>> -> memref<320x16xf32, #tpu.memory_space<vmem_shared>>
      %dma_start3A_664 = arith.constant 0 : i32
      %dma_start3A_665 = arith.constant 0 : i32
      %dma_start3A_666 = tpu.memref_slice %arg10[%run_scoped3A_50, %dma_start3A_664, %dma_start3A_665] : memref<2x512x16xf32, #tpu.memory_space<vmem>> -> memref<1x320x16xf32, #tpu.memory_space<vmem>>
      %dma_start3A_667 = tpu.memref_squeeze %dma_start3A_666 : memref<1x320x16xf32, #tpu.memory_space<vmem>> -> memref<320x16xf32, #tpu.memory_space<vmem>>
      tpu.enqueue_dma source(%dma_start3A_667 : memref<320x16xf32, #tpu.memory_space<vmem>>) target(%dma_start3A_663 : memref<320x16xf32, #tpu.memory_space<vmem_shared>>) target_semaphore(%run_scoped3A_655 : memref<!tpu.dma_semaphore, #tpu.memory_space<semaphore_mem>>)
      %dma_wait3A_668 = arith.constant 0 : i32
      %dma_wait3A_669 = arith.constant 0 : i32
      %dma_wait3A_670 = tpu.memref_slice %arg10[%run_scoped3A_50, %dma_wait3A_668, %dma_wait3A_669] : memref<2x512x16xf32, #tpu.memory_space<vmem>> -> memref<1x320x16xf32, #tpu.memory_space<vmem>>
      %dma_wait3A_671 = tpu.memref_squeeze %dma_wait3A_670 : memref<1x320x16xf32, #tpu.memory_space<vmem>> -> memref<320x16xf32, #tpu.memory_space<vmem>>
      %dma_wait3A_672 = arith.constant 0 : i32
      %dma_wait3A_673 = tpu.memref_slice %arg8[%add3A_49, %dma_wait3A_672] : memref<100008x16xf32, #tpu.memory_space<vmem_shared>> -> memref<320x16xf32, #tpu.memory_space<vmem_shared>>
      %dma_wait3A_674 = arith.constant 0 : i32
      %dma_wait3A_675 = tpu.memref_slice %arg8[%add3A_49, %dma_wait3A_674] : memref<100008x16xf32, #tpu.memory_space<vmem_shared>> -> memref<320x16xf32, #tpu.memory_space<vmem_shared>>
      %dma_wait3A_676 = arith.constant 0 : i32
      %dma_wait3A_677 = arith.constant 0 : i32
      %dma_wait3A_678 = tpu.memref_slice %arg10[%run_scoped3A_50, %dma_wait3A_676, %dma_wait3A_677] : memref<2x512x16xf32, #tpu.memory_space<vmem>> -> memref<1x320x16xf32, #tpu.memory_space<vmem>>
      %dma_wait3A_679 = tpu.memref_squeeze %dma_wait3A_678 : memref<1x320x16xf32, #tpu.memory_space<vmem>> -> memref<320x16xf32, #tpu.memory_space<vmem>>
      tpu.wait_dma2 semaphore(%run_scoped3A_655 : memref<!tpu.dma_semaphore, #tpu.memory_space<semaphore_mem>>) src(%dma_wait3A_679 : memref<320x16xf32, #tpu.memory_space<vmem>>) dst(%dma_wait3A_675 : memref<320x16xf32, #tpu.memory_space<vmem_shared>>)
      tpu.yield
    }) : () -> ()
    %add3A_51 = arith.constant 5440 : i32
    %add3A_52 = arith.addi %mul3A_0, %add3A_51 : i32
    %run_scoped3A_53 = arith.constant 0 : i32
    "tpu.region"() ({
      %run_scoped3A_655 = tpu.sem_alloc : memref<!tpu.dma_semaphore, #tpu.memory_space<semaphore_mem>>
      %dma_start3A_656 = arith.constant 0 : i32
      %dma_start3A_657 = arith.constant 0 : i32
      %dma_start3A_658 = tpu.memref_slice %arg10[%run_scoped3A_53, %dma_start3A_656, %dma_start3A_657] : memref<2x512x16xf32, #tpu.memory_space<vmem>> -> memref<1x320x16xf32, #tpu.memory_space<vmem>>
      %dma_start3A_659 = tpu.memref_squeeze %dma_start3A_658 : memref<1x320x16xf32, #tpu.memory_space<vmem>> -> memref<320x16xf32, #tpu.memory_space<vmem>>
      %dma_start3A_660 = arith.constant 0 : i32
      %dma_start3A_661 = tpu.memref_slice %arg8[%add3A_52, %dma_start3A_660] : memref<100008x16xf32, #tpu.memory_space<vmem_shared>> -> memref<320x16xf32, #tpu.memory_space<vmem_shared>>
      %dma_start3A_662 = arith.constant 0 : i32
      %dma_start3A_663 = tpu.memref_slice %arg8[%add3A_52, %dma_start3A_662] : memref<100008x16xf32, #tpu.memory_space<vmem_shared>> -> memref<320x16xf32, #tpu.memory_space<vmem_shared>>
      %dma_start3A_664 = arith.constant 0 : i32
      %dma_start3A_665 = arith.constant 0 : i32
      %dma_start3A_666 = tpu.memref_slice %arg10[%run_scoped3A_53, %dma_start3A_664, %dma_start3A_665] : memref<2x512x16xf32, #tpu.memory_space<vmem>> -> memref<1x320x16xf32, #tpu.memory_space<vmem>>
      %dma_start3A_667 = tpu.memref_squeeze %dma_start3A_666 : memref<1x320x16xf32, #tpu.memory_space<vmem>> -> memref<320x16xf32, #tpu.memory_space<vmem>>
      tpu.enqueue_dma source(%dma_start3A_667 : memref<320x16xf32, #tpu.memory_space<vmem>>) target(%dma_start3A_663 : memref<320x16xf32, #tpu.memory_space<vmem_shared>>) target_semaphore(%run_scoped3A_655 : memref<!tpu.dma_semaphore, #tpu.memory_space<semaphore_mem>>)
      %dma_wait3A_668 = arith.constant 0 : i32
      %dma_wait3A_669 = arith.constant 0 : i32
      %dma_wait3A_670 = tpu.memref_slice %arg10[%run_scoped3A_53, %dma_wait3A_668, %dma_wait3A_669] : memref<2x512x16xf32, #tpu.memory_space<vmem>> -> memref<1x320x16xf32, #tpu.memory_space<vmem>>
      %dma_wait3A_671 = tpu.memref_squeeze %dma_wait3A_670 : memref<1x320x16xf32, #tpu.memory_space<vmem>> -> memref<320x16xf32, #tpu.memory_space<vmem>>
      %dma_wait3A_672 = arith.constant 0 : i32
      %dma_wait3A_673 = tpu.memref_slice %arg8[%add3A_52, %dma_wait3A_672] : memref<100008x16xf32, #tpu.memory_space<vmem_shared>> -> memref<320x16xf32, #tpu.memory_space<vmem_shared>>
      %dma_wait3A_674 = arith.constant 0 : i32
      %dma_wait3A_675 = tpu.memref_slice %arg8[%add3A_52, %dma_wait3A_674] : memref<100008x16xf32, #tpu.memory_space<vmem_shared>> -> memref<320x16xf32, #tpu.memory_space<vmem_shared>>
      %dma_wait3A_676 = arith.constant 0 : i32
      %dma_wait3A_677 = arith.constant 0 : i32
      %dma_wait3A_678 = tpu.memref_slice %arg10[%run_scoped3A_53, %dma_wait3A_676, %dma_wait3A_677] : memref<2x512x16xf32, #tpu.memory_space<vmem>> -> memref<1x320x16xf32, #tpu.memory_space<vmem>>
      %dma_wait3A_679 = tpu.memref_squeeze %dma_wait3A_678 : memref<1x320x16xf32, #tpu.memory_space<vmem>> -> memref<320x16xf32, #tpu.memory_space<vmem>>
      tpu.wait_dma2 semaphore(%run_scoped3A_655 : memref<!tpu.dma_semaphore, #tpu.memory_space<semaphore_mem>>) src(%dma_wait3A_679 : memref<320x16xf32, #tpu.memory_space<vmem>>) dst(%dma_wait3A_675 : memref<320x16xf32, #tpu.memory_space<vmem_shared>>)
      tpu.yield
    }) : () -> ()
    %add3A_54 = arith.constant 5760 : i32
    %add3A_55 = arith.addi %mul3A_0, %add3A_54 : i32
    %run_scoped3A_56 = arith.constant 0 : i32
    "tpu.region"() ({
      %run_scoped3A_655 = tpu.sem_alloc : memref<!tpu.dma_semaphore, #tpu.memory_space<semaphore_mem>>
      %dma_start3A_656 = arith.constant 0 : i32
      %dma_start3A_657 = arith.constant 0 : i32
      %dma_start3A_658 = tpu.memref_slice %arg10[%run_scoped3A_56, %dma_start3A_656, %dma_start3A_657] : memref<2x512x16xf32, #tpu.memory_space<vmem>> -> memref<1x320x16xf32, #tpu.memory_space<vmem>>
      %dma_start3A_659 = tpu.memref_squeeze %dma_start3A_658 : memref<1x320x16xf32, #tpu.memory_space<vmem>> -> memref<320x16xf32, #tpu.memory_space<vmem>>
      %dma_start3A_660 = arith.constant 0 : i32
      %dma_start3A_661 = tpu.memref_slice %arg8[%add3A_55, %dma_start3A_660] : memref<100008x16xf32, #tpu.memory_space<vmem_shared>> -> memref<320x16xf32, #tpu.memory_space<vmem_shared>>
      %dma_start3A_662 = arith.constant 0 : i32
      %dma_start3A_663 = tpu.memref_slice %arg8[%add3A_55, %dma_start3A_662] : memref<100008x16xf32, #tpu.memory_space<vmem_shared>> -> memref<320x16xf32, #tpu.memory_space<vmem_shared>>
      %dma_start3A_664 = arith.constant 0 : i32
      %dma_start3A_665 = arith.constant 0 : i32
      %dma_start3A_666 = tpu.memref_slice %arg10[%run_scoped3A_56, %dma_start3A_664, %dma_start3A_665] : memref<2x512x16xf32, #tpu.memory_space<vmem>> -> memref<1x320x16xf32, #tpu.memory_space<vmem>>
      %dma_start3A_667 = tpu.memref_squeeze %dma_start3A_666 : memref<1x320x16xf32, #tpu.memory_space<vmem>> -> memref<320x16xf32, #tpu.memory_space<vmem>>
      tpu.enqueue_dma source(%dma_start3A_667 : memref<320x16xf32, #tpu.memory_space<vmem>>) target(%dma_start3A_663 : memref<320x16xf32, #tpu.memory_space<vmem_shared>>) target_semaphore(%run_scoped3A_655 : memref<!tpu.dma_semaphore, #tpu.memory_space<semaphore_mem>>)
      %dma_wait3A_668 = arith.constant 0 : i32
      %dma_wait3A_669 = arith.constant 0 : i32
      %dma_wait3A_670 = tpu.memref_slice %arg10[%run_scoped3A_56, %dma_wait3A_668, %dma_wait3A_669] : memref<2x512x16xf32, #tpu.memory_space<vmem>> -> memref<1x320x16xf32, #tpu.memory_space<vmem>>
      %dma_wait3A_671 = tpu.memref_squeeze %dma_wait3A_670 : memref<1x320x16xf32, #tpu.memory_space<vmem>> -> memref<320x16xf32, #tpu.memory_space<vmem>>
      %dma_wait3A_672 = arith.constant 0 : i32
      %dma_wait3A_673 = tpu.memref_slice %arg8[%add3A_55, %dma_wait3A_672] : memref<100008x16xf32, #tpu.memory_space<vmem_shared>> -> memref<320x16xf32, #tpu.memory_space<vmem_shared>>
      %dma_wait3A_674 = arith.constant 0 : i32
      %dma_wait3A_675 = tpu.memref_slice %arg8[%add3A_55, %dma_wait3A_674] : memref<100008x16xf32, #tpu.memory_space<vmem_shared>> -> memref<320x16xf32, #tpu.memory_space<vmem_shared>>
      %dma_wait3A_676 = arith.constant 0 : i32
      %dma_wait3A_677 = arith.constant 0 : i32
      %dma_wait3A_678 = tpu.memref_slice %arg10[%run_scoped3A_56, %dma_wait3A_676, %dma_wait3A_677] : memref<2x512x16xf32, #tpu.memory_space<vmem>> -> memref<1x320x16xf32, #tpu.memory_space<vmem>>
      %dma_wait3A_679 = tpu.memref_squeeze %dma_wait3A_678 : memref<1x320x16xf32, #tpu.memory_space<vmem>> -> memref<320x16xf32, #tpu.memory_space<vmem>>
      tpu.wait_dma2 semaphore(%run_scoped3A_655 : memref<!tpu.dma_semaphore, #tpu.memory_space<semaphore_mem>>) src(%dma_wait3A_679 : memref<320x16xf32, #tpu.memory_space<vmem>>) dst(%dma_wait3A_675 : memref<320x16xf32, #tpu.memory_space<vmem_shared>>)
      tpu.yield
    }) : () -> ()
    %add3A_57 = arith.constant 6080 : i32
    %add3A_58 = arith.addi %mul3A_0, %add3A_57 : i32
    %run_scoped3A_59 = arith.constant 0 : i32
    "tpu.region"() ({
      %run_scoped3A_655 = tpu.sem_alloc : memref<!tpu.dma_semaphore, #tpu.memory_space<semaphore_mem>>
      %dma_start3A_656 = arith.constant 0 : i32
      %dma_start3A_657 = arith.constant 0 : i32
      %dma_start3A_658 = tpu.memref_slice %arg10[%run_scoped3A_59, %dma_start3A_656, %dma_start3A_657] : memref<2x512x16xf32, #tpu.memory_space<vmem>> -> memref<1x320x16xf32, #tpu.memory_space<vmem>>
      %dma_start3A_659 = tpu.memref_squeeze %dma_start3A_658 : memref<1x320x16xf32, #tpu.memory_space<vmem>> -> memref<320x16xf32, #tpu.memory_space<vmem>>
      %dma_start3A_660 = arith.constant 0 : i32
      %dma_start3A_661 = tpu.memref_slice %arg8[%add3A_58, %dma_start3A_660] : memref<100008x16xf32, #tpu.memory_space<vmem_shared>> -> memref<320x16xf32, #tpu.memory_space<vmem_shared>>
      %dma_start3A_662 = arith.constant 0 : i32
      %dma_start3A_663 = tpu.memref_slice %arg8[%add3A_58, %dma_start3A_662] : memref<100008x16xf32, #tpu.memory_space<vmem_shared>> -> memref<320x16xf32, #tpu.memory_space<vmem_shared>>
      %dma_start3A_664 = arith.constant 0 : i32
      %dma_start3A_665 = arith.constant 0 : i32
      %dma_start3A_666 = tpu.memref_slice %arg10[%run_scoped3A_59, %dma_start3A_664, %dma_start3A_665] : memref<2x512x16xf32, #tpu.memory_space<vmem>> -> memref<1x320x16xf32, #tpu.memory_space<vmem>>
      %dma_start3A_667 = tpu.memref_squeeze %dma_start3A_666 : memref<1x320x16xf32, #tpu.memory_space<vmem>> -> memref<320x16xf32, #tpu.memory_space<vmem>>
      tpu.enqueue_dma source(%dma_start3A_667 : memref<320x16xf32, #tpu.memory_space<vmem>>) target(%dma_start3A_663 : memref<320x16xf32, #tpu.memory_space<vmem_shared>>) target_semaphore(%run_scoped3A_655 : memref<!tpu.dma_semaphore, #tpu.memory_space<semaphore_mem>>)
      %dma_wait3A_668 = arith.constant 0 : i32
      %dma_wait3A_669 = arith.constant 0 : i32
      %dma_wait3A_670 = tpu.memref_slice %arg10[%run_scoped3A_59, %dma_wait3A_668, %dma_wait3A_669] : memref<2x512x16xf32, #tpu.memory_space<vmem>> -> memref<1x320x16xf32, #tpu.memory_space<vmem>>
      %dma_wait3A_671 = tpu.memref_squeeze %dma_wait3A_670 : memref<1x320x16xf32, #tpu.memory_space<vmem>> -> memref<320x16xf32, #tpu.memory_space<vmem>>
      %dma_wait3A_672 = arith.constant 0 : i32
      %dma_wait3A_673 = tpu.memref_slice %arg8[%add3A_58, %dma_wait3A_672] : memref<100008x16xf32, #tpu.memory_space<vmem_shared>> -> memref<320x16xf32, #tpu.memory_space<vmem_shared>>
      %dma_wait3A_674 = arith.constant 0 : i32
      %dma_wait3A_675 = tpu.memref_slice %arg8[%add3A_58, %dma_wait3A_674] : memref<100008x16xf32, #tpu.memory_space<vmem_shared>> -> memref<320x16xf32, #tpu.memory_space<vmem_shared>>
      %dma_wait3A_676 = arith.constant 0 : i32
      %dma_wait3A_677 = arith.constant 0 : i32
      %dma_wait3A_678 = tpu.memref_slice %arg10[%run_scoped3A_59, %dma_wait3A_676, %dma_wait3A_677] : memref<2x512x16xf32, #tpu.memory_space<vmem>> -> memref<1x320x16xf32, #tpu.memory_space<vmem>>
      %dma_wait3A_679 = tpu.memref_squeeze %dma_wait3A_678 : memref<1x320x16xf32, #tpu.memory_space<vmem>> -> memref<320x16xf32, #tpu.memory_space<vmem>>
      tpu.wait_dma2 semaphore(%run_scoped3A_655 : memref<!tpu.dma_semaphore, #tpu.memory_space<semaphore_mem>>) src(%dma_wait3A_679 : memref<320x16xf32, #tpu.memory_space<vmem>>) dst(%dma_wait3A_675 : memref<320x16xf32, #tpu.memory_space<vmem_shared>>)
      tpu.yield
    }) : () -> ()
    %eq3A = arith.constant 1 : i32
    %eq3A_60 = arith.cmpi eq, %arg0, %eq3A : i32
    %convert_element_type3A = arith.extui %eq3A_60 : i1 to i32
    %cond3A = arith.constant 0 : i32
    %cond3A_61 = arith.cmpi ne, %convert_element_type3A, %cond3A : i32
    scf.if %cond3A_61 {
      %run_scoped3A_655 = arith.constant 0 : i32
      "tpu.region"() ({
        %run_scoped3A_657 = tpu.sem_alloc : memref<!tpu.dma_semaphore, #tpu.memory_space<semaphore_mem>>
        %dma_start3A_658 = arith.constant 0 : i32
        %dma_start3A_659 = arith.constant 0 : i32
        %dma_start3A_660 = tpu.memref_slice %arg10[%run_scoped3A_655, %dma_start3A_658, %dma_start3A_659] : memref<2x512x16xf32, #tpu.memory_space<vmem>> -> memref<1x512x16xf32, #tpu.memory_space<vmem>>
        %dma_start3A_661 = tpu.memref_squeeze %dma_start3A_660 : memref<1x512x16xf32, #tpu.memory_space<vmem>> -> memref<512x16xf32, #tpu.memory_space<vmem>>
        %dma_start3A_662 = arith.constant 0 : i32
        %dma_start3A_663 = arith.constant 0 : i32
        %dma_start3A_664 = tpu.memref_slice %arg10[%run_scoped3A_655, %dma_start3A_662, %dma_start3A_663] : memref<2x512x16xf32, #tpu.memory_space<vmem>> -> memref<1x512x16xf32, #tpu.memory_space<vmem>>
        %dma_start3A_665 = tpu.memref_squeeze %dma_start3A_664 : memref<1x512x16xf32, #tpu.memory_space<vmem>> -> memref<512x16xf32, #tpu.memory_space<vmem>>
        tpu.enqueue_dma source(%arg5 : memref<512x16xf32, #tpu.memory_space<hbm>>) target(%dma_start3A_665 : memref<512x16xf32, #tpu.memory_space<vmem>>) target_semaphore(%run_scoped3A_657 : memref<!tpu.dma_semaphore, #tpu.memory_space<semaphore_mem>>)
        %dma_wait3A_666 = arith.constant 0 : i32
        %dma_wait3A_667 = arith.constant 0 : i32
        %dma_wait3A_668 = tpu.memref_slice %arg10[%run_scoped3A_655, %dma_wait3A_666, %dma_wait3A_667] : memref<2x512x16xf32, #tpu.memory_space<vmem>> -> memref<1x512x16xf32, #tpu.memory_space<vmem>>
        %dma_wait3A_669 = tpu.memref_squeeze %dma_wait3A_668 : memref<1x512x16xf32, #tpu.memory_space<vmem>> -> memref<512x16xf32, #tpu.memory_space<vmem>>
        %dma_wait3A_670 = arith.constant 0 : i32
        %dma_wait3A_671 = arith.constant 0 : i32
        %dma_wait3A_672 = tpu.memref_slice %arg10[%run_scoped3A_655, %dma_wait3A_670, %dma_wait3A_671] : memref<2x512x16xf32, #tpu.memory_space<vmem>> -> memref<1x512x16xf32, #tpu.memory_space<vmem>>
        %dma_wait3A_673 = tpu.memref_squeeze %dma_wait3A_672 : memref<1x512x16xf32, #tpu.memory_space<vmem>> -> memref<512x16xf32, #tpu.memory_space<vmem>>
        tpu.wait_dma2 semaphore(%run_scoped3A_657 : memref<!tpu.dma_semaphore, #tpu.memory_space<semaphore_mem>>) src(%arg5 : memref<512x16xf32, #tpu.memory_space<hbm>>) dst(%dma_wait3A_673 : memref<512x16xf32, #tpu.memory_space<vmem>>)
        tpu.yield
      }) : () -> ()
      %run_scoped3A_656 = arith.constant 1 : i32
      "tpu.region"() ({
        %run_scoped3A_657 = tpu.sem_alloc : memref<!tpu.dma_semaphore, #tpu.memory_space<semaphore_mem>>
        %dma_start3A_658 = arith.constant 0 : i32
        %dma_start3A_659 = arith.constant 0 : i32
        %dma_start3A_660 = tpu.memref_slice %arg10[%run_scoped3A_656, %dma_start3A_658, %dma_start3A_659] : memref<2x512x16xf32, #tpu.memory_space<vmem>> -> memref<1x512x16xf32, #tpu.memory_space<vmem>>
        %dma_start3A_661 = tpu.memref_squeeze %dma_start3A_660 : memref<1x512x16xf32, #tpu.memory_space<vmem>> -> memref<512x16xf32, #tpu.memory_space<vmem>>
        %dma_start3A_662 = arith.constant 0 : i32
        %dma_start3A_663 = arith.constant 0 : i32
        %dma_start3A_664 = tpu.memref_slice %arg10[%run_scoped3A_656, %dma_start3A_662, %dma_start3A_663] : memref<2x512x16xf32, #tpu.memory_space<vmem>> -> memref<1x512x16xf32, #tpu.memory_space<vmem>>
        %dma_start3A_665 = tpu.memref_squeeze %dma_start3A_664 : memref<1x512x16xf32, #tpu.memory_space<vmem>> -> memref<512x16xf32, #tpu.memory_space<vmem>>
        tpu.enqueue_dma source(%arg5 : memref<512x16xf32, #tpu.memory_space<hbm>>) target(%dma_start3A_665 : memref<512x16xf32, #tpu.memory_space<vmem>>) target_semaphore(%run_scoped3A_657 : memref<!tpu.dma_semaphore, #tpu.memory_space<semaphore_mem>>)
        %dma_wait3A_666 = arith.constant 0 : i32
        %dma_wait3A_667 = arith.constant 0 : i32
        %dma_wait3A_668 = tpu.memref_slice %arg10[%run_scoped3A_656, %dma_wait3A_666, %dma_wait3A_667] : memref<2x512x16xf32, #tpu.memory_space<vmem>> -> memref<1x512x16xf32, #tpu.memory_space<vmem>>
        %dma_wait3A_669 = tpu.memref_squeeze %dma_wait3A_668 : memref<1x512x16xf32, #tpu.memory_space<vmem>> -> memref<512x16xf32, #tpu.memory_space<vmem>>
        %dma_wait3A_670 = arith.constant 0 : i32
        %dma_wait3A_671 = arith.constant 0 : i32
        %dma_wait3A_672 = tpu.memref_slice %arg10[%run_scoped3A_656, %dma_wait3A_670, %dma_wait3A_671] : memref<2x512x16xf32, #tpu.memory_space<vmem>> -> memref<1x512x16xf32, #tpu.memory_space<vmem>>
        %dma_wait3A_673 = tpu.memref_squeeze %dma_wait3A_672 : memref<1x512x16xf32, #tpu.memory_space<vmem>> -> memref<512x16xf32, #tpu.memory_space<vmem>>
        tpu.wait_dma2 semaphore(%run_scoped3A_657 : memref<!tpu.dma_semaphore, #tpu.memory_space<semaphore_mem>>) src(%arg5 : memref<512x16xf32, #tpu.memory_space<hbm>>) dst(%dma_wait3A_673 : memref<512x16xf32, #tpu.memory_space<vmem>>)
        tpu.yield
      }) : () -> ()
    } else {
    }
    %barrier3A = arith.constant 0 : index
    tpu.barrier barrier_id(%barrier3A)
    %mul3A_62 = arith.constant 784 : i32
    %mul3A_63 = arith.muli %arg1, %mul3A_62 : i32
    %add3A_64 = arith.constant 0 : i32
    %add3A_65 = arith.addi %mul3A_63, %add3A_64 : i32
    %min3A = arith.constant 12496 : i32
    %min3A_66 = arith.minsi %add3A_65, %min3A : i32
    %dma_start3A = arith.constant 0 : i32
    %dma_start3A_67 = arith.constant 0 : i32
    %dma_start3A_68 = arith.constant 0 : i32
    %dma_start3A_69 = arith.constant 0 : i32
    %dma_start3A_70 = tpu.memref_slice %arg9[%dma_start3A, %dma_start3A_67, %dma_start3A_68, %dma_start3A_69] : memref<2x4x1x128xi32, #tpu.memory_space<vmem>> -> memref<1x4x1x128xi32, #tpu.memory_space<vmem>>
    %dma_start3A_71 = tpu.memref_squeeze %dma_start3A_70 : memref<1x4x1x128xi32, #tpu.memory_space<vmem>> -> memref<4x1x128xi32, #tpu.memory_space<vmem>>
    %dma_start3A_72 = arith.constant 0 : i32
    %dma_start3A_73 = arith.constant 0 : i32
    %dma_start3A_74 = tpu.memref_slice %arg2[%add3A_65, %dma_start3A_72, %dma_start3A_73] : memref<12544x1x128xi32, #tpu.memory_space<hbm>> -> memref<4x1x128xi32, #tpu.memory_space<hbm>>
    %dma_start3A_75 = arith.constant 0 : i32
    %dma_start3A_76 = arith.constant 0 : i32
    %dma_start3A_77 = arith.constant 0 : i32
    %dma_start3A_78 = tpu.memref_slice %arg9[%dma_start3A, %dma_start3A_75, %dma_start3A_76, %dma_start3A_77] : memref<2x4x1x128xi32, #tpu.memory_space<vmem>> -> memref<1x4x1x128xi32, #tpu.memory_space<vmem>>
    %dma_start3A_79 = tpu.memref_squeeze %dma_start3A_78 : memref<1x4x1x128xi32, #tpu.memory_space<vmem>> -> memref<4x1x128xi32, #tpu.memory_space<vmem>>
    %dma_start3A_80 = arith.constant 0 : i32
    %dma_start3A_81 = arith.constant 0 : i32
    %dma_start3A_82 = tpu.memref_slice %arg2[%add3A_65, %dma_start3A_80, %dma_start3A_81] : memref<12544x1x128xi32, #tpu.memory_space<hbm>> -> memref<4x1x128xi32, #tpu.memory_space<hbm>>
    tpu.enqueue_dma source(%dma_start3A_82 : memref<4x1x128xi32, #tpu.memory_space<hbm>>) target(%dma_start3A_79 : memref<4x1x128xi32, #tpu.memory_space<vmem>>) target_semaphore(%arg11 : memref<!tpu.dma_semaphore, #tpu.memory_space<semaphore_mem>>)
    %eq3A_83 = arith.constant 0 : i32
    %eq3A_84 = arith.cmpi eq, %arg0, %eq3A_83 : i32
    %convert_element_type3A_85 = arith.extui %eq3A_84 : i1 to i32
    %cond3A_86 = arith.constant 0 : i32
    %cond3A_87 = arith.cmpi ne, %convert_element_type3A_85, %cond3A_86 : i32
    scf.if %cond3A_87 {
      %mul3A_655 = arith.constant 128 : i32
      %mul3A_656 = arith.muli %min3A_66, %mul3A_655 : i32
      %dma_start3A_657 = arith.constant 0 : i32
      %dma_start3A_658 = arith.constant 0 : i32
      %dma_start3A_659 = arith.constant 0 : i32
      %dma_start3A_660 = tpu.memref_slice %arg10[%dma_start3A_657, %dma_start3A_658, %dma_start3A_659] : memref<2x512x16xf32, #tpu.memory_space<vmem>> -> memref<1x512x16xf32, #tpu.memory_space<vmem>>
      %dma_start3A_661 = tpu.memref_squeeze %dma_start3A_660 : memref<1x512x16xf32, #tpu.memory_space<vmem>> -> memref<512x16xf32, #tpu.memory_space<vmem>>
      %dma_start3A_662 = arith.constant 0 : i32
      %dma_start3A_663 = tpu.memref_slice %arg3[%mul3A_656, %dma_start3A_662] : memref<1600000x16xf32, #tpu.memory_space<hbm>> -> memref<512x16xf32, #tpu.memory_space<hbm>>
      %dma_start3A_664 = arith.constant 0 : i32
      %dma_start3A_665 = arith.constant 0 : i32
      %dma_start3A_666 = tpu.memref_slice %arg10[%dma_start3A_657, %dma_start3A_664, %dma_start3A_665] : memref<2x512x16xf32, #tpu.memory_space<vmem>> -> memref<1x512x16xf32, #tpu.memory_space<vmem>>
      %dma_start3A_667 = tpu.memref_squeeze %dma_start3A_666 : memref<1x512x16xf32, #tpu.memory_space<vmem>> -> memref<512x16xf32, #tpu.memory_space<vmem>>
      %dma_start3A_668 = arith.constant 0 : i32
      %dma_start3A_669 = tpu.memref_slice %arg3[%mul3A_656, %dma_start3A_668] : memref<1600000x16xf32, #tpu.memory_space<hbm>> -> memref<512x16xf32, #tpu.memory_space<hbm>>
      tpu.enqueue_dma source(%dma_start3A_669 : memref<512x16xf32, #tpu.memory_space<hbm>>) target(%dma_start3A_667 : memref<512x16xf32, #tpu.memory_space<vmem>>) target_semaphore(%arg13 : memref<!tpu.dma_semaphore, #tpu.memory_space<semaphore_mem>>)
    } else {
    }
    %scan3A = arith.constant 0 : i32
    %scan3A_88 = arith.constant 0 : i32
    %scan3A_89 = arith.constant 97 : i32
    %scan3A_90 = arith.addi %scan3A_88, %scan3A_89 : i32
    %scan3A_91 = arith.constant 1 : i32
    scf.for %scan3A_655 = %scan3A_88 to %scan3A_90 step %scan3A_91  : i32 {
      %mul3A_656 = arith.constant 2 : i32
      %mul3A_657 = arith.muli %scan3A_655, %mul3A_656 : i32
      %mul3A_658 = arith.constant 4 : i32
      %mul3A_659 = arith.muli %mul3A_657, %mul3A_658 : i32
      %add3A_660 = arith.addi %mul3A_63, %mul3A_659 : i32
      %min3A_661 = arith.constant 12496 : i32
      %min3A_662 = arith.minsi %add3A_660, %min3A_661 : i32
      %dma_wait3A_663 = arith.constant 0 : i32
      %dma_wait3A_664 = arith.constant 0 : i32
      %dma_wait3A_665 = arith.constant 0 : i32
      %dma_wait3A_666 = arith.constant 0 : i32
      %dma_wait3A_667 = tpu.memref_slice %arg9[%dma_wait3A_663, %dma_wait3A_664, %dma_wait3A_665, %dma_wait3A_666] : memref<2x4x1x128xi32, #tpu.memory_space<vmem>> -> memref<1x4x1x128xi32, #tpu.memory_space<vmem>>
      %dma_wait3A_668 = tpu.memref_squeeze %dma_wait3A_667 : memref<1x4x1x128xi32, #tpu.memory_space<vmem>> -> memref<4x1x128xi32, #tpu.memory_space<vmem>>
      %dma_wait3A_669 = arith.constant 0 : i32
      %dma_wait3A_670 = arith.constant 0 : i32
      %dma_wait3A_671 = tpu.memref_slice %arg2[%add3A_660, %dma_wait3A_669, %dma_wait3A_670] : memref<12544x1x128xi32, #tpu.memory_space<hbm>> -> memref<4x1x128xi32, #tpu.memory_space<hbm>>
      %dma_wait3A_672 = arith.constant 0 : i32
      %dma_wait3A_673 = arith.constant 0 : i32
      %dma_wait3A_674 = arith.constant 0 : i32
      %dma_wait3A_675 = tpu.memref_slice %arg9[%dma_wait3A_663, %dma_wait3A_672, %dma_wait3A_673, %dma_wait3A_674] : memref<2x4x1x128xi32, #tpu.memory_space<vmem>> -> memref<1x4x1x128xi32, #tpu.memory_space<vmem>>
      %dma_wait3A_676 = tpu.memref_squeeze %dma_wait3A_675 : memref<1x4x1x128xi32, #tpu.memory_space<vmem>> -> memref<4x1x128xi32, #tpu.memory_space<vmem>>
      %dma_wait3A_677 = arith.constant 0 : i32
      %dma_wait3A_678 = arith.constant 0 : i32
      %dma_wait3A_679 = tpu.memref_slice %arg2[%add3A_660, %dma_wait3A_677, %dma_wait3A_678] : memref<12544x1x128xi32, #tpu.memory_space<hbm>> -> memref<4x1x128xi32, #tpu.memory_space<hbm>>
      tpu.wait_dma2 semaphore(%arg11 : memref<!tpu.dma_semaphore, #tpu.memory_space<semaphore_mem>>) src(%dma_wait3A_679 : memref<4x1x128xi32, #tpu.memory_space<hbm>>) dst(%dma_wait3A_676 : memref<4x1x128xi32, #tpu.memory_space<vmem>>)
      %eq3A_680 = arith.constant 0 : i32
      %eq3A_681 = arith.cmpi eq, %arg0, %eq3A_680 : i32
      %convert_element_type3A_682 = arith.extui %eq3A_681 : i1 to i32
      %cond3A_683 = arith.constant 0 : i32
      %cond3A_684 = arith.cmpi ne, %convert_element_type3A_682, %cond3A_683 : i32
      scf.if %cond3A_684 {
        %mul3A_996 = arith.constant 128 : i32
        %mul3A_997 = arith.muli %min3A_662, %mul3A_996 : i32
        %dma_wait3A_998 = arith.constant 0 : i32
        %dma_wait3A_999 = arith.constant 0 : i32
        %dma_wait3A_1000 = arith.constant 0 : i32
        %dma_wait3A_1001 = tpu.memref_slice %arg10[%dma_wait3A_998, %dma_wait3A_999, %dma_wait3A_1000] : memref<2x512x16xf32, #tpu.memory_space<vmem>> -> memref<1x512x16xf32, #tpu.memory_space<vmem>>
        %dma_wait3A_1002 = tpu.memref_squeeze %dma_wait3A_1001 : memref<1x512x16xf32, #tpu.memory_space<vmem>> -> memref<512x16xf32, #tpu.memory_space<vmem>>
        %dma_wait3A_1003 = arith.constant 0 : i32
        %dma_wait3A_1004 = tpu.memref_slice %arg3[%mul3A_997, %dma_wait3A_1003] : memref<1600000x16xf32, #tpu.memory_space<hbm>> -> memref<512x16xf32, #tpu.memory_space<hbm>>
        %dma_wait3A_1005 = arith.constant 0 : i32
        %dma_wait3A_1006 = arith.constant 0 : i32
        %dma_wait3A_1007 = tpu.memref_slice %arg10[%dma_wait3A_998, %dma_wait3A_1005, %dma_wait3A_1006] : memref<2x512x16xf32, #tpu.memory_space<vmem>> -> memref<1x512x16xf32, #tpu.memory_space<vmem>>
        %dma_wait3A_1008 = tpu.memref_squeeze %dma_wait3A_1007 : memref<1x512x16xf32, #tpu.memory_space<vmem>> -> memref<512x16xf32, #tpu.memory_space<vmem>>
        %dma_wait3A_1009 = arith.constant 0 : i32
        %dma_wait3A_1010 = tpu.memref_slice %arg3[%mul3A_997, %dma_wait3A_1009] : memref<1600000x16xf32, #tpu.memory_space<hbm>> -> memref<512x16xf32, #tpu.memory_space<hbm>>
        tpu.wait_dma2 semaphore(%arg13 : memref<!tpu.dma_semaphore, #tpu.memory_space<semaphore_mem>>) src(%dma_wait3A_1010 : memref<512x16xf32, #tpu.memory_space<hbm>>) dst(%dma_wait3A_1008 : memref<512x16xf32, #tpu.memory_space<vmem>>)
      } else {
      }
      %add3A_685 = arith.constant 1 : i32
      %add3A_686 = arith.addi %mul3A_657, %add3A_685 : i32
      %mul3A_687 = arith.constant 4 : i32
      %mul3A_688 = arith.muli %add3A_686, %mul3A_687 : i32
      %add3A_689 = arith.addi %mul3A_63, %mul3A_688 : i32
      %min3A_690 = arith.constant 12496 : i32
      %min3A_691 = arith.minsi %add3A_689, %min3A_690 : i32
      %dma_start3A_692 = arith.constant 1 : i32
      %dma_start3A_693 = arith.constant 0 : i32
      %dma_start3A_694 = arith.constant 0 : i32
      %dma_start3A_695 = arith.constant 0 : i32
      %dma_start3A_696 = tpu.memref_slice %arg9[%dma_start3A_692, %dma_start3A_693, %dma_start3A_694, %dma_start3A_695] : memref<2x4x1x128xi32, #tpu.memory_space<vmem>> -> memref<1x4x1x128xi32, #tpu.memory_space<vmem>>
      %dma_start3A_697 = tpu.memref_squeeze %dma_start3A_696 : memref<1x4x1x128xi32, #tpu.memory_space<vmem>> -> memref<4x1x128xi32, #tpu.memory_space<vmem>>
      %dma_start3A_698 = arith.constant 0 : i32
      %dma_start3A_699 = arith.constant 0 : i32
      %dma_start3A_700 = tpu.memref_slice %arg2[%add3A_689, %dma_start3A_698, %dma_start3A_699] : memref<12544x1x128xi32, #tpu.memory_space<hbm>> -> memref<4x1x128xi32, #tpu.memory_space<hbm>>
      %dma_start3A_701 = arith.constant 0 : i32
      %dma_start3A_702 = arith.constant 0 : i32
      %dma_start3A_703 = arith.constant 0 : i32
      %dma_start3A_704 = tpu.memref_slice %arg9[%dma_start3A_692, %dma_start3A_701, %dma_start3A_702, %dma_start3A_703] : memref<2x4x1x128xi32, #tpu.memory_space<vmem>> -> memref<1x4x1x128xi32, #tpu.memory_space<vmem>>
      %dma_start3A_705 = tpu.memref_squeeze %dma_start3A_704 : memref<1x4x1x128xi32, #tpu.memory_space<vmem>> -> memref<4x1x128xi32, #tpu.memory_space<vmem>>
      %dma_start3A_706 = arith.constant 0 : i32
      %dma_start3A_707 = arith.constant 0 : i32
      %dma_start3A_708 = tpu.memref_slice %arg2[%add3A_689, %dma_start3A_706, %dma_start3A_707] : memref<12544x1x128xi32, #tpu.memory_space<hbm>> -> memref<4x1x128xi32, #tpu.memory_space<hbm>>
      tpu.enqueue_dma source(%dma_start3A_708 : memref<4x1x128xi32, #tpu.memory_space<hbm>>) target(%dma_start3A_705 : memref<4x1x128xi32, #tpu.memory_space<vmem>>) target_semaphore(%arg12 : memref<!tpu.dma_semaphore, #tpu.memory_space<semaphore_mem>>)
      %eq3A_709 = arith.constant 0 : i32
      %eq3A_710 = arith.cmpi eq, %arg0, %eq3A_709 : i32
      %convert_element_type3A_711 = arith.extui %eq3A_710 : i1 to i32
      %cond3A_712 = arith.constant 0 : i32
      %cond3A_713 = arith.cmpi ne, %convert_element_type3A_711, %cond3A_712 : i32
      scf.if %cond3A_713 {
        %mul3A_996 = arith.constant 128 : i32
        %mul3A_997 = arith.muli %min3A_691, %mul3A_996 : i32
        %dma_start3A_998 = arith.constant 1 : i32
        %dma_start3A_999 = arith.constant 0 : i32
        %dma_start3A_1000 = arith.constant 0 : i32
        %dma_start3A_1001 = tpu.memref_slice %arg10[%dma_start3A_998, %dma_start3A_999, %dma_start3A_1000] : memref<2x512x16xf32, #tpu.memory_space<vmem>> -> memref<1x512x16xf32, #tpu.memory_space<vmem>>
        %dma_start3A_1002 = tpu.memref_squeeze %dma_start3A_1001 : memref<1x512x16xf32, #tpu.memory_space<vmem>> -> memref<512x16xf32, #tpu.memory_space<vmem>>
        %dma_start3A_1003 = arith.constant 0 : i32
        %dma_start3A_1004 = tpu.memref_slice %arg3[%mul3A_997, %dma_start3A_1003] : memref<1600000x16xf32, #tpu.memory_space<hbm>> -> memref<512x16xf32, #tpu.memory_space<hbm>>
        %dma_start3A_1005 = arith.constant 0 : i32
        %dma_start3A_1006 = arith.constant 0 : i32
        %dma_start3A_1007 = tpu.memref_slice %arg10[%dma_start3A_998, %dma_start3A_1005, %dma_start3A_1006] : memref<2x512x16xf32, #tpu.memory_space<vmem>> -> memref<1x512x16xf32, #tpu.memory_space<vmem>>
        %dma_start3A_1008 = tpu.memref_squeeze %dma_start3A_1007 : memref<1x512x16xf32, #tpu.memory_space<vmem>> -> memref<512x16xf32, #tpu.memory_space<vmem>>
        %dma_start3A_1009 = arith.constant 0 : i32
        %dma_start3A_1010 = tpu.memref_slice %arg3[%mul3A_997, %dma_start3A_1009] : memref<1600000x16xf32, #tpu.memory_space<hbm>> -> memref<512x16xf32, #tpu.memory_space<hbm>>
        tpu.enqueue_dma source(%dma_start3A_1010 : memref<512x16xf32, #tpu.memory_space<hbm>>) target(%dma_start3A_1008 : memref<512x16xf32, #tpu.memory_space<vmem>>) target_semaphore(%arg14 : memref<!tpu.dma_semaphore, #tpu.memory_space<semaphore_mem>>)
      } else {
      }
      %dma_start3A_714 = arith.constant 0 : i32
      %dma_start3A_715 = arith.constant 0 : i32
      %dma_start3A_716 = arith.constant 0 : i32
      %dma_start3A_717 = arith.constant 0 : i32
      %dma_start3A_718 = arith.constant 0 : i32
      %dma_start3A_719 = arith.constant 0 : i32
      %dma_start3A_720 = tpu.memref_slice %arg10[%dma_start3A_714, %dma_start3A_718, %dma_start3A_719] : memref<2x512x16xf32, #tpu.memory_space<vmem>> -> memref<1x128x16xf32, #tpu.memory_space<vmem>>
      %dma_start3A_721 = tpu.memref_squeeze %dma_start3A_720 : memref<1x128x16xf32, #tpu.memory_space<vmem>> -> memref<128x16xf32, #tpu.memory_space<vmem>>
      %dma_start3A_722 = arith.constant 0 : i32
      %dma_start3A_723 = tpu.memref_slice %arg9[%dma_start3A_715, %dma_start3A_716, %dma_start3A_717, %dma_start3A_722] : memref<2x4x1x128xi32, #tpu.memory_space<vmem>> -> memref<1x1x1x128xi32, #tpu.memory_space<vmem>>
      %dma_start3A_724 = tpu.memref_squeeze %dma_start3A_723 : memref<1x1x1x128xi32, #tpu.memory_space<vmem>> -> memref<128xi32, #tpu.memory_space<vmem>>
      %dma_start3A_725 = arith.constant 0 : i32
      %dma_start3A_726 = arith.constant 0 : i32
      %dma_start3A_727 = tpu.memref_slice %arg8[%dma_start3A_725, %dma_start3A_726] : memref<100008x16xf32, #tpu.memory_space<vmem_shared>> -> memref<100008x16xf32, #tpu.memory_space<vmem_shared>>
      tpu.enqueue_indirect_dma source(%dma_start3A_721 : memref<128x16xf32, #tpu.memory_space<vmem>>) target(%dma_start3A_727 : memref<100008x16xf32, #tpu.memory_space<vmem_shared>>) offsets(%dma_start3A_724 : memref<128xi32, #tpu.memory_space<vmem>>) semaphore(%arg15 : memref<!tpu.dma_semaphore, #tpu.memory_space<semaphore_mem>>) {add = true}
      %dma_start3A_728 = arith.constant 0 : i32
      %dma_start3A_729 = arith.constant 0 : i32
      %dma_start3A_730 = arith.constant 1 : i32
      %dma_start3A_731 = arith.constant 0 : i32
      %dma_start3A_732 = arith.constant 128 : i32
      %dma_start3A_733 = arith.constant 0 : i32
      %dma_start3A_734 = tpu.memref_slice %arg10[%dma_start3A_728, %dma_start3A_732, %dma_start3A_733] : memref<2x512x16xf32, #tpu.memory_space<vmem>> -> memref<1x128x16xf32, #tpu.memory_space<vmem>>
      %dma_start3A_735 = tpu.memref_squeeze %dma_start3A_734 : memref<1x128x16xf32, #tpu.memory_space<vmem>> -> memref<128x16xf32, #tpu.memory_space<vmem>>
      %dma_start3A_736 = arith.constant 0 : i32
      %dma_start3A_737 = tpu.memref_slice %arg9[%dma_start3A_729, %dma_start3A_730, %dma_start3A_731, %dma_start3A_736] : memref<2x4x1x128xi32, #tpu.memory_space<vmem>> -> memref<1x1x1x128xi32, #tpu.memory_space<vmem>>
      %dma_start3A_738 = tpu.memref_squeeze %dma_start3A_737 : memref<1x1x1x128xi32, #tpu.memory_space<vmem>> -> memref<128xi32, #tpu.memory_space<vmem>>
      %dma_start3A_739 = arith.constant 0 : i32
      %dma_start3A_740 = arith.constant 0 : i32
      %dma_start3A_741 = tpu.memref_slice %arg8[%dma_start3A_739, %dma_start3A_740] : memref<100008x16xf32, #tpu.memory_space<vmem_shared>> -> memref<100008x16xf32, #tpu.memory_space<vmem_shared>>
      tpu.enqueue_indirect_dma source(%dma_start3A_735 : memref<128x16xf32, #tpu.memory_space<vmem>>) target(%dma_start3A_741 : memref<100008x16xf32, #tpu.memory_space<vmem_shared>>) offsets(%dma_start3A_738 : memref<128xi32, #tpu.memory_space<vmem>>) semaphore(%arg15 : memref<!tpu.dma_semaphore, #tpu.memory_space<semaphore_mem>>) {add = true}
      %dma_start3A_742 = arith.constant 0 : i32
      %dma_start3A_743 = arith.constant 0 : i32
      %dma_start3A_744 = arith.constant 2 : i32
      %dma_start3A_745 = arith.constant 0 : i32
      %dma_start3A_746 = arith.constant 256 : i32
      %dma_start3A_747 = arith.constant 0 : i32
      %dma_start3A_748 = tpu.memref_slice %arg10[%dma_start3A_742, %dma_start3A_746, %dma_start3A_747] : memref<2x512x16xf32, #tpu.memory_space<vmem>> -> memref<1x128x16xf32, #tpu.memory_space<vmem>>
      %dma_start3A_749 = tpu.memref_squeeze %dma_start3A_748 : memref<1x128x16xf32, #tpu.memory_space<vmem>> -> memref<128x16xf32, #tpu.memory_space<vmem>>
      %dma_start3A_750 = arith.constant 0 : i32
      %dma_start3A_751 = tpu.memref_slice %arg9[%dma_start3A_743, %dma_start3A_744, %dma_start3A_745, %dma_start3A_750] : memref<2x4x1x128xi32, #tpu.memory_space<vmem>> -> memref<1x1x1x128xi32, #tpu.memory_space<vmem>>
      %dma_start3A_752 = tpu.memref_squeeze %dma_start3A_751 : memref<1x1x1x128xi32, #tpu.memory_space<vmem>> -> memref<128xi32, #tpu.memory_space<vmem>>
      %dma_start3A_753 = arith.constant 0 : i32
      %dma_start3A_754 = arith.constant 0 : i32
      %dma_start3A_755 = tpu.memref_slice %arg8[%dma_start3A_753, %dma_start3A_754] : memref<100008x16xf32, #tpu.memory_space<vmem_shared>> -> memref<100008x16xf32, #tpu.memory_space<vmem_shared>>
      tpu.enqueue_indirect_dma source(%dma_start3A_749 : memref<128x16xf32, #tpu.memory_space<vmem>>) target(%dma_start3A_755 : memref<100008x16xf32, #tpu.memory_space<vmem_shared>>) offsets(%dma_start3A_752 : memref<128xi32, #tpu.memory_space<vmem>>) semaphore(%arg15 : memref<!tpu.dma_semaphore, #tpu.memory_space<semaphore_mem>>) {add = true}
      %dma_start3A_756 = arith.constant 0 : i32
      %dma_start3A_757 = arith.constant 0 : i32
      %dma_start3A_758 = arith.constant 3 : i32
      %dma_start3A_759 = arith.constant 0 : i32
      %dma_start3A_760 = arith.constant 384 : i32
      %dma_start3A_761 = arith.constant 0 : i32
      %dma_start3A_762 = tpu.memref_slice %arg10[%dma_start3A_756, %dma_start3A_760, %dma_start3A_761] : memref<2x512x16xf32, #tpu.memory_space<vmem>> -> memref<1x128x16xf32, #tpu.memory_space<vmem>>
      %dma_start3A_763 = tpu.memref_squeeze %dma_start3A_762 : memref<1x128x16xf32, #tpu.memory_space<vmem>> -> memref<128x16xf32, #tpu.memory_space<vmem>>
      %dma_start3A_764 = arith.constant 0 : i32
      %dma_start3A_765 = tpu.memref_slice %arg9[%dma_start3A_757, %dma_start3A_758, %dma_start3A_759, %dma_start3A_764] : memref<2x4x1x128xi32, #tpu.memory_space<vmem>> -> memref<1x1x1x128xi32, #tpu.memory_space<vmem>>
      %dma_start3A_766 = tpu.memref_squeeze %dma_start3A_765 : memref<1x1x1x128xi32, #tpu.memory_space<vmem>> -> memref<128xi32, #tpu.memory_space<vmem>>
      %dma_start3A_767 = arith.constant 0 : i32
      %dma_start3A_768 = arith.constant 0 : i32
      %dma_start3A_769 = tpu.memref_slice %arg8[%dma_start3A_767, %dma_start3A_768] : memref<100008x16xf32, #tpu.memory_space<vmem_shared>> -> memref<100008x16xf32, #tpu.memory_space<vmem_shared>>
      tpu.enqueue_indirect_dma source(%dma_start3A_763 : memref<128x16xf32, #tpu.memory_space<vmem>>) target(%dma_start3A_769 : memref<100008x16xf32, #tpu.memory_space<vmem_shared>>) offsets(%dma_start3A_766 : memref<128xi32, #tpu.memory_space<vmem>>) semaphore(%arg15 : memref<!tpu.dma_semaphore, #tpu.memory_space<semaphore_mem>>) {add = true}
      %dma_wait3A_770 = arith.constant 0 : i32
      %dma_wait3A_771 = arith.constant 0 : i32
      %dma_wait3A_772 = arith.constant 0 : i32
      %dma_wait3A_773 = arith.constant 0 : i32
      %dma_wait3A_774 = arith.constant 0 : i32
      %dma_wait3A_775 = arith.constant 0 : i32
      %dma_wait3A_776 = tpu.memref_slice %arg10[%dma_wait3A_770, %dma_wait3A_774, %dma_wait3A_775] : memref<2x512x16xf32, #tpu.memory_space<vmem>> -> memref<1x128x16xf32, #tpu.memory_space<vmem>>
      %dma_wait3A_777 = tpu.memref_squeeze %dma_wait3A_776 : memref<1x128x16xf32, #tpu.memory_space<vmem>> -> memref<128x16xf32, #tpu.memory_space<vmem>>
      %dma_wait3A_778 = arith.constant 0 : i32
      %dma_wait3A_779 = tpu.memref_slice %arg9[%dma_wait3A_771, %dma_wait3A_772, %dma_wait3A_773, %dma_wait3A_778] : memref<2x4x1x128xi32, #tpu.memory_space<vmem>> -> memref<1x1x1x128xi32, #tpu.memory_space<vmem>>
      %dma_wait3A_780 = tpu.memref_squeeze %dma_wait3A_779 : memref<1x1x1x128xi32, #tpu.memory_space<vmem>> -> memref<128xi32, #tpu.memory_space<vmem>>
      %dma_wait3A_781 = arith.constant 0 : i32
      %dma_wait3A_782 = arith.constant 0 : i32
      %dma_wait3A_783 = tpu.memref_slice %arg8[%dma_wait3A_781, %dma_wait3A_782] : memref<100008x16xf32, #tpu.memory_space<vmem_shared>> -> memref<100008x16xf32, #tpu.memory_space<vmem_shared>>
      tpu.wait_indirect_dma semaphore(%arg15 : memref<!tpu.dma_semaphore, #tpu.memory_space<semaphore_mem>>) src(%dma_wait3A_777 : memref<128x16xf32, #tpu.memory_space<vmem>>) dst(%dma_wait3A_783 : memref<100008x16xf32, #tpu.memory_space<vmem_shared>>)
      %dma_wait3A_784 = arith.constant 0 : i32
      %dma_wait3A_785 = arith.constant 0 : i32
      %dma_wait3A_786 = arith.constant 1 : i32
      %dma_wait3A_787 = arith.constant 0 : i32
      %dma_wait3A_788 = arith.constant 128 : i32
      %dma_wait3A_789 = arith.constant 0 : i32
      %dma_wait3A_790 = tpu.memref_slice %arg10[%dma_wait3A_784, %dma_wait3A_788, %dma_wait3A_789] : memref<2x512x16xf32, #tpu.memory_space<vmem>> -> memref<1x128x16xf32, #tpu.memory_space<vmem>>
      %dma_wait3A_791 = tpu.memref_squeeze %dma_wait3A_790 : memref<1x128x16xf32, #tpu.memory_space<vmem>> -> memref<128x16xf32, #tpu.memory_space<vmem>>
      %dma_wait3A_792 = arith.constant 0 : i32
      %dma_wait3A_793 = tpu.memref_slice %arg9[%dma_wait3A_785, %dma_wait3A_786, %dma_wait3A_787, %dma_wait3A_792] : memref<2x4x1x128xi32, #tpu.memory_space<vmem>> -> memref<1x1x1x128xi32, #tpu.memory_space<vmem>>
      %dma_wait3A_794 = tpu.memref_squeeze %dma_wait3A_793 : memref<1x1x1x128xi32, #tpu.memory_space<vmem>> -> memref<128xi32, #tpu.memory_space<vmem>>
      %dma_wait3A_795 = arith.constant 0 : i32
      %dma_wait3A_796 = arith.constant 0 : i32
      %dma_wait3A_797 = tpu.memref_slice %arg8[%dma_wait3A_795, %dma_wait3A_796] : memref<100008x16xf32, #tpu.memory_space<vmem_shared>> -> memref<100008x16xf32, #tpu.memory_space<vmem_shared>>
      tpu.wait_indirect_dma semaphore(%arg15 : memref<!tpu.dma_semaphore, #tpu.memory_space<semaphore_mem>>) src(%dma_wait3A_791 : memref<128x16xf32, #tpu.memory_space<vmem>>) dst(%dma_wait3A_797 : memref<100008x16xf32, #tpu.memory_space<vmem_shared>>)
      %dma_wait3A_798 = arith.constant 0 : i32
      %dma_wait3A_799 = arith.constant 0 : i32
      %dma_wait3A_800 = arith.constant 2 : i32
      %dma_wait3A_801 = arith.constant 0 : i32
      %dma_wait3A_802 = arith.constant 256 : i32
      %dma_wait3A_803 = arith.constant 0 : i32
      %dma_wait3A_804 = tpu.memref_slice %arg10[%dma_wait3A_798, %dma_wait3A_802, %dma_wait3A_803] : memref<2x512x16xf32, #tpu.memory_space<vmem>> -> memref<1x128x16xf32, #tpu.memory_space<vmem>>
      %dma_wait3A_805 = tpu.memref_squeeze %dma_wait3A_804 : memref<1x128x16xf32, #tpu.memory_space<vmem>> -> memref<128x16xf32, #tpu.memory_space<vmem>>
      %dma_wait3A_806 = arith.constant 0 : i32
      %dma_wait3A_807 = tpu.memref_slice %arg9[%dma_wait3A_799, %dma_wait3A_800, %dma_wait3A_801, %dma_wait3A_806] : memref<2x4x1x128xi32, #tpu.memory_space<vmem>> -> memref<1x1x1x128xi32, #tpu.memory_space<vmem>>
      %dma_wait3A_808 = tpu.memref_squeeze %dma_wait3A_807 : memref<1x1x1x128xi32, #tpu.memory_space<vmem>> -> memref<128xi32, #tpu.memory_space<vmem>>
      %dma_wait3A_809 = arith.constant 0 : i32
      %dma_wait3A_810 = arith.constant 0 : i32
      %dma_wait3A_811 = tpu.memref_slice %arg8[%dma_wait3A_809, %dma_wait3A_810] : memref<100008x16xf32, #tpu.memory_space<vmem_shared>> -> memref<100008x16xf32, #tpu.memory_space<vmem_shared>>
      tpu.wait_indirect_dma semaphore(%arg15 : memref<!tpu.dma_semaphore, #tpu.memory_space<semaphore_mem>>) src(%dma_wait3A_805 : memref<128x16xf32, #tpu.memory_space<vmem>>) dst(%dma_wait3A_811 : memref<100008x16xf32, #tpu.memory_space<vmem_shared>>)
      %dma_wait3A_812 = arith.constant 0 : i32
      %dma_wait3A_813 = arith.constant 0 : i32
      %dma_wait3A_814 = arith.constant 3 : i32
      %dma_wait3A_815 = arith.constant 0 : i32
      %dma_wait3A_816 = arith.constant 384 : i32
      %dma_wait3A_817 = arith.constant 0 : i32
      %dma_wait3A_818 = tpu.memref_slice %arg10[%dma_wait3A_812, %dma_wait3A_816, %dma_wait3A_817] : memref<2x512x16xf32, #tpu.memory_space<vmem>> -> memref<1x128x16xf32, #tpu.memory_space<vmem>>
      %dma_wait3A_819 = tpu.memref_squeeze %dma_wait3A_818 : memref<1x128x16xf32, #tpu.memory_space<vmem>> -> memref<128x16xf32, #tpu.memory_space<vmem>>
      %dma_wait3A_820 = arith.constant 0 : i32
      %dma_wait3A_821 = tpu.memref_slice %arg9[%dma_wait3A_813, %dma_wait3A_814, %dma_wait3A_815, %dma_wait3A_820] : memref<2x4x1x128xi32, #tpu.memory_space<vmem>> -> memref<1x1x1x128xi32, #tpu.memory_space<vmem>>
      %dma_wait3A_822 = tpu.memref_squeeze %dma_wait3A_821 : memref<1x1x1x128xi32, #tpu.memory_space<vmem>> -> memref<128xi32, #tpu.memory_space<vmem>>
      %dma_wait3A_823 = arith.constant 0 : i32
      %dma_wait3A_824 = arith.constant 0 : i32
      %dma_wait3A_825 = tpu.memref_slice %arg8[%dma_wait3A_823, %dma_wait3A_824] : memref<100008x16xf32, #tpu.memory_space<vmem_shared>> -> memref<100008x16xf32, #tpu.memory_space<vmem_shared>>
      tpu.wait_indirect_dma semaphore(%arg15 : memref<!tpu.dma_semaphore, #tpu.memory_space<semaphore_mem>>) src(%dma_wait3A_819 : memref<128x16xf32, #tpu.memory_space<vmem>>) dst(%dma_wait3A_825 : memref<100008x16xf32, #tpu.memory_space<vmem_shared>>)
      %add3A_826 = arith.constant 1 : i32
      %add3A_827 = arith.addi %mul3A_657, %add3A_826 : i32
      %mul3A_828 = arith.constant 4 : i32
      %mul3A_829 = arith.muli %add3A_827, %mul3A_828 : i32
      %add3A_830 = arith.addi %mul3A_63, %mul3A_829 : i32
      %min3A_831 = arith.constant 12496 : i32
      %min3A_832 = arith.minsi %add3A_830, %min3A_831 : i32
      %dma_wait3A_833 = arith.constant 1 : i32
      %dma_wait3A_834 = arith.constant 0 : i32
      %dma_wait3A_835 = arith.constant 0 : i32
      %dma_wait3A_836 = arith.constant 0 : i32
      %dma_wait3A_837 = tpu.memref_slice %arg9[%dma_wait3A_833, %dma_wait3A_834, %dma_wait3A_835, %dma_wait3A_836] : memref<2x4x1x128xi32, #tpu.memory_space<vmem>> -> memref<1x4x1x128xi32, #tpu.memory_space<vmem>>
      %dma_wait3A_838 = tpu.memref_squeeze %dma_wait3A_837 : memref<1x4x1x128xi32, #tpu.memory_space<vmem>> -> memref<4x1x128xi32, #tpu.memory_space<vmem>>
      %dma_wait3A_839 = arith.constant 0 : i32
      %dma_wait3A_840 = arith.constant 0 : i32
      %dma_wait3A_841 = tpu.memref_slice %arg2[%add3A_830, %dma_wait3A_839, %dma_wait3A_840] : memref<12544x1x128xi32, #tpu.memory_space<hbm>> -> memref<4x1x128xi32, #tpu.memory_space<hbm>>
      %dma_wait3A_842 = arith.constant 0 : i32
      %dma_wait3A_843 = arith.constant 0 : i32
      %dma_wait3A_844 = arith.constant 0 : i32
      %dma_wait3A_845 = tpu.memref_slice %arg9[%dma_wait3A_833, %dma_wait3A_842, %dma_wait3A_843, %dma_wait3A_844] : memref<2x4x1x128xi32, #tpu.memory_space<vmem>> -> memref<1x4x1x128xi32, #tpu.memory_space<vmem>>
      %dma_wait3A_846 = tpu.memref_squeeze %dma_wait3A_845 : memref<1x4x1x128xi32, #tpu.memory_space<vmem>> -> memref<4x1x128xi32, #tpu.memory_space<vmem>>
      %dma_wait3A_847 = arith.constant 0 : i32
      %dma_wait3A_848 = arith.constant 0 : i32
      %dma_wait3A_849 = tpu.memref_slice %arg2[%add3A_830, %dma_wait3A_847, %dma_wait3A_848] : memref<12544x1x128xi32, #tpu.memory_space<hbm>> -> memref<4x1x128xi32, #tpu.memory_space<hbm>>
      tpu.wait_dma2 semaphore(%arg12 : memref<!tpu.dma_semaphore, #tpu.memory_space<semaphore_mem>>) src(%dma_wait3A_849 : memref<4x1x128xi32, #tpu.memory_space<hbm>>) dst(%dma_wait3A_846 : memref<4x1x128xi32, #tpu.memory_space<vmem>>)
      %eq3A_850 = arith.constant 0 : i32
      %eq3A_851 = arith.cmpi eq, %arg0, %eq3A_850 : i32
      %convert_element_type3A_852 = arith.extui %eq3A_851 : i1 to i32
      %cond3A_853 = arith.constant 0 : i32
      %cond3A_854 = arith.cmpi ne, %convert_element_type3A_852, %cond3A_853 : i32
      scf.if %cond3A_854 {
        %mul3A_996 = arith.constant 128 : i32
        %mul3A_997 = arith.muli %min3A_832, %mul3A_996 : i32
        %dma_wait3A_998 = arith.constant 1 : i32
        %dma_wait3A_999 = arith.constant 0 : i32
        %dma_wait3A_1000 = arith.constant 0 : i32
        %dma_wait3A_1001 = tpu.memref_slice %arg10[%dma_wait3A_998, %dma_wait3A_999, %dma_wait3A_1000] : memref<2x512x16xf32, #tpu.memory_space<vmem>> -> memref<1x512x16xf32, #tpu.memory_space<vmem>>
        %dma_wait3A_1002 = tpu.memref_squeeze %dma_wait3A_1001 : memref<1x512x16xf32, #tpu.memory_space<vmem>> -> memref<512x16xf32, #tpu.memory_space<vmem>>
        %dma_wait3A_1003 = arith.constant 0 : i32
        %dma_wait3A_1004 = tpu.memref_slice %arg3[%mul3A_997, %dma_wait3A_1003] : memref<1600000x16xf32, #tpu.memory_space<hbm>> -> memref<512x16xf32, #tpu.memory_space<hbm>>
        %dma_wait3A_1005 = arith.constant 0 : i32
        %dma_wait3A_1006 = arith.constant 0 : i32
        %dma_wait3A_1007 = tpu.memref_slice %arg10[%dma_wait3A_998, %dma_wait3A_1005, %dma_wait3A_1006] : memref<2x512x16xf32, #tpu.memory_space<vmem>> -> memref<1x512x16xf32, #tpu.memory_space<vmem>>
        %dma_wait3A_1008 = tpu.memref_squeeze %dma_wait3A_1007 : memref<1x512x16xf32, #tpu.memory_space<vmem>> -> memref<512x16xf32, #tpu.memory_space<vmem>>
        %dma_wait3A_1009 = arith.constant 0 : i32
        %dma_wait3A_1010 = tpu.memref_slice %arg3[%mul3A_997, %dma_wait3A_1009] : memref<1600000x16xf32, #tpu.memory_space<hbm>> -> memref<512x16xf32, #tpu.memory_space<hbm>>
        tpu.wait_dma2 semaphore(%arg14 : memref<!tpu.dma_semaphore, #tpu.memory_space<semaphore_mem>>) src(%dma_wait3A_1010 : memref<512x16xf32, #tpu.memory_space<hbm>>) dst(%dma_wait3A_1008 : memref<512x16xf32, #tpu.memory_space<vmem>>)
      } else {
      }
      %add3A_855 = arith.constant 2 : i32
      %add3A_856 = arith.addi %mul3A_657, %add3A_855 : i32
      %mul3A_857 = arith.constant 4 : i32
      %mul3A_858 = arith.muli %add3A_856, %mul3A_857 : i32
      %add3A_859 = arith.addi %mul3A_63, %mul3A_858 : i32
      %min3A_860 = arith.constant 12496 : i32
      %min3A_861 = arith.minsi %add3A_859, %min3A_860 : i32
      %dma_start3A_862 = arith.constant 0 : i32
      %dma_start3A_863 = arith.constant 0 : i32
      %dma_start3A_864 = arith.constant 0 : i32
      %dma_start3A_865 = arith.constant 0 : i32
      %dma_start3A_866 = tpu.memref_slice %arg9[%dma_start3A_862, %dma_start3A_863, %dma_start3A_864, %dma_start3A_865] : memref<2x4x1x128xi32, #tpu.memory_space<vmem>> -> memref<1x4x1x128xi32, #tpu.memory_space<vmem>>
      %dma_start3A_867 = tpu.memref_squeeze %dma_start3A_866 : memref<1x4x1x128xi32, #tpu.memory_space<vmem>> -> memref<4x1x128xi32, #tpu.memory_space<vmem>>
      %dma_start3A_868 = arith.constant 0 : i32
      %dma_start3A_869 = arith.constant 0 : i32
      %dma_start3A_870 = tpu.memref_slice %arg2[%add3A_859, %dma_start3A_868, %dma_start3A_869] : memref<12544x1x128xi32, #tpu.memory_space<hbm>> -> memref<4x1x128xi32, #tpu.memory_space<hbm>>
      %dma_start3A_871 = arith.constant 0 : i32
      %dma_start3A_872 = arith.constant 0 : i32
      %dma_start3A_873 = arith.constant 0 : i32
      %dma_start3A_874 = tpu.memref_slice %arg9[%dma_start3A_862, %dma_start3A_871, %dma_start3A_872, %dma_start3A_873] : memref<2x4x1x128xi32, #tpu.memory_space<vmem>> -> memref<1x4x1x128xi32, #tpu.memory_space<vmem>>
      %dma_start3A_875 = tpu.memref_squeeze %dma_start3A_874 : memref<1x4x1x128xi32, #tpu.memory_space<vmem>> -> memref<4x1x128xi32, #tpu.memory_space<vmem>>
      %dma_start3A_876 = arith.constant 0 : i32
      %dma_start3A_877 = arith.constant 0 : i32
      %dma_start3A_878 = tpu.memref_slice %arg2[%add3A_859, %dma_start3A_876, %dma_start3A_877] : memref<12544x1x128xi32, #tpu.memory_space<hbm>> -> memref<4x1x128xi32, #tpu.memory_space<hbm>>
      tpu.enqueue_dma source(%dma_start3A_878 : memref<4x1x128xi32, #tpu.memory_space<hbm>>) target(%dma_start3A_875 : memref<4x1x128xi32, #tpu.memory_space<vmem>>) target_semaphore(%arg11 : memref<!tpu.dma_semaphore, #tpu.memory_space<semaphore_mem>>)
      %eq3A_879 = arith.constant 0 : i32
      %eq3A_880 = arith.cmpi eq, %arg0, %eq3A_879 : i32
      %convert_element_type3A_881 = arith.extui %eq3A_880 : i1 to i32
      %cond3A_882 = arith.constant 0 : i32
      %cond3A_883 = arith.cmpi ne, %convert_element_type3A_881, %cond3A_882 : i32
      scf.if %cond3A_883 {
        %mul3A_996 = arith.constant 128 : i32
        %mul3A_997 = arith.muli %min3A_861, %mul3A_996 : i32
        %dma_start3A_998 = arith.constant 0 : i32
        %dma_start3A_999 = arith.constant 0 : i32
        %dma_start3A_1000 = arith.constant 0 : i32
        %dma_start3A_1001 = tpu.memref_slice %arg10[%dma_start3A_998, %dma_start3A_999, %dma_start3A_1000] : memref<2x512x16xf32, #tpu.memory_space<vmem>> -> memref<1x512x16xf32, #tpu.memory_space<vmem>>
        %dma_start3A_1002 = tpu.memref_squeeze %dma_start3A_1001 : memref<1x512x16xf32, #tpu.memory_space<vmem>> -> memref<512x16xf32, #tpu.memory_space<vmem>>
        %dma_start3A_1003 = arith.constant 0 : i32
        %dma_start3A_1004 = tpu.memref_slice %arg3[%mul3A_997, %dma_start3A_1003] : memref<1600000x16xf32, #tpu.memory_space<hbm>> -> memref<512x16xf32, #tpu.memory_space<hbm>>
        %dma_start3A_1005 = arith.constant 0 : i32
        %dma_start3A_1006 = arith.constant 0 : i32
        %dma_start3A_1007 = tpu.memref_slice %arg10[%dma_start3A_998, %dma_start3A_1005, %dma_start3A_1006] : memref<2x512x16xf32, #tpu.memory_space<vmem>> -> memref<1x512x16xf32, #tpu.memory_space<vmem>>
        %dma_start3A_1008 = tpu.memref_squeeze %dma_start3A_1007 : memref<1x512x16xf32, #tpu.memory_space<vmem>> -> memref<512x16xf32, #tpu.memory_space<vmem>>
        %dma_start3A_1009 = arith.constant 0 : i32
        %dma_start3A_1010 = tpu.memref_slice %arg3[%mul3A_997, %dma_start3A_1009] : memref<1600000x16xf32, #tpu.memory_space<hbm>> -> memref<512x16xf32, #tpu.memory_space<hbm>>
        tpu.enqueue_dma source(%dma_start3A_1010 : memref<512x16xf32, #tpu.memory_space<hbm>>) target(%dma_start3A_1008 : memref<512x16xf32, #tpu.memory_space<vmem>>) target_semaphore(%arg13 : memref<!tpu.dma_semaphore, #tpu.memory_space<semaphore_mem>>)
      } else {
      }
      %dma_start3A_884 = arith.constant 1 : i32
      %dma_start3A_885 = arith.constant 1 : i32
      %dma_start3A_886 = arith.constant 0 : i32
      %dma_start3A_887 = arith.constant 0 : i32
      %dma_start3A_888 = arith.constant 0 : i32
      %dma_start3A_889 = arith.constant 0 : i32
      %dma_start3A_890 = tpu.memref_slice %arg10[%dma_start3A_884, %dma_start3A_888, %dma_start3A_889] : memref<2x512x16xf32, #tpu.memory_space<vmem>> -> memref<1x128x16xf32, #tpu.memory_space<vmem>>
      %dma_start3A_891 = tpu.memref_squeeze %dma_start3A_890 : memref<1x128x16xf32, #tpu.memory_space<vmem>> -> memref<128x16xf32, #tpu.memory_space<vmem>>
      %dma_start3A_892 = arith.constant 0 : i32
      %dma_start3A_893 = tpu.memref_slice %arg9[%dma_start3A_885, %dma_start3A_886, %dma_start3A_887, %dma_start3A_892] : memref<2x4x1x128xi32, #tpu.memory_space<vmem>> -> memref<1x1x1x128xi32, #tpu.memory_space<vmem>>
      %dma_start3A_894 = tpu.memref_squeeze %dma_start3A_893 : memref<1x1x1x128xi32, #tpu.memory_space<vmem>> -> memref<128xi32, #tpu.memory_space<vmem>>
      %dma_start3A_895 = arith.constant 0 : i32
      %dma_start3A_896 = arith.constant 0 : i32
      %dma_start3A_897 = tpu.memref_slice %arg8[%dma_start3A_895, %dma_start3A_896] : memref<100008x16xf32, #tpu.memory_space<vmem_shared>> -> memref<100008x16xf32, #tpu.memory_space<vmem_shared>>
      tpu.enqueue_indirect_dma source(%dma_start3A_891 : memref<128x16xf32, #tpu.memory_space<vmem>>) target(%dma_start3A_897 : memref<100008x16xf32, #tpu.memory_space<vmem_shared>>) offsets(%dma_start3A_894 : memref<128xi32, #tpu.memory_space<vmem>>) semaphore(%arg15 : memref<!tpu.dma_semaphore, #tpu.memory_space<semaphore_mem>>) {add = true}
      %dma_start3A_898 = arith.constant 1 : i32
      %dma_start3A_899 = arith.constant 1 : i32
      %dma_start3A_900 = arith.constant 1 : i32
      %dma_start3A_901 = arith.constant 0 : i32
      %dma_start3A_902 = arith.constant 128 : i32
      %dma_start3A_903 = arith.constant 0 : i32
      %dma_start3A_904 = tpu.memref_slice %arg10[%dma_start3A_898, %dma_start3A_902, %dma_start3A_903] : memref<2x512x16xf32, #tpu.memory_space<vmem>> -> memref<1x128x16xf32, #tpu.memory_space<vmem>>
      %dma_start3A_905 = tpu.memref_squeeze %dma_start3A_904 : memref<1x128x16xf32, #tpu.memory_space<vmem>> -> memref<128x16xf32, #tpu.memory_space<vmem>>
      %dma_start3A_906 = arith.constant 0 : i32
      %dma_start3A_907 = tpu.memref_slice %arg9[%dma_start3A_899, %dma_start3A_900, %dma_start3A_901, %dma_start3A_906] : memref<2x4x1x128xi32, #tpu.memory_space<vmem>> -> memref<1x1x1x128xi32, #tpu.memory_space<vmem>>
      %dma_start3A_908 = tpu.memref_squeeze %dma_start3A_907 : memref<1x1x1x128xi32, #tpu.memory_space<vmem>> -> memref<128xi32, #tpu.memory_space<vmem>>
      %dma_start3A_909 = arith.constant 0 : i32
      %dma_start3A_910 = arith.constant 0 : i32
      %dma_start3A_911 = tpu.memref_slice %arg8[%dma_start3A_909, %dma_start3A_910] : memref<100008x16xf32, #tpu.memory_space<vmem_shared>> -> memref<100008x16xf32, #tpu.memory_space<vmem_shared>>
      tpu.enqueue_indirect_dma source(%dma_start3A_905 : memref<128x16xf32, #tpu.memory_space<vmem>>) target(%dma_start3A_911 : memref<100008x16xf32, #tpu.memory_space<vmem_shared>>) offsets(%dma_start3A_908 : memref<128xi32, #tpu.memory_space<vmem>>) semaphore(%arg15 : memref<!tpu.dma_semaphore, #tpu.memory_space<semaphore_mem>>) {add = true}
      %dma_start3A_912 = arith.constant 1 : i32
      %dma_start3A_913 = arith.constant 1 : i32
      %dma_start3A_914 = arith.constant 2 : i32
      %dma_start3A_915 = arith.constant 0 : i32
      %dma_start3A_916 = arith.constant 256 : i32
      %dma_start3A_917 = arith.constant 0 : i32
      %dma_start3A_918 = tpu.memref_slice %arg10[%dma_start3A_912, %dma_start3A_916, %dma_start3A_917] : memref<2x512x16xf32, #tpu.memory_space<vmem>> -> memref<1x128x16xf32, #tpu.memory_space<vmem>>
      %dma_start3A_919 = tpu.memref_squeeze %dma_start3A_918 : memref<1x128x16xf32, #tpu.memory_space<vmem>> -> memref<128x16xf32, #tpu.memory_space<vmem>>
      %dma_start3A_920 = arith.constant 0 : i32
      %dma_start3A_921 = tpu.memref_slice %arg9[%dma_start3A_913, %dma_start3A_914, %dma_start3A_915, %dma_start3A_920] : memref<2x4x1x128xi32, #tpu.memory_space<vmem>> -> memref<1x1x1x128xi32, #tpu.memory_space<vmem>>
      %dma_start3A_922 = tpu.memref_squeeze %dma_start3A_921 : memref<1x1x1x128xi32, #tpu.memory_space<vmem>> -> memref<128xi32, #tpu.memory_space<vmem>>
      %dma_start3A_923 = arith.constant 0 : i32
      %dma_start3A_924 = arith.constant 0 : i32
      %dma_start3A_925 = tpu.memref_slice %arg8[%dma_start3A_923, %dma_start3A_924] : memref<100008x16xf32, #tpu.memory_space<vmem_shared>> -> memref<100008x16xf32, #tpu.memory_space<vmem_shared>>
      tpu.enqueue_indirect_dma source(%dma_start3A_919 : memref<128x16xf32, #tpu.memory_space<vmem>>) target(%dma_start3A_925 : memref<100008x16xf32, #tpu.memory_space<vmem_shared>>) offsets(%dma_start3A_922 : memref<128xi32, #tpu.memory_space<vmem>>) semaphore(%arg15 : memref<!tpu.dma_semaphore, #tpu.memory_space<semaphore_mem>>) {add = true}
      %dma_start3A_926 = arith.constant 1 : i32
      %dma_start3A_927 = arith.constant 1 : i32
      %dma_start3A_928 = arith.constant 3 : i32
      %dma_start3A_929 = arith.constant 0 : i32
      %dma_start3A_930 = arith.constant 384 : i32
      %dma_start3A_931 = arith.constant 0 : i32
      %dma_start3A_932 = tpu.memref_slice %arg10[%dma_start3A_926, %dma_start3A_930, %dma_start3A_931] : memref<2x512x16xf32, #tpu.memory_space<vmem>> -> memref<1x128x16xf32, #tpu.memory_space<vmem>>
      %dma_start3A_933 = tpu.memref_squeeze %dma_start3A_932 : memref<1x128x16xf32, #tpu.memory_space<vmem>> -> memref<128x16xf32, #tpu.memory_space<vmem>>
      %dma_start3A_934 = arith.constant 0 : i32
      %dma_start3A_935 = tpu.memref_slice %arg9[%dma_start3A_927, %dma_start3A_928, %dma_start3A_929, %dma_start3A_934] : memref<2x4x1x128xi32, #tpu.memory_space<vmem>> -> memref<1x1x1x128xi32, #tpu.memory_space<vmem>>
      %dma_start3A_936 = tpu.memref_squeeze %dma_start3A_935 : memref<1x1x1x128xi32, #tpu.memory_space<vmem>> -> memref<128xi32, #tpu.memory_space<vmem>>
      %dma_start3A_937 = arith.constant 0 : i32
      %dma_start3A_938 = arith.constant 0 : i32
      %dma_start3A_939 = tpu.memref_slice %arg8[%dma_start3A_937, %dma_start3A_938] : memref<100008x16xf32, #tpu.memory_space<vmem_shared>> -> memref<100008x16xf32, #tpu.memory_space<vmem_shared>>
      tpu.enqueue_indirect_dma source(%dma_start3A_933 : memref<128x16xf32, #tpu.memory_space<vmem>>) target(%dma_start3A_939 : memref<100008x16xf32, #tpu.memory_space<vmem_shared>>) offsets(%dma_start3A_936 : memref<128xi32, #tpu.memory_space<vmem>>) semaphore(%arg15 : memref<!tpu.dma_semaphore, #tpu.memory_space<semaphore_mem>>) {add = true}
      %dma_wait3A_940 = arith.constant 1 : i32
      %dma_wait3A_941 = arith.constant 1 : i32
      %dma_wait3A_942 = arith.constant 0 : i32
      %dma_wait3A_943 = arith.constant 0 : i32
      %dma_wait3A_944 = arith.constant 0 : i32
      %dma_wait3A_945 = arith.constant 0 : i32
      %dma_wait3A_946 = tpu.memref_slice %arg10[%dma_wait3A_940, %dma_wait3A_944, %dma_wait3A_945] : memref<2x512x16xf32, #tpu.memory_space<vmem>> -> memref<1x128x16xf32, #tpu.memory_space<vmem>>
      %dma_wait3A_947 = tpu.memref_squeeze %dma_wait3A_946 : memref<1x128x16xf32, #tpu.memory_space<vmem>> -> memref<128x16xf32, #tpu.memory_space<vmem>>
      %dma_wait3A_948 = arith.constant 0 : i32
      %dma_wait3A_949 = tpu.memref_slice %arg9[%dma_wait3A_941, %dma_wait3A_942, %dma_wait3A_943, %dma_wait3A_948] : memref<2x4x1x128xi32, #tpu.memory_space<vmem>> -> memref<1x1x1x128xi32, #tpu.memory_space<vmem>>
      %dma_wait3A_950 = tpu.memref_squeeze %dma_wait3A_949 : memref<1x1x1x128xi32, #tpu.memory_space<vmem>> -> memref<128xi32, #tpu.memory_space<vmem>>
      %dma_wait3A_951 = arith.constant 0 : i32
      %dma_wait3A_952 = arith.constant 0 : i32
      %dma_wait3A_953 = tpu.memref_slice %arg8[%dma_wait3A_951, %dma_wait3A_952] : memref<100008x16xf32, #tpu.memory_space<vmem_shared>> -> memref<100008x16xf32, #tpu.memory_space<vmem_shared>>
      tpu.wait_indirect_dma semaphore(%arg15 : memref<!tpu.dma_semaphore, #tpu.memory_space<semaphore_mem>>) src(%dma_wait3A_947 : memref<128x16xf32, #tpu.memory_space<vmem>>) dst(%dma_wait3A_953 : memref<100008x16xf32, #tpu.memory_space<vmem_shared>>)
      %dma_wait3A_954 = arith.constant 1 : i32
      %dma_wait3A_955 = arith.constant 1 : i32
      %dma_wait3A_956 = arith.constant 1 : i32
      %dma_wait3A_957 = arith.constant 0 : i32
      %dma_wait3A_958 = arith.constant 128 : i32
      %dma_wait3A_959 = arith.constant 0 : i32
      %dma_wait3A_960 = tpu.memref_slice %arg10[%dma_wait3A_954, %dma_wait3A_958, %dma_wait3A_959] : memref<2x512x16xf32, #tpu.memory_space<vmem>> -> memref<1x128x16xf32, #tpu.memory_space<vmem>>
      %dma_wait3A_961 = tpu.memref_squeeze %dma_wait3A_960 : memref<1x128x16xf32, #tpu.memory_space<vmem>> -> memref<128x16xf32, #tpu.memory_space<vmem>>
      %dma_wait3A_962 = arith.constant 0 : i32
      %dma_wait3A_963 = tpu.memref_slice %arg9[%dma_wait3A_955, %dma_wait3A_956, %dma_wait3A_957, %dma_wait3A_962] : memref<2x4x1x128xi32, #tpu.memory_space<vmem>> -> memref<1x1x1x128xi32, #tpu.memory_space<vmem>>
      %dma_wait3A_964 = tpu.memref_squeeze %dma_wait3A_963 : memref<1x1x1x128xi32, #tpu.memory_space<vmem>> -> memref<128xi32, #tpu.memory_space<vmem>>
      %dma_wait3A_965 = arith.constant 0 : i32
      %dma_wait3A_966 = arith.constant 0 : i32
      %dma_wait3A_967 = tpu.memref_slice %arg8[%dma_wait3A_965, %dma_wait3A_966] : memref<100008x16xf32, #tpu.memory_space<vmem_shared>> -> memref<100008x16xf32, #tpu.memory_space<vmem_shared>>
      tpu.wait_indirect_dma semaphore(%arg15 : memref<!tpu.dma_semaphore, #tpu.memory_space<semaphore_mem>>) src(%dma_wait3A_961 : memref<128x16xf32, #tpu.memory_space<vmem>>) dst(%dma_wait3A_967 : memref<100008x16xf32, #tpu.memory_space<vmem_shared>>)
      %dma_wait3A_968 = arith.constant 1 : i32
      %dma_wait3A_969 = arith.constant 1 : i32
      %dma_wait3A_970 = arith.constant 2 : i32
      %dma_wait3A_971 = arith.constant 0 : i32
      %dma_wait3A_972 = arith.constant 256 : i32
      %dma_wait3A_973 = arith.constant 0 : i32
      %dma_wait3A_974 = tpu.memref_slice %arg10[%dma_wait3A_968, %dma_wait3A_972, %dma_wait3A_973] : memref<2x512x16xf32, #tpu.memory_space<vmem>> -> memref<1x128x16xf32, #tpu.memory_space<vmem>>
      %dma_wait3A_975 = tpu.memref_squeeze %dma_wait3A_974 : memref<1x128x16xf32, #tpu.memory_space<vmem>> -> memref<128x16xf32, #tpu.memory_space<vmem>>
      %dma_wait3A_976 = arith.constant 0 : i32
      %dma_wait3A_977 = tpu.memref_slice %arg9[%dma_wait3A_969, %dma_wait3A_970, %dma_wait3A_971, %dma_wait3A_976] : memref<2x4x1x128xi32, #tpu.memory_space<vmem>> -> memref<1x1x1x128xi32, #tpu.memory_space<vmem>>
      %dma_wait3A_978 = tpu.memref_squeeze %dma_wait3A_977 : memref<1x1x1x128xi32, #tpu.memory_space<vmem>> -> memref<128xi32, #tpu.memory_space<vmem>>
      %dma_wait3A_979 = arith.constant 0 : i32
      %dma_wait3A_980 = arith.constant 0 : i32
      %dma_wait3A_981 = tpu.memref_slice %arg8[%dma_wait3A_979, %dma_wait3A_980] : memref<100008x16xf32, #tpu.memory_space<vmem_shared>> -> memref<100008x16xf32, #tpu.memory_space<vmem_shared>>
      tpu.wait_indirect_dma semaphore(%arg15 : memref<!tpu.dma_semaphore, #tpu.memory_space<semaphore_mem>>) src(%dma_wait3A_975 : memref<128x16xf32, #tpu.memory_space<vmem>>) dst(%dma_wait3A_981 : memref<100008x16xf32, #tpu.memory_space<vmem_shared>>)
      %dma_wait3A_982 = arith.constant 1 : i32
      %dma_wait3A_983 = arith.constant 1 : i32
      %dma_wait3A_984 = arith.constant 3 : i32
      %dma_wait3A_985 = arith.constant 0 : i32
      %dma_wait3A_986 = arith.constant 384 : i32
      %dma_wait3A_987 = arith.constant 0 : i32
      %dma_wait3A_988 = tpu.memref_slice %arg10[%dma_wait3A_982, %dma_wait3A_986, %dma_wait3A_987] : memref<2x512x16xf32, #tpu.memory_space<vmem>> -> memref<1x128x16xf32, #tpu.memory_space<vmem>>
      %dma_wait3A_989 = tpu.memref_squeeze %dma_wait3A_988 : memref<1x128x16xf32, #tpu.memory_space<vmem>> -> memref<128x16xf32, #tpu.memory_space<vmem>>
      %dma_wait3A_990 = arith.constant 0 : i32
      %dma_wait3A_991 = tpu.memref_slice %arg9[%dma_wait3A_983, %dma_wait3A_984, %dma_wait3A_985, %dma_wait3A_990] : memref<2x4x1x128xi32, #tpu.memory_space<vmem>> -> memref<1x1x1x128xi32, #tpu.memory_space<vmem>>
      %dma_wait3A_992 = tpu.memref_squeeze %dma_wait3A_991 : memref<1x1x1x128xi32, #tpu.memory_space<vmem>> -> memref<128xi32, #tpu.memory_space<vmem>>
      %dma_wait3A_993 = arith.constant 0 : i32
      %dma_wait3A_994 = arith.constant 0 : i32
      %dma_wait3A_995 = tpu.memref_slice %arg8[%dma_wait3A_993, %dma_wait3A_994] : memref<100008x16xf32, #tpu.memory_space<vmem_shared>> -> memref<100008x16xf32, #tpu.memory_space<vmem_shared>>
      tpu.wait_indirect_dma semaphore(%arg15 : memref<!tpu.dma_semaphore, #tpu.memory_space<semaphore_mem>>) src(%dma_wait3A_989 : memref<128x16xf32, #tpu.memory_space<vmem>>) dst(%dma_wait3A_995 : memref<100008x16xf32, #tpu.memory_space<vmem_shared>>)
    }
    %scan3A_92 = arith.constant 97 : i32
    %add3A_93 = arith.constant 776 : i32
    %add3A_94 = arith.addi %mul3A_63, %add3A_93 : i32
    %min3A_95 = arith.constant 12496 : i32
    %min3A_96 = arith.minsi %add3A_94, %min3A_95 : i32
    %dma_wait3A = arith.constant 0 : i32
    %dma_wait3A_97 = arith.constant 0 : i32
    %dma_wait3A_98 = arith.constant 0 : i32
    %dma_wait3A_99 = arith.constant 0 : i32
    %dma_wait3A_100 = tpu.memref_slice %arg9[%dma_wait3A, %dma_wait3A_97, %dma_wait3A_98, %dma_wait3A_99] : memref<2x4x1x128xi32, #tpu.memory_space<vmem>> -> memref<1x4x1x128xi32, #tpu.memory_space<vmem>>
    %dma_wait3A_101 = tpu.memref_squeeze %dma_wait3A_100 : memref<1x4x1x128xi32, #tpu.memory_space<vmem>> -> memref<4x1x128xi32, #tpu.memory_space<vmem>>
    %dma_wait3A_102 = arith.constant 0 : i32
    %dma_wait3A_103 = arith.constant 0 : i32
    %dma_wait3A_104 = tpu.memref_slice %arg2[%add3A_94, %dma_wait3A_102, %dma_wait3A_103] : memref<12544x1x128xi32, #tpu.memory_space<hbm>> -> memref<4x1x128xi32, #tpu.memory_space<hbm>>
    %dma_wait3A_105 = arith.constant 0 : i32
    %dma_wait3A_106 = arith.constant 0 : i32
    %dma_wait3A_107 = arith.constant 0 : i32
    %dma_wait3A_108 = tpu.memref_slice %arg9[%dma_wait3A, %dma_wait3A_105, %dma_wait3A_106, %dma_wait3A_107] : memref<2x4x1x128xi32, #tpu.memory_space<vmem>> -> memref<1x4x1x128xi32, #tpu.memory_space<vmem>>
    %dma_wait3A_109 = tpu.memref_squeeze %dma_wait3A_108 : memref<1x4x1x128xi32, #tpu.memory_space<vmem>> -> memref<4x1x128xi32, #tpu.memory_space<vmem>>
    %dma_wait3A_110 = arith.constant 0 : i32
    %dma_wait3A_111 = arith.constant 0 : i32
    %dma_wait3A_112 = tpu.memref_slice %arg2[%add3A_94, %dma_wait3A_110, %dma_wait3A_111] : memref<12544x1x128xi32, #tpu.memory_space<hbm>> -> memref<4x1x128xi32, #tpu.memory_space<hbm>>
    tpu.wait_dma2 semaphore(%arg11 : memref<!tpu.dma_semaphore, #tpu.memory_space<semaphore_mem>>) src(%dma_wait3A_112 : memref<4x1x128xi32, #tpu.memory_space<hbm>>) dst(%dma_wait3A_109 : memref<4x1x128xi32, #tpu.memory_space<vmem>>)
    %eq3A_113 = arith.constant 0 : i32
    %eq3A_114 = arith.cmpi eq, %arg0, %eq3A_113 : i32
    %convert_element_type3A_115 = arith.extui %eq3A_114 : i1 to i32
    %cond3A_116 = arith.constant 0 : i32
    %cond3A_117 = arith.cmpi ne, %convert_element_type3A_115, %cond3A_116 : i32
    scf.if %cond3A_117 {
      %mul3A_655 = arith.constant 128 : i32
      %mul3A_656 = arith.muli %min3A_96, %mul3A_655 : i32
      %dma_wait3A_657 = arith.constant 0 : i32
      %dma_wait3A_658 = arith.constant 0 : i32
      %dma_wait3A_659 = arith.constant 0 : i32
      %dma_wait3A_660 = tpu.memref_slice %arg10[%dma_wait3A_657, %dma_wait3A_658, %dma_wait3A_659] : memref<2x512x16xf32, #tpu.memory_space<vmem>> -> memref<1x512x16xf32, #tpu.memory_space<vmem>>
      %dma_wait3A_661 = tpu.memref_squeeze %dma_wait3A_660 : memref<1x512x16xf32, #tpu.memory_space<vmem>> -> memref<512x16xf32, #tpu.memory_space<vmem>>
      %dma_wait3A_662 = arith.constant 0 : i32
      %dma_wait3A_663 = tpu.memref_slice %arg3[%mul3A_656, %dma_wait3A_662] : memref<1600000x16xf32, #tpu.memory_space<hbm>> -> memref<512x16xf32, #tpu.memory_space<hbm>>
      %dma_wait3A_664 = arith.constant 0 : i32
      %dma_wait3A_665 = arith.constant 0 : i32
      %dma_wait3A_666 = tpu.memref_slice %arg10[%dma_wait3A_657, %dma_wait3A_664, %dma_wait3A_665] : memref<2x512x16xf32, #tpu.memory_space<vmem>> -> memref<1x512x16xf32, #tpu.memory_space<vmem>>
      %dma_wait3A_667 = tpu.memref_squeeze %dma_wait3A_666 : memref<1x512x16xf32, #tpu.memory_space<vmem>> -> memref<512x16xf32, #tpu.memory_space<vmem>>
      %dma_wait3A_668 = arith.constant 0 : i32
      %dma_wait3A_669 = tpu.memref_slice %arg3[%mul3A_656, %dma_wait3A_668] : memref<1600000x16xf32, #tpu.memory_space<hbm>> -> memref<512x16xf32, #tpu.memory_space<hbm>>
      tpu.wait_dma2 semaphore(%arg13 : memref<!tpu.dma_semaphore, #tpu.memory_space<semaphore_mem>>) src(%dma_wait3A_669 : memref<512x16xf32, #tpu.memory_space<hbm>>) dst(%dma_wait3A_667 : memref<512x16xf32, #tpu.memory_space<vmem>>)
    } else {
    }
    %add3A_118 = arith.constant 780 : i32
    %add3A_119 = arith.addi %mul3A_63, %add3A_118 : i32
    %min3A_120 = arith.constant 12496 : i32
    %min3A_121 = arith.minsi %add3A_119, %min3A_120 : i32
    %dma_start3A_122 = arith.constant 1 : i32
    %dma_start3A_123 = arith.constant 0 : i32
    %dma_start3A_124 = arith.constant 0 : i32
    %dma_start3A_125 = arith.constant 0 : i32
    %dma_start3A_126 = tpu.memref_slice %arg9[%dma_start3A_122, %dma_start3A_123, %dma_start3A_124, %dma_start3A_125] : memref<2x4x1x128xi32, #tpu.memory_space<vmem>> -> memref<1x4x1x128xi32, #tpu.memory_space<vmem>>
    %dma_start3A_127 = tpu.memref_squeeze %dma_start3A_126 : memref<1x4x1x128xi32, #tpu.memory_space<vmem>> -> memref<4x1x128xi32, #tpu.memory_space<vmem>>
    %dma_start3A_128 = arith.constant 0 : i32
    %dma_start3A_129 = arith.constant 0 : i32
    %dma_start3A_130 = tpu.memref_slice %arg2[%add3A_119, %dma_start3A_128, %dma_start3A_129] : memref<12544x1x128xi32, #tpu.memory_space<hbm>> -> memref<4x1x128xi32, #tpu.memory_space<hbm>>
    %dma_start3A_131 = arith.constant 0 : i32
    %dma_start3A_132 = arith.constant 0 : i32
    %dma_start3A_133 = arith.constant 0 : i32
    %dma_start3A_134 = tpu.memref_slice %arg9[%dma_start3A_122, %dma_start3A_131, %dma_start3A_132, %dma_start3A_133] : memref<2x4x1x128xi32, #tpu.memory_space<vmem>> -> memref<1x4x1x128xi32, #tpu.memory_space<vmem>>
    %dma_start3A_135 = tpu.memref_squeeze %dma_start3A_134 : memref<1x4x1x128xi32, #tpu.memory_space<vmem>> -> memref<4x1x128xi32, #tpu.memory_space<vmem>>
    %dma_start3A_136 = arith.constant 0 : i32
    %dma_start3A_137 = arith.constant 0 : i32
    %dma_start3A_138 = tpu.memref_slice %arg2[%add3A_119, %dma_start3A_136, %dma_start3A_137] : memref<12544x1x128xi32, #tpu.memory_space<hbm>> -> memref<4x1x128xi32, #tpu.memory_space<hbm>>
    tpu.enqueue_dma source(%dma_start3A_138 : memref<4x1x128xi32, #tpu.memory_space<hbm>>) target(%dma_start3A_135 : memref<4x1x128xi32, #tpu.memory_space<vmem>>) target_semaphore(%arg12 : memref<!tpu.dma_semaphore, #tpu.memory_space<semaphore_mem>>)
    %eq3A_139 = arith.constant 0 : i32
    %eq3A_140 = arith.cmpi eq, %arg0, %eq3A_139 : i32
    %convert_element_type3A_141 = arith.extui %eq3A_140 : i1 to i32
    %cond3A_142 = arith.constant 0 : i32
    %cond3A_143 = arith.cmpi ne, %convert_element_type3A_141, %cond3A_142 : i32
    scf.if %cond3A_143 {
      %mul3A_655 = arith.constant 128 : i32
      %mul3A_656 = arith.muli %min3A_121, %mul3A_655 : i32
      %dma_start3A_657 = arith.constant 1 : i32
      %dma_start3A_658 = arith.constant 0 : i32
      %dma_start3A_659 = arith.constant 0 : i32
      %dma_start3A_660 = tpu.memref_slice %arg10[%dma_start3A_657, %dma_start3A_658, %dma_start3A_659] : memref<2x512x16xf32, #tpu.memory_space<vmem>> -> memref<1x512x16xf32, #tpu.memory_space<vmem>>
      %dma_start3A_661 = tpu.memref_squeeze %dma_start3A_660 : memref<1x512x16xf32, #tpu.memory_space<vmem>> -> memref<512x16xf32, #tpu.memory_space<vmem>>
      %dma_start3A_662 = arith.constant 0 : i32
      %dma_start3A_663 = tpu.memref_slice %arg3[%mul3A_656, %dma_start3A_662] : memref<1600000x16xf32, #tpu.memory_space<hbm>> -> memref<512x16xf32, #tpu.memory_space<hbm>>
      %dma_start3A_664 = arith.constant 0 : i32
      %dma_start3A_665 = arith.constant 0 : i32
      %dma_start3A_666 = tpu.memref_slice %arg10[%dma_start3A_657, %dma_start3A_664, %dma_start3A_665] : memref<2x512x16xf32, #tpu.memory_space<vmem>> -> memref<1x512x16xf32, #tpu.memory_space<vmem>>
      %dma_start3A_667 = tpu.memref_squeeze %dma_start3A_666 : memref<1x512x16xf32, #tpu.memory_space<vmem>> -> memref<512x16xf32, #tpu.memory_space<vmem>>
      %dma_start3A_668 = arith.constant 0 : i32
      %dma_start3A_669 = tpu.memref_slice %arg3[%mul3A_656, %dma_start3A_668] : memref<1600000x16xf32, #tpu.memory_space<hbm>> -> memref<512x16xf32, #tpu.memory_space<hbm>>
      tpu.enqueue_dma source(%dma_start3A_669 : memref<512x16xf32, #tpu.memory_space<hbm>>) target(%dma_start3A_667 : memref<512x16xf32, #tpu.memory_space<vmem>>) target_semaphore(%arg14 : memref<!tpu.dma_semaphore, #tpu.memory_space<semaphore_mem>>)
    } else {
    }
    %dma_start3A_144 = arith.constant 0 : i32
    %dma_start3A_145 = arith.constant 0 : i32
    %dma_start3A_146 = arith.constant 0 : i32
    %dma_start3A_147 = arith.constant 0 : i32
    %dma_start3A_148 = arith.constant 0 : i32
    %dma_start3A_149 = arith.constant 0 : i32
    %dma_start3A_150 = tpu.memref_slice %arg10[%dma_start3A_144, %dma_start3A_148, %dma_start3A_149] : memref<2x512x16xf32, #tpu.memory_space<vmem>> -> memref<1x128x16xf32, #tpu.memory_space<vmem>>
    %dma_start3A_151 = tpu.memref_squeeze %dma_start3A_150 : memref<1x128x16xf32, #tpu.memory_space<vmem>> -> memref<128x16xf32, #tpu.memory_space<vmem>>
    %dma_start3A_152 = arith.constant 0 : i32
    %dma_start3A_153 = tpu.memref_slice %arg9[%dma_start3A_145, %dma_start3A_146, %dma_start3A_147, %dma_start3A_152] : memref<2x4x1x128xi32, #tpu.memory_space<vmem>> -> memref<1x1x1x128xi32, #tpu.memory_space<vmem>>
    %dma_start3A_154 = tpu.memref_squeeze %dma_start3A_153 : memref<1x1x1x128xi32, #tpu.memory_space<vmem>> -> memref<128xi32, #tpu.memory_space<vmem>>
    %dma_start3A_155 = arith.constant 0 : i32
    %dma_start3A_156 = arith.constant 0 : i32
    %dma_start3A_157 = tpu.memref_slice %arg8[%dma_start3A_155, %dma_start3A_156] : memref<100008x16xf32, #tpu.memory_space<vmem_shared>> -> memref<100008x16xf32, #tpu.memory_space<vmem_shared>>
    tpu.enqueue_indirect_dma source(%dma_start3A_151 : memref<128x16xf32, #tpu.memory_space<vmem>>) target(%dma_start3A_157 : memref<100008x16xf32, #tpu.memory_space<vmem_shared>>) offsets(%dma_start3A_154 : memref<128xi32, #tpu.memory_space<vmem>>) semaphore(%arg15 : memref<!tpu.dma_semaphore, #tpu.memory_space<semaphore_mem>>) {add = true}
    %dma_start3A_158 = arith.constant 0 : i32
    %dma_start3A_159 = arith.constant 0 : i32
    %dma_start3A_160 = arith.constant 1 : i32
    %dma_start3A_161 = arith.constant 0 : i32
    %dma_start3A_162 = arith.constant 128 : i32
    %dma_start3A_163 = arith.constant 0 : i32
    %dma_start3A_164 = tpu.memref_slice %arg10[%dma_start3A_158, %dma_start3A_162, %dma_start3A_163] : memref<2x512x16xf32, #tpu.memory_space<vmem>> -> memref<1x128x16xf32, #tpu.memory_space<vmem>>
    %dma_start3A_165 = tpu.memref_squeeze %dma_start3A_164 : memref<1x128x16xf32, #tpu.memory_space<vmem>> -> memref<128x16xf32, #tpu.memory_space<vmem>>
    %dma_start3A_166 = arith.constant 0 : i32
    %dma_start3A_167 = tpu.memref_slice %arg9[%dma_start3A_159, %dma_start3A_160, %dma_start3A_161, %dma_start3A_166] : memref<2x4x1x128xi32, #tpu.memory_space<vmem>> -> memref<1x1x1x128xi32, #tpu.memory_space<vmem>>
    %dma_start3A_168 = tpu.memref_squeeze %dma_start3A_167 : memref<1x1x1x128xi32, #tpu.memory_space<vmem>> -> memref<128xi32, #tpu.memory_space<vmem>>
    %dma_start3A_169 = arith.constant 0 : i32
    %dma_start3A_170 = arith.constant 0 : i32
    %dma_start3A_171 = tpu.memref_slice %arg8[%dma_start3A_169, %dma_start3A_170] : memref<100008x16xf32, #tpu.memory_space<vmem_shared>> -> memref<100008x16xf32, #tpu.memory_space<vmem_shared>>
    tpu.enqueue_indirect_dma source(%dma_start3A_165 : memref<128x16xf32, #tpu.memory_space<vmem>>) target(%dma_start3A_171 : memref<100008x16xf32, #tpu.memory_space<vmem_shared>>) offsets(%dma_start3A_168 : memref<128xi32, #tpu.memory_space<vmem>>) semaphore(%arg15 : memref<!tpu.dma_semaphore, #tpu.memory_space<semaphore_mem>>) {add = true}
    %dma_start3A_172 = arith.constant 0 : i32
    %dma_start3A_173 = arith.constant 0 : i32
    %dma_start3A_174 = arith.constant 2 : i32
    %dma_start3A_175 = arith.constant 0 : i32
    %dma_start3A_176 = arith.constant 256 : i32
    %dma_start3A_177 = arith.constant 0 : i32
    %dma_start3A_178 = tpu.memref_slice %arg10[%dma_start3A_172, %dma_start3A_176, %dma_start3A_177] : memref<2x512x16xf32, #tpu.memory_space<vmem>> -> memref<1x128x16xf32, #tpu.memory_space<vmem>>
    %dma_start3A_179 = tpu.memref_squeeze %dma_start3A_178 : memref<1x128x16xf32, #tpu.memory_space<vmem>> -> memref<128x16xf32, #tpu.memory_space<vmem>>
    %dma_start3A_180 = arith.constant 0 : i32
    %dma_start3A_181 = tpu.memref_slice %arg9[%dma_start3A_173, %dma_start3A_174, %dma_start3A_175, %dma_start3A_180] : memref<2x4x1x128xi32, #tpu.memory_space<vmem>> -> memref<1x1x1x128xi32, #tpu.memory_space<vmem>>
    %dma_start3A_182 = tpu.memref_squeeze %dma_start3A_181 : memref<1x1x1x128xi32, #tpu.memory_space<vmem>> -> memref<128xi32, #tpu.memory_space<vmem>>
    %dma_start3A_183 = arith.constant 0 : i32
    %dma_start3A_184 = arith.constant 0 : i32
    %dma_start3A_185 = tpu.memref_slice %arg8[%dma_start3A_183, %dma_start3A_184] : memref<100008x16xf32, #tpu.memory_space<vmem_shared>> -> memref<100008x16xf32, #tpu.memory_space<vmem_shared>>
    tpu.enqueue_indirect_dma source(%dma_start3A_179 : memref<128x16xf32, #tpu.memory_space<vmem>>) target(%dma_start3A_185 : memref<100008x16xf32, #tpu.memory_space<vmem_shared>>) offsets(%dma_start3A_182 : memref<128xi32, #tpu.memory_space<vmem>>) semaphore(%arg15 : memref<!tpu.dma_semaphore, #tpu.memory_space<semaphore_mem>>) {add = true}
    %dma_start3A_186 = arith.constant 0 : i32
    %dma_start3A_187 = arith.constant 0 : i32
    %dma_start3A_188 = arith.constant 3 : i32
    %dma_start3A_189 = arith.constant 0 : i32
    %dma_start3A_190 = arith.constant 384 : i32
    %dma_start3A_191 = arith.constant 0 : i32
    %dma_start3A_192 = tpu.memref_slice %arg10[%dma_start3A_186, %dma_start3A_190, %dma_start3A_191] : memref<2x512x16xf32, #tpu.memory_space<vmem>> -> memref<1x128x16xf32, #tpu.memory_space<vmem>>
    %dma_start3A_193 = tpu.memref_squeeze %dma_start3A_192 : memref<1x128x16xf32, #tpu.memory_space<vmem>> -> memref<128x16xf32, #tpu.memory_space<vmem>>
    %dma_start3A_194 = arith.constant 0 : i32
    %dma_start3A_195 = tpu.memref_slice %arg9[%dma_start3A_187, %dma_start3A_188, %dma_start3A_189, %dma_start3A_194] : memref<2x4x1x128xi32, #tpu.memory_space<vmem>> -> memref<1x1x1x128xi32, #tpu.memory_space<vmem>>
    %dma_start3A_196 = tpu.memref_squeeze %dma_start3A_195 : memref<1x1x1x128xi32, #tpu.memory_space<vmem>> -> memref<128xi32, #tpu.memory_space<vmem>>
    %dma_start3A_197 = arith.constant 0 : i32
    %dma_start3A_198 = arith.constant 0 : i32
    %dma_start3A_199 = tpu.memref_slice %arg8[%dma_start3A_197, %dma_start3A_198] : memref<100008x16xf32, #tpu.memory_space<vmem_shared>> -> memref<100008x16xf32, #tpu.memory_space<vmem_shared>>
    tpu.enqueue_indirect_dma source(%dma_start3A_193 : memref<128x16xf32, #tpu.memory_space<vmem>>) target(%dma_start3A_199 : memref<100008x16xf32, #tpu.memory_space<vmem_shared>>) offsets(%dma_start3A_196 : memref<128xi32, #tpu.memory_space<vmem>>) semaphore(%arg15 : memref<!tpu.dma_semaphore, #tpu.memory_space<semaphore_mem>>) {add = true}
    %dma_wait3A_200 = arith.constant 0 : i32
    %dma_wait3A_201 = arith.constant 0 : i32
    %dma_wait3A_202 = arith.constant 0 : i32
    %dma_wait3A_203 = arith.constant 0 : i32
    %dma_wait3A_204 = arith.constant 0 : i32
    %dma_wait3A_205 = arith.constant 0 : i32
    %dma_wait3A_206 = tpu.memref_slice %arg10[%dma_wait3A_200, %dma_wait3A_204, %dma_wait3A_205] : memref<2x512x16xf32, #tpu.memory_space<vmem>> -> memref<1x128x16xf32, #tpu.memory_space<vmem>>
    %dma_wait3A_207 = tpu.memref_squeeze %dma_wait3A_206 : memref<1x128x16xf32, #tpu.memory_space<vmem>> -> memref<128x16xf32, #tpu.memory_space<vmem>>
    %dma_wait3A_208 = arith.constant 0 : i32
    %dma_wait3A_209 = tpu.memref_slice %arg9[%dma_wait3A_201, %dma_wait3A_202, %dma_wait3A_203, %dma_wait3A_208] : memref<2x4x1x128xi32, #tpu.memory_space<vmem>> -> memref<1x1x1x128xi32, #tpu.memory_space<vmem>>
    %dma_wait3A_210 = tpu.memref_squeeze %dma_wait3A_209 : memref<1x1x1x128xi32, #tpu.memory_space<vmem>> -> memref<128xi32, #tpu.memory_space<vmem>>
    %dma_wait3A_211 = arith.constant 0 : i32
    %dma_wait3A_212 = arith.constant 0 : i32
    %dma_wait3A_213 = tpu.memref_slice %arg8[%dma_wait3A_211, %dma_wait3A_212] : memref<100008x16xf32, #tpu.memory_space<vmem_shared>> -> memref<100008x16xf32, #tpu.memory_space<vmem_shared>>
    tpu.wait_indirect_dma semaphore(%arg15 : memref<!tpu.dma_semaphore, #tpu.memory_space<semaphore_mem>>) src(%dma_wait3A_207 : memref<128x16xf32, #tpu.memory_space<vmem>>) dst(%dma_wait3A_213 : memref<100008x16xf32, #tpu.memory_space<vmem_shared>>)
    %dma_wait3A_214 = arith.constant 0 : i32
    %dma_wait3A_215 = arith.constant 0 : i32
    %dma_wait3A_216 = arith.constant 1 : i32
    %dma_wait3A_217 = arith.constant 0 : i32
    %dma_wait3A_218 = arith.constant 128 : i32
    %dma_wait3A_219 = arith.constant 0 : i32
    %dma_wait3A_220 = tpu.memref_slice %arg10[%dma_wait3A_214, %dma_wait3A_218, %dma_wait3A_219] : memref<2x512x16xf32, #tpu.memory_space<vmem>> -> memref<1x128x16xf32, #tpu.memory_space<vmem>>
    %dma_wait3A_221 = tpu.memref_squeeze %dma_wait3A_220 : memref<1x128x16xf32, #tpu.memory_space<vmem>> -> memref<128x16xf32, #tpu.memory_space<vmem>>
    %dma_wait3A_222 = arith.constant 0 : i32
    %dma_wait3A_223 = tpu.memref_slice %arg9[%dma_wait3A_215, %dma_wait3A_216, %dma_wait3A_217, %dma_wait3A_222] : memref<2x4x1x128xi32, #tpu.memory_space<vmem>> -> memref<1x1x1x128xi32, #tpu.memory_space<vmem>>
    %dma_wait3A_224 = tpu.memref_squeeze %dma_wait3A_223 : memref<1x1x1x128xi32, #tpu.memory_space<vmem>> -> memref<128xi32, #tpu.memory_space<vmem>>
    %dma_wait3A_225 = arith.constant 0 : i32
    %dma_wait3A_226 = arith.constant 0 : i32
    %dma_wait3A_227 = tpu.memref_slice %arg8[%dma_wait3A_225, %dma_wait3A_226] : memref<100008x16xf32, #tpu.memory_space<vmem_shared>> -> memref<100008x16xf32, #tpu.memory_space<vmem_shared>>
    tpu.wait_indirect_dma semaphore(%arg15 : memref<!tpu.dma_semaphore, #tpu.memory_space<semaphore_mem>>) src(%dma_wait3A_221 : memref<128x16xf32, #tpu.memory_space<vmem>>) dst(%dma_wait3A_227 : memref<100008x16xf32, #tpu.memory_space<vmem_shared>>)
    %dma_wait3A_228 = arith.constant 0 : i32
    %dma_wait3A_229 = arith.constant 0 : i32
    %dma_wait3A_230 = arith.constant 2 : i32
    %dma_wait3A_231 = arith.constant 0 : i32
    %dma_wait3A_232 = arith.constant 256 : i32
    %dma_wait3A_233 = arith.constant 0 : i32
    %dma_wait3A_234 = tpu.memref_slice %arg10[%dma_wait3A_228, %dma_wait3A_232, %dma_wait3A_233] : memref<2x512x16xf32, #tpu.memory_space<vmem>> -> memref<1x128x16xf32, #tpu.memory_space<vmem>>
    %dma_wait3A_235 = tpu.memref_squeeze %dma_wait3A_234 : memref<1x128x16xf32, #tpu.memory_space<vmem>> -> memref<128x16xf32, #tpu.memory_space<vmem>>
    %dma_wait3A_236 = arith.constant 0 : i32
    %dma_wait3A_237 = tpu.memref_slice %arg9[%dma_wait3A_229, %dma_wait3A_230, %dma_wait3A_231, %dma_wait3A_236] : memref<2x4x1x128xi32, #tpu.memory_space<vmem>> -> memref<1x1x1x128xi32, #tpu.memory_space<vmem>>
    %dma_wait3A_238 = tpu.memref_squeeze %dma_wait3A_237 : memref<1x1x1x128xi32, #tpu.memory_space<vmem>> -> memref<128xi32, #tpu.memory_space<vmem>>
    %dma_wait3A_239 = arith.constant 0 : i32
    %dma_wait3A_240 = arith.constant 0 : i32
    %dma_wait3A_241 = tpu.memref_slice %arg8[%dma_wait3A_239, %dma_wait3A_240] : memref<100008x16xf32, #tpu.memory_space<vmem_shared>> -> memref<100008x16xf32, #tpu.memory_space<vmem_shared>>
    tpu.wait_indirect_dma semaphore(%arg15 : memref<!tpu.dma_semaphore, #tpu.memory_space<semaphore_mem>>) src(%dma_wait3A_235 : memref<128x16xf32, #tpu.memory_space<vmem>>) dst(%dma_wait3A_241 : memref<100008x16xf32, #tpu.memory_space<vmem_shared>>)
    %dma_wait3A_242 = arith.constant 0 : i32
    %dma_wait3A_243 = arith.constant 0 : i32
    %dma_wait3A_244 = arith.constant 3 : i32
    %dma_wait3A_245 = arith.constant 0 : i32
    %dma_wait3A_246 = arith.constant 384 : i32
    %dma_wait3A_247 = arith.constant 0 : i32
    %dma_wait3A_248 = tpu.memref_slice %arg10[%dma_wait3A_242, %dma_wait3A_246, %dma_wait3A_247] : memref<2x512x16xf32, #tpu.memory_space<vmem>> -> memref<1x128x16xf32, #tpu.memory_space<vmem>>
    %dma_wait3A_249 = tpu.memref_squeeze %dma_wait3A_248 : memref<1x128x16xf32, #tpu.memory_space<vmem>> -> memref<128x16xf32, #tpu.memory_space<vmem>>
    %dma_wait3A_250 = arith.constant 0 : i32
    %dma_wait3A_251 = tpu.memref_slice %arg9[%dma_wait3A_243, %dma_wait3A_244, %dma_wait3A_245, %dma_wait3A_250] : memref<2x4x1x128xi32, #tpu.memory_space<vmem>> -> memref<1x1x1x128xi32, #tpu.memory_space<vmem>>
    %dma_wait3A_252 = tpu.memref_squeeze %dma_wait3A_251 : memref<1x1x1x128xi32, #tpu.memory_space<vmem>> -> memref<128xi32, #tpu.memory_space<vmem>>
    %dma_wait3A_253 = arith.constant 0 : i32
    %dma_wait3A_254 = arith.constant 0 : i32
    %dma_wait3A_255 = tpu.memref_slice %arg8[%dma_wait3A_253, %dma_wait3A_254] : memref<100008x16xf32, #tpu.memory_space<vmem_shared>> -> memref<100008x16xf32, #tpu.memory_space<vmem_shared>>
    tpu.wait_indirect_dma semaphore(%arg15 : memref<!tpu.dma_semaphore, #tpu.memory_space<semaphore_mem>>) src(%dma_wait3A_249 : memref<128x16xf32, #tpu.memory_space<vmem>>) dst(%dma_wait3A_255 : memref<100008x16xf32, #tpu.memory_space<vmem_shared>>)
    %add3A_256 = arith.constant 780 : i32
    %add3A_257 = arith.addi %mul3A_63, %add3A_256 : i32
    %min3A_258 = arith.constant 12496 : i32
    %min3A_259 = arith.minsi %add3A_257, %min3A_258 : i32
    %dma_wait3A_260 = arith.constant 1 : i32
    %dma_wait3A_261 = arith.constant 0 : i32
    %dma_wait3A_262 = arith.constant 0 : i32
    %dma_wait3A_263 = arith.constant 0 : i32
    %dma_wait3A_264 = tpu.memref_slice %arg9[%dma_wait3A_260, %dma_wait3A_261, %dma_wait3A_262, %dma_wait3A_263] : memref<2x4x1x128xi32, #tpu.memory_space<vmem>> -> memref<1x4x1x128xi32, #tpu.memory_space<vmem>>
    %dma_wait3A_265 = tpu.memref_squeeze %dma_wait3A_264 : memref<1x4x1x128xi32, #tpu.memory_space<vmem>> -> memref<4x1x128xi32, #tpu.memory_space<vmem>>
    %dma_wait3A_266 = arith.constant 0 : i32
    %dma_wait3A_267 = arith.constant 0 : i32
    %dma_wait3A_268 = tpu.memref_slice %arg2[%add3A_257, %dma_wait3A_266, %dma_wait3A_267] : memref<12544x1x128xi32, #tpu.memory_space<hbm>> -> memref<4x1x128xi32, #tpu.memory_space<hbm>>
    %dma_wait3A_269 = arith.constant 0 : i32
    %dma_wait3A_270 = arith.constant 0 : i32
    %dma_wait3A_271 = arith.constant 0 : i32
    %dma_wait3A_272 = tpu.memref_slice %arg9[%dma_wait3A_260, %dma_wait3A_269, %dma_wait3A_270, %dma_wait3A_271] : memref<2x4x1x128xi32, #tpu.memory_space<vmem>> -> memref<1x4x1x128xi32, #tpu.memory_space<vmem>>
    %dma_wait3A_273 = tpu.memref_squeeze %dma_wait3A_272 : memref<1x4x1x128xi32, #tpu.memory_space<vmem>> -> memref<4x1x128xi32, #tpu.memory_space<vmem>>
    %dma_wait3A_274 = arith.constant 0 : i32
    %dma_wait3A_275 = arith.constant 0 : i32
    %dma_wait3A_276 = tpu.memref_slice %arg2[%add3A_257, %dma_wait3A_274, %dma_wait3A_275] : memref<12544x1x128xi32, #tpu.memory_space<hbm>> -> memref<4x1x128xi32, #tpu.memory_space<hbm>>
    tpu.wait_dma2 semaphore(%arg12 : memref<!tpu.dma_semaphore, #tpu.memory_space<semaphore_mem>>) src(%dma_wait3A_276 : memref<4x1x128xi32, #tpu.memory_space<hbm>>) dst(%dma_wait3A_273 : memref<4x1x128xi32, #tpu.memory_space<vmem>>)
    %eq3A_277 = arith.constant 0 : i32
    %eq3A_278 = arith.cmpi eq, %arg0, %eq3A_277 : i32
    %convert_element_type3A_279 = arith.extui %eq3A_278 : i1 to i32
    %cond3A_280 = arith.constant 0 : i32
    %cond3A_281 = arith.cmpi ne, %convert_element_type3A_279, %cond3A_280 : i32
    scf.if %cond3A_281 {
      %mul3A_655 = arith.constant 128 : i32
      %mul3A_656 = arith.muli %min3A_259, %mul3A_655 : i32
      %dma_wait3A_657 = arith.constant 1 : i32
      %dma_wait3A_658 = arith.constant 0 : i32
      %dma_wait3A_659 = arith.constant 0 : i32
      %dma_wait3A_660 = tpu.memref_slice %arg10[%dma_wait3A_657, %dma_wait3A_658, %dma_wait3A_659] : memref<2x512x16xf32, #tpu.memory_space<vmem>> -> memref<1x512x16xf32, #tpu.memory_space<vmem>>
      %dma_wait3A_661 = tpu.memref_squeeze %dma_wait3A_660 : memref<1x512x16xf32, #tpu.memory_space<vmem>> -> memref<512x16xf32, #tpu.memory_space<vmem>>
      %dma_wait3A_662 = arith.constant 0 : i32
      %dma_wait3A_663 = tpu.memref_slice %arg3[%mul3A_656, %dma_wait3A_662] : memref<1600000x16xf32, #tpu.memory_space<hbm>> -> memref<512x16xf32, #tpu.memory_space<hbm>>
      %dma_wait3A_664 = arith.constant 0 : i32
      %dma_wait3A_665 = arith.constant 0 : i32
      %dma_wait3A_666 = tpu.memref_slice %arg10[%dma_wait3A_657, %dma_wait3A_664, %dma_wait3A_665] : memref<2x512x16xf32, #tpu.memory_space<vmem>> -> memref<1x512x16xf32, #tpu.memory_space<vmem>>
      %dma_wait3A_667 = tpu.memref_squeeze %dma_wait3A_666 : memref<1x512x16xf32, #tpu.memory_space<vmem>> -> memref<512x16xf32, #tpu.memory_space<vmem>>
      %dma_wait3A_668 = arith.constant 0 : i32
      %dma_wait3A_669 = tpu.memref_slice %arg3[%mul3A_656, %dma_wait3A_668] : memref<1600000x16xf32, #tpu.memory_space<hbm>> -> memref<512x16xf32, #tpu.memory_space<hbm>>
      tpu.wait_dma2 semaphore(%arg14 : memref<!tpu.dma_semaphore, #tpu.memory_space<semaphore_mem>>) src(%dma_wait3A_669 : memref<512x16xf32, #tpu.memory_space<hbm>>) dst(%dma_wait3A_667 : memref<512x16xf32, #tpu.memory_space<vmem>>)
    } else {
    }
    %dma_start3A_282 = arith.constant 1 : i32
    %dma_start3A_283 = arith.constant 1 : i32
    %dma_start3A_284 = arith.constant 0 : i32
    %dma_start3A_285 = arith.constant 0 : i32
    %dma_start3A_286 = arith.constant 0 : i32
    %dma_start3A_287 = arith.constant 0 : i32
    %dma_start3A_288 = tpu.memref_slice %arg10[%dma_start3A_282, %dma_start3A_286, %dma_start3A_287] : memref<2x512x16xf32, #tpu.memory_space<vmem>> -> memref<1x128x16xf32, #tpu.memory_space<vmem>>
    %dma_start3A_289 = tpu.memref_squeeze %dma_start3A_288 : memref<1x128x16xf32, #tpu.memory_space<vmem>> -> memref<128x16xf32, #tpu.memory_space<vmem>>
    %dma_start3A_290 = arith.constant 0 : i32
    %dma_start3A_291 = tpu.memref_slice %arg9[%dma_start3A_283, %dma_start3A_284, %dma_start3A_285, %dma_start3A_290] : memref<2x4x1x128xi32, #tpu.memory_space<vmem>> -> memref<1x1x1x128xi32, #tpu.memory_space<vmem>>
    %dma_start3A_292 = tpu.memref_squeeze %dma_start3A_291 : memref<1x1x1x128xi32, #tpu.memory_space<vmem>> -> memref<128xi32, #tpu.memory_space<vmem>>
    %dma_start3A_293 = arith.constant 0 : i32
    %dma_start3A_294 = arith.constant 0 : i32
    %dma_start3A_295 = tpu.memref_slice %arg8[%dma_start3A_293, %dma_start3A_294] : memref<100008x16xf32, #tpu.memory_space<vmem_shared>> -> memref<100008x16xf32, #tpu.memory_space<vmem_shared>>
    tpu.enqueue_indirect_dma source(%dma_start3A_289 : memref<128x16xf32, #tpu.memory_space<vmem>>) target(%dma_start3A_295 : memref<100008x16xf32, #tpu.memory_space<vmem_shared>>) offsets(%dma_start3A_292 : memref<128xi32, #tpu.memory_space<vmem>>) semaphore(%arg15 : memref<!tpu.dma_semaphore, #tpu.memory_space<semaphore_mem>>) {add = true}
    %dma_start3A_296 = arith.constant 1 : i32
    %dma_start3A_297 = arith.constant 1 : i32
    %dma_start3A_298 = arith.constant 1 : i32
    %dma_start3A_299 = arith.constant 0 : i32
    %dma_start3A_300 = arith.constant 128 : i32
    %dma_start3A_301 = arith.constant 0 : i32
    %dma_start3A_302 = tpu.memref_slice %arg10[%dma_start3A_296, %dma_start3A_300, %dma_start3A_301] : memref<2x512x16xf32, #tpu.memory_space<vmem>> -> memref<1x128x16xf32, #tpu.memory_space<vmem>>
    %dma_start3A_303 = tpu.memref_squeeze %dma_start3A_302 : memref<1x128x16xf32, #tpu.memory_space<vmem>> -> memref<128x16xf32, #tpu.memory_space<vmem>>
    %dma_start3A_304 = arith.constant 0 : i32
    %dma_start3A_305 = tpu.memref_slice %arg9[%dma_start3A_297, %dma_start3A_298, %dma_start3A_299, %dma_start3A_304] : memref<2x4x1x128xi32, #tpu.memory_space<vmem>> -> memref<1x1x1x128xi32, #tpu.memory_space<vmem>>
    %dma_start3A_306 = tpu.memref_squeeze %dma_start3A_305 : memref<1x1x1x128xi32, #tpu.memory_space<vmem>> -> memref<128xi32, #tpu.memory_space<vmem>>
    %dma_start3A_307 = arith.constant 0 : i32
    %dma_start3A_308 = arith.constant 0 : i32
    %dma_start3A_309 = tpu.memref_slice %arg8[%dma_start3A_307, %dma_start3A_308] : memref<100008x16xf32, #tpu.memory_space<vmem_shared>> -> memref<100008x16xf32, #tpu.memory_space<vmem_shared>>
    tpu.enqueue_indirect_dma source(%dma_start3A_303 : memref<128x16xf32, #tpu.memory_space<vmem>>) target(%dma_start3A_309 : memref<100008x16xf32, #tpu.memory_space<vmem_shared>>) offsets(%dma_start3A_306 : memref<128xi32, #tpu.memory_space<vmem>>) semaphore(%arg15 : memref<!tpu.dma_semaphore, #tpu.memory_space<semaphore_mem>>) {add = true}
    %dma_start3A_310 = arith.constant 1 : i32
    %dma_start3A_311 = arith.constant 1 : i32
    %dma_start3A_312 = arith.constant 2 : i32
    %dma_start3A_313 = arith.constant 0 : i32
    %dma_start3A_314 = arith.constant 256 : i32
    %dma_start3A_315 = arith.constant 0 : i32
    %dma_start3A_316 = tpu.memref_slice %arg10[%dma_start3A_310, %dma_start3A_314, %dma_start3A_315] : memref<2x512x16xf32, #tpu.memory_space<vmem>> -> memref<1x128x16xf32, #tpu.memory_space<vmem>>
    %dma_start3A_317 = tpu.memref_squeeze %dma_start3A_316 : memref<1x128x16xf32, #tpu.memory_space<vmem>> -> memref<128x16xf32, #tpu.memory_space<vmem>>
    %dma_start3A_318 = arith.constant 0 : i32
    %dma_start3A_319 = tpu.memref_slice %arg9[%dma_start3A_311, %dma_start3A_312, %dma_start3A_313, %dma_start3A_318] : memref<2x4x1x128xi32, #tpu.memory_space<vmem>> -> memref<1x1x1x128xi32, #tpu.memory_space<vmem>>
    %dma_start3A_320 = tpu.memref_squeeze %dma_start3A_319 : memref<1x1x1x128xi32, #tpu.memory_space<vmem>> -> memref<128xi32, #tpu.memory_space<vmem>>
    %dma_start3A_321 = arith.constant 0 : i32
    %dma_start3A_322 = arith.constant 0 : i32
    %dma_start3A_323 = tpu.memref_slice %arg8[%dma_start3A_321, %dma_start3A_322] : memref<100008x16xf32, #tpu.memory_space<vmem_shared>> -> memref<100008x16xf32, #tpu.memory_space<vmem_shared>>
    tpu.enqueue_indirect_dma source(%dma_start3A_317 : memref<128x16xf32, #tpu.memory_space<vmem>>) target(%dma_start3A_323 : memref<100008x16xf32, #tpu.memory_space<vmem_shared>>) offsets(%dma_start3A_320 : memref<128xi32, #tpu.memory_space<vmem>>) semaphore(%arg15 : memref<!tpu.dma_semaphore, #tpu.memory_space<semaphore_mem>>) {add = true}
    %dma_start3A_324 = arith.constant 1 : i32
    %dma_start3A_325 = arith.constant 1 : i32
    %dma_start3A_326 = arith.constant 3 : i32
    %dma_start3A_327 = arith.constant 0 : i32
    %dma_start3A_328 = arith.constant 384 : i32
    %dma_start3A_329 = arith.constant 0 : i32
    %dma_start3A_330 = tpu.memref_slice %arg10[%dma_start3A_324, %dma_start3A_328, %dma_start3A_329] : memref<2x512x16xf32, #tpu.memory_space<vmem>> -> memref<1x128x16xf32, #tpu.memory_space<vmem>>
    %dma_start3A_331 = tpu.memref_squeeze %dma_start3A_330 : memref<1x128x16xf32, #tpu.memory_space<vmem>> -> memref<128x16xf32, #tpu.memory_space<vmem>>
    %dma_start3A_332 = arith.constant 0 : i32
    %dma_start3A_333 = tpu.memref_slice %arg9[%dma_start3A_325, %dma_start3A_326, %dma_start3A_327, %dma_start3A_332] : memref<2x4x1x128xi32, #tpu.memory_space<vmem>> -> memref<1x1x1x128xi32, #tpu.memory_space<vmem>>
    %dma_start3A_334 = tpu.memref_squeeze %dma_start3A_333 : memref<1x1x1x128xi32, #tpu.memory_space<vmem>> -> memref<128xi32, #tpu.memory_space<vmem>>
    %dma_start3A_335 = arith.constant 0 : i32
    %dma_start3A_336 = arith.constant 0 : i32
    %dma_start3A_337 = tpu.memref_slice %arg8[%dma_start3A_335, %dma_start3A_336] : memref<100008x16xf32, #tpu.memory_space<vmem_shared>> -> memref<100008x16xf32, #tpu.memory_space<vmem_shared>>
    tpu.enqueue_indirect_dma source(%dma_start3A_331 : memref<128x16xf32, #tpu.memory_space<vmem>>) target(%dma_start3A_337 : memref<100008x16xf32, #tpu.memory_space<vmem_shared>>) offsets(%dma_start3A_334 : memref<128xi32, #tpu.memory_space<vmem>>) semaphore(%arg15 : memref<!tpu.dma_semaphore, #tpu.memory_space<semaphore_mem>>) {add = true}
    %dma_wait3A_338 = arith.constant 1 : i32
    %dma_wait3A_339 = arith.constant 1 : i32
    %dma_wait3A_340 = arith.constant 0 : i32
    %dma_wait3A_341 = arith.constant 0 : i32
    %dma_wait3A_342 = arith.constant 0 : i32
    %dma_wait3A_343 = arith.constant 0 : i32
    %dma_wait3A_344 = tpu.memref_slice %arg10[%dma_wait3A_338, %dma_wait3A_342, %dma_wait3A_343] : memref<2x512x16xf32, #tpu.memory_space<vmem>> -> memref<1x128x16xf32, #tpu.memory_space<vmem>>
    %dma_wait3A_345 = tpu.memref_squeeze %dma_wait3A_344 : memref<1x128x16xf32, #tpu.memory_space<vmem>> -> memref<128x16xf32, #tpu.memory_space<vmem>>
    %dma_wait3A_346 = arith.constant 0 : i32
    %dma_wait3A_347 = tpu.memref_slice %arg9[%dma_wait3A_339, %dma_wait3A_340, %dma_wait3A_341, %dma_wait3A_346] : memref<2x4x1x128xi32, #tpu.memory_space<vmem>> -> memref<1x1x1x128xi32, #tpu.memory_space<vmem>>
    %dma_wait3A_348 = tpu.memref_squeeze %dma_wait3A_347 : memref<1x1x1x128xi32, #tpu.memory_space<vmem>> -> memref<128xi32, #tpu.memory_space<vmem>>
    %dma_wait3A_349 = arith.constant 0 : i32
    %dma_wait3A_350 = arith.constant 0 : i32
    %dma_wait3A_351 = tpu.memref_slice %arg8[%dma_wait3A_349, %dma_wait3A_350] : memref<100008x16xf32, #tpu.memory_space<vmem_shared>> -> memref<100008x16xf32, #tpu.memory_space<vmem_shared>>
    tpu.wait_indirect_dma semaphore(%arg15 : memref<!tpu.dma_semaphore, #tpu.memory_space<semaphore_mem>>) src(%dma_wait3A_345 : memref<128x16xf32, #tpu.memory_space<vmem>>) dst(%dma_wait3A_351 : memref<100008x16xf32, #tpu.memory_space<vmem_shared>>)
    %dma_wait3A_352 = arith.constant 1 : i32
    %dma_wait3A_353 = arith.constant 1 : i32
    %dma_wait3A_354 = arith.constant 1 : i32
    %dma_wait3A_355 = arith.constant 0 : i32
    %dma_wait3A_356 = arith.constant 128 : i32
    %dma_wait3A_357 = arith.constant 0 : i32
    %dma_wait3A_358 = tpu.memref_slice %arg10[%dma_wait3A_352, %dma_wait3A_356, %dma_wait3A_357] : memref<2x512x16xf32, #tpu.memory_space<vmem>> -> memref<1x128x16xf32, #tpu.memory_space<vmem>>
    %dma_wait3A_359 = tpu.memref_squeeze %dma_wait3A_358 : memref<1x128x16xf32, #tpu.memory_space<vmem>> -> memref<128x16xf32, #tpu.memory_space<vmem>>
    %dma_wait3A_360 = arith.constant 0 : i32
    %dma_wait3A_361 = tpu.memref_slice %arg9[%dma_wait3A_353, %dma_wait3A_354, %dma_wait3A_355, %dma_wait3A_360] : memref<2x4x1x128xi32, #tpu.memory_space<vmem>> -> memref<1x1x1x128xi32, #tpu.memory_space<vmem>>
    %dma_wait3A_362 = tpu.memref_squeeze %dma_wait3A_361 : memref<1x1x1x128xi32, #tpu.memory_space<vmem>> -> memref<128xi32, #tpu.memory_space<vmem>>
    %dma_wait3A_363 = arith.constant 0 : i32
    %dma_wait3A_364 = arith.constant 0 : i32
    %dma_wait3A_365 = tpu.memref_slice %arg8[%dma_wait3A_363, %dma_wait3A_364] : memref<100008x16xf32, #tpu.memory_space<vmem_shared>> -> memref<100008x16xf32, #tpu.memory_space<vmem_shared>>
    tpu.wait_indirect_dma semaphore(%arg15 : memref<!tpu.dma_semaphore, #tpu.memory_space<semaphore_mem>>) src(%dma_wait3A_359 : memref<128x16xf32, #tpu.memory_space<vmem>>) dst(%dma_wait3A_365 : memref<100008x16xf32, #tpu.memory_space<vmem_shared>>)
    %dma_wait3A_366 = arith.constant 1 : i32
    %dma_wait3A_367 = arith.constant 1 : i32
    %dma_wait3A_368 = arith.constant 2 : i32
    %dma_wait3A_369 = arith.constant 0 : i32
    %dma_wait3A_370 = arith.constant 256 : i32
    %dma_wait3A_371 = arith.constant 0 : i32
    %dma_wait3A_372 = tpu.memref_slice %arg10[%dma_wait3A_366, %dma_wait3A_370, %dma_wait3A_371] : memref<2x512x16xf32, #tpu.memory_space<vmem>> -> memref<1x128x16xf32, #tpu.memory_space<vmem>>
    %dma_wait3A_373 = tpu.memref_squeeze %dma_wait3A_372 : memref<1x128x16xf32, #tpu.memory_space<vmem>> -> memref<128x16xf32, #tpu.memory_space<vmem>>
    %dma_wait3A_374 = arith.constant 0 : i32
    %dma_wait3A_375 = tpu.memref_slice %arg9[%dma_wait3A_367, %dma_wait3A_368, %dma_wait3A_369, %dma_wait3A_374] : memref<2x4x1x128xi32, #tpu.memory_space<vmem>> -> memref<1x1x1x128xi32, #tpu.memory_space<vmem>>
    %dma_wait3A_376 = tpu.memref_squeeze %dma_wait3A_375 : memref<1x1x1x128xi32, #tpu.memory_space<vmem>> -> memref<128xi32, #tpu.memory_space<vmem>>
    %dma_wait3A_377 = arith.constant 0 : i32
    %dma_wait3A_378 = arith.constant 0 : i32
    %dma_wait3A_379 = tpu.memref_slice %arg8[%dma_wait3A_377, %dma_wait3A_378] : memref<100008x16xf32, #tpu.memory_space<vmem_shared>> -> memref<100008x16xf32, #tpu.memory_space<vmem_shared>>
    tpu.wait_indirect_dma semaphore(%arg15 : memref<!tpu.dma_semaphore, #tpu.memory_space<semaphore_mem>>) src(%dma_wait3A_373 : memref<128x16xf32, #tpu.memory_space<vmem>>) dst(%dma_wait3A_379 : memref<100008x16xf32, #tpu.memory_space<vmem_shared>>)
    %dma_wait3A_380 = arith.constant 1 : i32
    %dma_wait3A_381 = arith.constant 1 : i32
    %dma_wait3A_382 = arith.constant 3 : i32
    %dma_wait3A_383 = arith.constant 0 : i32
    %dma_wait3A_384 = arith.constant 384 : i32
    %dma_wait3A_385 = arith.constant 0 : i32
    %dma_wait3A_386 = tpu.memref_slice %arg10[%dma_wait3A_380, %dma_wait3A_384, %dma_wait3A_385] : memref<2x512x16xf32, #tpu.memory_space<vmem>> -> memref<1x128x16xf32, #tpu.memory_space<vmem>>
    %dma_wait3A_387 = tpu.memref_squeeze %dma_wait3A_386 : memref<1x128x16xf32, #tpu.memory_space<vmem>> -> memref<128x16xf32, #tpu.memory_space<vmem>>
    %dma_wait3A_388 = arith.constant 0 : i32
    %dma_wait3A_389 = tpu.memref_slice %arg9[%dma_wait3A_381, %dma_wait3A_382, %dma_wait3A_383, %dma_wait3A_388] : memref<2x4x1x128xi32, #tpu.memory_space<vmem>> -> memref<1x1x1x128xi32, #tpu.memory_space<vmem>>
    %dma_wait3A_390 = tpu.memref_squeeze %dma_wait3A_389 : memref<1x1x1x128xi32, #tpu.memory_space<vmem>> -> memref<128xi32, #tpu.memory_space<vmem>>
    %dma_wait3A_391 = arith.constant 0 : i32
    %dma_wait3A_392 = arith.constant 0 : i32
    %dma_wait3A_393 = tpu.memref_slice %arg8[%dma_wait3A_391, %dma_wait3A_392] : memref<100008x16xf32, #tpu.memory_space<vmem_shared>> -> memref<100008x16xf32, #tpu.memory_space<vmem_shared>>
    tpu.wait_indirect_dma semaphore(%arg15 : memref<!tpu.dma_semaphore, #tpu.memory_space<semaphore_mem>>) src(%dma_wait3A_387 : memref<128x16xf32, #tpu.memory_space<vmem>>) dst(%dma_wait3A_393 : memref<100008x16xf32, #tpu.memory_space<vmem_shared>>)
    %barrier3A_394 = arith.constant 0 : index
    tpu.barrier barrier_id(%barrier3A_394)
    %add3A_395 = arith.constant 0 : i32
    %add3A_396 = arith.addi %mul3A_0, %add3A_395 : i32
    %run_scoped3A_397 = arith.constant 0 : i32
    "tpu.region"() ({
      %run_scoped3A_655 = tpu.sem_alloc : memref<!tpu.dma_semaphore, #tpu.memory_space<semaphore_mem>>
      %dma_start3A_656 = arith.constant 0 : i32
      %dma_start3A_657 = arith.constant 0 : i32
      %dma_start3A_658 = tpu.memref_slice %arg10[%run_scoped3A_397, %dma_start3A_656, %dma_start3A_657] : memref<2x512x16xf32, #tpu.memory_space<vmem>> -> memref<1x320x16xf32, #tpu.memory_space<vmem>>
      %dma_start3A_659 = tpu.memref_squeeze %dma_start3A_658 : memref<1x320x16xf32, #tpu.memory_space<vmem>> -> memref<320x16xf32, #tpu.memory_space<vmem>>
      %dma_start3A_660 = arith.constant 0 : i32
      %dma_start3A_661 = tpu.memref_slice %arg8[%add3A_396, %dma_start3A_660] : memref<100008x16xf32, #tpu.memory_space<vmem_shared>> -> memref<320x16xf32, #tpu.memory_space<vmem_shared>>
      %dma_start3A_662 = arith.constant 0 : i32
      %dma_start3A_663 = arith.constant 0 : i32
      %dma_start3A_664 = tpu.memref_slice %arg10[%run_scoped3A_397, %dma_start3A_662, %dma_start3A_663] : memref<2x512x16xf32, #tpu.memory_space<vmem>> -> memref<1x320x16xf32, #tpu.memory_space<vmem>>
      %dma_start3A_665 = tpu.memref_squeeze %dma_start3A_664 : memref<1x320x16xf32, #tpu.memory_space<vmem>> -> memref<320x16xf32, #tpu.memory_space<vmem>>
      %dma_start3A_666 = arith.constant 0 : i32
      %dma_start3A_667 = tpu.memref_slice %arg8[%add3A_396, %dma_start3A_666] : memref<100008x16xf32, #tpu.memory_space<vmem_shared>> -> memref<320x16xf32, #tpu.memory_space<vmem_shared>>
      tpu.enqueue_dma source(%dma_start3A_667 : memref<320x16xf32, #tpu.memory_space<vmem_shared>>) target(%dma_start3A_665 : memref<320x16xf32, #tpu.memory_space<vmem>>) target_semaphore(%run_scoped3A_655 : memref<!tpu.dma_semaphore, #tpu.memory_space<semaphore_mem>>)
      %dma_wait3A_668 = arith.constant 0 : i32
      %dma_wait3A_669 = arith.constant 0 : i32
      %dma_wait3A_670 = tpu.memref_slice %arg10[%run_scoped3A_397, %dma_wait3A_668, %dma_wait3A_669] : memref<2x512x16xf32, #tpu.memory_space<vmem>> -> memref<1x320x16xf32, #tpu.memory_space<vmem>>
      %dma_wait3A_671 = tpu.memref_squeeze %dma_wait3A_670 : memref<1x320x16xf32, #tpu.memory_space<vmem>> -> memref<320x16xf32, #tpu.memory_space<vmem>>
      %dma_wait3A_672 = arith.constant 0 : i32
      %dma_wait3A_673 = tpu.memref_slice %arg8[%add3A_396, %dma_wait3A_672] : memref<100008x16xf32, #tpu.memory_space<vmem_shared>> -> memref<320x16xf32, #tpu.memory_space<vmem_shared>>
      %dma_wait3A_674 = arith.constant 0 : i32
      %dma_wait3A_675 = arith.constant 0 : i32
      %dma_wait3A_676 = tpu.memref_slice %arg10[%run_scoped3A_397, %dma_wait3A_674, %dma_wait3A_675] : memref<2x512x16xf32, #tpu.memory_space<vmem>> -> memref<1x320x16xf32, #tpu.memory_space<vmem>>
      %dma_wait3A_677 = tpu.memref_squeeze %dma_wait3A_676 : memref<1x320x16xf32, #tpu.memory_space<vmem>> -> memref<320x16xf32, #tpu.memory_space<vmem>>
      %dma_wait3A_678 = arith.constant 0 : i32
      %dma_wait3A_679 = tpu.memref_slice %arg8[%add3A_396, %dma_wait3A_678] : memref<100008x16xf32, #tpu.memory_space<vmem_shared>> -> memref<320x16xf32, #tpu.memory_space<vmem_shared>>
      tpu.wait_dma2 semaphore(%run_scoped3A_655 : memref<!tpu.dma_semaphore, #tpu.memory_space<semaphore_mem>>) src(%dma_wait3A_679 : memref<320x16xf32, #tpu.memory_space<vmem_shared>>) dst(%dma_wait3A_677 : memref<320x16xf32, #tpu.memory_space<vmem>>)
      tpu.yield
    }) : () -> ()
    %eq3A_398 = arith.constant 0 : i32
    %eq3A_399 = arith.cmpi eq, %arg0, %eq3A_398 : i32
    %convert_element_type3A_400 = arith.extui %eq3A_399 : i1 to i32
    %cond3A_401 = arith.constant 0 : i32
    %cond3A_402 = arith.cmpi ne, %convert_element_type3A_400, %cond3A_401 : i32
    scf.if %cond3A_402 {
      %run_scoped3A_655 = arith.constant 0 : i32
      "tpu.region"() ({
        %run_scoped3A_656 = tpu.sem_alloc : memref<!tpu.dma_semaphore, #tpu.memory_space<semaphore_mem>>
        %dma_start3A_657 = arith.constant 0 : i32
        %dma_start3A_658 = arith.constant 0 : i32
        %dma_start3A_659 = tpu.memref_slice %arg10[%run_scoped3A_655, %dma_start3A_657, %dma_start3A_658] : memref<2x512x16xf32, #tpu.memory_space<vmem>> -> memref<1x320x16xf32, #tpu.memory_space<vmem>>
        %dma_start3A_660 = tpu.memref_squeeze %dma_start3A_659 : memref<1x320x16xf32, #tpu.memory_space<vmem>> -> memref<320x16xf32, #tpu.memory_space<vmem>>
        %dma_start3A_661 = arith.constant 0 : i32
        %dma_start3A_662 = tpu.memref_slice %arg6[%add3A_396, %dma_start3A_661] : memref<100000x16xf32, #tpu.memory_space<hbm>> -> memref<320x16xf32, #tpu.memory_space<hbm>>
        %dma_start3A_663 = arith.constant 0 : i32
        %dma_start3A_664 = tpu.memref_slice %arg6[%add3A_396, %dma_start3A_663] : memref<100000x16xf32, #tpu.memory_space<hbm>> -> memref<320x16xf32, #tpu.memory_space<hbm>>
        %dma_start3A_665 = arith.constant 0 : i32
        %dma_start3A_666 = arith.constant 0 : i32
        %dma_start3A_667 = tpu.memref_slice %arg10[%run_scoped3A_655, %dma_start3A_665, %dma_start3A_666] : memref<2x512x16xf32, #tpu.memory_space<vmem>> -> memref<1x320x16xf32, #tpu.memory_space<vmem>>
        %dma_start3A_668 = tpu.memref_squeeze %dma_start3A_667 : memref<1x320x16xf32, #tpu.memory_space<vmem>> -> memref<320x16xf32, #tpu.memory_space<vmem>>
        tpu.enqueue_dma source(%dma_start3A_668 : memref<320x16xf32, #tpu.memory_space<vmem>>) target(%dma_start3A_664 : memref<320x16xf32, #tpu.memory_space<hbm>>) target_semaphore(%run_scoped3A_656 : memref<!tpu.dma_semaphore, #tpu.memory_space<semaphore_mem>>)
        %dma_wait3A_669 = arith.constant 0 : i32
        %dma_wait3A_670 = arith.constant 0 : i32
        %dma_wait3A_671 = tpu.memref_slice %arg10[%run_scoped3A_655, %dma_wait3A_669, %dma_wait3A_670] : memref<2x512x16xf32, #tpu.memory_space<vmem>> -> memref<1x320x16xf32, #tpu.memory_space<vmem>>
        %dma_wait3A_672 = tpu.memref_squeeze %dma_wait3A_671 : memref<1x320x16xf32, #tpu.memory_space<vmem>> -> memref<320x16xf32, #tpu.memory_space<vmem>>
        %dma_wait3A_673 = arith.constant 0 : i32
        %dma_wait3A_674 = tpu.memref_slice %arg6[%add3A_396, %dma_wait3A_673] : memref<100000x16xf32, #tpu.memory_space<hbm>> -> memref<320x16xf32, #tpu.memory_space<hbm>>
        %dma_wait3A_675 = arith.constant 0 : i32
        %dma_wait3A_676 = tpu.memref_slice %arg6[%add3A_396, %dma_wait3A_675] : memref<100000x16xf32, #tpu.memory_space<hbm>> -> memref<320x16xf32, #tpu.memory_space<hbm>>
        %dma_wait3A_677 = arith.constant 0 : i32
        %dma_wait3A_678 = arith.constant 0 : i32
        %dma_wait3A_679 = tpu.memref_slice %arg10[%run_scoped3A_655, %dma_wait3A_677, %dma_wait3A_678] : memref<2x512x16xf32, #tpu.memory_space<vmem>> -> memref<1x320x16xf32, #tpu.memory_space<vmem>>
        %dma_wait3A_680 = tpu.memref_squeeze %dma_wait3A_679 : memref<1x320x16xf32, #tpu.memory_space<vmem>> -> memref<320x16xf32, #tpu.memory_space<vmem>>
        tpu.wait_dma2 semaphore(%run_scoped3A_656 : memref<!tpu.dma_semaphore, #tpu.memory_space<semaphore_mem>>) src(%dma_wait3A_680 : memref<320x16xf32, #tpu.memory_space<vmem>>) dst(%dma_wait3A_676 : memref<320x16xf32, #tpu.memory_space<hbm>>)
        tpu.yield
      }) : () -> ()
    } else {
    }
    %eq3A_403 = arith.constant 1 : i32
    %eq3A_404 = arith.cmpi eq, %arg0, %eq3A_403 : i32
    %convert_element_type3A_405 = arith.extui %eq3A_404 : i1 to i32
    %cond3A_406 = arith.constant 0 : i32
    %cond3A_407 = arith.cmpi ne, %convert_element_type3A_405, %cond3A_406 : i32
    scf.if %cond3A_407 {
      %run_scoped3A_655 = arith.constant 0 : i32
      "tpu.region"() ({
        %run_scoped3A_656 = tpu.sem_alloc : memref<!tpu.dma_semaphore, #tpu.memory_space<semaphore_mem>>
        %dma_start3A_657 = arith.constant 0 : i32
        %dma_start3A_658 = arith.constant 0 : i32
        %dma_start3A_659 = tpu.memref_slice %arg10[%run_scoped3A_655, %dma_start3A_657, %dma_start3A_658] : memref<2x512x16xf32, #tpu.memory_space<vmem>> -> memref<1x320x16xf32, #tpu.memory_space<vmem>>
        %dma_start3A_660 = tpu.memref_squeeze %dma_start3A_659 : memref<1x320x16xf32, #tpu.memory_space<vmem>> -> memref<320x16xf32, #tpu.memory_space<vmem>>
        %dma_start3A_661 = arith.constant 0 : i32
        %dma_start3A_662 = tpu.memref_slice %arg7[%add3A_396, %dma_start3A_661] : memref<100000x16xf32, #tpu.memory_space<hbm>> -> memref<320x16xf32, #tpu.memory_space<hbm>>
        %dma_start3A_663 = arith.constant 0 : i32
        %dma_start3A_664 = tpu.memref_slice %arg7[%add3A_396, %dma_start3A_663] : memref<100000x16xf32, #tpu.memory_space<hbm>> -> memref<320x16xf32, #tpu.memory_space<hbm>>
        %dma_start3A_665 = arith.constant 0 : i32
        %dma_start3A_666 = arith.constant 0 : i32
        %dma_start3A_667 = tpu.memref_slice %arg10[%run_scoped3A_655, %dma_start3A_665, %dma_start3A_666] : memref<2x512x16xf32, #tpu.memory_space<vmem>> -> memref<1x320x16xf32, #tpu.memory_space<vmem>>
        %dma_start3A_668 = tpu.memref_squeeze %dma_start3A_667 : memref<1x320x16xf32, #tpu.memory_space<vmem>> -> memref<320x16xf32, #tpu.memory_space<vmem>>
        tpu.enqueue_dma source(%dma_start3A_668 : memref<320x16xf32, #tpu.memory_space<vmem>>) target(%dma_start3A_664 : memref<320x16xf32, #tpu.memory_space<hbm>>) target_semaphore(%run_scoped3A_656 : memref<!tpu.dma_semaphore, #tpu.memory_space<semaphore_mem>>)
        %dma_wait3A_669 = arith.constant 0 : i32
        %dma_wait3A_670 = arith.constant 0 : i32
        %dma_wait3A_671 = tpu.memref_slice %arg10[%run_scoped3A_655, %dma_wait3A_669, %dma_wait3A_670] : memref<2x512x16xf32, #tpu.memory_space<vmem>> -> memref<1x320x16xf32, #tpu.memory_space<vmem>>
        %dma_wait3A_672 = tpu.memref_squeeze %dma_wait3A_671 : memref<1x320x16xf32, #tpu.memory_space<vmem>> -> memref<320x16xf32, #tpu.memory_space<vmem>>
        %dma_wait3A_673 = arith.constant 0 : i32
        %dma_wait3A_674 = tpu.memref_slice %arg7[%add3A_396, %dma_wait3A_673] : memref<100000x16xf32, #tpu.memory_space<hbm>> -> memref<320x16xf32, #tpu.memory_space<hbm>>
        %dma_wait3A_675 = arith.constant 0 : i32
        %dma_wait3A_676 = tpu.memref_slice %arg7[%add3A_396, %dma_wait3A_675] : memref<100000x16xf32, #tpu.memory_space<hbm>> -> memref<320x16xf32, #tpu.memory_space<hbm>>
        %dma_wait3A_677 = arith.constant 0 : i32
        %dma_wait3A_678 = arith.constant 0 : i32
        %dma_wait3A_679 = tpu.memref_slice %arg10[%run_scoped3A_655, %dma_wait3A_677, %dma_wait3A_678] : memref<2x512x16xf32, #tpu.memory_space<vmem>> -> memref<1x320x16xf32, #tpu.memory_space<vmem>>
        %dma_wait3A_680 = tpu.memref_squeeze %dma_wait3A_679 : memref<1x320x16xf32, #tpu.memory_space<vmem>> -> memref<320x16xf32, #tpu.memory_space<vmem>>
        tpu.wait_dma2 semaphore(%run_scoped3A_656 : memref<!tpu.dma_semaphore, #tpu.memory_space<semaphore_mem>>) src(%dma_wait3A_680 : memref<320x16xf32, #tpu.memory_space<vmem>>) dst(%dma_wait3A_676 : memref<320x16xf32, #tpu.memory_space<hbm>>)
        tpu.yield
      }) : () -> ()
    } else {
    }
    %add3A_408 = arith.constant 320 : i32
    %add3A_409 = arith.addi %mul3A_0, %add3A_408 : i32
    %run_scoped3A_410 = arith.constant 0 : i32
    "tpu.region"() ({
      %run_scoped3A_655 = tpu.sem_alloc : memref<!tpu.dma_semaphore, #tpu.memory_space<semaphore_mem>>
      %dma_start3A_656 = arith.constant 0 : i32
      %dma_start3A_657 = arith.constant 0 : i32
      %dma_start3A_658 = tpu.memref_slice %arg10[%run_scoped3A_410, %dma_start3A_656, %dma_start3A_657] : memref<2x512x16xf32, #tpu.memory_space<vmem>> -> memref<1x320x16xf32, #tpu.memory_space<vmem>>
      %dma_start3A_659 = tpu.memref_squeeze %dma_start3A_658 : memref<1x320x16xf32, #tpu.memory_space<vmem>> -> memref<320x16xf32, #tpu.memory_space<vmem>>
      %dma_start3A_660 = arith.constant 0 : i32
      %dma_start3A_661 = tpu.memref_slice %arg8[%add3A_409, %dma_start3A_660] : memref<100008x16xf32, #tpu.memory_space<vmem_shared>> -> memref<320x16xf32, #tpu.memory_space<vmem_shared>>
      %dma_start3A_662 = arith.constant 0 : i32
      %dma_start3A_663 = arith.constant 0 : i32
      %dma_start3A_664 = tpu.memref_slice %arg10[%run_scoped3A_410, %dma_start3A_662, %dma_start3A_663] : memref<2x512x16xf32, #tpu.memory_space<vmem>> -> memref<1x320x16xf32, #tpu.memory_space<vmem>>
      %dma_start3A_665 = tpu.memref_squeeze %dma_start3A_664 : memref<1x320x16xf32, #tpu.memory_space<vmem>> -> memref<320x16xf32, #tpu.memory_space<vmem>>
      %dma_start3A_666 = arith.constant 0 : i32
      %dma_start3A_667 = tpu.memref_slice %arg8[%add3A_409, %dma_start3A_666] : memref<100008x16xf32, #tpu.memory_space<vmem_shared>> -> memref<320x16xf32, #tpu.memory_space<vmem_shared>>
      tpu.enqueue_dma source(%dma_start3A_667 : memref<320x16xf32, #tpu.memory_space<vmem_shared>>) target(%dma_start3A_665 : memref<320x16xf32, #tpu.memory_space<vmem>>) target_semaphore(%run_scoped3A_655 : memref<!tpu.dma_semaphore, #tpu.memory_space<semaphore_mem>>)
      %dma_wait3A_668 = arith.constant 0 : i32
      %dma_wait3A_669 = arith.constant 0 : i32
      %dma_wait3A_670 = tpu.memref_slice %arg10[%run_scoped3A_410, %dma_wait3A_668, %dma_wait3A_669] : memref<2x512x16xf32, #tpu.memory_space<vmem>> -> memref<1x320x16xf32, #tpu.memory_space<vmem>>
      %dma_wait3A_671 = tpu.memref_squeeze %dma_wait3A_670 : memref<1x320x16xf32, #tpu.memory_space<vmem>> -> memref<320x16xf32, #tpu.memory_space<vmem>>
      %dma_wait3A_672 = arith.constant 0 : i32
      %dma_wait3A_673 = tpu.memref_slice %arg8[%add3A_409, %dma_wait3A_672] : memref<100008x16xf32, #tpu.memory_space<vmem_shared>> -> memref<320x16xf32, #tpu.memory_space<vmem_shared>>
      %dma_wait3A_674 = arith.constant 0 : i32
      %dma_wait3A_675 = arith.constant 0 : i32
      %dma_wait3A_676 = tpu.memref_slice %arg10[%run_scoped3A_410, %dma_wait3A_674, %dma_wait3A_675] : memref<2x512x16xf32, #tpu.memory_space<vmem>> -> memref<1x320x16xf32, #tpu.memory_space<vmem>>
      %dma_wait3A_677 = tpu.memref_squeeze %dma_wait3A_676 : memref<1x320x16xf32, #tpu.memory_space<vmem>> -> memref<320x16xf32, #tpu.memory_space<vmem>>
      %dma_wait3A_678 = arith.constant 0 : i32
      %dma_wait3A_679 = tpu.memref_slice %arg8[%add3A_409, %dma_wait3A_678] : memref<100008x16xf32, #tpu.memory_space<vmem_shared>> -> memref<320x16xf32, #tpu.memory_space<vmem_shared>>
      tpu.wait_dma2 semaphore(%run_scoped3A_655 : memref<!tpu.dma_semaphore, #tpu.memory_space<semaphore_mem>>) src(%dma_wait3A_679 : memref<320x16xf32, #tpu.memory_space<vmem_shared>>) dst(%dma_wait3A_677 : memref<320x16xf32, #tpu.memory_space<vmem>>)
      tpu.yield
    }) : () -> ()
    %eq3A_411 = arith.constant 0 : i32
    %eq3A_412 = arith.cmpi eq, %arg0, %eq3A_411 : i32
    %convert_element_type3A_413 = arith.extui %eq3A_412 : i1 to i32
    %cond3A_414 = arith.constant 0 : i32
    %cond3A_415 = arith.cmpi ne, %convert_element_type3A_413, %cond3A_414 : i32
    scf.if %cond3A_415 {
      %run_scoped3A_655 = arith.constant 0 : i32
      "tpu.region"() ({
        %run_scoped3A_656 = tpu.sem_alloc : memref<!tpu.dma_semaphore, #tpu.memory_space<semaphore_mem>>
        %dma_start3A_657 = arith.constant 0 : i32
        %dma_start3A_658 = arith.constant 0 : i32
        %dma_start3A_659 = tpu.memref_slice %arg10[%run_scoped3A_655, %dma_start3A_657, %dma_start3A_658] : memref<2x512x16xf32, #tpu.memory_space<vmem>> -> memref<1x320x16xf32, #tpu.memory_space<vmem>>
        %dma_start3A_660 = tpu.memref_squeeze %dma_start3A_659 : memref<1x320x16xf32, #tpu.memory_space<vmem>> -> memref<320x16xf32, #tpu.memory_space<vmem>>
        %dma_start3A_661 = arith.constant 0 : i32
        %dma_start3A_662 = tpu.memref_slice %arg6[%add3A_409, %dma_start3A_661] : memref<100000x16xf32, #tpu.memory_space<hbm>> -> memref<320x16xf32, #tpu.memory_space<hbm>>
        %dma_start3A_663 = arith.constant 0 : i32
        %dma_start3A_664 = tpu.memref_slice %arg6[%add3A_409, %dma_start3A_663] : memref<100000x16xf32, #tpu.memory_space<hbm>> -> memref<320x16xf32, #tpu.memory_space<hbm>>
        %dma_start3A_665 = arith.constant 0 : i32
        %dma_start3A_666 = arith.constant 0 : i32
        %dma_start3A_667 = tpu.memref_slice %arg10[%run_scoped3A_655, %dma_start3A_665, %dma_start3A_666] : memref<2x512x16xf32, #tpu.memory_space<vmem>> -> memref<1x320x16xf32, #tpu.memory_space<vmem>>
        %dma_start3A_668 = tpu.memref_squeeze %dma_start3A_667 : memref<1x320x16xf32, #tpu.memory_space<vmem>> -> memref<320x16xf32, #tpu.memory_space<vmem>>
        tpu.enqueue_dma source(%dma_start3A_668 : memref<320x16xf32, #tpu.memory_space<vmem>>) target(%dma_start3A_664 : memref<320x16xf32, #tpu.memory_space<hbm>>) target_semaphore(%run_scoped3A_656 : memref<!tpu.dma_semaphore, #tpu.memory_space<semaphore_mem>>)
        %dma_wait3A_669 = arith.constant 0 : i32
        %dma_wait3A_670 = arith.constant 0 : i32
        %dma_wait3A_671 = tpu.memref_slice %arg10[%run_scoped3A_655, %dma_wait3A_669, %dma_wait3A_670] : memref<2x512x16xf32, #tpu.memory_space<vmem>> -> memref<1x320x16xf32, #tpu.memory_space<vmem>>
        %dma_wait3A_672 = tpu.memref_squeeze %dma_wait3A_671 : memref<1x320x16xf32, #tpu.memory_space<vmem>> -> memref<320x16xf32, #tpu.memory_space<vmem>>
        %dma_wait3A_673 = arith.constant 0 : i32
        %dma_wait3A_674 = tpu.memref_slice %arg6[%add3A_409, %dma_wait3A_673] : memref<100000x16xf32, #tpu.memory_space<hbm>> -> memref<320x16xf32, #tpu.memory_space<hbm>>
        %dma_wait3A_675 = arith.constant 0 : i32
        %dma_wait3A_676 = tpu.memref_slice %arg6[%add3A_409, %dma_wait3A_675] : memref<100000x16xf32, #tpu.memory_space<hbm>> -> memref<320x16xf32, #tpu.memory_space<hbm>>
        %dma_wait3A_677 = arith.constant 0 : i32
        %dma_wait3A_678 = arith.constant 0 : i32
        %dma_wait3A_679 = tpu.memref_slice %arg10[%run_scoped3A_655, %dma_wait3A_677, %dma_wait3A_678] : memref<2x512x16xf32, #tpu.memory_space<vmem>> -> memref<1x320x16xf32, #tpu.memory_space<vmem>>
        %dma_wait3A_680 = tpu.memref_squeeze %dma_wait3A_679 : memref<1x320x16xf32, #tpu.memory_space<vmem>> -> memref<320x16xf32, #tpu.memory_space<vmem>>
        tpu.wait_dma2 semaphore(%run_scoped3A_656 : memref<!tpu.dma_semaphore, #tpu.memory_space<semaphore_mem>>) src(%dma_wait3A_680 : memref<320x16xf32, #tpu.memory_space<vmem>>) dst(%dma_wait3A_676 : memref<320x16xf32, #tpu.memory_space<hbm>>)
        tpu.yield
      }) : () -> ()
    } else {
    }
    %eq3A_416 = arith.constant 1 : i32
    %eq3A_417 = arith.cmpi eq, %arg0, %eq3A_416 : i32
    %convert_element_type3A_418 = arith.extui %eq3A_417 : i1 to i32
    %cond3A_419 = arith.constant 0 : i32
    %cond3A_420 = arith.cmpi ne, %convert_element_type3A_418, %cond3A_419 : i32
    scf.if %cond3A_420 {
      %run_scoped3A_655 = arith.constant 0 : i32
      "tpu.region"() ({
        %run_scoped3A_656 = tpu.sem_alloc : memref<!tpu.dma_semaphore, #tpu.memory_space<semaphore_mem>>
        %dma_start3A_657 = arith.constant 0 : i32
        %dma_start3A_658 = arith.constant 0 : i32
        %dma_start3A_659 = tpu.memref_slice %arg10[%run_scoped3A_655, %dma_start3A_657, %dma_start3A_658] : memref<2x512x16xf32, #tpu.memory_space<vmem>> -> memref<1x320x16xf32, #tpu.memory_space<vmem>>
        %dma_start3A_660 = tpu.memref_squeeze %dma_start3A_659 : memref<1x320x16xf32, #tpu.memory_space<vmem>> -> memref<320x16xf32, #tpu.memory_space<vmem>>
        %dma_start3A_661 = arith.constant 0 : i32
        %dma_start3A_662 = tpu.memref_slice %arg7[%add3A_409, %dma_start3A_661] : memref<100000x16xf32, #tpu.memory_space<hbm>> -> memref<320x16xf32, #tpu.memory_space<hbm>>
        %dma_start3A_663 = arith.constant 0 : i32
        %dma_start3A_664 = tpu.memref_slice %arg7[%add3A_409, %dma_start3A_663] : memref<100000x16xf32, #tpu.memory_space<hbm>> -> memref<320x16xf32, #tpu.memory_space<hbm>>
        %dma_start3A_665 = arith.constant 0 : i32
        %dma_start3A_666 = arith.constant 0 : i32
        %dma_start3A_667 = tpu.memref_slice %arg10[%run_scoped3A_655, %dma_start3A_665, %dma_start3A_666] : memref<2x512x16xf32, #tpu.memory_space<vmem>> -> memref<1x320x16xf32, #tpu.memory_space<vmem>>
        %dma_start3A_668 = tpu.memref_squeeze %dma_start3A_667 : memref<1x320x16xf32, #tpu.memory_space<vmem>> -> memref<320x16xf32, #tpu.memory_space<vmem>>
        tpu.enqueue_dma source(%dma_start3A_668 : memref<320x16xf32, #tpu.memory_space<vmem>>) target(%dma_start3A_664 : memref<320x16xf32, #tpu.memory_space<hbm>>) target_semaphore(%run_scoped3A_656 : memref<!tpu.dma_semaphore, #tpu.memory_space<semaphore_mem>>)
        %dma_wait3A_669 = arith.constant 0 : i32
        %dma_wait3A_670 = arith.constant 0 : i32
        %dma_wait3A_671 = tpu.memref_slice %arg10[%run_scoped3A_655, %dma_wait3A_669, %dma_wait3A_670] : memref<2x512x16xf32, #tpu.memory_space<vmem>> -> memref<1x320x16xf32, #tpu.memory_space<vmem>>
        %dma_wait3A_672 = tpu.memref_squeeze %dma_wait3A_671 : memref<1x320x16xf32, #tpu.memory_space<vmem>> -> memref<320x16xf32, #tpu.memory_space<vmem>>
        %dma_wait3A_673 = arith.constant 0 : i32
        %dma_wait3A_674 = tpu.memref_slice %arg7[%add3A_409, %dma_wait3A_673] : memref<100000x16xf32, #tpu.memory_space<hbm>> -> memref<320x16xf32, #tpu.memory_space<hbm>>
        %dma_wait3A_675 = arith.constant 0 : i32
        %dma_wait3A_676 = tpu.memref_slice %arg7[%add3A_409, %dma_wait3A_675] : memref<100000x16xf32, #tpu.memory_space<hbm>> -> memref<320x16xf32, #tpu.memory_space<hbm>>
        %dma_wait3A_677 = arith.constant 0 : i32
        %dma_wait3A_678 = arith.constant 0 : i32
        %dma_wait3A_679 = tpu.memref_slice %arg10[%run_scoped3A_655, %dma_wait3A_677, %dma_wait3A_678] : memref<2x512x16xf32, #tpu.memory_space<vmem>> -> memref<1x320x16xf32, #tpu.memory_space<vmem>>
        %dma_wait3A_680 = tpu.memref_squeeze %dma_wait3A_679 : memref<1x320x16xf32, #tpu.memory_space<vmem>> -> memref<320x16xf32, #tpu.memory_space<vmem>>
        tpu.wait_dma2 semaphore(%run_scoped3A_656 : memref<!tpu.dma_semaphore, #tpu.memory_space<semaphore_mem>>) src(%dma_wait3A_680 : memref<320x16xf32, #tpu.memory_space<vmem>>) dst(%dma_wait3A_676 : memref<320x16xf32, #tpu.memory_space<hbm>>)
        tpu.yield
      }) : () -> ()
    } else {
    }
    %add3A_421 = arith.constant 640 : i32
    %add3A_422 = arith.addi %mul3A_0, %add3A_421 : i32
    %run_scoped3A_423 = arith.constant 0 : i32
    "tpu.region"() ({
      %run_scoped3A_655 = tpu.sem_alloc : memref<!tpu.dma_semaphore, #tpu.memory_space<semaphore_mem>>
      %dma_start3A_656 = arith.constant 0 : i32
      %dma_start3A_657 = arith.constant 0 : i32
      %dma_start3A_658 = tpu.memref_slice %arg10[%run_scoped3A_423, %dma_start3A_656, %dma_start3A_657] : memref<2x512x16xf32, #tpu.memory_space<vmem>> -> memref<1x320x16xf32, #tpu.memory_space<vmem>>
      %dma_start3A_659 = tpu.memref_squeeze %dma_start3A_658 : memref<1x320x16xf32, #tpu.memory_space<vmem>> -> memref<320x16xf32, #tpu.memory_space<vmem>>
      %dma_start3A_660 = arith.constant 0 : i32
      %dma_start3A_661 = tpu.memref_slice %arg8[%add3A_422, %dma_start3A_660] : memref<100008x16xf32, #tpu.memory_space<vmem_shared>> -> memref<320x16xf32, #tpu.memory_space<vmem_shared>>
      %dma_start3A_662 = arith.constant 0 : i32
      %dma_start3A_663 = arith.constant 0 : i32
      %dma_start3A_664 = tpu.memref_slice %arg10[%run_scoped3A_423, %dma_start3A_662, %dma_start3A_663] : memref<2x512x16xf32, #tpu.memory_space<vmem>> -> memref<1x320x16xf32, #tpu.memory_space<vmem>>
      %dma_start3A_665 = tpu.memref_squeeze %dma_start3A_664 : memref<1x320x16xf32, #tpu.memory_space<vmem>> -> memref<320x16xf32, #tpu.memory_space<vmem>>
      %dma_start3A_666 = arith.constant 0 : i32
      %dma_start3A_667 = tpu.memref_slice %arg8[%add3A_422, %dma_start3A_666] : memref<100008x16xf32, #tpu.memory_space<vmem_shared>> -> memref<320x16xf32, #tpu.memory_space<vmem_shared>>
      tpu.enqueue_dma source(%dma_start3A_667 : memref<320x16xf32, #tpu.memory_space<vmem_shared>>) target(%dma_start3A_665 : memref<320x16xf32, #tpu.memory_space<vmem>>) target_semaphore(%run_scoped3A_655 : memref<!tpu.dma_semaphore, #tpu.memory_space<semaphore_mem>>)
      %dma_wait3A_668 = arith.constant 0 : i32
      %dma_wait3A_669 = arith.constant 0 : i32
      %dma_wait3A_670 = tpu.memref_slice %arg10[%run_scoped3A_423, %dma_wait3A_668, %dma_wait3A_669] : memref<2x512x16xf32, #tpu.memory_space<vmem>> -> memref<1x320x16xf32, #tpu.memory_space<vmem>>
      %dma_wait3A_671 = tpu.memref_squeeze %dma_wait3A_670 : memref<1x320x16xf32, #tpu.memory_space<vmem>> -> memref<320x16xf32, #tpu.memory_space<vmem>>
      %dma_wait3A_672 = arith.constant 0 : i32
      %dma_wait3A_673 = tpu.memref_slice %arg8[%add3A_422, %dma_wait3A_672] : memref<100008x16xf32, #tpu.memory_space<vmem_shared>> -> memref<320x16xf32, #tpu.memory_space<vmem_shared>>
      %dma_wait3A_674 = arith.constant 0 : i32
      %dma_wait3A_675 = arith.constant 0 : i32
      %dma_wait3A_676 = tpu.memref_slice %arg10[%run_scoped3A_423, %dma_wait3A_674, %dma_wait3A_675] : memref<2x512x16xf32, #tpu.memory_space<vmem>> -> memref<1x320x16xf32, #tpu.memory_space<vmem>>
      %dma_wait3A_677 = tpu.memref_squeeze %dma_wait3A_676 : memref<1x320x16xf32, #tpu.memory_space<vmem>> -> memref<320x16xf32, #tpu.memory_space<vmem>>
      %dma_wait3A_678 = arith.constant 0 : i32
      %dma_wait3A_679 = tpu.memref_slice %arg8[%add3A_422, %dma_wait3A_678] : memref<100008x16xf32, #tpu.memory_space<vmem_shared>> -> memref<320x16xf32, #tpu.memory_space<vmem_shared>>
      tpu.wait_dma2 semaphore(%run_scoped3A_655 : memref<!tpu.dma_semaphore, #tpu.memory_space<semaphore_mem>>) src(%dma_wait3A_679 : memref<320x16xf32, #tpu.memory_space<vmem_shared>>) dst(%dma_wait3A_677 : memref<320x16xf32, #tpu.memory_space<vmem>>)
      tpu.yield
    }) : () -> ()
    %eq3A_424 = arith.constant 0 : i32
    %eq3A_425 = arith.cmpi eq, %arg0, %eq3A_424 : i32
    %convert_element_type3A_426 = arith.extui %eq3A_425 : i1 to i32
    %cond3A_427 = arith.constant 0 : i32
    %cond3A_428 = arith.cmpi ne, %convert_element_type3A_426, %cond3A_427 : i32
    scf.if %cond3A_428 {
      %run_scoped3A_655 = arith.constant 0 : i32
      "tpu.region"() ({
        %run_scoped3A_656 = tpu.sem_alloc : memref<!tpu.dma_semaphore, #tpu.memory_space<semaphore_mem>>
        %dma_start3A_657 = arith.constant 0 : i32
        %dma_start3A_658 = arith.constant 0 : i32
        %dma_start3A_659 = tpu.memref_slice %arg10[%run_scoped3A_655, %dma_start3A_657, %dma_start3A_658] : memref<2x512x16xf32, #tpu.memory_space<vmem>> -> memref<1x320x16xf32, #tpu.memory_space<vmem>>
        %dma_start3A_660 = tpu.memref_squeeze %dma_start3A_659 : memref<1x320x16xf32, #tpu.memory_space<vmem>> -> memref<320x16xf32, #tpu.memory_space<vmem>>
        %dma_start3A_661 = arith.constant 0 : i32
        %dma_start3A_662 = tpu.memref_slice %arg6[%add3A_422, %dma_start3A_661] : memref<100000x16xf32, #tpu.memory_space<hbm>> -> memref<320x16xf32, #tpu.memory_space<hbm>>
        %dma_start3A_663 = arith.constant 0 : i32
        %dma_start3A_664 = tpu.memref_slice %arg6[%add3A_422, %dma_start3A_663] : memref<100000x16xf32, #tpu.memory_space<hbm>> -> memref<320x16xf32, #tpu.memory_space<hbm>>
        %dma_start3A_665 = arith.constant 0 : i32
        %dma_start3A_666 = arith.constant 0 : i32
        %dma_start3A_667 = tpu.memref_slice %arg10[%run_scoped3A_655, %dma_start3A_665, %dma_start3A_666] : memref<2x512x16xf32, #tpu.memory_space<vmem>> -> memref<1x320x16xf32, #tpu.memory_space<vmem>>
        %dma_start3A_668 = tpu.memref_squeeze %dma_start3A_667 : memref<1x320x16xf32, #tpu.memory_space<vmem>> -> memref<320x16xf32, #tpu.memory_space<vmem>>
        tpu.enqueue_dma source(%dma_start3A_668 : memref<320x16xf32, #tpu.memory_space<vmem>>) target(%dma_start3A_664 : memref<320x16xf32, #tpu.memory_space<hbm>>) target_semaphore(%run_scoped3A_656 : memref<!tpu.dma_semaphore, #tpu.memory_space<semaphore_mem>>)
        %dma_wait3A_669 = arith.constant 0 : i32
        %dma_wait3A_670 = arith.constant 0 : i32
        %dma_wait3A_671 = tpu.memref_slice %arg10[%run_scoped3A_655, %dma_wait3A_669, %dma_wait3A_670] : memref<2x512x16xf32, #tpu.memory_space<vmem>> -> memref<1x320x16xf32, #tpu.memory_space<vmem>>
        %dma_wait3A_672 = tpu.memref_squeeze %dma_wait3A_671 : memref<1x320x16xf32, #tpu.memory_space<vmem>> -> memref<320x16xf32, #tpu.memory_space<vmem>>
        %dma_wait3A_673 = arith.constant 0 : i32
        %dma_wait3A_674 = tpu.memref_slice %arg6[%add3A_422, %dma_wait3A_673] : memref<100000x16xf32, #tpu.memory_space<hbm>> -> memref<320x16xf32, #tpu.memory_space<hbm>>
        %dma_wait3A_675 = arith.constant 0 : i32
        %dma_wait3A_676 = tpu.memref_slice %arg6[%add3A_422, %dma_wait3A_675] : memref<100000x16xf32, #tpu.memory_space<hbm>> -> memref<320x16xf32, #tpu.memory_space<hbm>>
        %dma_wait3A_677 = arith.constant 0 : i32
        %dma_wait3A_678 = arith.constant 0 : i32
        %dma_wait3A_679 = tpu.memref_slice %arg10[%run_scoped3A_655, %dma_wait3A_677, %dma_wait3A_678] : memref<2x512x16xf32, #tpu.memory_space<vmem>> -> memref<1x320x16xf32, #tpu.memory_space<vmem>>
        %dma_wait3A_680 = tpu.memref_squeeze %dma_wait3A_679 : memref<1x320x16xf32, #tpu.memory_space<vmem>> -> memref<320x16xf32, #tpu.memory_space<vmem>>
        tpu.wait_dma2 semaphore(%run_scoped3A_656 : memref<!tpu.dma_semaphore, #tpu.memory_space<semaphore_mem>>) src(%dma_wait3A_680 : memref<320x16xf32, #tpu.memory_space<vmem>>) dst(%dma_wait3A_676 : memref<320x16xf32, #tpu.memory_space<hbm>>)
        tpu.yield
      }) : () -> ()
    } else {
    }
    %eq3A_429 = arith.constant 1 : i32
    %eq3A_430 = arith.cmpi eq, %arg0, %eq3A_429 : i32
    %convert_element_type3A_431 = arith.extui %eq3A_430 : i1 to i32
    %cond3A_432 = arith.constant 0 : i32
    %cond3A_433 = arith.cmpi ne, %convert_element_type3A_431, %cond3A_432 : i32
    scf.if %cond3A_433 {
      %run_scoped3A_655 = arith.constant 0 : i32
      "tpu.region"() ({
        %run_scoped3A_656 = tpu.sem_alloc : memref<!tpu.dma_semaphore, #tpu.memory_space<semaphore_mem>>
        %dma_start3A_657 = arith.constant 0 : i32
        %dma_start3A_658 = arith.constant 0 : i32
        %dma_start3A_659 = tpu.memref_slice %arg10[%run_scoped3A_655, %dma_start3A_657, %dma_start3A_658] : memref<2x512x16xf32, #tpu.memory_space<vmem>> -> memref<1x320x16xf32, #tpu.memory_space<vmem>>
        %dma_start3A_660 = tpu.memref_squeeze %dma_start3A_659 : memref<1x320x16xf32, #tpu.memory_space<vmem>> -> memref<320x16xf32, #tpu.memory_space<vmem>>
        %dma_start3A_661 = arith.constant 0 : i32
        %dma_start3A_662 = tpu.memref_slice %arg7[%add3A_422, %dma_start3A_661] : memref<100000x16xf32, #tpu.memory_space<hbm>> -> memref<320x16xf32, #tpu.memory_space<hbm>>
        %dma_start3A_663 = arith.constant 0 : i32
        %dma_start3A_664 = tpu.memref_slice %arg7[%add3A_422, %dma_start3A_663] : memref<100000x16xf32, #tpu.memory_space<hbm>> -> memref<320x16xf32, #tpu.memory_space<hbm>>
        %dma_start3A_665 = arith.constant 0 : i32
        %dma_start3A_666 = arith.constant 0 : i32
        %dma_start3A_667 = tpu.memref_slice %arg10[%run_scoped3A_655, %dma_start3A_665, %dma_start3A_666] : memref<2x512x16xf32, #tpu.memory_space<vmem>> -> memref<1x320x16xf32, #tpu.memory_space<vmem>>
        %dma_start3A_668 = tpu.memref_squeeze %dma_start3A_667 : memref<1x320x16xf32, #tpu.memory_space<vmem>> -> memref<320x16xf32, #tpu.memory_space<vmem>>
        tpu.enqueue_dma source(%dma_start3A_668 : memref<320x16xf32, #tpu.memory_space<vmem>>) target(%dma_start3A_664 : memref<320x16xf32, #tpu.memory_space<hbm>>) target_semaphore(%run_scoped3A_656 : memref<!tpu.dma_semaphore, #tpu.memory_space<semaphore_mem>>)
        %dma_wait3A_669 = arith.constant 0 : i32
        %dma_wait3A_670 = arith.constant 0 : i32
        %dma_wait3A_671 = tpu.memref_slice %arg10[%run_scoped3A_655, %dma_wait3A_669, %dma_wait3A_670] : memref<2x512x16xf32, #tpu.memory_space<vmem>> -> memref<1x320x16xf32, #tpu.memory_space<vmem>>
        %dma_wait3A_672 = tpu.memref_squeeze %dma_wait3A_671 : memref<1x320x16xf32, #tpu.memory_space<vmem>> -> memref<320x16xf32, #tpu.memory_space<vmem>>
        %dma_wait3A_673 = arith.constant 0 : i32
        %dma_wait3A_674 = tpu.memref_slice %arg7[%add3A_422, %dma_wait3A_673] : memref<100000x16xf32, #tpu.memory_space<hbm>> -> memref<320x16xf32, #tpu.memory_space<hbm>>
        %dma_wait3A_675 = arith.constant 0 : i32
        %dma_wait3A_676 = tpu.memref_slice %arg7[%add3A_422, %dma_wait3A_675] : memref<100000x16xf32, #tpu.memory_space<hbm>> -> memref<320x16xf32, #tpu.memory_space<hbm>>
        %dma_wait3A_677 = arith.constant 0 : i32
        %dma_wait3A_678 = arith.constant 0 : i32
        %dma_wait3A_679 = tpu.memref_slice %arg10[%run_scoped3A_655, %dma_wait3A_677, %dma_wait3A_678] : memref<2x512x16xf32, #tpu.memory_space<vmem>> -> memref<1x320x16xf32, #tpu.memory_space<vmem>>
        %dma_wait3A_680 = tpu.memref_squeeze %dma_wait3A_679 : memref<1x320x16xf32, #tpu.memory_space<vmem>> -> memref<320x16xf32, #tpu.memory_space<vmem>>
        tpu.wait_dma2 semaphore(%run_scoped3A_656 : memref<!tpu.dma_semaphore, #tpu.memory_space<semaphore_mem>>) src(%dma_wait3A_680 : memref<320x16xf32, #tpu.memory_space<vmem>>) dst(%dma_wait3A_676 : memref<320x16xf32, #tpu.memory_space<hbm>>)
        tpu.yield
      }) : () -> ()
    } else {
    }
    %add3A_434 = arith.constant 960 : i32
    %add3A_435 = arith.addi %mul3A_0, %add3A_434 : i32
    %run_scoped3A_436 = arith.constant 0 : i32
    "tpu.region"() ({
      %run_scoped3A_655 = tpu.sem_alloc : memref<!tpu.dma_semaphore, #tpu.memory_space<semaphore_mem>>
      %dma_start3A_656 = arith.constant 0 : i32
      %dma_start3A_657 = arith.constant 0 : i32
      %dma_start3A_658 = tpu.memref_slice %arg10[%run_scoped3A_436, %dma_start3A_656, %dma_start3A_657] : memref<2x512x16xf32, #tpu.memory_space<vmem>> -> memref<1x320x16xf32, #tpu.memory_space<vmem>>
      %dma_start3A_659 = tpu.memref_squeeze %dma_start3A_658 : memref<1x320x16xf32, #tpu.memory_space<vmem>> -> memref<320x16xf32, #tpu.memory_space<vmem>>
      %dma_start3A_660 = arith.constant 0 : i32
      %dma_start3A_661 = tpu.memref_slice %arg8[%add3A_435, %dma_start3A_660] : memref<100008x16xf32, #tpu.memory_space<vmem_shared>> -> memref<320x16xf32, #tpu.memory_space<vmem_shared>>
      %dma_start3A_662 = arith.constant 0 : i32
      %dma_start3A_663 = arith.constant 0 : i32
      %dma_start3A_664 = tpu.memref_slice %arg10[%run_scoped3A_436, %dma_start3A_662, %dma_start3A_663] : memref<2x512x16xf32, #tpu.memory_space<vmem>> -> memref<1x320x16xf32, #tpu.memory_space<vmem>>
      %dma_start3A_665 = tpu.memref_squeeze %dma_start3A_664 : memref<1x320x16xf32, #tpu.memory_space<vmem>> -> memref<320x16xf32, #tpu.memory_space<vmem>>
      %dma_start3A_666 = arith.constant 0 : i32
      %dma_start3A_667 = tpu.memref_slice %arg8[%add3A_435, %dma_start3A_666] : memref<100008x16xf32, #tpu.memory_space<vmem_shared>> -> memref<320x16xf32, #tpu.memory_space<vmem_shared>>
      tpu.enqueue_dma source(%dma_start3A_667 : memref<320x16xf32, #tpu.memory_space<vmem_shared>>) target(%dma_start3A_665 : memref<320x16xf32, #tpu.memory_space<vmem>>) target_semaphore(%run_scoped3A_655 : memref<!tpu.dma_semaphore, #tpu.memory_space<semaphore_mem>>)
      %dma_wait3A_668 = arith.constant 0 : i32
      %dma_wait3A_669 = arith.constant 0 : i32
      %dma_wait3A_670 = tpu.memref_slice %arg10[%run_scoped3A_436, %dma_wait3A_668, %dma_wait3A_669] : memref<2x512x16xf32, #tpu.memory_space<vmem>> -> memref<1x320x16xf32, #tpu.memory_space<vmem>>
      %dma_wait3A_671 = tpu.memref_squeeze %dma_wait3A_670 : memref<1x320x16xf32, #tpu.memory_space<vmem>> -> memref<320x16xf32, #tpu.memory_space<vmem>>
      %dma_wait3A_672 = arith.constant 0 : i32
      %dma_wait3A_673 = tpu.memref_slice %arg8[%add3A_435, %dma_wait3A_672] : memref<100008x16xf32, #tpu.memory_space<vmem_shared>> -> memref<320x16xf32, #tpu.memory_space<vmem_shared>>
      %dma_wait3A_674 = arith.constant 0 : i32
      %dma_wait3A_675 = arith.constant 0 : i32
      %dma_wait3A_676 = tpu.memref_slice %arg10[%run_scoped3A_436, %dma_wait3A_674, %dma_wait3A_675] : memref<2x512x16xf32, #tpu.memory_space<vmem>> -> memref<1x320x16xf32, #tpu.memory_space<vmem>>
      %dma_wait3A_677 = tpu.memref_squeeze %dma_wait3A_676 : memref<1x320x16xf32, #tpu.memory_space<vmem>> -> memref<320x16xf32, #tpu.memory_space<vmem>>
      %dma_wait3A_678 = arith.constant 0 : i32
      %dma_wait3A_679 = tpu.memref_slice %arg8[%add3A_435, %dma_wait3A_678] : memref<100008x16xf32, #tpu.memory_space<vmem_shared>> -> memref<320x16xf32, #tpu.memory_space<vmem_shared>>
      tpu.wait_dma2 semaphore(%run_scoped3A_655 : memref<!tpu.dma_semaphore, #tpu.memory_space<semaphore_mem>>) src(%dma_wait3A_679 : memref<320x16xf32, #tpu.memory_space<vmem_shared>>) dst(%dma_wait3A_677 : memref<320x16xf32, #tpu.memory_space<vmem>>)
      tpu.yield
    }) : () -> ()
    %eq3A_437 = arith.constant 0 : i32
    %eq3A_438 = arith.cmpi eq, %arg0, %eq3A_437 : i32
    %convert_element_type3A_439 = arith.extui %eq3A_438 : i1 to i32
    %cond3A_440 = arith.constant 0 : i32
    %cond3A_441 = arith.cmpi ne, %convert_element_type3A_439, %cond3A_440 : i32
    scf.if %cond3A_441 {
      %run_scoped3A_655 = arith.constant 0 : i32
      "tpu.region"() ({
        %run_scoped3A_656 = tpu.sem_alloc : memref<!tpu.dma_semaphore, #tpu.memory_space<semaphore_mem>>
        %dma_start3A_657 = arith.constant 0 : i32
        %dma_start3A_658 = arith.constant 0 : i32
        %dma_start3A_659 = tpu.memref_slice %arg10[%run_scoped3A_655, %dma_start3A_657, %dma_start3A_658] : memref<2x512x16xf32, #tpu.memory_space<vmem>> -> memref<1x320x16xf32, #tpu.memory_space<vmem>>
        %dma_start3A_660 = tpu.memref_squeeze %dma_start3A_659 : memref<1x320x16xf32, #tpu.memory_space<vmem>> -> memref<320x16xf32, #tpu.memory_space<vmem>>
        %dma_start3A_661 = arith.constant 0 : i32
        %dma_start3A_662 = tpu.memref_slice %arg6[%add3A_435, %dma_start3A_661] : memref<100000x16xf32, #tpu.memory_space<hbm>> -> memref<320x16xf32, #tpu.memory_space<hbm>>
        %dma_start3A_663 = arith.constant 0 : i32
        %dma_start3A_664 = tpu.memref_slice %arg6[%add3A_435, %dma_start3A_663] : memref<100000x16xf32, #tpu.memory_space<hbm>> -> memref<320x16xf32, #tpu.memory_space<hbm>>
        %dma_start3A_665 = arith.constant 0 : i32
        %dma_start3A_666 = arith.constant 0 : i32
        %dma_start3A_667 = tpu.memref_slice %arg10[%run_scoped3A_655, %dma_start3A_665, %dma_start3A_666] : memref<2x512x16xf32, #tpu.memory_space<vmem>> -> memref<1x320x16xf32, #tpu.memory_space<vmem>>
        %dma_start3A_668 = tpu.memref_squeeze %dma_start3A_667 : memref<1x320x16xf32, #tpu.memory_space<vmem>> -> memref<320x16xf32, #tpu.memory_space<vmem>>
        tpu.enqueue_dma source(%dma_start3A_668 : memref<320x16xf32, #tpu.memory_space<vmem>>) target(%dma_start3A_664 : memref<320x16xf32, #tpu.memory_space<hbm>>) target_semaphore(%run_scoped3A_656 : memref<!tpu.dma_semaphore, #tpu.memory_space<semaphore_mem>>)
        %dma_wait3A_669 = arith.constant 0 : i32
        %dma_wait3A_670 = arith.constant 0 : i32
        %dma_wait3A_671 = tpu.memref_slice %arg10[%run_scoped3A_655, %dma_wait3A_669, %dma_wait3A_670] : memref<2x512x16xf32, #tpu.memory_space<vmem>> -> memref<1x320x16xf32, #tpu.memory_space<vmem>>
        %dma_wait3A_672 = tpu.memref_squeeze %dma_wait3A_671 : memref<1x320x16xf32, #tpu.memory_space<vmem>> -> memref<320x16xf32, #tpu.memory_space<vmem>>
        %dma_wait3A_673 = arith.constant 0 : i32
        %dma_wait3A_674 = tpu.memref_slice %arg6[%add3A_435, %dma_wait3A_673] : memref<100000x16xf32, #tpu.memory_space<hbm>> -> memref<320x16xf32, #tpu.memory_space<hbm>>
        %dma_wait3A_675 = arith.constant 0 : i32
        %dma_wait3A_676 = tpu.memref_slice %arg6[%add3A_435, %dma_wait3A_675] : memref<100000x16xf32, #tpu.memory_space<hbm>> -> memref<320x16xf32, #tpu.memory_space<hbm>>
        %dma_wait3A_677 = arith.constant 0 : i32
        %dma_wait3A_678 = arith.constant 0 : i32
        %dma_wait3A_679 = tpu.memref_slice %arg10[%run_scoped3A_655, %dma_wait3A_677, %dma_wait3A_678] : memref<2x512x16xf32, #tpu.memory_space<vmem>> -> memref<1x320x16xf32, #tpu.memory_space<vmem>>
        %dma_wait3A_680 = tpu.memref_squeeze %dma_wait3A_679 : memref<1x320x16xf32, #tpu.memory_space<vmem>> -> memref<320x16xf32, #tpu.memory_space<vmem>>
        tpu.wait_dma2 semaphore(%run_scoped3A_656 : memref<!tpu.dma_semaphore, #tpu.memory_space<semaphore_mem>>) src(%dma_wait3A_680 : memref<320x16xf32, #tpu.memory_space<vmem>>) dst(%dma_wait3A_676 : memref<320x16xf32, #tpu.memory_space<hbm>>)
        tpu.yield
      }) : () -> ()
    } else {
    }
    %eq3A_442 = arith.constant 1 : i32
    %eq3A_443 = arith.cmpi eq, %arg0, %eq3A_442 : i32
    %convert_element_type3A_444 = arith.extui %eq3A_443 : i1 to i32
    %cond3A_445 = arith.constant 0 : i32
    %cond3A_446 = arith.cmpi ne, %convert_element_type3A_444, %cond3A_445 : i32
    scf.if %cond3A_446 {
      %run_scoped3A_655 = arith.constant 0 : i32
      "tpu.region"() ({
        %run_scoped3A_656 = tpu.sem_alloc : memref<!tpu.dma_semaphore, #tpu.memory_space<semaphore_mem>>
        %dma_start3A_657 = arith.constant 0 : i32
        %dma_start3A_658 = arith.constant 0 : i32
        %dma_start3A_659 = tpu.memref_slice %arg10[%run_scoped3A_655, %dma_start3A_657, %dma_start3A_658] : memref<2x512x16xf32, #tpu.memory_space<vmem>> -> memref<1x320x16xf32, #tpu.memory_space<vmem>>
        %dma_start3A_660 = tpu.memref_squeeze %dma_start3A_659 : memref<1x320x16xf32, #tpu.memory_space<vmem>> -> memref<320x16xf32, #tpu.memory_space<vmem>>
        %dma_start3A_661 = arith.constant 0 : i32
        %dma_start3A_662 = tpu.memref_slice %arg7[%add3A_435, %dma_start3A_661] : memref<100000x16xf32, #tpu.memory_space<hbm>> -> memref<320x16xf32, #tpu.memory_space<hbm>>
        %dma_start3A_663 = arith.constant 0 : i32
        %dma_start3A_664 = tpu.memref_slice %arg7[%add3A_435, %dma_start3A_663] : memref<100000x16xf32, #tpu.memory_space<hbm>> -> memref<320x16xf32, #tpu.memory_space<hbm>>
        %dma_start3A_665 = arith.constant 0 : i32
        %dma_start3A_666 = arith.constant 0 : i32
        %dma_start3A_667 = tpu.memref_slice %arg10[%run_scoped3A_655, %dma_start3A_665, %dma_start3A_666] : memref<2x512x16xf32, #tpu.memory_space<vmem>> -> memref<1x320x16xf32, #tpu.memory_space<vmem>>
        %dma_start3A_668 = tpu.memref_squeeze %dma_start3A_667 : memref<1x320x16xf32, #tpu.memory_space<vmem>> -> memref<320x16xf32, #tpu.memory_space<vmem>>
        tpu.enqueue_dma source(%dma_start3A_668 : memref<320x16xf32, #tpu.memory_space<vmem>>) target(%dma_start3A_664 : memref<320x16xf32, #tpu.memory_space<hbm>>) target_semaphore(%run_scoped3A_656 : memref<!tpu.dma_semaphore, #tpu.memory_space<semaphore_mem>>)
        %dma_wait3A_669 = arith.constant 0 : i32
        %dma_wait3A_670 = arith.constant 0 : i32
        %dma_wait3A_671 = tpu.memref_slice %arg10[%run_scoped3A_655, %dma_wait3A_669, %dma_wait3A_670] : memref<2x512x16xf32, #tpu.memory_space<vmem>> -> memref<1x320x16xf32, #tpu.memory_space<vmem>>
        %dma_wait3A_672 = tpu.memref_squeeze %dma_wait3A_671 : memref<1x320x16xf32, #tpu.memory_space<vmem>> -> memref<320x16xf32, #tpu.memory_space<vmem>>
        %dma_wait3A_673 = arith.constant 0 : i32
        %dma_wait3A_674 = tpu.memref_slice %arg7[%add3A_435, %dma_wait3A_673] : memref<100000x16xf32, #tpu.memory_space<hbm>> -> memref<320x16xf32, #tpu.memory_space<hbm>>
        %dma_wait3A_675 = arith.constant 0 : i32
        %dma_wait3A_676 = tpu.memref_slice %arg7[%add3A_435, %dma_wait3A_675] : memref<100000x16xf32, #tpu.memory_space<hbm>> -> memref<320x16xf32, #tpu.memory_space<hbm>>
        %dma_wait3A_677 = arith.constant 0 : i32
        %dma_wait3A_678 = arith.constant 0 : i32
        %dma_wait3A_679 = tpu.memref_slice %arg10[%run_scoped3A_655, %dma_wait3A_677, %dma_wait3A_678] : memref<2x512x16xf32, #tpu.memory_space<vmem>> -> memref<1x320x16xf32, #tpu.memory_space<vmem>>
        %dma_wait3A_680 = tpu.memref_squeeze %dma_wait3A_679 : memref<1x320x16xf32, #tpu.memory_space<vmem>> -> memref<320x16xf32, #tpu.memory_space<vmem>>
        tpu.wait_dma2 semaphore(%run_scoped3A_656 : memref<!tpu.dma_semaphore, #tpu.memory_space<semaphore_mem>>) src(%dma_wait3A_680 : memref<320x16xf32, #tpu.memory_space<vmem>>) dst(%dma_wait3A_676 : memref<320x16xf32, #tpu.memory_space<hbm>>)
        tpu.yield
      }) : () -> ()
    } else {
    }
    %add3A_447 = arith.constant 1280 : i32
    %add3A_448 = arith.addi %mul3A_0, %add3A_447 : i32
    %run_scoped3A_449 = arith.constant 0 : i32
    "tpu.region"() ({
      %run_scoped3A_655 = tpu.sem_alloc : memref<!tpu.dma_semaphore, #tpu.memory_space<semaphore_mem>>
      %dma_start3A_656 = arith.constant 0 : i32
      %dma_start3A_657 = arith.constant 0 : i32
      %dma_start3A_658 = tpu.memref_slice %arg10[%run_scoped3A_449, %dma_start3A_656, %dma_start3A_657] : memref<2x512x16xf32, #tpu.memory_space<vmem>> -> memref<1x320x16xf32, #tpu.memory_space<vmem>>
      %dma_start3A_659 = tpu.memref_squeeze %dma_start3A_658 : memref<1x320x16xf32, #tpu.memory_space<vmem>> -> memref<320x16xf32, #tpu.memory_space<vmem>>
      %dma_start3A_660 = arith.constant 0 : i32
      %dma_start3A_661 = tpu.memref_slice %arg8[%add3A_448, %dma_start3A_660] : memref<100008x16xf32, #tpu.memory_space<vmem_shared>> -> memref<320x16xf32, #tpu.memory_space<vmem_shared>>
      %dma_start3A_662 = arith.constant 0 : i32
      %dma_start3A_663 = arith.constant 0 : i32
      %dma_start3A_664 = tpu.memref_slice %arg10[%run_scoped3A_449, %dma_start3A_662, %dma_start3A_663] : memref<2x512x16xf32, #tpu.memory_space<vmem>> -> memref<1x320x16xf32, #tpu.memory_space<vmem>>
      %dma_start3A_665 = tpu.memref_squeeze %dma_start3A_664 : memref<1x320x16xf32, #tpu.memory_space<vmem>> -> memref<320x16xf32, #tpu.memory_space<vmem>>
      %dma_start3A_666 = arith.constant 0 : i32
      %dma_start3A_667 = tpu.memref_slice %arg8[%add3A_448, %dma_start3A_666] : memref<100008x16xf32, #tpu.memory_space<vmem_shared>> -> memref<320x16xf32, #tpu.memory_space<vmem_shared>>
      tpu.enqueue_dma source(%dma_start3A_667 : memref<320x16xf32, #tpu.memory_space<vmem_shared>>) target(%dma_start3A_665 : memref<320x16xf32, #tpu.memory_space<vmem>>) target_semaphore(%run_scoped3A_655 : memref<!tpu.dma_semaphore, #tpu.memory_space<semaphore_mem>>)
      %dma_wait3A_668 = arith.constant 0 : i32
      %dma_wait3A_669 = arith.constant 0 : i32
      %dma_wait3A_670 = tpu.memref_slice %arg10[%run_scoped3A_449, %dma_wait3A_668, %dma_wait3A_669] : memref<2x512x16xf32, #tpu.memory_space<vmem>> -> memref<1x320x16xf32, #tpu.memory_space<vmem>>
      %dma_wait3A_671 = tpu.memref_squeeze %dma_wait3A_670 : memref<1x320x16xf32, #tpu.memory_space<vmem>> -> memref<320x16xf32, #tpu.memory_space<vmem>>
      %dma_wait3A_672 = arith.constant 0 : i32
      %dma_wait3A_673 = tpu.memref_slice %arg8[%add3A_448, %dma_wait3A_672] : memref<100008x16xf32, #tpu.memory_space<vmem_shared>> -> memref<320x16xf32, #tpu.memory_space<vmem_shared>>
      %dma_wait3A_674 = arith.constant 0 : i32
      %dma_wait3A_675 = arith.constant 0 : i32
      %dma_wait3A_676 = tpu.memref_slice %arg10[%run_scoped3A_449, %dma_wait3A_674, %dma_wait3A_675] : memref<2x512x16xf32, #tpu.memory_space<vmem>> -> memref<1x320x16xf32, #tpu.memory_space<vmem>>
      %dma_wait3A_677 = tpu.memref_squeeze %dma_wait3A_676 : memref<1x320x16xf32, #tpu.memory_space<vmem>> -> memref<320x16xf32, #tpu.memory_space<vmem>>
      %dma_wait3A_678 = arith.constant 0 : i32
      %dma_wait3A_679 = tpu.memref_slice %arg8[%add3A_448, %dma_wait3A_678] : memref<100008x16xf32, #tpu.memory_space<vmem_shared>> -> memref<320x16xf32, #tpu.memory_space<vmem_shared>>
      tpu.wait_dma2 semaphore(%run_scoped3A_655 : memref<!tpu.dma_semaphore, #tpu.memory_space<semaphore_mem>>) src(%dma_wait3A_679 : memref<320x16xf32, #tpu.memory_space<vmem_shared>>) dst(%dma_wait3A_677 : memref<320x16xf32, #tpu.memory_space<vmem>>)
      tpu.yield
    }) : () -> ()
    %eq3A_450 = arith.constant 0 : i32
    %eq3A_451 = arith.cmpi eq, %arg0, %eq3A_450 : i32
    %convert_element_type3A_452 = arith.extui %eq3A_451 : i1 to i32
    %cond3A_453 = arith.constant 0 : i32
    %cond3A_454 = arith.cmpi ne, %convert_element_type3A_452, %cond3A_453 : i32
    scf.if %cond3A_454 {
      %run_scoped3A_655 = arith.constant 0 : i32
      "tpu.region"() ({
        %run_scoped3A_656 = tpu.sem_alloc : memref<!tpu.dma_semaphore, #tpu.memory_space<semaphore_mem>>
        %dma_start3A_657 = arith.constant 0 : i32
        %dma_start3A_658 = arith.constant 0 : i32
        %dma_start3A_659 = tpu.memref_slice %arg10[%run_scoped3A_655, %dma_start3A_657, %dma_start3A_658] : memref<2x512x16xf32, #tpu.memory_space<vmem>> -> memref<1x320x16xf32, #tpu.memory_space<vmem>>
        %dma_start3A_660 = tpu.memref_squeeze %dma_start3A_659 : memref<1x320x16xf32, #tpu.memory_space<vmem>> -> memref<320x16xf32, #tpu.memory_space<vmem>>
        %dma_start3A_661 = arith.constant 0 : i32
        %dma_start3A_662 = tpu.memref_slice %arg6[%add3A_448, %dma_start3A_661] : memref<100000x16xf32, #tpu.memory_space<hbm>> -> memref<320x16xf32, #tpu.memory_space<hbm>>
        %dma_start3A_663 = arith.constant 0 : i32
        %dma_start3A_664 = tpu.memref_slice %arg6[%add3A_448, %dma_start3A_663] : memref<100000x16xf32, #tpu.memory_space<hbm>> -> memref<320x16xf32, #tpu.memory_space<hbm>>
        %dma_start3A_665 = arith.constant 0 : i32
        %dma_start3A_666 = arith.constant 0 : i32
        %dma_start3A_667 = tpu.memref_slice %arg10[%run_scoped3A_655, %dma_start3A_665, %dma_start3A_666] : memref<2x512x16xf32, #tpu.memory_space<vmem>> -> memref<1x320x16xf32, #tpu.memory_space<vmem>>
        %dma_start3A_668 = tpu.memref_squeeze %dma_start3A_667 : memref<1x320x16xf32, #tpu.memory_space<vmem>> -> memref<320x16xf32, #tpu.memory_space<vmem>>
        tpu.enqueue_dma source(%dma_start3A_668 : memref<320x16xf32, #tpu.memory_space<vmem>>) target(%dma_start3A_664 : memref<320x16xf32, #tpu.memory_space<hbm>>) target_semaphore(%run_scoped3A_656 : memref<!tpu.dma_semaphore, #tpu.memory_space<semaphore_mem>>)
        %dma_wait3A_669 = arith.constant 0 : i32
        %dma_wait3A_670 = arith.constant 0 : i32
        %dma_wait3A_671 = tpu.memref_slice %arg10[%run_scoped3A_655, %dma_wait3A_669, %dma_wait3A_670] : memref<2x512x16xf32, #tpu.memory_space<vmem>> -> memref<1x320x16xf32, #tpu.memory_space<vmem>>
        %dma_wait3A_672 = tpu.memref_squeeze %dma_wait3A_671 : memref<1x320x16xf32, #tpu.memory_space<vmem>> -> memref<320x16xf32, #tpu.memory_space<vmem>>
        %dma_wait3A_673 = arith.constant 0 : i32
        %dma_wait3A_674 = tpu.memref_slice %arg6[%add3A_448, %dma_wait3A_673] : memref<100000x16xf32, #tpu.memory_space<hbm>> -> memref<320x16xf32, #tpu.memory_space<hbm>>
        %dma_wait3A_675 = arith.constant 0 : i32
        %dma_wait3A_676 = tpu.memref_slice %arg6[%add3A_448, %dma_wait3A_675] : memref<100000x16xf32, #tpu.memory_space<hbm>> -> memref<320x16xf32, #tpu.memory_space<hbm>>
        %dma_wait3A_677 = arith.constant 0 : i32
        %dma_wait3A_678 = arith.constant 0 : i32
        %dma_wait3A_679 = tpu.memref_slice %arg10[%run_scoped3A_655, %dma_wait3A_677, %dma_wait3A_678] : memref<2x512x16xf32, #tpu.memory_space<vmem>> -> memref<1x320x16xf32, #tpu.memory_space<vmem>>
        %dma_wait3A_680 = tpu.memref_squeeze %dma_wait3A_679 : memref<1x320x16xf32, #tpu.memory_space<vmem>> -> memref<320x16xf32, #tpu.memory_space<vmem>>
        tpu.wait_dma2 semaphore(%run_scoped3A_656 : memref<!tpu.dma_semaphore, #tpu.memory_space<semaphore_mem>>) src(%dma_wait3A_680 : memref<320x16xf32, #tpu.memory_space<vmem>>) dst(%dma_wait3A_676 : memref<320x16xf32, #tpu.memory_space<hbm>>)
        tpu.yield
      }) : () -> ()
    } else {
    }
    %eq3A_455 = arith.constant 1 : i32
    %eq3A_456 = arith.cmpi eq, %arg0, %eq3A_455 : i32
    %convert_element_type3A_457 = arith.extui %eq3A_456 : i1 to i32
    %cond3A_458 = arith.constant 0 : i32
    %cond3A_459 = arith.cmpi ne, %convert_element_type3A_457, %cond3A_458 : i32
    scf.if %cond3A_459 {
      %run_scoped3A_655 = arith.constant 0 : i32
      "tpu.region"() ({
        %run_scoped3A_656 = tpu.sem_alloc : memref<!tpu.dma_semaphore, #tpu.memory_space<semaphore_mem>>
        %dma_start3A_657 = arith.constant 0 : i32
        %dma_start3A_658 = arith.constant 0 : i32
        %dma_start3A_659 = tpu.memref_slice %arg10[%run_scoped3A_655, %dma_start3A_657, %dma_start3A_658] : memref<2x512x16xf32, #tpu.memory_space<vmem>> -> memref<1x320x16xf32, #tpu.memory_space<vmem>>
        %dma_start3A_660 = tpu.memref_squeeze %dma_start3A_659 : memref<1x320x16xf32, #tpu.memory_space<vmem>> -> memref<320x16xf32, #tpu.memory_space<vmem>>
        %dma_start3A_661 = arith.constant 0 : i32
        %dma_start3A_662 = tpu.memref_slice %arg7[%add3A_448, %dma_start3A_661] : memref<100000x16xf32, #tpu.memory_space<hbm>> -> memref<320x16xf32, #tpu.memory_space<hbm>>
        %dma_start3A_663 = arith.constant 0 : i32
        %dma_start3A_664 = tpu.memref_slice %arg7[%add3A_448, %dma_start3A_663] : memref<100000x16xf32, #tpu.memory_space<hbm>> -> memref<320x16xf32, #tpu.memory_space<hbm>>
        %dma_start3A_665 = arith.constant 0 : i32
        %dma_start3A_666 = arith.constant 0 : i32
        %dma_start3A_667 = tpu.memref_slice %arg10[%run_scoped3A_655, %dma_start3A_665, %dma_start3A_666] : memref<2x512x16xf32, #tpu.memory_space<vmem>> -> memref<1x320x16xf32, #tpu.memory_space<vmem>>
        %dma_start3A_668 = tpu.memref_squeeze %dma_start3A_667 : memref<1x320x16xf32, #tpu.memory_space<vmem>> -> memref<320x16xf32, #tpu.memory_space<vmem>>
        tpu.enqueue_dma source(%dma_start3A_668 : memref<320x16xf32, #tpu.memory_space<vmem>>) target(%dma_start3A_664 : memref<320x16xf32, #tpu.memory_space<hbm>>) target_semaphore(%run_scoped3A_656 : memref<!tpu.dma_semaphore, #tpu.memory_space<semaphore_mem>>)
        %dma_wait3A_669 = arith.constant 0 : i32
        %dma_wait3A_670 = arith.constant 0 : i32
        %dma_wait3A_671 = tpu.memref_slice %arg10[%run_scoped3A_655, %dma_wait3A_669, %dma_wait3A_670] : memref<2x512x16xf32, #tpu.memory_space<vmem>> -> memref<1x320x16xf32, #tpu.memory_space<vmem>>
        %dma_wait3A_672 = tpu.memref_squeeze %dma_wait3A_671 : memref<1x320x16xf32, #tpu.memory_space<vmem>> -> memref<320x16xf32, #tpu.memory_space<vmem>>
        %dma_wait3A_673 = arith.constant 0 : i32
        %dma_wait3A_674 = tpu.memref_slice %arg7[%add3A_448, %dma_wait3A_673] : memref<100000x16xf32, #tpu.memory_space<hbm>> -> memref<320x16xf32, #tpu.memory_space<hbm>>
        %dma_wait3A_675 = arith.constant 0 : i32
        %dma_wait3A_676 = tpu.memref_slice %arg7[%add3A_448, %dma_wait3A_675] : memref<100000x16xf32, #tpu.memory_space<hbm>> -> memref<320x16xf32, #tpu.memory_space<hbm>>
        %dma_wait3A_677 = arith.constant 0 : i32
        %dma_wait3A_678 = arith.constant 0 : i32
        %dma_wait3A_679 = tpu.memref_slice %arg10[%run_scoped3A_655, %dma_wait3A_677, %dma_wait3A_678] : memref<2x512x16xf32, #tpu.memory_space<vmem>> -> memref<1x320x16xf32, #tpu.memory_space<vmem>>
        %dma_wait3A_680 = tpu.memref_squeeze %dma_wait3A_679 : memref<1x320x16xf32, #tpu.memory_space<vmem>> -> memref<320x16xf32, #tpu.memory_space<vmem>>
        tpu.wait_dma2 semaphore(%run_scoped3A_656 : memref<!tpu.dma_semaphore, #tpu.memory_space<semaphore_mem>>) src(%dma_wait3A_680 : memref<320x16xf32, #tpu.memory_space<vmem>>) dst(%dma_wait3A_676 : memref<320x16xf32, #tpu.memory_space<hbm>>)
        tpu.yield
      }) : () -> ()
    } else {
    }
    %add3A_460 = arith.constant 1600 : i32
    %add3A_461 = arith.addi %mul3A_0, %add3A_460 : i32
    %run_scoped3A_462 = arith.constant 0 : i32
    "tpu.region"() ({
      %run_scoped3A_655 = tpu.sem_alloc : memref<!tpu.dma_semaphore, #tpu.memory_space<semaphore_mem>>
      %dma_start3A_656 = arith.constant 0 : i32
      %dma_start3A_657 = arith.constant 0 : i32
      %dma_start3A_658 = tpu.memref_slice %arg10[%run_scoped3A_462, %dma_start3A_656, %dma_start3A_657] : memref<2x512x16xf32, #tpu.memory_space<vmem>> -> memref<1x320x16xf32, #tpu.memory_space<vmem>>
      %dma_start3A_659 = tpu.memref_squeeze %dma_start3A_658 : memref<1x320x16xf32, #tpu.memory_space<vmem>> -> memref<320x16xf32, #tpu.memory_space<vmem>>
      %dma_start3A_660 = arith.constant 0 : i32
      %dma_start3A_661 = tpu.memref_slice %arg8[%add3A_461, %dma_start3A_660] : memref<100008x16xf32, #tpu.memory_space<vmem_shared>> -> memref<320x16xf32, #tpu.memory_space<vmem_shared>>
      %dma_start3A_662 = arith.constant 0 : i32
      %dma_start3A_663 = arith.constant 0 : i32
      %dma_start3A_664 = tpu.memref_slice %arg10[%run_scoped3A_462, %dma_start3A_662, %dma_start3A_663] : memref<2x512x16xf32, #tpu.memory_space<vmem>> -> memref<1x320x16xf32, #tpu.memory_space<vmem>>
      %dma_start3A_665 = tpu.memref_squeeze %dma_start3A_664 : memref<1x320x16xf32, #tpu.memory_space<vmem>> -> memref<320x16xf32, #tpu.memory_space<vmem>>
      %dma_start3A_666 = arith.constant 0 : i32
      %dma_start3A_667 = tpu.memref_slice %arg8[%add3A_461, %dma_start3A_666] : memref<100008x16xf32, #tpu.memory_space<vmem_shared>> -> memref<320x16xf32, #tpu.memory_space<vmem_shared>>
      tpu.enqueue_dma source(%dma_start3A_667 : memref<320x16xf32, #tpu.memory_space<vmem_shared>>) target(%dma_start3A_665 : memref<320x16xf32, #tpu.memory_space<vmem>>) target_semaphore(%run_scoped3A_655 : memref<!tpu.dma_semaphore, #tpu.memory_space<semaphore_mem>>)
      %dma_wait3A_668 = arith.constant 0 : i32
      %dma_wait3A_669 = arith.constant 0 : i32
      %dma_wait3A_670 = tpu.memref_slice %arg10[%run_scoped3A_462, %dma_wait3A_668, %dma_wait3A_669] : memref<2x512x16xf32, #tpu.memory_space<vmem>> -> memref<1x320x16xf32, #tpu.memory_space<vmem>>
      %dma_wait3A_671 = tpu.memref_squeeze %dma_wait3A_670 : memref<1x320x16xf32, #tpu.memory_space<vmem>> -> memref<320x16xf32, #tpu.memory_space<vmem>>
      %dma_wait3A_672 = arith.constant 0 : i32
      %dma_wait3A_673 = tpu.memref_slice %arg8[%add3A_461, %dma_wait3A_672] : memref<100008x16xf32, #tpu.memory_space<vmem_shared>> -> memref<320x16xf32, #tpu.memory_space<vmem_shared>>
      %dma_wait3A_674 = arith.constant 0 : i32
      %dma_wait3A_675 = arith.constant 0 : i32
      %dma_wait3A_676 = tpu.memref_slice %arg10[%run_scoped3A_462, %dma_wait3A_674, %dma_wait3A_675] : memref<2x512x16xf32, #tpu.memory_space<vmem>> -> memref<1x320x16xf32, #tpu.memory_space<vmem>>
      %dma_wait3A_677 = tpu.memref_squeeze %dma_wait3A_676 : memref<1x320x16xf32, #tpu.memory_space<vmem>> -> memref<320x16xf32, #tpu.memory_space<vmem>>
      %dma_wait3A_678 = arith.constant 0 : i32
      %dma_wait3A_679 = tpu.memref_slice %arg8[%add3A_461, %dma_wait3A_678] : memref<100008x16xf32, #tpu.memory_space<vmem_shared>> -> memref<320x16xf32, #tpu.memory_space<vmem_shared>>
      tpu.wait_dma2 semaphore(%run_scoped3A_655 : memref<!tpu.dma_semaphore, #tpu.memory_space<semaphore_mem>>) src(%dma_wait3A_679 : memref<320x16xf32, #tpu.memory_space<vmem_shared>>) dst(%dma_wait3A_677 : memref<320x16xf32, #tpu.memory_space<vmem>>)
      tpu.yield
    }) : () -> ()
    %eq3A_463 = arith.constant 0 : i32
    %eq3A_464 = arith.cmpi eq, %arg0, %eq3A_463 : i32
    %convert_element_type3A_465 = arith.extui %eq3A_464 : i1 to i32
    %cond3A_466 = arith.constant 0 : i32
    %cond3A_467 = arith.cmpi ne, %convert_element_type3A_465, %cond3A_466 : i32
    scf.if %cond3A_467 {
      %run_scoped3A_655 = arith.constant 0 : i32
      "tpu.region"() ({
        %run_scoped3A_656 = tpu.sem_alloc : memref<!tpu.dma_semaphore, #tpu.memory_space<semaphore_mem>>
        %dma_start3A_657 = arith.constant 0 : i32
        %dma_start3A_658 = arith.constant 0 : i32
        %dma_start3A_659 = tpu.memref_slice %arg10[%run_scoped3A_655, %dma_start3A_657, %dma_start3A_658] : memref<2x512x16xf32, #tpu.memory_space<vmem>> -> memref<1x320x16xf32, #tpu.memory_space<vmem>>
        %dma_start3A_660 = tpu.memref_squeeze %dma_start3A_659 : memref<1x320x16xf32, #tpu.memory_space<vmem>> -> memref<320x16xf32, #tpu.memory_space<vmem>>
        %dma_start3A_661 = arith.constant 0 : i32
        %dma_start3A_662 = tpu.memref_slice %arg6[%add3A_461, %dma_start3A_661] : memref<100000x16xf32, #tpu.memory_space<hbm>> -> memref<320x16xf32, #tpu.memory_space<hbm>>
        %dma_start3A_663 = arith.constant 0 : i32
        %dma_start3A_664 = tpu.memref_slice %arg6[%add3A_461, %dma_start3A_663] : memref<100000x16xf32, #tpu.memory_space<hbm>> -> memref<320x16xf32, #tpu.memory_space<hbm>>
        %dma_start3A_665 = arith.constant 0 : i32
        %dma_start3A_666 = arith.constant 0 : i32
        %dma_start3A_667 = tpu.memref_slice %arg10[%run_scoped3A_655, %dma_start3A_665, %dma_start3A_666] : memref<2x512x16xf32, #tpu.memory_space<vmem>> -> memref<1x320x16xf32, #tpu.memory_space<vmem>>
        %dma_start3A_668 = tpu.memref_squeeze %dma_start3A_667 : memref<1x320x16xf32, #tpu.memory_space<vmem>> -> memref<320x16xf32, #tpu.memory_space<vmem>>
        tpu.enqueue_dma source(%dma_start3A_668 : memref<320x16xf32, #tpu.memory_space<vmem>>) target(%dma_start3A_664 : memref<320x16xf32, #tpu.memory_space<hbm>>) target_semaphore(%run_scoped3A_656 : memref<!tpu.dma_semaphore, #tpu.memory_space<semaphore_mem>>)
        %dma_wait3A_669 = arith.constant 0 : i32
        %dma_wait3A_670 = arith.constant 0 : i32
        %dma_wait3A_671 = tpu.memref_slice %arg10[%run_scoped3A_655, %dma_wait3A_669, %dma_wait3A_670] : memref<2x512x16xf32, #tpu.memory_space<vmem>> -> memref<1x320x16xf32, #tpu.memory_space<vmem>>
        %dma_wait3A_672 = tpu.memref_squeeze %dma_wait3A_671 : memref<1x320x16xf32, #tpu.memory_space<vmem>> -> memref<320x16xf32, #tpu.memory_space<vmem>>
        %dma_wait3A_673 = arith.constant 0 : i32
        %dma_wait3A_674 = tpu.memref_slice %arg6[%add3A_461, %dma_wait3A_673] : memref<100000x16xf32, #tpu.memory_space<hbm>> -> memref<320x16xf32, #tpu.memory_space<hbm>>
        %dma_wait3A_675 = arith.constant 0 : i32
        %dma_wait3A_676 = tpu.memref_slice %arg6[%add3A_461, %dma_wait3A_675] : memref<100000x16xf32, #tpu.memory_space<hbm>> -> memref<320x16xf32, #tpu.memory_space<hbm>>
        %dma_wait3A_677 = arith.constant 0 : i32
        %dma_wait3A_678 = arith.constant 0 : i32
        %dma_wait3A_679 = tpu.memref_slice %arg10[%run_scoped3A_655, %dma_wait3A_677, %dma_wait3A_678] : memref<2x512x16xf32, #tpu.memory_space<vmem>> -> memref<1x320x16xf32, #tpu.memory_space<vmem>>
        %dma_wait3A_680 = tpu.memref_squeeze %dma_wait3A_679 : memref<1x320x16xf32, #tpu.memory_space<vmem>> -> memref<320x16xf32, #tpu.memory_space<vmem>>
        tpu.wait_dma2 semaphore(%run_scoped3A_656 : memref<!tpu.dma_semaphore, #tpu.memory_space<semaphore_mem>>) src(%dma_wait3A_680 : memref<320x16xf32, #tpu.memory_space<vmem>>) dst(%dma_wait3A_676 : memref<320x16xf32, #tpu.memory_space<hbm>>)
        tpu.yield
      }) : () -> ()
    } else {
    }
    %eq3A_468 = arith.constant 1 : i32
    %eq3A_469 = arith.cmpi eq, %arg0, %eq3A_468 : i32
    %convert_element_type3A_470 = arith.extui %eq3A_469 : i1 to i32
    %cond3A_471 = arith.constant 0 : i32
    %cond3A_472 = arith.cmpi ne, %convert_element_type3A_470, %cond3A_471 : i32
    scf.if %cond3A_472 {
      %run_scoped3A_655 = arith.constant 0 : i32
      "tpu.region"() ({
        %run_scoped3A_656 = tpu.sem_alloc : memref<!tpu.dma_semaphore, #tpu.memory_space<semaphore_mem>>
        %dma_start3A_657 = arith.constant 0 : i32
        %dma_start3A_658 = arith.constant 0 : i32
        %dma_start3A_659 = tpu.memref_slice %arg10[%run_scoped3A_655, %dma_start3A_657, %dma_start3A_658] : memref<2x512x16xf32, #tpu.memory_space<vmem>> -> memref<1x320x16xf32, #tpu.memory_space<vmem>>
        %dma_start3A_660 = tpu.memref_squeeze %dma_start3A_659 : memref<1x320x16xf32, #tpu.memory_space<vmem>> -> memref<320x16xf32, #tpu.memory_space<vmem>>
        %dma_start3A_661 = arith.constant 0 : i32
        %dma_start3A_662 = tpu.memref_slice %arg7[%add3A_461, %dma_start3A_661] : memref<100000x16xf32, #tpu.memory_space<hbm>> -> memref<320x16xf32, #tpu.memory_space<hbm>>
        %dma_start3A_663 = arith.constant 0 : i32
        %dma_start3A_664 = tpu.memref_slice %arg7[%add3A_461, %dma_start3A_663] : memref<100000x16xf32, #tpu.memory_space<hbm>> -> memref<320x16xf32, #tpu.memory_space<hbm>>
        %dma_start3A_665 = arith.constant 0 : i32
        %dma_start3A_666 = arith.constant 0 : i32
        %dma_start3A_667 = tpu.memref_slice %arg10[%run_scoped3A_655, %dma_start3A_665, %dma_start3A_666] : memref<2x512x16xf32, #tpu.memory_space<vmem>> -> memref<1x320x16xf32, #tpu.memory_space<vmem>>
        %dma_start3A_668 = tpu.memref_squeeze %dma_start3A_667 : memref<1x320x16xf32, #tpu.memory_space<vmem>> -> memref<320x16xf32, #tpu.memory_space<vmem>>
        tpu.enqueue_dma source(%dma_start3A_668 : memref<320x16xf32, #tpu.memory_space<vmem>>) target(%dma_start3A_664 : memref<320x16xf32, #tpu.memory_space<hbm>>) target_semaphore(%run_scoped3A_656 : memref<!tpu.dma_semaphore, #tpu.memory_space<semaphore_mem>>)
        %dma_wait3A_669 = arith.constant 0 : i32
        %dma_wait3A_670 = arith.constant 0 : i32
        %dma_wait3A_671 = tpu.memref_slice %arg10[%run_scoped3A_655, %dma_wait3A_669, %dma_wait3A_670] : memref<2x512x16xf32, #tpu.memory_space<vmem>> -> memref<1x320x16xf32, #tpu.memory_space<vmem>>
        %dma_wait3A_672 = tpu.memref_squeeze %dma_wait3A_671 : memref<1x320x16xf32, #tpu.memory_space<vmem>> -> memref<320x16xf32, #tpu.memory_space<vmem>>
        %dma_wait3A_673 = arith.constant 0 : i32
        %dma_wait3A_674 = tpu.memref_slice %arg7[%add3A_461, %dma_wait3A_673] : memref<100000x16xf32, #tpu.memory_space<hbm>> -> memref<320x16xf32, #tpu.memory_space<hbm>>
        %dma_wait3A_675 = arith.constant 0 : i32
        %dma_wait3A_676 = tpu.memref_slice %arg7[%add3A_461, %dma_wait3A_675] : memref<100000x16xf32, #tpu.memory_space<hbm>> -> memref<320x16xf32, #tpu.memory_space<hbm>>
        %dma_wait3A_677 = arith.constant 0 : i32
        %dma_wait3A_678 = arith.constant 0 : i32
        %dma_wait3A_679 = tpu.memref_slice %arg10[%run_scoped3A_655, %dma_wait3A_677, %dma_wait3A_678] : memref<2x512x16xf32, #tpu.memory_space<vmem>> -> memref<1x320x16xf32, #tpu.memory_space<vmem>>
        %dma_wait3A_680 = tpu.memref_squeeze %dma_wait3A_679 : memref<1x320x16xf32, #tpu.memory_space<vmem>> -> memref<320x16xf32, #tpu.memory_space<vmem>>
        tpu.wait_dma2 semaphore(%run_scoped3A_656 : memref<!tpu.dma_semaphore, #tpu.memory_space<semaphore_mem>>) src(%dma_wait3A_680 : memref<320x16xf32, #tpu.memory_space<vmem>>) dst(%dma_wait3A_676 : memref<320x16xf32, #tpu.memory_space<hbm>>)
        tpu.yield
      }) : () -> ()
    } else {
    }
    %add3A_473 = arith.constant 1920 : i32
    %add3A_474 = arith.addi %mul3A_0, %add3A_473 : i32
    %run_scoped3A_475 = arith.constant 0 : i32
    "tpu.region"() ({
      %run_scoped3A_655 = tpu.sem_alloc : memref<!tpu.dma_semaphore, #tpu.memory_space<semaphore_mem>>
      %dma_start3A_656 = arith.constant 0 : i32
      %dma_start3A_657 = arith.constant 0 : i32
      %dma_start3A_658 = tpu.memref_slice %arg10[%run_scoped3A_475, %dma_start3A_656, %dma_start3A_657] : memref<2x512x16xf32, #tpu.memory_space<vmem>> -> memref<1x320x16xf32, #tpu.memory_space<vmem>>
      %dma_start3A_659 = tpu.memref_squeeze %dma_start3A_658 : memref<1x320x16xf32, #tpu.memory_space<vmem>> -> memref<320x16xf32, #tpu.memory_space<vmem>>
      %dma_start3A_660 = arith.constant 0 : i32
      %dma_start3A_661 = tpu.memref_slice %arg8[%add3A_474, %dma_start3A_660] : memref<100008x16xf32, #tpu.memory_space<vmem_shared>> -> memref<320x16xf32, #tpu.memory_space<vmem_shared>>
      %dma_start3A_662 = arith.constant 0 : i32
      %dma_start3A_663 = arith.constant 0 : i32
      %dma_start3A_664 = tpu.memref_slice %arg10[%run_scoped3A_475, %dma_start3A_662, %dma_start3A_663] : memref<2x512x16xf32, #tpu.memory_space<vmem>> -> memref<1x320x16xf32, #tpu.memory_space<vmem>>
      %dma_start3A_665 = tpu.memref_squeeze %dma_start3A_664 : memref<1x320x16xf32, #tpu.memory_space<vmem>> -> memref<320x16xf32, #tpu.memory_space<vmem>>
      %dma_start3A_666 = arith.constant 0 : i32
      %dma_start3A_667 = tpu.memref_slice %arg8[%add3A_474, %dma_start3A_666] : memref<100008x16xf32, #tpu.memory_space<vmem_shared>> -> memref<320x16xf32, #tpu.memory_space<vmem_shared>>
      tpu.enqueue_dma source(%dma_start3A_667 : memref<320x16xf32, #tpu.memory_space<vmem_shared>>) target(%dma_start3A_665 : memref<320x16xf32, #tpu.memory_space<vmem>>) target_semaphore(%run_scoped3A_655 : memref<!tpu.dma_semaphore, #tpu.memory_space<semaphore_mem>>)
      %dma_wait3A_668 = arith.constant 0 : i32
      %dma_wait3A_669 = arith.constant 0 : i32
      %dma_wait3A_670 = tpu.memref_slice %arg10[%run_scoped3A_475, %dma_wait3A_668, %dma_wait3A_669] : memref<2x512x16xf32, #tpu.memory_space<vmem>> -> memref<1x320x16xf32, #tpu.memory_space<vmem>>
      %dma_wait3A_671 = tpu.memref_squeeze %dma_wait3A_670 : memref<1x320x16xf32, #tpu.memory_space<vmem>> -> memref<320x16xf32, #tpu.memory_space<vmem>>
      %dma_wait3A_672 = arith.constant 0 : i32
      %dma_wait3A_673 = tpu.memref_slice %arg8[%add3A_474, %dma_wait3A_672] : memref<100008x16xf32, #tpu.memory_space<vmem_shared>> -> memref<320x16xf32, #tpu.memory_space<vmem_shared>>
      %dma_wait3A_674 = arith.constant 0 : i32
      %dma_wait3A_675 = arith.constant 0 : i32
      %dma_wait3A_676 = tpu.memref_slice %arg10[%run_scoped3A_475, %dma_wait3A_674, %dma_wait3A_675] : memref<2x512x16xf32, #tpu.memory_space<vmem>> -> memref<1x320x16xf32, #tpu.memory_space<vmem>>
      %dma_wait3A_677 = tpu.memref_squeeze %dma_wait3A_676 : memref<1x320x16xf32, #tpu.memory_space<vmem>> -> memref<320x16xf32, #tpu.memory_space<vmem>>
      %dma_wait3A_678 = arith.constant 0 : i32
      %dma_wait3A_679 = tpu.memref_slice %arg8[%add3A_474, %dma_wait3A_678] : memref<100008x16xf32, #tpu.memory_space<vmem_shared>> -> memref<320x16xf32, #tpu.memory_space<vmem_shared>>
      tpu.wait_dma2 semaphore(%run_scoped3A_655 : memref<!tpu.dma_semaphore, #tpu.memory_space<semaphore_mem>>) src(%dma_wait3A_679 : memref<320x16xf32, #tpu.memory_space<vmem_shared>>) dst(%dma_wait3A_677 : memref<320x16xf32, #tpu.memory_space<vmem>>)
      tpu.yield
    }) : () -> ()
    %eq3A_476 = arith.constant 0 : i32
    %eq3A_477 = arith.cmpi eq, %arg0, %eq3A_476 : i32
    %convert_element_type3A_478 = arith.extui %eq3A_477 : i1 to i32
    %cond3A_479 = arith.constant 0 : i32
    %cond3A_480 = arith.cmpi ne, %convert_element_type3A_478, %cond3A_479 : i32
    scf.if %cond3A_480 {
      %run_scoped3A_655 = arith.constant 0 : i32
      "tpu.region"() ({
        %run_scoped3A_656 = tpu.sem_alloc : memref<!tpu.dma_semaphore, #tpu.memory_space<semaphore_mem>>
        %dma_start3A_657 = arith.constant 0 : i32
        %dma_start3A_658 = arith.constant 0 : i32
        %dma_start3A_659 = tpu.memref_slice %arg10[%run_scoped3A_655, %dma_start3A_657, %dma_start3A_658] : memref<2x512x16xf32, #tpu.memory_space<vmem>> -> memref<1x320x16xf32, #tpu.memory_space<vmem>>
        %dma_start3A_660 = tpu.memref_squeeze %dma_start3A_659 : memref<1x320x16xf32, #tpu.memory_space<vmem>> -> memref<320x16xf32, #tpu.memory_space<vmem>>
        %dma_start3A_661 = arith.constant 0 : i32
        %dma_start3A_662 = tpu.memref_slice %arg6[%add3A_474, %dma_start3A_661] : memref<100000x16xf32, #tpu.memory_space<hbm>> -> memref<320x16xf32, #tpu.memory_space<hbm>>
        %dma_start3A_663 = arith.constant 0 : i32
        %dma_start3A_664 = tpu.memref_slice %arg6[%add3A_474, %dma_start3A_663] : memref<100000x16xf32, #tpu.memory_space<hbm>> -> memref<320x16xf32, #tpu.memory_space<hbm>>
        %dma_start3A_665 = arith.constant 0 : i32
        %dma_start3A_666 = arith.constant 0 : i32
        %dma_start3A_667 = tpu.memref_slice %arg10[%run_scoped3A_655, %dma_start3A_665, %dma_start3A_666] : memref<2x512x16xf32, #tpu.memory_space<vmem>> -> memref<1x320x16xf32, #tpu.memory_space<vmem>>
        %dma_start3A_668 = tpu.memref_squeeze %dma_start3A_667 : memref<1x320x16xf32, #tpu.memory_space<vmem>> -> memref<320x16xf32, #tpu.memory_space<vmem>>
        tpu.enqueue_dma source(%dma_start3A_668 : memref<320x16xf32, #tpu.memory_space<vmem>>) target(%dma_start3A_664 : memref<320x16xf32, #tpu.memory_space<hbm>>) target_semaphore(%run_scoped3A_656 : memref<!tpu.dma_semaphore, #tpu.memory_space<semaphore_mem>>)
        %dma_wait3A_669 = arith.constant 0 : i32
        %dma_wait3A_670 = arith.constant 0 : i32
        %dma_wait3A_671 = tpu.memref_slice %arg10[%run_scoped3A_655, %dma_wait3A_669, %dma_wait3A_670] : memref<2x512x16xf32, #tpu.memory_space<vmem>> -> memref<1x320x16xf32, #tpu.memory_space<vmem>>
        %dma_wait3A_672 = tpu.memref_squeeze %dma_wait3A_671 : memref<1x320x16xf32, #tpu.memory_space<vmem>> -> memref<320x16xf32, #tpu.memory_space<vmem>>
        %dma_wait3A_673 = arith.constant 0 : i32
        %dma_wait3A_674 = tpu.memref_slice %arg6[%add3A_474, %dma_wait3A_673] : memref<100000x16xf32, #tpu.memory_space<hbm>> -> memref<320x16xf32, #tpu.memory_space<hbm>>
        %dma_wait3A_675 = arith.constant 0 : i32
        %dma_wait3A_676 = tpu.memref_slice %arg6[%add3A_474, %dma_wait3A_675] : memref<100000x16xf32, #tpu.memory_space<hbm>> -> memref<320x16xf32, #tpu.memory_space<hbm>>
        %dma_wait3A_677 = arith.constant 0 : i32
        %dma_wait3A_678 = arith.constant 0 : i32
        %dma_wait3A_679 = tpu.memref_slice %arg10[%run_scoped3A_655, %dma_wait3A_677, %dma_wait3A_678] : memref<2x512x16xf32, #tpu.memory_space<vmem>> -> memref<1x320x16xf32, #tpu.memory_space<vmem>>
        %dma_wait3A_680 = tpu.memref_squeeze %dma_wait3A_679 : memref<1x320x16xf32, #tpu.memory_space<vmem>> -> memref<320x16xf32, #tpu.memory_space<vmem>>
        tpu.wait_dma2 semaphore(%run_scoped3A_656 : memref<!tpu.dma_semaphore, #tpu.memory_space<semaphore_mem>>) src(%dma_wait3A_680 : memref<320x16xf32, #tpu.memory_space<vmem>>) dst(%dma_wait3A_676 : memref<320x16xf32, #tpu.memory_space<hbm>>)
        tpu.yield
      }) : () -> ()
    } else {
    }
    %eq3A_481 = arith.constant 1 : i32
    %eq3A_482 = arith.cmpi eq, %arg0, %eq3A_481 : i32
    %convert_element_type3A_483 = arith.extui %eq3A_482 : i1 to i32
    %cond3A_484 = arith.constant 0 : i32
    %cond3A_485 = arith.cmpi ne, %convert_element_type3A_483, %cond3A_484 : i32
    scf.if %cond3A_485 {
      %run_scoped3A_655 = arith.constant 0 : i32
      "tpu.region"() ({
        %run_scoped3A_656 = tpu.sem_alloc : memref<!tpu.dma_semaphore, #tpu.memory_space<semaphore_mem>>
        %dma_start3A_657 = arith.constant 0 : i32
        %dma_start3A_658 = arith.constant 0 : i32
        %dma_start3A_659 = tpu.memref_slice %arg10[%run_scoped3A_655, %dma_start3A_657, %dma_start3A_658] : memref<2x512x16xf32, #tpu.memory_space<vmem>> -> memref<1x320x16xf32, #tpu.memory_space<vmem>>
        %dma_start3A_660 = tpu.memref_squeeze %dma_start3A_659 : memref<1x320x16xf32, #tpu.memory_space<vmem>> -> memref<320x16xf32, #tpu.memory_space<vmem>>
        %dma_start3A_661 = arith.constant 0 : i32
        %dma_start3A_662 = tpu.memref_slice %arg7[%add3A_474, %dma_start3A_661] : memref<100000x16xf32, #tpu.memory_space<hbm>> -> memref<320x16xf32, #tpu.memory_space<hbm>>
        %dma_start3A_663 = arith.constant 0 : i32
        %dma_start3A_664 = tpu.memref_slice %arg7[%add3A_474, %dma_start3A_663] : memref<100000x16xf32, #tpu.memory_space<hbm>> -> memref<320x16xf32, #tpu.memory_space<hbm>>
        %dma_start3A_665 = arith.constant 0 : i32
        %dma_start3A_666 = arith.constant 0 : i32
        %dma_start3A_667 = tpu.memref_slice %arg10[%run_scoped3A_655, %dma_start3A_665, %dma_start3A_666] : memref<2x512x16xf32, #tpu.memory_space<vmem>> -> memref<1x320x16xf32, #tpu.memory_space<vmem>>
        %dma_start3A_668 = tpu.memref_squeeze %dma_start3A_667 : memref<1x320x16xf32, #tpu.memory_space<vmem>> -> memref<320x16xf32, #tpu.memory_space<vmem>>
        tpu.enqueue_dma source(%dma_start3A_668 : memref<320x16xf32, #tpu.memory_space<vmem>>) target(%dma_start3A_664 : memref<320x16xf32, #tpu.memory_space<hbm>>) target_semaphore(%run_scoped3A_656 : memref<!tpu.dma_semaphore, #tpu.memory_space<semaphore_mem>>)
        %dma_wait3A_669 = arith.constant 0 : i32
        %dma_wait3A_670 = arith.constant 0 : i32
        %dma_wait3A_671 = tpu.memref_slice %arg10[%run_scoped3A_655, %dma_wait3A_669, %dma_wait3A_670] : memref<2x512x16xf32, #tpu.memory_space<vmem>> -> memref<1x320x16xf32, #tpu.memory_space<vmem>>
        %dma_wait3A_672 = tpu.memref_squeeze %dma_wait3A_671 : memref<1x320x16xf32, #tpu.memory_space<vmem>> -> memref<320x16xf32, #tpu.memory_space<vmem>>
        %dma_wait3A_673 = arith.constant 0 : i32
        %dma_wait3A_674 = tpu.memref_slice %arg7[%add3A_474, %dma_wait3A_673] : memref<100000x16xf32, #tpu.memory_space<hbm>> -> memref<320x16xf32, #tpu.memory_space<hbm>>
        %dma_wait3A_675 = arith.constant 0 : i32
        %dma_wait3A_676 = tpu.memref_slice %arg7[%add3A_474, %dma_wait3A_675] : memref<100000x16xf32, #tpu.memory_space<hbm>> -> memref<320x16xf32, #tpu.memory_space<hbm>>
        %dma_wait3A_677 = arith.constant 0 : i32
        %dma_wait3A_678 = arith.constant 0 : i32
        %dma_wait3A_679 = tpu.memref_slice %arg10[%run_scoped3A_655, %dma_wait3A_677, %dma_wait3A_678] : memref<2x512x16xf32, #tpu.memory_space<vmem>> -> memref<1x320x16xf32, #tpu.memory_space<vmem>>
        %dma_wait3A_680 = tpu.memref_squeeze %dma_wait3A_679 : memref<1x320x16xf32, #tpu.memory_space<vmem>> -> memref<320x16xf32, #tpu.memory_space<vmem>>
        tpu.wait_dma2 semaphore(%run_scoped3A_656 : memref<!tpu.dma_semaphore, #tpu.memory_space<semaphore_mem>>) src(%dma_wait3A_680 : memref<320x16xf32, #tpu.memory_space<vmem>>) dst(%dma_wait3A_676 : memref<320x16xf32, #tpu.memory_space<hbm>>)
        tpu.yield
      }) : () -> ()
    } else {
    }
    %add3A_486 = arith.constant 2240 : i32
    %add3A_487 = arith.addi %mul3A_0, %add3A_486 : i32
    %run_scoped3A_488 = arith.constant 0 : i32
    "tpu.region"() ({
      %run_scoped3A_655 = tpu.sem_alloc : memref<!tpu.dma_semaphore, #tpu.memory_space<semaphore_mem>>
      %dma_start3A_656 = arith.constant 0 : i32
      %dma_start3A_657 = arith.constant 0 : i32
      %dma_start3A_658 = tpu.memref_slice %arg10[%run_scoped3A_488, %dma_start3A_656, %dma_start3A_657] : memref<2x512x16xf32, #tpu.memory_space<vmem>> -> memref<1x320x16xf32, #tpu.memory_space<vmem>>
      %dma_start3A_659 = tpu.memref_squeeze %dma_start3A_658 : memref<1x320x16xf32, #tpu.memory_space<vmem>> -> memref<320x16xf32, #tpu.memory_space<vmem>>
      %dma_start3A_660 = arith.constant 0 : i32
      %dma_start3A_661 = tpu.memref_slice %arg8[%add3A_487, %dma_start3A_660] : memref<100008x16xf32, #tpu.memory_space<vmem_shared>> -> memref<320x16xf32, #tpu.memory_space<vmem_shared>>
      %dma_start3A_662 = arith.constant 0 : i32
      %dma_start3A_663 = arith.constant 0 : i32
      %dma_start3A_664 = tpu.memref_slice %arg10[%run_scoped3A_488, %dma_start3A_662, %dma_start3A_663] : memref<2x512x16xf32, #tpu.memory_space<vmem>> -> memref<1x320x16xf32, #tpu.memory_space<vmem>>
      %dma_start3A_665 = tpu.memref_squeeze %dma_start3A_664 : memref<1x320x16xf32, #tpu.memory_space<vmem>> -> memref<320x16xf32, #tpu.memory_space<vmem>>
      %dma_start3A_666 = arith.constant 0 : i32
      %dma_start3A_667 = tpu.memref_slice %arg8[%add3A_487, %dma_start3A_666] : memref<100008x16xf32, #tpu.memory_space<vmem_shared>> -> memref<320x16xf32, #tpu.memory_space<vmem_shared>>
      tpu.enqueue_dma source(%dma_start3A_667 : memref<320x16xf32, #tpu.memory_space<vmem_shared>>) target(%dma_start3A_665 : memref<320x16xf32, #tpu.memory_space<vmem>>) target_semaphore(%run_scoped3A_655 : memref<!tpu.dma_semaphore, #tpu.memory_space<semaphore_mem>>)
      %dma_wait3A_668 = arith.constant 0 : i32
      %dma_wait3A_669 = arith.constant 0 : i32
      %dma_wait3A_670 = tpu.memref_slice %arg10[%run_scoped3A_488, %dma_wait3A_668, %dma_wait3A_669] : memref<2x512x16xf32, #tpu.memory_space<vmem>> -> memref<1x320x16xf32, #tpu.memory_space<vmem>>
      %dma_wait3A_671 = tpu.memref_squeeze %dma_wait3A_670 : memref<1x320x16xf32, #tpu.memory_space<vmem>> -> memref<320x16xf32, #tpu.memory_space<vmem>>
      %dma_wait3A_672 = arith.constant 0 : i32
      %dma_wait3A_673 = tpu.memref_slice %arg8[%add3A_487, %dma_wait3A_672] : memref<100008x16xf32, #tpu.memory_space<vmem_shared>> -> memref<320x16xf32, #tpu.memory_space<vmem_shared>>
      %dma_wait3A_674 = arith.constant 0 : i32
      %dma_wait3A_675 = arith.constant 0 : i32
      %dma_wait3A_676 = tpu.memref_slice %arg10[%run_scoped3A_488, %dma_wait3A_674, %dma_wait3A_675] : memref<2x512x16xf32, #tpu.memory_space<vmem>> -> memref<1x320x16xf32, #tpu.memory_space<vmem>>
      %dma_wait3A_677 = tpu.memref_squeeze %dma_wait3A_676 : memref<1x320x16xf32, #tpu.memory_space<vmem>> -> memref<320x16xf32, #tpu.memory_space<vmem>>
      %dma_wait3A_678 = arith.constant 0 : i32
      %dma_wait3A_679 = tpu.memref_slice %arg8[%add3A_487, %dma_wait3A_678] : memref<100008x16xf32, #tpu.memory_space<vmem_shared>> -> memref<320x16xf32, #tpu.memory_space<vmem_shared>>
      tpu.wait_dma2 semaphore(%run_scoped3A_655 : memref<!tpu.dma_semaphore, #tpu.memory_space<semaphore_mem>>) src(%dma_wait3A_679 : memref<320x16xf32, #tpu.memory_space<vmem_shared>>) dst(%dma_wait3A_677 : memref<320x16xf32, #tpu.memory_space<vmem>>)
      tpu.yield
    }) : () -> ()
    %eq3A_489 = arith.constant 0 : i32
    %eq3A_490 = arith.cmpi eq, %arg0, %eq3A_489 : i32
    %convert_element_type3A_491 = arith.extui %eq3A_490 : i1 to i32
    %cond3A_492 = arith.constant 0 : i32
    %cond3A_493 = arith.cmpi ne, %convert_element_type3A_491, %cond3A_492 : i32
    scf.if %cond3A_493 {
      %run_scoped3A_655 = arith.constant 0 : i32
      "tpu.region"() ({
        %run_scoped3A_656 = tpu.sem_alloc : memref<!tpu.dma_semaphore, #tpu.memory_space<semaphore_mem>>
        %dma_start3A_657 = arith.constant 0 : i32
        %dma_start3A_658 = arith.constant 0 : i32
        %dma_start3A_659 = tpu.memref_slice %arg10[%run_scoped3A_655, %dma_start3A_657, %dma_start3A_658] : memref<2x512x16xf32, #tpu.memory_space<vmem>> -> memref<1x320x16xf32, #tpu.memory_space<vmem>>
        %dma_start3A_660 = tpu.memref_squeeze %dma_start3A_659 : memref<1x320x16xf32, #tpu.memory_space<vmem>> -> memref<320x16xf32, #tpu.memory_space<vmem>>
        %dma_start3A_661 = arith.constant 0 : i32
        %dma_start3A_662 = tpu.memref_slice %arg6[%add3A_487, %dma_start3A_661] : memref<100000x16xf32, #tpu.memory_space<hbm>> -> memref<320x16xf32, #tpu.memory_space<hbm>>
        %dma_start3A_663 = arith.constant 0 : i32
        %dma_start3A_664 = tpu.memref_slice %arg6[%add3A_487, %dma_start3A_663] : memref<100000x16xf32, #tpu.memory_space<hbm>> -> memref<320x16xf32, #tpu.memory_space<hbm>>
        %dma_start3A_665 = arith.constant 0 : i32
        %dma_start3A_666 = arith.constant 0 : i32
        %dma_start3A_667 = tpu.memref_slice %arg10[%run_scoped3A_655, %dma_start3A_665, %dma_start3A_666] : memref<2x512x16xf32, #tpu.memory_space<vmem>> -> memref<1x320x16xf32, #tpu.memory_space<vmem>>
        %dma_start3A_668 = tpu.memref_squeeze %dma_start3A_667 : memref<1x320x16xf32, #tpu.memory_space<vmem>> -> memref<320x16xf32, #tpu.memory_space<vmem>>
        tpu.enqueue_dma source(%dma_start3A_668 : memref<320x16xf32, #tpu.memory_space<vmem>>) target(%dma_start3A_664 : memref<320x16xf32, #tpu.memory_space<hbm>>) target_semaphore(%run_scoped3A_656 : memref<!tpu.dma_semaphore, #tpu.memory_space<semaphore_mem>>)
        %dma_wait3A_669 = arith.constant 0 : i32
        %dma_wait3A_670 = arith.constant 0 : i32
        %dma_wait3A_671 = tpu.memref_slice %arg10[%run_scoped3A_655, %dma_wait3A_669, %dma_wait3A_670] : memref<2x512x16xf32, #tpu.memory_space<vmem>> -> memref<1x320x16xf32, #tpu.memory_space<vmem>>
        %dma_wait3A_672 = tpu.memref_squeeze %dma_wait3A_671 : memref<1x320x16xf32, #tpu.memory_space<vmem>> -> memref<320x16xf32, #tpu.memory_space<vmem>>
        %dma_wait3A_673 = arith.constant 0 : i32
        %dma_wait3A_674 = tpu.memref_slice %arg6[%add3A_487, %dma_wait3A_673] : memref<100000x16xf32, #tpu.memory_space<hbm>> -> memref<320x16xf32, #tpu.memory_space<hbm>>
        %dma_wait3A_675 = arith.constant 0 : i32
        %dma_wait3A_676 = tpu.memref_slice %arg6[%add3A_487, %dma_wait3A_675] : memref<100000x16xf32, #tpu.memory_space<hbm>> -> memref<320x16xf32, #tpu.memory_space<hbm>>
        %dma_wait3A_677 = arith.constant 0 : i32
        %dma_wait3A_678 = arith.constant 0 : i32
        %dma_wait3A_679 = tpu.memref_slice %arg10[%run_scoped3A_655, %dma_wait3A_677, %dma_wait3A_678] : memref<2x512x16xf32, #tpu.memory_space<vmem>> -> memref<1x320x16xf32, #tpu.memory_space<vmem>>
        %dma_wait3A_680 = tpu.memref_squeeze %dma_wait3A_679 : memref<1x320x16xf32, #tpu.memory_space<vmem>> -> memref<320x16xf32, #tpu.memory_space<vmem>>
        tpu.wait_dma2 semaphore(%run_scoped3A_656 : memref<!tpu.dma_semaphore, #tpu.memory_space<semaphore_mem>>) src(%dma_wait3A_680 : memref<320x16xf32, #tpu.memory_space<vmem>>) dst(%dma_wait3A_676 : memref<320x16xf32, #tpu.memory_space<hbm>>)
        tpu.yield
      }) : () -> ()
    } else {
    }
    %eq3A_494 = arith.constant 1 : i32
    %eq3A_495 = arith.cmpi eq, %arg0, %eq3A_494 : i32
    %convert_element_type3A_496 = arith.extui %eq3A_495 : i1 to i32
    %cond3A_497 = arith.constant 0 : i32
    %cond3A_498 = arith.cmpi ne, %convert_element_type3A_496, %cond3A_497 : i32
    scf.if %cond3A_498 {
      %run_scoped3A_655 = arith.constant 0 : i32
      "tpu.region"() ({
        %run_scoped3A_656 = tpu.sem_alloc : memref<!tpu.dma_semaphore, #tpu.memory_space<semaphore_mem>>
        %dma_start3A_657 = arith.constant 0 : i32
        %dma_start3A_658 = arith.constant 0 : i32
        %dma_start3A_659 = tpu.memref_slice %arg10[%run_scoped3A_655, %dma_start3A_657, %dma_start3A_658] : memref<2x512x16xf32, #tpu.memory_space<vmem>> -> memref<1x320x16xf32, #tpu.memory_space<vmem>>
        %dma_start3A_660 = tpu.memref_squeeze %dma_start3A_659 : memref<1x320x16xf32, #tpu.memory_space<vmem>> -> memref<320x16xf32, #tpu.memory_space<vmem>>
        %dma_start3A_661 = arith.constant 0 : i32
        %dma_start3A_662 = tpu.memref_slice %arg7[%add3A_487, %dma_start3A_661] : memref<100000x16xf32, #tpu.memory_space<hbm>> -> memref<320x16xf32, #tpu.memory_space<hbm>>
        %dma_start3A_663 = arith.constant 0 : i32
        %dma_start3A_664 = tpu.memref_slice %arg7[%add3A_487, %dma_start3A_663] : memref<100000x16xf32, #tpu.memory_space<hbm>> -> memref<320x16xf32, #tpu.memory_space<hbm>>
        %dma_start3A_665 = arith.constant 0 : i32
        %dma_start3A_666 = arith.constant 0 : i32
        %dma_start3A_667 = tpu.memref_slice %arg10[%run_scoped3A_655, %dma_start3A_665, %dma_start3A_666] : memref<2x512x16xf32, #tpu.memory_space<vmem>> -> memref<1x320x16xf32, #tpu.memory_space<vmem>>
        %dma_start3A_668 = tpu.memref_squeeze %dma_start3A_667 : memref<1x320x16xf32, #tpu.memory_space<vmem>> -> memref<320x16xf32, #tpu.memory_space<vmem>>
        tpu.enqueue_dma source(%dma_start3A_668 : memref<320x16xf32, #tpu.memory_space<vmem>>) target(%dma_start3A_664 : memref<320x16xf32, #tpu.memory_space<hbm>>) target_semaphore(%run_scoped3A_656 : memref<!tpu.dma_semaphore, #tpu.memory_space<semaphore_mem>>)
        %dma_wait3A_669 = arith.constant 0 : i32
        %dma_wait3A_670 = arith.constant 0 : i32
        %dma_wait3A_671 = tpu.memref_slice %arg10[%run_scoped3A_655, %dma_wait3A_669, %dma_wait3A_670] : memref<2x512x16xf32, #tpu.memory_space<vmem>> -> memref<1x320x16xf32, #tpu.memory_space<vmem>>
        %dma_wait3A_672 = tpu.memref_squeeze %dma_wait3A_671 : memref<1x320x16xf32, #tpu.memory_space<vmem>> -> memref<320x16xf32, #tpu.memory_space<vmem>>
        %dma_wait3A_673 = arith.constant 0 : i32
        %dma_wait3A_674 = tpu.memref_slice %arg7[%add3A_487, %dma_wait3A_673] : memref<100000x16xf32, #tpu.memory_space<hbm>> -> memref<320x16xf32, #tpu.memory_space<hbm>>
        %dma_wait3A_675 = arith.constant 0 : i32
        %dma_wait3A_676 = tpu.memref_slice %arg7[%add3A_487, %dma_wait3A_675] : memref<100000x16xf32, #tpu.memory_space<hbm>> -> memref<320x16xf32, #tpu.memory_space<hbm>>
        %dma_wait3A_677 = arith.constant 0 : i32
        %dma_wait3A_678 = arith.constant 0 : i32
        %dma_wait3A_679 = tpu.memref_slice %arg10[%run_scoped3A_655, %dma_wait3A_677, %dma_wait3A_678] : memref<2x512x16xf32, #tpu.memory_space<vmem>> -> memref<1x320x16xf32, #tpu.memory_space<vmem>>
        %dma_wait3A_680 = tpu.memref_squeeze %dma_wait3A_679 : memref<1x320x16xf32, #tpu.memory_space<vmem>> -> memref<320x16xf32, #tpu.memory_space<vmem>>
        tpu.wait_dma2 semaphore(%run_scoped3A_656 : memref<!tpu.dma_semaphore, #tpu.memory_space<semaphore_mem>>) src(%dma_wait3A_680 : memref<320x16xf32, #tpu.memory_space<vmem>>) dst(%dma_wait3A_676 : memref<320x16xf32, #tpu.memory_space<hbm>>)
        tpu.yield
      }) : () -> ()
    } else {
    }
    %add3A_499 = arith.constant 2560 : i32
    %add3A_500 = arith.addi %mul3A_0, %add3A_499 : i32
    %run_scoped3A_501 = arith.constant 0 : i32
    "tpu.region"() ({
      %run_scoped3A_655 = tpu.sem_alloc : memref<!tpu.dma_semaphore, #tpu.memory_space<semaphore_mem>>
      %dma_start3A_656 = arith.constant 0 : i32
      %dma_start3A_657 = arith.constant 0 : i32
      %dma_start3A_658 = tpu.memref_slice %arg10[%run_scoped3A_501, %dma_start3A_656, %dma_start3A_657] : memref<2x512x16xf32, #tpu.memory_space<vmem>> -> memref<1x320x16xf32, #tpu.memory_space<vmem>>
      %dma_start3A_659 = tpu.memref_squeeze %dma_start3A_658 : memref<1x320x16xf32, #tpu.memory_space<vmem>> -> memref<320x16xf32, #tpu.memory_space<vmem>>
      %dma_start3A_660 = arith.constant 0 : i32
      %dma_start3A_661 = tpu.memref_slice %arg8[%add3A_500, %dma_start3A_660] : memref<100008x16xf32, #tpu.memory_space<vmem_shared>> -> memref<320x16xf32, #tpu.memory_space<vmem_shared>>
      %dma_start3A_662 = arith.constant 0 : i32
      %dma_start3A_663 = arith.constant 0 : i32
      %dma_start3A_664 = tpu.memref_slice %arg10[%run_scoped3A_501, %dma_start3A_662, %dma_start3A_663] : memref<2x512x16xf32, #tpu.memory_space<vmem>> -> memref<1x320x16xf32, #tpu.memory_space<vmem>>
      %dma_start3A_665 = tpu.memref_squeeze %dma_start3A_664 : memref<1x320x16xf32, #tpu.memory_space<vmem>> -> memref<320x16xf32, #tpu.memory_space<vmem>>
      %dma_start3A_666 = arith.constant 0 : i32
      %dma_start3A_667 = tpu.memref_slice %arg8[%add3A_500, %dma_start3A_666] : memref<100008x16xf32, #tpu.memory_space<vmem_shared>> -> memref<320x16xf32, #tpu.memory_space<vmem_shared>>
      tpu.enqueue_dma source(%dma_start3A_667 : memref<320x16xf32, #tpu.memory_space<vmem_shared>>) target(%dma_start3A_665 : memref<320x16xf32, #tpu.memory_space<vmem>>) target_semaphore(%run_scoped3A_655 : memref<!tpu.dma_semaphore, #tpu.memory_space<semaphore_mem>>)
      %dma_wait3A_668 = arith.constant 0 : i32
      %dma_wait3A_669 = arith.constant 0 : i32
      %dma_wait3A_670 = tpu.memref_slice %arg10[%run_scoped3A_501, %dma_wait3A_668, %dma_wait3A_669] : memref<2x512x16xf32, #tpu.memory_space<vmem>> -> memref<1x320x16xf32, #tpu.memory_space<vmem>>
      %dma_wait3A_671 = tpu.memref_squeeze %dma_wait3A_670 : memref<1x320x16xf32, #tpu.memory_space<vmem>> -> memref<320x16xf32, #tpu.memory_space<vmem>>
      %dma_wait3A_672 = arith.constant 0 : i32
      %dma_wait3A_673 = tpu.memref_slice %arg8[%add3A_500, %dma_wait3A_672] : memref<100008x16xf32, #tpu.memory_space<vmem_shared>> -> memref<320x16xf32, #tpu.memory_space<vmem_shared>>
      %dma_wait3A_674 = arith.constant 0 : i32
      %dma_wait3A_675 = arith.constant 0 : i32
      %dma_wait3A_676 = tpu.memref_slice %arg10[%run_scoped3A_501, %dma_wait3A_674, %dma_wait3A_675] : memref<2x512x16xf32, #tpu.memory_space<vmem>> -> memref<1x320x16xf32, #tpu.memory_space<vmem>>
      %dma_wait3A_677 = tpu.memref_squeeze %dma_wait3A_676 : memref<1x320x16xf32, #tpu.memory_space<vmem>> -> memref<320x16xf32, #tpu.memory_space<vmem>>
      %dma_wait3A_678 = arith.constant 0 : i32
      %dma_wait3A_679 = tpu.memref_slice %arg8[%add3A_500, %dma_wait3A_678] : memref<100008x16xf32, #tpu.memory_space<vmem_shared>> -> memref<320x16xf32, #tpu.memory_space<vmem_shared>>
      tpu.wait_dma2 semaphore(%run_scoped3A_655 : memref<!tpu.dma_semaphore, #tpu.memory_space<semaphore_mem>>) src(%dma_wait3A_679 : memref<320x16xf32, #tpu.memory_space<vmem_shared>>) dst(%dma_wait3A_677 : memref<320x16xf32, #tpu.memory_space<vmem>>)
      tpu.yield
    }) : () -> ()
    %eq3A_502 = arith.constant 0 : i32
    %eq3A_503 = arith.cmpi eq, %arg0, %eq3A_502 : i32
    %convert_element_type3A_504 = arith.extui %eq3A_503 : i1 to i32
    %cond3A_505 = arith.constant 0 : i32
    %cond3A_506 = arith.cmpi ne, %convert_element_type3A_504, %cond3A_505 : i32
    scf.if %cond3A_506 {
      %run_scoped3A_655 = arith.constant 0 : i32
      "tpu.region"() ({
        %run_scoped3A_656 = tpu.sem_alloc : memref<!tpu.dma_semaphore, #tpu.memory_space<semaphore_mem>>
        %dma_start3A_657 = arith.constant 0 : i32
        %dma_start3A_658 = arith.constant 0 : i32
        %dma_start3A_659 = tpu.memref_slice %arg10[%run_scoped3A_655, %dma_start3A_657, %dma_start3A_658] : memref<2x512x16xf32, #tpu.memory_space<vmem>> -> memref<1x320x16xf32, #tpu.memory_space<vmem>>
        %dma_start3A_660 = tpu.memref_squeeze %dma_start3A_659 : memref<1x320x16xf32, #tpu.memory_space<vmem>> -> memref<320x16xf32, #tpu.memory_space<vmem>>
        %dma_start3A_661 = arith.constant 0 : i32
        %dma_start3A_662 = tpu.memref_slice %arg6[%add3A_500, %dma_start3A_661] : memref<100000x16xf32, #tpu.memory_space<hbm>> -> memref<320x16xf32, #tpu.memory_space<hbm>>
        %dma_start3A_663 = arith.constant 0 : i32
        %dma_start3A_664 = tpu.memref_slice %arg6[%add3A_500, %dma_start3A_663] : memref<100000x16xf32, #tpu.memory_space<hbm>> -> memref<320x16xf32, #tpu.memory_space<hbm>>
        %dma_start3A_665 = arith.constant 0 : i32
        %dma_start3A_666 = arith.constant 0 : i32
        %dma_start3A_667 = tpu.memref_slice %arg10[%run_scoped3A_655, %dma_start3A_665, %dma_start3A_666] : memref<2x512x16xf32, #tpu.memory_space<vmem>> -> memref<1x320x16xf32, #tpu.memory_space<vmem>>
        %dma_start3A_668 = tpu.memref_squeeze %dma_start3A_667 : memref<1x320x16xf32, #tpu.memory_space<vmem>> -> memref<320x16xf32, #tpu.memory_space<vmem>>
        tpu.enqueue_dma source(%dma_start3A_668 : memref<320x16xf32, #tpu.memory_space<vmem>>) target(%dma_start3A_664 : memref<320x16xf32, #tpu.memory_space<hbm>>) target_semaphore(%run_scoped3A_656 : memref<!tpu.dma_semaphore, #tpu.memory_space<semaphore_mem>>)
        %dma_wait3A_669 = arith.constant 0 : i32
        %dma_wait3A_670 = arith.constant 0 : i32
        %dma_wait3A_671 = tpu.memref_slice %arg10[%run_scoped3A_655, %dma_wait3A_669, %dma_wait3A_670] : memref<2x512x16xf32, #tpu.memory_space<vmem>> -> memref<1x320x16xf32, #tpu.memory_space<vmem>>
        %dma_wait3A_672 = tpu.memref_squeeze %dma_wait3A_671 : memref<1x320x16xf32, #tpu.memory_space<vmem>> -> memref<320x16xf32, #tpu.memory_space<vmem>>
        %dma_wait3A_673 = arith.constant 0 : i32
        %dma_wait3A_674 = tpu.memref_slice %arg6[%add3A_500, %dma_wait3A_673] : memref<100000x16xf32, #tpu.memory_space<hbm>> -> memref<320x16xf32, #tpu.memory_space<hbm>>
        %dma_wait3A_675 = arith.constant 0 : i32
        %dma_wait3A_676 = tpu.memref_slice %arg6[%add3A_500, %dma_wait3A_675] : memref<100000x16xf32, #tpu.memory_space<hbm>> -> memref<320x16xf32, #tpu.memory_space<hbm>>
        %dma_wait3A_677 = arith.constant 0 : i32
        %dma_wait3A_678 = arith.constant 0 : i32
        %dma_wait3A_679 = tpu.memref_slice %arg10[%run_scoped3A_655, %dma_wait3A_677, %dma_wait3A_678] : memref<2x512x16xf32, #tpu.memory_space<vmem>> -> memref<1x320x16xf32, #tpu.memory_space<vmem>>
        %dma_wait3A_680 = tpu.memref_squeeze %dma_wait3A_679 : memref<1x320x16xf32, #tpu.memory_space<vmem>> -> memref<320x16xf32, #tpu.memory_space<vmem>>
        tpu.wait_dma2 semaphore(%run_scoped3A_656 : memref<!tpu.dma_semaphore, #tpu.memory_space<semaphore_mem>>) src(%dma_wait3A_680 : memref<320x16xf32, #tpu.memory_space<vmem>>) dst(%dma_wait3A_676 : memref<320x16xf32, #tpu.memory_space<hbm>>)
        tpu.yield
      }) : () -> ()
    } else {
    }
    %eq3A_507 = arith.constant 1 : i32
    %eq3A_508 = arith.cmpi eq, %arg0, %eq3A_507 : i32
    %convert_element_type3A_509 = arith.extui %eq3A_508 : i1 to i32
    %cond3A_510 = arith.constant 0 : i32
    %cond3A_511 = arith.cmpi ne, %convert_element_type3A_509, %cond3A_510 : i32
    scf.if %cond3A_511 {
      %run_scoped3A_655 = arith.constant 0 : i32
      "tpu.region"() ({
        %run_scoped3A_656 = tpu.sem_alloc : memref<!tpu.dma_semaphore, #tpu.memory_space<semaphore_mem>>
        %dma_start3A_657 = arith.constant 0 : i32
        %dma_start3A_658 = arith.constant 0 : i32
        %dma_start3A_659 = tpu.memref_slice %arg10[%run_scoped3A_655, %dma_start3A_657, %dma_start3A_658] : memref<2x512x16xf32, #tpu.memory_space<vmem>> -> memref<1x320x16xf32, #tpu.memory_space<vmem>>
        %dma_start3A_660 = tpu.memref_squeeze %dma_start3A_659 : memref<1x320x16xf32, #tpu.memory_space<vmem>> -> memref<320x16xf32, #tpu.memory_space<vmem>>
        %dma_start3A_661 = arith.constant 0 : i32
        %dma_start3A_662 = tpu.memref_slice %arg7[%add3A_500, %dma_start3A_661] : memref<100000x16xf32, #tpu.memory_space<hbm>> -> memref<320x16xf32, #tpu.memory_space<hbm>>
        %dma_start3A_663 = arith.constant 0 : i32
        %dma_start3A_664 = tpu.memref_slice %arg7[%add3A_500, %dma_start3A_663] : memref<100000x16xf32, #tpu.memory_space<hbm>> -> memref<320x16xf32, #tpu.memory_space<hbm>>
        %dma_start3A_665 = arith.constant 0 : i32
        %dma_start3A_666 = arith.constant 0 : i32
        %dma_start3A_667 = tpu.memref_slice %arg10[%run_scoped3A_655, %dma_start3A_665, %dma_start3A_666] : memref<2x512x16xf32, #tpu.memory_space<vmem>> -> memref<1x320x16xf32, #tpu.memory_space<vmem>>
        %dma_start3A_668 = tpu.memref_squeeze %dma_start3A_667 : memref<1x320x16xf32, #tpu.memory_space<vmem>> -> memref<320x16xf32, #tpu.memory_space<vmem>>
        tpu.enqueue_dma source(%dma_start3A_668 : memref<320x16xf32, #tpu.memory_space<vmem>>) target(%dma_start3A_664 : memref<320x16xf32, #tpu.memory_space<hbm>>) target_semaphore(%run_scoped3A_656 : memref<!tpu.dma_semaphore, #tpu.memory_space<semaphore_mem>>)
        %dma_wait3A_669 = arith.constant 0 : i32
        %dma_wait3A_670 = arith.constant 0 : i32
        %dma_wait3A_671 = tpu.memref_slice %arg10[%run_scoped3A_655, %dma_wait3A_669, %dma_wait3A_670] : memref<2x512x16xf32, #tpu.memory_space<vmem>> -> memref<1x320x16xf32, #tpu.memory_space<vmem>>
        %dma_wait3A_672 = tpu.memref_squeeze %dma_wait3A_671 : memref<1x320x16xf32, #tpu.memory_space<vmem>> -> memref<320x16xf32, #tpu.memory_space<vmem>>
        %dma_wait3A_673 = arith.constant 0 : i32
        %dma_wait3A_674 = tpu.memref_slice %arg7[%add3A_500, %dma_wait3A_673] : memref<100000x16xf32, #tpu.memory_space<hbm>> -> memref<320x16xf32, #tpu.memory_space<hbm>>
        %dma_wait3A_675 = arith.constant 0 : i32
        %dma_wait3A_676 = tpu.memref_slice %arg7[%add3A_500, %dma_wait3A_675] : memref<100000x16xf32, #tpu.memory_space<hbm>> -> memref<320x16xf32, #tpu.memory_space<hbm>>
        %dma_wait3A_677 = arith.constant 0 : i32
        %dma_wait3A_678 = arith.constant 0 : i32
        %dma_wait3A_679 = tpu.memref_slice %arg10[%run_scoped3A_655, %dma_wait3A_677, %dma_wait3A_678] : memref<2x512x16xf32, #tpu.memory_space<vmem>> -> memref<1x320x16xf32, #tpu.memory_space<vmem>>
        %dma_wait3A_680 = tpu.memref_squeeze %dma_wait3A_679 : memref<1x320x16xf32, #tpu.memory_space<vmem>> -> memref<320x16xf32, #tpu.memory_space<vmem>>
        tpu.wait_dma2 semaphore(%run_scoped3A_656 : memref<!tpu.dma_semaphore, #tpu.memory_space<semaphore_mem>>) src(%dma_wait3A_680 : memref<320x16xf32, #tpu.memory_space<vmem>>) dst(%dma_wait3A_676 : memref<320x16xf32, #tpu.memory_space<hbm>>)
        tpu.yield
      }) : () -> ()
    } else {
    }
    %add3A_512 = arith.constant 2880 : i32
    %add3A_513 = arith.addi %mul3A_0, %add3A_512 : i32
    %run_scoped3A_514 = arith.constant 0 : i32
    "tpu.region"() ({
      %run_scoped3A_655 = tpu.sem_alloc : memref<!tpu.dma_semaphore, #tpu.memory_space<semaphore_mem>>
      %dma_start3A_656 = arith.constant 0 : i32
      %dma_start3A_657 = arith.constant 0 : i32
      %dma_start3A_658 = tpu.memref_slice %arg10[%run_scoped3A_514, %dma_start3A_656, %dma_start3A_657] : memref<2x512x16xf32, #tpu.memory_space<vmem>> -> memref<1x320x16xf32, #tpu.memory_space<vmem>>
      %dma_start3A_659 = tpu.memref_squeeze %dma_start3A_658 : memref<1x320x16xf32, #tpu.memory_space<vmem>> -> memref<320x16xf32, #tpu.memory_space<vmem>>
      %dma_start3A_660 = arith.constant 0 : i32
      %dma_start3A_661 = tpu.memref_slice %arg8[%add3A_513, %dma_start3A_660] : memref<100008x16xf32, #tpu.memory_space<vmem_shared>> -> memref<320x16xf32, #tpu.memory_space<vmem_shared>>
      %dma_start3A_662 = arith.constant 0 : i32
      %dma_start3A_663 = arith.constant 0 : i32
      %dma_start3A_664 = tpu.memref_slice %arg10[%run_scoped3A_514, %dma_start3A_662, %dma_start3A_663] : memref<2x512x16xf32, #tpu.memory_space<vmem>> -> memref<1x320x16xf32, #tpu.memory_space<vmem>>
      %dma_start3A_665 = tpu.memref_squeeze %dma_start3A_664 : memref<1x320x16xf32, #tpu.memory_space<vmem>> -> memref<320x16xf32, #tpu.memory_space<vmem>>
      %dma_start3A_666 = arith.constant 0 : i32
      %dma_start3A_667 = tpu.memref_slice %arg8[%add3A_513, %dma_start3A_666] : memref<100008x16xf32, #tpu.memory_space<vmem_shared>> -> memref<320x16xf32, #tpu.memory_space<vmem_shared>>
      tpu.enqueue_dma source(%dma_start3A_667 : memref<320x16xf32, #tpu.memory_space<vmem_shared>>) target(%dma_start3A_665 : memref<320x16xf32, #tpu.memory_space<vmem>>) target_semaphore(%run_scoped3A_655 : memref<!tpu.dma_semaphore, #tpu.memory_space<semaphore_mem>>)
      %dma_wait3A_668 = arith.constant 0 : i32
      %dma_wait3A_669 = arith.constant 0 : i32
      %dma_wait3A_670 = tpu.memref_slice %arg10[%run_scoped3A_514, %dma_wait3A_668, %dma_wait3A_669] : memref<2x512x16xf32, #tpu.memory_space<vmem>> -> memref<1x320x16xf32, #tpu.memory_space<vmem>>
      %dma_wait3A_671 = tpu.memref_squeeze %dma_wait3A_670 : memref<1x320x16xf32, #tpu.memory_space<vmem>> -> memref<320x16xf32, #tpu.memory_space<vmem>>
      %dma_wait3A_672 = arith.constant 0 : i32
      %dma_wait3A_673 = tpu.memref_slice %arg8[%add3A_513, %dma_wait3A_672] : memref<100008x16xf32, #tpu.memory_space<vmem_shared>> -> memref<320x16xf32, #tpu.memory_space<vmem_shared>>
      %dma_wait3A_674 = arith.constant 0 : i32
      %dma_wait3A_675 = arith.constant 0 : i32
      %dma_wait3A_676 = tpu.memref_slice %arg10[%run_scoped3A_514, %dma_wait3A_674, %dma_wait3A_675] : memref<2x512x16xf32, #tpu.memory_space<vmem>> -> memref<1x320x16xf32, #tpu.memory_space<vmem>>
      %dma_wait3A_677 = tpu.memref_squeeze %dma_wait3A_676 : memref<1x320x16xf32, #tpu.memory_space<vmem>> -> memref<320x16xf32, #tpu.memory_space<vmem>>
      %dma_wait3A_678 = arith.constant 0 : i32
      %dma_wait3A_679 = tpu.memref_slice %arg8[%add3A_513, %dma_wait3A_678] : memref<100008x16xf32, #tpu.memory_space<vmem_shared>> -> memref<320x16xf32, #tpu.memory_space<vmem_shared>>
      tpu.wait_dma2 semaphore(%run_scoped3A_655 : memref<!tpu.dma_semaphore, #tpu.memory_space<semaphore_mem>>) src(%dma_wait3A_679 : memref<320x16xf32, #tpu.memory_space<vmem_shared>>) dst(%dma_wait3A_677 : memref<320x16xf32, #tpu.memory_space<vmem>>)
      tpu.yield
    }) : () -> ()
    %eq3A_515 = arith.constant 0 : i32
    %eq3A_516 = arith.cmpi eq, %arg0, %eq3A_515 : i32
    %convert_element_type3A_517 = arith.extui %eq3A_516 : i1 to i32
    %cond3A_518 = arith.constant 0 : i32
    %cond3A_519 = arith.cmpi ne, %convert_element_type3A_517, %cond3A_518 : i32
    scf.if %cond3A_519 {
      %run_scoped3A_655 = arith.constant 0 : i32
      "tpu.region"() ({
        %run_scoped3A_656 = tpu.sem_alloc : memref<!tpu.dma_semaphore, #tpu.memory_space<semaphore_mem>>
        %dma_start3A_657 = arith.constant 0 : i32
        %dma_start3A_658 = arith.constant 0 : i32
        %dma_start3A_659 = tpu.memref_slice %arg10[%run_scoped3A_655, %dma_start3A_657, %dma_start3A_658] : memref<2x512x16xf32, #tpu.memory_space<vmem>> -> memref<1x320x16xf32, #tpu.memory_space<vmem>>
        %dma_start3A_660 = tpu.memref_squeeze %dma_start3A_659 : memref<1x320x16xf32, #tpu.memory_space<vmem>> -> memref<320x16xf32, #tpu.memory_space<vmem>>
        %dma_start3A_661 = arith.constant 0 : i32
        %dma_start3A_662 = tpu.memref_slice %arg6[%add3A_513, %dma_start3A_661] : memref<100000x16xf32, #tpu.memory_space<hbm>> -> memref<320x16xf32, #tpu.memory_space<hbm>>
        %dma_start3A_663 = arith.constant 0 : i32
        %dma_start3A_664 = tpu.memref_slice %arg6[%add3A_513, %dma_start3A_663] : memref<100000x16xf32, #tpu.memory_space<hbm>> -> memref<320x16xf32, #tpu.memory_space<hbm>>
        %dma_start3A_665 = arith.constant 0 : i32
        %dma_start3A_666 = arith.constant 0 : i32
        %dma_start3A_667 = tpu.memref_slice %arg10[%run_scoped3A_655, %dma_start3A_665, %dma_start3A_666] : memref<2x512x16xf32, #tpu.memory_space<vmem>> -> memref<1x320x16xf32, #tpu.memory_space<vmem>>
        %dma_start3A_668 = tpu.memref_squeeze %dma_start3A_667 : memref<1x320x16xf32, #tpu.memory_space<vmem>> -> memref<320x16xf32, #tpu.memory_space<vmem>>
        tpu.enqueue_dma source(%dma_start3A_668 : memref<320x16xf32, #tpu.memory_space<vmem>>) target(%dma_start3A_664 : memref<320x16xf32, #tpu.memory_space<hbm>>) target_semaphore(%run_scoped3A_656 : memref<!tpu.dma_semaphore, #tpu.memory_space<semaphore_mem>>)
        %dma_wait3A_669 = arith.constant 0 : i32
        %dma_wait3A_670 = arith.constant 0 : i32
        %dma_wait3A_671 = tpu.memref_slice %arg10[%run_scoped3A_655, %dma_wait3A_669, %dma_wait3A_670] : memref<2x512x16xf32, #tpu.memory_space<vmem>> -> memref<1x320x16xf32, #tpu.memory_space<vmem>>
        %dma_wait3A_672 = tpu.memref_squeeze %dma_wait3A_671 : memref<1x320x16xf32, #tpu.memory_space<vmem>> -> memref<320x16xf32, #tpu.memory_space<vmem>>
        %dma_wait3A_673 = arith.constant 0 : i32
        %dma_wait3A_674 = tpu.memref_slice %arg6[%add3A_513, %dma_wait3A_673] : memref<100000x16xf32, #tpu.memory_space<hbm>> -> memref<320x16xf32, #tpu.memory_space<hbm>>
        %dma_wait3A_675 = arith.constant 0 : i32
        %dma_wait3A_676 = tpu.memref_slice %arg6[%add3A_513, %dma_wait3A_675] : memref<100000x16xf32, #tpu.memory_space<hbm>> -> memref<320x16xf32, #tpu.memory_space<hbm>>
        %dma_wait3A_677 = arith.constant 0 : i32
        %dma_wait3A_678 = arith.constant 0 : i32
        %dma_wait3A_679 = tpu.memref_slice %arg10[%run_scoped3A_655, %dma_wait3A_677, %dma_wait3A_678] : memref<2x512x16xf32, #tpu.memory_space<vmem>> -> memref<1x320x16xf32, #tpu.memory_space<vmem>>
        %dma_wait3A_680 = tpu.memref_squeeze %dma_wait3A_679 : memref<1x320x16xf32, #tpu.memory_space<vmem>> -> memref<320x16xf32, #tpu.memory_space<vmem>>
        tpu.wait_dma2 semaphore(%run_scoped3A_656 : memref<!tpu.dma_semaphore, #tpu.memory_space<semaphore_mem>>) src(%dma_wait3A_680 : memref<320x16xf32, #tpu.memory_space<vmem>>) dst(%dma_wait3A_676 : memref<320x16xf32, #tpu.memory_space<hbm>>)
        tpu.yield
      }) : () -> ()
    } else {
    }
    %eq3A_520 = arith.constant 1 : i32
    %eq3A_521 = arith.cmpi eq, %arg0, %eq3A_520 : i32
    %convert_element_type3A_522 = arith.extui %eq3A_521 : i1 to i32
    %cond3A_523 = arith.constant 0 : i32
    %cond3A_524 = arith.cmpi ne, %convert_element_type3A_522, %cond3A_523 : i32
    scf.if %cond3A_524 {
      %run_scoped3A_655 = arith.constant 0 : i32
      "tpu.region"() ({
        %run_scoped3A_656 = tpu.sem_alloc : memref<!tpu.dma_semaphore, #tpu.memory_space<semaphore_mem>>
        %dma_start3A_657 = arith.constant 0 : i32
        %dma_start3A_658 = arith.constant 0 : i32
        %dma_start3A_659 = tpu.memref_slice %arg10[%run_scoped3A_655, %dma_start3A_657, %dma_start3A_658] : memref<2x512x16xf32, #tpu.memory_space<vmem>> -> memref<1x320x16xf32, #tpu.memory_space<vmem>>
        %dma_start3A_660 = tpu.memref_squeeze %dma_start3A_659 : memref<1x320x16xf32, #tpu.memory_space<vmem>> -> memref<320x16xf32, #tpu.memory_space<vmem>>
        %dma_start3A_661 = arith.constant 0 : i32
        %dma_start3A_662 = tpu.memref_slice %arg7[%add3A_513, %dma_start3A_661] : memref<100000x16xf32, #tpu.memory_space<hbm>> -> memref<320x16xf32, #tpu.memory_space<hbm>>
        %dma_start3A_663 = arith.constant 0 : i32
        %dma_start3A_664 = tpu.memref_slice %arg7[%add3A_513, %dma_start3A_663] : memref<100000x16xf32, #tpu.memory_space<hbm>> -> memref<320x16xf32, #tpu.memory_space<hbm>>
        %dma_start3A_665 = arith.constant 0 : i32
        %dma_start3A_666 = arith.constant 0 : i32
        %dma_start3A_667 = tpu.memref_slice %arg10[%run_scoped3A_655, %dma_start3A_665, %dma_start3A_666] : memref<2x512x16xf32, #tpu.memory_space<vmem>> -> memref<1x320x16xf32, #tpu.memory_space<vmem>>
        %dma_start3A_668 = tpu.memref_squeeze %dma_start3A_667 : memref<1x320x16xf32, #tpu.memory_space<vmem>> -> memref<320x16xf32, #tpu.memory_space<vmem>>
        tpu.enqueue_dma source(%dma_start3A_668 : memref<320x16xf32, #tpu.memory_space<vmem>>) target(%dma_start3A_664 : memref<320x16xf32, #tpu.memory_space<hbm>>) target_semaphore(%run_scoped3A_656 : memref<!tpu.dma_semaphore, #tpu.memory_space<semaphore_mem>>)
        %dma_wait3A_669 = arith.constant 0 : i32
        %dma_wait3A_670 = arith.constant 0 : i32
        %dma_wait3A_671 = tpu.memref_slice %arg10[%run_scoped3A_655, %dma_wait3A_669, %dma_wait3A_670] : memref<2x512x16xf32, #tpu.memory_space<vmem>> -> memref<1x320x16xf32, #tpu.memory_space<vmem>>
        %dma_wait3A_672 = tpu.memref_squeeze %dma_wait3A_671 : memref<1x320x16xf32, #tpu.memory_space<vmem>> -> memref<320x16xf32, #tpu.memory_space<vmem>>
        %dma_wait3A_673 = arith.constant 0 : i32
        %dma_wait3A_674 = tpu.memref_slice %arg7[%add3A_513, %dma_wait3A_673] : memref<100000x16xf32, #tpu.memory_space<hbm>> -> memref<320x16xf32, #tpu.memory_space<hbm>>
        %dma_wait3A_675 = arith.constant 0 : i32
        %dma_wait3A_676 = tpu.memref_slice %arg7[%add3A_513, %dma_wait3A_675] : memref<100000x16xf32, #tpu.memory_space<hbm>> -> memref<320x16xf32, #tpu.memory_space<hbm>>
        %dma_wait3A_677 = arith.constant 0 : i32
        %dma_wait3A_678 = arith.constant 0 : i32
        %dma_wait3A_679 = tpu.memref_slice %arg10[%run_scoped3A_655, %dma_wait3A_677, %dma_wait3A_678] : memref<2x512x16xf32, #tpu.memory_space<vmem>> -> memref<1x320x16xf32, #tpu.memory_space<vmem>>
        %dma_wait3A_680 = tpu.memref_squeeze %dma_wait3A_679 : memref<1x320x16xf32, #tpu.memory_space<vmem>> -> memref<320x16xf32, #tpu.memory_space<vmem>>
        tpu.wait_dma2 semaphore(%run_scoped3A_656 : memref<!tpu.dma_semaphore, #tpu.memory_space<semaphore_mem>>) src(%dma_wait3A_680 : memref<320x16xf32, #tpu.memory_space<vmem>>) dst(%dma_wait3A_676 : memref<320x16xf32, #tpu.memory_space<hbm>>)
        tpu.yield
      }) : () -> ()
    } else {
    }
    %add3A_525 = arith.constant 3200 : i32
    %add3A_526 = arith.addi %mul3A_0, %add3A_525 : i32
    %run_scoped3A_527 = arith.constant 0 : i32
    "tpu.region"() ({
      %run_scoped3A_655 = tpu.sem_alloc : memref<!tpu.dma_semaphore, #tpu.memory_space<semaphore_mem>>
      %dma_start3A_656 = arith.constant 0 : i32
      %dma_start3A_657 = arith.constant 0 : i32
      %dma_start3A_658 = tpu.memref_slice %arg10[%run_scoped3A_527, %dma_start3A_656, %dma_start3A_657] : memref<2x512x16xf32, #tpu.memory_space<vmem>> -> memref<1x320x16xf32, #tpu.memory_space<vmem>>
      %dma_start3A_659 = tpu.memref_squeeze %dma_start3A_658 : memref<1x320x16xf32, #tpu.memory_space<vmem>> -> memref<320x16xf32, #tpu.memory_space<vmem>>
      %dma_start3A_660 = arith.constant 0 : i32
      %dma_start3A_661 = tpu.memref_slice %arg8[%add3A_526, %dma_start3A_660] : memref<100008x16xf32, #tpu.memory_space<vmem_shared>> -> memref<320x16xf32, #tpu.memory_space<vmem_shared>>
      %dma_start3A_662 = arith.constant 0 : i32
      %dma_start3A_663 = arith.constant 0 : i32
      %dma_start3A_664 = tpu.memref_slice %arg10[%run_scoped3A_527, %dma_start3A_662, %dma_start3A_663] : memref<2x512x16xf32, #tpu.memory_space<vmem>> -> memref<1x320x16xf32, #tpu.memory_space<vmem>>
      %dma_start3A_665 = tpu.memref_squeeze %dma_start3A_664 : memref<1x320x16xf32, #tpu.memory_space<vmem>> -> memref<320x16xf32, #tpu.memory_space<vmem>>
      %dma_start3A_666 = arith.constant 0 : i32
      %dma_start3A_667 = tpu.memref_slice %arg8[%add3A_526, %dma_start3A_666] : memref<100008x16xf32, #tpu.memory_space<vmem_shared>> -> memref<320x16xf32, #tpu.memory_space<vmem_shared>>
      tpu.enqueue_dma source(%dma_start3A_667 : memref<320x16xf32, #tpu.memory_space<vmem_shared>>) target(%dma_start3A_665 : memref<320x16xf32, #tpu.memory_space<vmem>>) target_semaphore(%run_scoped3A_655 : memref<!tpu.dma_semaphore, #tpu.memory_space<semaphore_mem>>)
      %dma_wait3A_668 = arith.constant 0 : i32
      %dma_wait3A_669 = arith.constant 0 : i32
      %dma_wait3A_670 = tpu.memref_slice %arg10[%run_scoped3A_527, %dma_wait3A_668, %dma_wait3A_669] : memref<2x512x16xf32, #tpu.memory_space<vmem>> -> memref<1x320x16xf32, #tpu.memory_space<vmem>>
      %dma_wait3A_671 = tpu.memref_squeeze %dma_wait3A_670 : memref<1x320x16xf32, #tpu.memory_space<vmem>> -> memref<320x16xf32, #tpu.memory_space<vmem>>
      %dma_wait3A_672 = arith.constant 0 : i32
      %dma_wait3A_673 = tpu.memref_slice %arg8[%add3A_526, %dma_wait3A_672] : memref<100008x16xf32, #tpu.memory_space<vmem_shared>> -> memref<320x16xf32, #tpu.memory_space<vmem_shared>>
      %dma_wait3A_674 = arith.constant 0 : i32
      %dma_wait3A_675 = arith.constant 0 : i32
      %dma_wait3A_676 = tpu.memref_slice %arg10[%run_scoped3A_527, %dma_wait3A_674, %dma_wait3A_675] : memref<2x512x16xf32, #tpu.memory_space<vmem>> -> memref<1x320x16xf32, #tpu.memory_space<vmem>>
      %dma_wait3A_677 = tpu.memref_squeeze %dma_wait3A_676 : memref<1x320x16xf32, #tpu.memory_space<vmem>> -> memref<320x16xf32, #tpu.memory_space<vmem>>
      %dma_wait3A_678 = arith.constant 0 : i32
      %dma_wait3A_679 = tpu.memref_slice %arg8[%add3A_526, %dma_wait3A_678] : memref<100008x16xf32, #tpu.memory_space<vmem_shared>> -> memref<320x16xf32, #tpu.memory_space<vmem_shared>>
      tpu.wait_dma2 semaphore(%run_scoped3A_655 : memref<!tpu.dma_semaphore, #tpu.memory_space<semaphore_mem>>) src(%dma_wait3A_679 : memref<320x16xf32, #tpu.memory_space<vmem_shared>>) dst(%dma_wait3A_677 : memref<320x16xf32, #tpu.memory_space<vmem>>)
      tpu.yield
    }) : () -> ()
    %eq3A_528 = arith.constant 0 : i32
    %eq3A_529 = arith.cmpi eq, %arg0, %eq3A_528 : i32
    %convert_element_type3A_530 = arith.extui %eq3A_529 : i1 to i32
    %cond3A_531 = arith.constant 0 : i32
    %cond3A_532 = arith.cmpi ne, %convert_element_type3A_530, %cond3A_531 : i32
    scf.if %cond3A_532 {
      %run_scoped3A_655 = arith.constant 0 : i32
      "tpu.region"() ({
        %run_scoped3A_656 = tpu.sem_alloc : memref<!tpu.dma_semaphore, #tpu.memory_space<semaphore_mem>>
        %dma_start3A_657 = arith.constant 0 : i32
        %dma_start3A_658 = arith.constant 0 : i32
        %dma_start3A_659 = tpu.memref_slice %arg10[%run_scoped3A_655, %dma_start3A_657, %dma_start3A_658] : memref<2x512x16xf32, #tpu.memory_space<vmem>> -> memref<1x320x16xf32, #tpu.memory_space<vmem>>
        %dma_start3A_660 = tpu.memref_squeeze %dma_start3A_659 : memref<1x320x16xf32, #tpu.memory_space<vmem>> -> memref<320x16xf32, #tpu.memory_space<vmem>>
        %dma_start3A_661 = arith.constant 0 : i32
        %dma_start3A_662 = tpu.memref_slice %arg6[%add3A_526, %dma_start3A_661] : memref<100000x16xf32, #tpu.memory_space<hbm>> -> memref<320x16xf32, #tpu.memory_space<hbm>>
        %dma_start3A_663 = arith.constant 0 : i32
        %dma_start3A_664 = tpu.memref_slice %arg6[%add3A_526, %dma_start3A_663] : memref<100000x16xf32, #tpu.memory_space<hbm>> -> memref<320x16xf32, #tpu.memory_space<hbm>>
        %dma_start3A_665 = arith.constant 0 : i32
        %dma_start3A_666 = arith.constant 0 : i32
        %dma_start3A_667 = tpu.memref_slice %arg10[%run_scoped3A_655, %dma_start3A_665, %dma_start3A_666] : memref<2x512x16xf32, #tpu.memory_space<vmem>> -> memref<1x320x16xf32, #tpu.memory_space<vmem>>
        %dma_start3A_668 = tpu.memref_squeeze %dma_start3A_667 : memref<1x320x16xf32, #tpu.memory_space<vmem>> -> memref<320x16xf32, #tpu.memory_space<vmem>>
        tpu.enqueue_dma source(%dma_start3A_668 : memref<320x16xf32, #tpu.memory_space<vmem>>) target(%dma_start3A_664 : memref<320x16xf32, #tpu.memory_space<hbm>>) target_semaphore(%run_scoped3A_656 : memref<!tpu.dma_semaphore, #tpu.memory_space<semaphore_mem>>)
        %dma_wait3A_669 = arith.constant 0 : i32
        %dma_wait3A_670 = arith.constant 0 : i32
        %dma_wait3A_671 = tpu.memref_slice %arg10[%run_scoped3A_655, %dma_wait3A_669, %dma_wait3A_670] : memref<2x512x16xf32, #tpu.memory_space<vmem>> -> memref<1x320x16xf32, #tpu.memory_space<vmem>>
        %dma_wait3A_672 = tpu.memref_squeeze %dma_wait3A_671 : memref<1x320x16xf32, #tpu.memory_space<vmem>> -> memref<320x16xf32, #tpu.memory_space<vmem>>
        %dma_wait3A_673 = arith.constant 0 : i32
        %dma_wait3A_674 = tpu.memref_slice %arg6[%add3A_526, %dma_wait3A_673] : memref<100000x16xf32, #tpu.memory_space<hbm>> -> memref<320x16xf32, #tpu.memory_space<hbm>>
        %dma_wait3A_675 = arith.constant 0 : i32
        %dma_wait3A_676 = tpu.memref_slice %arg6[%add3A_526, %dma_wait3A_675] : memref<100000x16xf32, #tpu.memory_space<hbm>> -> memref<320x16xf32, #tpu.memory_space<hbm>>
        %dma_wait3A_677 = arith.constant 0 : i32
        %dma_wait3A_678 = arith.constant 0 : i32
        %dma_wait3A_679 = tpu.memref_slice %arg10[%run_scoped3A_655, %dma_wait3A_677, %dma_wait3A_678] : memref<2x512x16xf32, #tpu.memory_space<vmem>> -> memref<1x320x16xf32, #tpu.memory_space<vmem>>
        %dma_wait3A_680 = tpu.memref_squeeze %dma_wait3A_679 : memref<1x320x16xf32, #tpu.memory_space<vmem>> -> memref<320x16xf32, #tpu.memory_space<vmem>>
        tpu.wait_dma2 semaphore(%run_scoped3A_656 : memref<!tpu.dma_semaphore, #tpu.memory_space<semaphore_mem>>) src(%dma_wait3A_680 : memref<320x16xf32, #tpu.memory_space<vmem>>) dst(%dma_wait3A_676 : memref<320x16xf32, #tpu.memory_space<hbm>>)
        tpu.yield
      }) : () -> ()
    } else {
    }
    %eq3A_533 = arith.constant 1 : i32
    %eq3A_534 = arith.cmpi eq, %arg0, %eq3A_533 : i32
    %convert_element_type3A_535 = arith.extui %eq3A_534 : i1 to i32
    %cond3A_536 = arith.constant 0 : i32
    %cond3A_537 = arith.cmpi ne, %convert_element_type3A_535, %cond3A_536 : i32
    scf.if %cond3A_537 {
      %run_scoped3A_655 = arith.constant 0 : i32
      "tpu.region"() ({
        %run_scoped3A_656 = tpu.sem_alloc : memref<!tpu.dma_semaphore, #tpu.memory_space<semaphore_mem>>
        %dma_start3A_657 = arith.constant 0 : i32
        %dma_start3A_658 = arith.constant 0 : i32
        %dma_start3A_659 = tpu.memref_slice %arg10[%run_scoped3A_655, %dma_start3A_657, %dma_start3A_658] : memref<2x512x16xf32, #tpu.memory_space<vmem>> -> memref<1x320x16xf32, #tpu.memory_space<vmem>>
        %dma_start3A_660 = tpu.memref_squeeze %dma_start3A_659 : memref<1x320x16xf32, #tpu.memory_space<vmem>> -> memref<320x16xf32, #tpu.memory_space<vmem>>
        %dma_start3A_661 = arith.constant 0 : i32
        %dma_start3A_662 = tpu.memref_slice %arg7[%add3A_526, %dma_start3A_661] : memref<100000x16xf32, #tpu.memory_space<hbm>> -> memref<320x16xf32, #tpu.memory_space<hbm>>
        %dma_start3A_663 = arith.constant 0 : i32
        %dma_start3A_664 = tpu.memref_slice %arg7[%add3A_526, %dma_start3A_663] : memref<100000x16xf32, #tpu.memory_space<hbm>> -> memref<320x16xf32, #tpu.memory_space<hbm>>
        %dma_start3A_665 = arith.constant 0 : i32
        %dma_start3A_666 = arith.constant 0 : i32
        %dma_start3A_667 = tpu.memref_slice %arg10[%run_scoped3A_655, %dma_start3A_665, %dma_start3A_666] : memref<2x512x16xf32, #tpu.memory_space<vmem>> -> memref<1x320x16xf32, #tpu.memory_space<vmem>>
        %dma_start3A_668 = tpu.memref_squeeze %dma_start3A_667 : memref<1x320x16xf32, #tpu.memory_space<vmem>> -> memref<320x16xf32, #tpu.memory_space<vmem>>
        tpu.enqueue_dma source(%dma_start3A_668 : memref<320x16xf32, #tpu.memory_space<vmem>>) target(%dma_start3A_664 : memref<320x16xf32, #tpu.memory_space<hbm>>) target_semaphore(%run_scoped3A_656 : memref<!tpu.dma_semaphore, #tpu.memory_space<semaphore_mem>>)
        %dma_wait3A_669 = arith.constant 0 : i32
        %dma_wait3A_670 = arith.constant 0 : i32
        %dma_wait3A_671 = tpu.memref_slice %arg10[%run_scoped3A_655, %dma_wait3A_669, %dma_wait3A_670] : memref<2x512x16xf32, #tpu.memory_space<vmem>> -> memref<1x320x16xf32, #tpu.memory_space<vmem>>
        %dma_wait3A_672 = tpu.memref_squeeze %dma_wait3A_671 : memref<1x320x16xf32, #tpu.memory_space<vmem>> -> memref<320x16xf32, #tpu.memory_space<vmem>>
        %dma_wait3A_673 = arith.constant 0 : i32
        %dma_wait3A_674 = tpu.memref_slice %arg7[%add3A_526, %dma_wait3A_673] : memref<100000x16xf32, #tpu.memory_space<hbm>> -> memref<320x16xf32, #tpu.memory_space<hbm>>
        %dma_wait3A_675 = arith.constant 0 : i32
        %dma_wait3A_676 = tpu.memref_slice %arg7[%add3A_526, %dma_wait3A_675] : memref<100000x16xf32, #tpu.memory_space<hbm>> -> memref<320x16xf32, #tpu.memory_space<hbm>>
        %dma_wait3A_677 = arith.constant 0 : i32
        %dma_wait3A_678 = arith.constant 0 : i32
        %dma_wait3A_679 = tpu.memref_slice %arg10[%run_scoped3A_655, %dma_wait3A_677, %dma_wait3A_678] : memref<2x512x16xf32, #tpu.memory_space<vmem>> -> memref<1x320x16xf32, #tpu.memory_space<vmem>>
        %dma_wait3A_680 = tpu.memref_squeeze %dma_wait3A_679 : memref<1x320x16xf32, #tpu.memory_space<vmem>> -> memref<320x16xf32, #tpu.memory_space<vmem>>
        tpu.wait_dma2 semaphore(%run_scoped3A_656 : memref<!tpu.dma_semaphore, #tpu.memory_space<semaphore_mem>>) src(%dma_wait3A_680 : memref<320x16xf32, #tpu.memory_space<vmem>>) dst(%dma_wait3A_676 : memref<320x16xf32, #tpu.memory_space<hbm>>)
        tpu.yield
      }) : () -> ()
    } else {
    }
    %add3A_538 = arith.constant 3520 : i32
    %add3A_539 = arith.addi %mul3A_0, %add3A_538 : i32
    %run_scoped3A_540 = arith.constant 0 : i32
    "tpu.region"() ({
      %run_scoped3A_655 = tpu.sem_alloc : memref<!tpu.dma_semaphore, #tpu.memory_space<semaphore_mem>>
      %dma_start3A_656 = arith.constant 0 : i32
      %dma_start3A_657 = arith.constant 0 : i32
      %dma_start3A_658 = tpu.memref_slice %arg10[%run_scoped3A_540, %dma_start3A_656, %dma_start3A_657] : memref<2x512x16xf32, #tpu.memory_space<vmem>> -> memref<1x320x16xf32, #tpu.memory_space<vmem>>
      %dma_start3A_659 = tpu.memref_squeeze %dma_start3A_658 : memref<1x320x16xf32, #tpu.memory_space<vmem>> -> memref<320x16xf32, #tpu.memory_space<vmem>>
      %dma_start3A_660 = arith.constant 0 : i32
      %dma_start3A_661 = tpu.memref_slice %arg8[%add3A_539, %dma_start3A_660] : memref<100008x16xf32, #tpu.memory_space<vmem_shared>> -> memref<320x16xf32, #tpu.memory_space<vmem_shared>>
      %dma_start3A_662 = arith.constant 0 : i32
      %dma_start3A_663 = arith.constant 0 : i32
      %dma_start3A_664 = tpu.memref_slice %arg10[%run_scoped3A_540, %dma_start3A_662, %dma_start3A_663] : memref<2x512x16xf32, #tpu.memory_space<vmem>> -> memref<1x320x16xf32, #tpu.memory_space<vmem>>
      %dma_start3A_665 = tpu.memref_squeeze %dma_start3A_664 : memref<1x320x16xf32, #tpu.memory_space<vmem>> -> memref<320x16xf32, #tpu.memory_space<vmem>>
      %dma_start3A_666 = arith.constant 0 : i32
      %dma_start3A_667 = tpu.memref_slice %arg8[%add3A_539, %dma_start3A_666] : memref<100008x16xf32, #tpu.memory_space<vmem_shared>> -> memref<320x16xf32, #tpu.memory_space<vmem_shared>>
      tpu.enqueue_dma source(%dma_start3A_667 : memref<320x16xf32, #tpu.memory_space<vmem_shared>>) target(%dma_start3A_665 : memref<320x16xf32, #tpu.memory_space<vmem>>) target_semaphore(%run_scoped3A_655 : memref<!tpu.dma_semaphore, #tpu.memory_space<semaphore_mem>>)
      %dma_wait3A_668 = arith.constant 0 : i32
      %dma_wait3A_669 = arith.constant 0 : i32
      %dma_wait3A_670 = tpu.memref_slice %arg10[%run_scoped3A_540, %dma_wait3A_668, %dma_wait3A_669] : memref<2x512x16xf32, #tpu.memory_space<vmem>> -> memref<1x320x16xf32, #tpu.memory_space<vmem>>
      %dma_wait3A_671 = tpu.memref_squeeze %dma_wait3A_670 : memref<1x320x16xf32, #tpu.memory_space<vmem>> -> memref<320x16xf32, #tpu.memory_space<vmem>>
      %dma_wait3A_672 = arith.constant 0 : i32
      %dma_wait3A_673 = tpu.memref_slice %arg8[%add3A_539, %dma_wait3A_672] : memref<100008x16xf32, #tpu.memory_space<vmem_shared>> -> memref<320x16xf32, #tpu.memory_space<vmem_shared>>
      %dma_wait3A_674 = arith.constant 0 : i32
      %dma_wait3A_675 = arith.constant 0 : i32
      %dma_wait3A_676 = tpu.memref_slice %arg10[%run_scoped3A_540, %dma_wait3A_674, %dma_wait3A_675] : memref<2x512x16xf32, #tpu.memory_space<vmem>> -> memref<1x320x16xf32, #tpu.memory_space<vmem>>
      %dma_wait3A_677 = tpu.memref_squeeze %dma_wait3A_676 : memref<1x320x16xf32, #tpu.memory_space<vmem>> -> memref<320x16xf32, #tpu.memory_space<vmem>>
      %dma_wait3A_678 = arith.constant 0 : i32
      %dma_wait3A_679 = tpu.memref_slice %arg8[%add3A_539, %dma_wait3A_678] : memref<100008x16xf32, #tpu.memory_space<vmem_shared>> -> memref<320x16xf32, #tpu.memory_space<vmem_shared>>
      tpu.wait_dma2 semaphore(%run_scoped3A_655 : memref<!tpu.dma_semaphore, #tpu.memory_space<semaphore_mem>>) src(%dma_wait3A_679 : memref<320x16xf32, #tpu.memory_space<vmem_shared>>) dst(%dma_wait3A_677 : memref<320x16xf32, #tpu.memory_space<vmem>>)
      tpu.yield
    }) : () -> ()
    %eq3A_541 = arith.constant 0 : i32
    %eq3A_542 = arith.cmpi eq, %arg0, %eq3A_541 : i32
    %convert_element_type3A_543 = arith.extui %eq3A_542 : i1 to i32
    %cond3A_544 = arith.constant 0 : i32
    %cond3A_545 = arith.cmpi ne, %convert_element_type3A_543, %cond3A_544 : i32
    scf.if %cond3A_545 {
      %run_scoped3A_655 = arith.constant 0 : i32
      "tpu.region"() ({
        %run_scoped3A_656 = tpu.sem_alloc : memref<!tpu.dma_semaphore, #tpu.memory_space<semaphore_mem>>
        %dma_start3A_657 = arith.constant 0 : i32
        %dma_start3A_658 = arith.constant 0 : i32
        %dma_start3A_659 = tpu.memref_slice %arg10[%run_scoped3A_655, %dma_start3A_657, %dma_start3A_658] : memref<2x512x16xf32, #tpu.memory_space<vmem>> -> memref<1x320x16xf32, #tpu.memory_space<vmem>>
        %dma_start3A_660 = tpu.memref_squeeze %dma_start3A_659 : memref<1x320x16xf32, #tpu.memory_space<vmem>> -> memref<320x16xf32, #tpu.memory_space<vmem>>
        %dma_start3A_661 = arith.constant 0 : i32
        %dma_start3A_662 = tpu.memref_slice %arg6[%add3A_539, %dma_start3A_661] : memref<100000x16xf32, #tpu.memory_space<hbm>> -> memref<320x16xf32, #tpu.memory_space<hbm>>
        %dma_start3A_663 = arith.constant 0 : i32
        %dma_start3A_664 = tpu.memref_slice %arg6[%add3A_539, %dma_start3A_663] : memref<100000x16xf32, #tpu.memory_space<hbm>> -> memref<320x16xf32, #tpu.memory_space<hbm>>
        %dma_start3A_665 = arith.constant 0 : i32
        %dma_start3A_666 = arith.constant 0 : i32
        %dma_start3A_667 = tpu.memref_slice %arg10[%run_scoped3A_655, %dma_start3A_665, %dma_start3A_666] : memref<2x512x16xf32, #tpu.memory_space<vmem>> -> memref<1x320x16xf32, #tpu.memory_space<vmem>>
        %dma_start3A_668 = tpu.memref_squeeze %dma_start3A_667 : memref<1x320x16xf32, #tpu.memory_space<vmem>> -> memref<320x16xf32, #tpu.memory_space<vmem>>
        tpu.enqueue_dma source(%dma_start3A_668 : memref<320x16xf32, #tpu.memory_space<vmem>>) target(%dma_start3A_664 : memref<320x16xf32, #tpu.memory_space<hbm>>) target_semaphore(%run_scoped3A_656 : memref<!tpu.dma_semaphore, #tpu.memory_space<semaphore_mem>>)
        %dma_wait3A_669 = arith.constant 0 : i32
        %dma_wait3A_670 = arith.constant 0 : i32
        %dma_wait3A_671 = tpu.memref_slice %arg10[%run_scoped3A_655, %dma_wait3A_669, %dma_wait3A_670] : memref<2x512x16xf32, #tpu.memory_space<vmem>> -> memref<1x320x16xf32, #tpu.memory_space<vmem>>
        %dma_wait3A_672 = tpu.memref_squeeze %dma_wait3A_671 : memref<1x320x16xf32, #tpu.memory_space<vmem>> -> memref<320x16xf32, #tpu.memory_space<vmem>>
        %dma_wait3A_673 = arith.constant 0 : i32
        %dma_wait3A_674 = tpu.memref_slice %arg6[%add3A_539, %dma_wait3A_673] : memref<100000x16xf32, #tpu.memory_space<hbm>> -> memref<320x16xf32, #tpu.memory_space<hbm>>
        %dma_wait3A_675 = arith.constant 0 : i32
        %dma_wait3A_676 = tpu.memref_slice %arg6[%add3A_539, %dma_wait3A_675] : memref<100000x16xf32, #tpu.memory_space<hbm>> -> memref<320x16xf32, #tpu.memory_space<hbm>>
        %dma_wait3A_677 = arith.constant 0 : i32
        %dma_wait3A_678 = arith.constant 0 : i32
        %dma_wait3A_679 = tpu.memref_slice %arg10[%run_scoped3A_655, %dma_wait3A_677, %dma_wait3A_678] : memref<2x512x16xf32, #tpu.memory_space<vmem>> -> memref<1x320x16xf32, #tpu.memory_space<vmem>>
        %dma_wait3A_680 = tpu.memref_squeeze %dma_wait3A_679 : memref<1x320x16xf32, #tpu.memory_space<vmem>> -> memref<320x16xf32, #tpu.memory_space<vmem>>
        tpu.wait_dma2 semaphore(%run_scoped3A_656 : memref<!tpu.dma_semaphore, #tpu.memory_space<semaphore_mem>>) src(%dma_wait3A_680 : memref<320x16xf32, #tpu.memory_space<vmem>>) dst(%dma_wait3A_676 : memref<320x16xf32, #tpu.memory_space<hbm>>)
        tpu.yield
      }) : () -> ()
    } else {
    }
    %eq3A_546 = arith.constant 1 : i32
    %eq3A_547 = arith.cmpi eq, %arg0, %eq3A_546 : i32
    %convert_element_type3A_548 = arith.extui %eq3A_547 : i1 to i32
    %cond3A_549 = arith.constant 0 : i32
    %cond3A_550 = arith.cmpi ne, %convert_element_type3A_548, %cond3A_549 : i32
    scf.if %cond3A_550 {
      %run_scoped3A_655 = arith.constant 0 : i32
      "tpu.region"() ({
        %run_scoped3A_656 = tpu.sem_alloc : memref<!tpu.dma_semaphore, #tpu.memory_space<semaphore_mem>>
        %dma_start3A_657 = arith.constant 0 : i32
        %dma_start3A_658 = arith.constant 0 : i32
        %dma_start3A_659 = tpu.memref_slice %arg10[%run_scoped3A_655, %dma_start3A_657, %dma_start3A_658] : memref<2x512x16xf32, #tpu.memory_space<vmem>> -> memref<1x320x16xf32, #tpu.memory_space<vmem>>
        %dma_start3A_660 = tpu.memref_squeeze %dma_start3A_659 : memref<1x320x16xf32, #tpu.memory_space<vmem>> -> memref<320x16xf32, #tpu.memory_space<vmem>>
        %dma_start3A_661 = arith.constant 0 : i32
        %dma_start3A_662 = tpu.memref_slice %arg7[%add3A_539, %dma_start3A_661] : memref<100000x16xf32, #tpu.memory_space<hbm>> -> memref<320x16xf32, #tpu.memory_space<hbm>>
        %dma_start3A_663 = arith.constant 0 : i32
        %dma_start3A_664 = tpu.memref_slice %arg7[%add3A_539, %dma_start3A_663] : memref<100000x16xf32, #tpu.memory_space<hbm>> -> memref<320x16xf32, #tpu.memory_space<hbm>>
        %dma_start3A_665 = arith.constant 0 : i32
        %dma_start3A_666 = arith.constant 0 : i32
        %dma_start3A_667 = tpu.memref_slice %arg10[%run_scoped3A_655, %dma_start3A_665, %dma_start3A_666] : memref<2x512x16xf32, #tpu.memory_space<vmem>> -> memref<1x320x16xf32, #tpu.memory_space<vmem>>
        %dma_start3A_668 = tpu.memref_squeeze %dma_start3A_667 : memref<1x320x16xf32, #tpu.memory_space<vmem>> -> memref<320x16xf32, #tpu.memory_space<vmem>>
        tpu.enqueue_dma source(%dma_start3A_668 : memref<320x16xf32, #tpu.memory_space<vmem>>) target(%dma_start3A_664 : memref<320x16xf32, #tpu.memory_space<hbm>>) target_semaphore(%run_scoped3A_656 : memref<!tpu.dma_semaphore, #tpu.memory_space<semaphore_mem>>)
        %dma_wait3A_669 = arith.constant 0 : i32
        %dma_wait3A_670 = arith.constant 0 : i32
        %dma_wait3A_671 = tpu.memref_slice %arg10[%run_scoped3A_655, %dma_wait3A_669, %dma_wait3A_670] : memref<2x512x16xf32, #tpu.memory_space<vmem>> -> memref<1x320x16xf32, #tpu.memory_space<vmem>>
        %dma_wait3A_672 = tpu.memref_squeeze %dma_wait3A_671 : memref<1x320x16xf32, #tpu.memory_space<vmem>> -> memref<320x16xf32, #tpu.memory_space<vmem>>
        %dma_wait3A_673 = arith.constant 0 : i32
        %dma_wait3A_674 = tpu.memref_slice %arg7[%add3A_539, %dma_wait3A_673] : memref<100000x16xf32, #tpu.memory_space<hbm>> -> memref<320x16xf32, #tpu.memory_space<hbm>>
        %dma_wait3A_675 = arith.constant 0 : i32
        %dma_wait3A_676 = tpu.memref_slice %arg7[%add3A_539, %dma_wait3A_675] : memref<100000x16xf32, #tpu.memory_space<hbm>> -> memref<320x16xf32, #tpu.memory_space<hbm>>
        %dma_wait3A_677 = arith.constant 0 : i32
        %dma_wait3A_678 = arith.constant 0 : i32
        %dma_wait3A_679 = tpu.memref_slice %arg10[%run_scoped3A_655, %dma_wait3A_677, %dma_wait3A_678] : memref<2x512x16xf32, #tpu.memory_space<vmem>> -> memref<1x320x16xf32, #tpu.memory_space<vmem>>
        %dma_wait3A_680 = tpu.memref_squeeze %dma_wait3A_679 : memref<1x320x16xf32, #tpu.memory_space<vmem>> -> memref<320x16xf32, #tpu.memory_space<vmem>>
        tpu.wait_dma2 semaphore(%run_scoped3A_656 : memref<!tpu.dma_semaphore, #tpu.memory_space<semaphore_mem>>) src(%dma_wait3A_680 : memref<320x16xf32, #tpu.memory_space<vmem>>) dst(%dma_wait3A_676 : memref<320x16xf32, #tpu.memory_space<hbm>>)
        tpu.yield
      }) : () -> ()
    } else {
    }
    %add3A_551 = arith.constant 3840 : i32
    %add3A_552 = arith.addi %mul3A_0, %add3A_551 : i32
    %run_scoped3A_553 = arith.constant 0 : i32
    "tpu.region"() ({
      %run_scoped3A_655 = tpu.sem_alloc : memref<!tpu.dma_semaphore, #tpu.memory_space<semaphore_mem>>
      %dma_start3A_656 = arith.constant 0 : i32
      %dma_start3A_657 = arith.constant 0 : i32
      %dma_start3A_658 = tpu.memref_slice %arg10[%run_scoped3A_553, %dma_start3A_656, %dma_start3A_657] : memref<2x512x16xf32, #tpu.memory_space<vmem>> -> memref<1x320x16xf32, #tpu.memory_space<vmem>>
      %dma_start3A_659 = tpu.memref_squeeze %dma_start3A_658 : memref<1x320x16xf32, #tpu.memory_space<vmem>> -> memref<320x16xf32, #tpu.memory_space<vmem>>
      %dma_start3A_660 = arith.constant 0 : i32
      %dma_start3A_661 = tpu.memref_slice %arg8[%add3A_552, %dma_start3A_660] : memref<100008x16xf32, #tpu.memory_space<vmem_shared>> -> memref<320x16xf32, #tpu.memory_space<vmem_shared>>
      %dma_start3A_662 = arith.constant 0 : i32
      %dma_start3A_663 = arith.constant 0 : i32
      %dma_start3A_664 = tpu.memref_slice %arg10[%run_scoped3A_553, %dma_start3A_662, %dma_start3A_663] : memref<2x512x16xf32, #tpu.memory_space<vmem>> -> memref<1x320x16xf32, #tpu.memory_space<vmem>>
      %dma_start3A_665 = tpu.memref_squeeze %dma_start3A_664 : memref<1x320x16xf32, #tpu.memory_space<vmem>> -> memref<320x16xf32, #tpu.memory_space<vmem>>
      %dma_start3A_666 = arith.constant 0 : i32
      %dma_start3A_667 = tpu.memref_slice %arg8[%add3A_552, %dma_start3A_666] : memref<100008x16xf32, #tpu.memory_space<vmem_shared>> -> memref<320x16xf32, #tpu.memory_space<vmem_shared>>
      tpu.enqueue_dma source(%dma_start3A_667 : memref<320x16xf32, #tpu.memory_space<vmem_shared>>) target(%dma_start3A_665 : memref<320x16xf32, #tpu.memory_space<vmem>>) target_semaphore(%run_scoped3A_655 : memref<!tpu.dma_semaphore, #tpu.memory_space<semaphore_mem>>)
      %dma_wait3A_668 = arith.constant 0 : i32
      %dma_wait3A_669 = arith.constant 0 : i32
      %dma_wait3A_670 = tpu.memref_slice %arg10[%run_scoped3A_553, %dma_wait3A_668, %dma_wait3A_669] : memref<2x512x16xf32, #tpu.memory_space<vmem>> -> memref<1x320x16xf32, #tpu.memory_space<vmem>>
      %dma_wait3A_671 = tpu.memref_squeeze %dma_wait3A_670 : memref<1x320x16xf32, #tpu.memory_space<vmem>> -> memref<320x16xf32, #tpu.memory_space<vmem>>
      %dma_wait3A_672 = arith.constant 0 : i32
      %dma_wait3A_673 = tpu.memref_slice %arg8[%add3A_552, %dma_wait3A_672] : memref<100008x16xf32, #tpu.memory_space<vmem_shared>> -> memref<320x16xf32, #tpu.memory_space<vmem_shared>>
      %dma_wait3A_674 = arith.constant 0 : i32
      %dma_wait3A_675 = arith.constant 0 : i32
      %dma_wait3A_676 = tpu.memref_slice %arg10[%run_scoped3A_553, %dma_wait3A_674, %dma_wait3A_675] : memref<2x512x16xf32, #tpu.memory_space<vmem>> -> memref<1x320x16xf32, #tpu.memory_space<vmem>>
      %dma_wait3A_677 = tpu.memref_squeeze %dma_wait3A_676 : memref<1x320x16xf32, #tpu.memory_space<vmem>> -> memref<320x16xf32, #tpu.memory_space<vmem>>
      %dma_wait3A_678 = arith.constant 0 : i32
      %dma_wait3A_679 = tpu.memref_slice %arg8[%add3A_552, %dma_wait3A_678] : memref<100008x16xf32, #tpu.memory_space<vmem_shared>> -> memref<320x16xf32, #tpu.memory_space<vmem_shared>>
      tpu.wait_dma2 semaphore(%run_scoped3A_655 : memref<!tpu.dma_semaphore, #tpu.memory_space<semaphore_mem>>) src(%dma_wait3A_679 : memref<320x16xf32, #tpu.memory_space<vmem_shared>>) dst(%dma_wait3A_677 : memref<320x16xf32, #tpu.memory_space<vmem>>)
      tpu.yield
    }) : () -> ()
    %eq3A_554 = arith.constant 0 : i32
    %eq3A_555 = arith.cmpi eq, %arg0, %eq3A_554 : i32
    %convert_element_type3A_556 = arith.extui %eq3A_555 : i1 to i32
    %cond3A_557 = arith.constant 0 : i32
    %cond3A_558 = arith.cmpi ne, %convert_element_type3A_556, %cond3A_557 : i32
    scf.if %cond3A_558 {
      %run_scoped3A_655 = arith.constant 0 : i32
      "tpu.region"() ({
        %run_scoped3A_656 = tpu.sem_alloc : memref<!tpu.dma_semaphore, #tpu.memory_space<semaphore_mem>>
        %dma_start3A_657 = arith.constant 0 : i32
        %dma_start3A_658 = arith.constant 0 : i32
        %dma_start3A_659 = tpu.memref_slice %arg10[%run_scoped3A_655, %dma_start3A_657, %dma_start3A_658] : memref<2x512x16xf32, #tpu.memory_space<vmem>> -> memref<1x320x16xf32, #tpu.memory_space<vmem>>
        %dma_start3A_660 = tpu.memref_squeeze %dma_start3A_659 : memref<1x320x16xf32, #tpu.memory_space<vmem>> -> memref<320x16xf32, #tpu.memory_space<vmem>>
        %dma_start3A_661 = arith.constant 0 : i32
        %dma_start3A_662 = tpu.memref_slice %arg6[%add3A_552, %dma_start3A_661] : memref<100000x16xf32, #tpu.memory_space<hbm>> -> memref<320x16xf32, #tpu.memory_space<hbm>>
        %dma_start3A_663 = arith.constant 0 : i32
        %dma_start3A_664 = tpu.memref_slice %arg6[%add3A_552, %dma_start3A_663] : memref<100000x16xf32, #tpu.memory_space<hbm>> -> memref<320x16xf32, #tpu.memory_space<hbm>>
        %dma_start3A_665 = arith.constant 0 : i32
        %dma_start3A_666 = arith.constant 0 : i32
        %dma_start3A_667 = tpu.memref_slice %arg10[%run_scoped3A_655, %dma_start3A_665, %dma_start3A_666] : memref<2x512x16xf32, #tpu.memory_space<vmem>> -> memref<1x320x16xf32, #tpu.memory_space<vmem>>
        %dma_start3A_668 = tpu.memref_squeeze %dma_start3A_667 : memref<1x320x16xf32, #tpu.memory_space<vmem>> -> memref<320x16xf32, #tpu.memory_space<vmem>>
        tpu.enqueue_dma source(%dma_start3A_668 : memref<320x16xf32, #tpu.memory_space<vmem>>) target(%dma_start3A_664 : memref<320x16xf32, #tpu.memory_space<hbm>>) target_semaphore(%run_scoped3A_656 : memref<!tpu.dma_semaphore, #tpu.memory_space<semaphore_mem>>)
        %dma_wait3A_669 = arith.constant 0 : i32
        %dma_wait3A_670 = arith.constant 0 : i32
        %dma_wait3A_671 = tpu.memref_slice %arg10[%run_scoped3A_655, %dma_wait3A_669, %dma_wait3A_670] : memref<2x512x16xf32, #tpu.memory_space<vmem>> -> memref<1x320x16xf32, #tpu.memory_space<vmem>>
        %dma_wait3A_672 = tpu.memref_squeeze %dma_wait3A_671 : memref<1x320x16xf32, #tpu.memory_space<vmem>> -> memref<320x16xf32, #tpu.memory_space<vmem>>
        %dma_wait3A_673 = arith.constant 0 : i32
        %dma_wait3A_674 = tpu.memref_slice %arg6[%add3A_552, %dma_wait3A_673] : memref<100000x16xf32, #tpu.memory_space<hbm>> -> memref<320x16xf32, #tpu.memory_space<hbm>>
        %dma_wait3A_675 = arith.constant 0 : i32
        %dma_wait3A_676 = tpu.memref_slice %arg6[%add3A_552, %dma_wait3A_675] : memref<100000x16xf32, #tpu.memory_space<hbm>> -> memref<320x16xf32, #tpu.memory_space<hbm>>
        %dma_wait3A_677 = arith.constant 0 : i32
        %dma_wait3A_678 = arith.constant 0 : i32
        %dma_wait3A_679 = tpu.memref_slice %arg10[%run_scoped3A_655, %dma_wait3A_677, %dma_wait3A_678] : memref<2x512x16xf32, #tpu.memory_space<vmem>> -> memref<1x320x16xf32, #tpu.memory_space<vmem>>
        %dma_wait3A_680 = tpu.memref_squeeze %dma_wait3A_679 : memref<1x320x16xf32, #tpu.memory_space<vmem>> -> memref<320x16xf32, #tpu.memory_space<vmem>>
        tpu.wait_dma2 semaphore(%run_scoped3A_656 : memref<!tpu.dma_semaphore, #tpu.memory_space<semaphore_mem>>) src(%dma_wait3A_680 : memref<320x16xf32, #tpu.memory_space<vmem>>) dst(%dma_wait3A_676 : memref<320x16xf32, #tpu.memory_space<hbm>>)
        tpu.yield
      }) : () -> ()
    } else {
    }
    %eq3A_559 = arith.constant 1 : i32
    %eq3A_560 = arith.cmpi eq, %arg0, %eq3A_559 : i32
    %convert_element_type3A_561 = arith.extui %eq3A_560 : i1 to i32
    %cond3A_562 = arith.constant 0 : i32
    %cond3A_563 = arith.cmpi ne, %convert_element_type3A_561, %cond3A_562 : i32
    scf.if %cond3A_563 {
      %run_scoped3A_655 = arith.constant 0 : i32
      "tpu.region"() ({
        %run_scoped3A_656 = tpu.sem_alloc : memref<!tpu.dma_semaphore, #tpu.memory_space<semaphore_mem>>
        %dma_start3A_657 = arith.constant 0 : i32
        %dma_start3A_658 = arith.constant 0 : i32
        %dma_start3A_659 = tpu.memref_slice %arg10[%run_scoped3A_655, %dma_start3A_657, %dma_start3A_658] : memref<2x512x16xf32, #tpu.memory_space<vmem>> -> memref<1x320x16xf32, #tpu.memory_space<vmem>>
        %dma_start3A_660 = tpu.memref_squeeze %dma_start3A_659 : memref<1x320x16xf32, #tpu.memory_space<vmem>> -> memref<320x16xf32, #tpu.memory_space<vmem>>
        %dma_start3A_661 = arith.constant 0 : i32
        %dma_start3A_662 = tpu.memref_slice %arg7[%add3A_552, %dma_start3A_661] : memref<100000x16xf32, #tpu.memory_space<hbm>> -> memref<320x16xf32, #tpu.memory_space<hbm>>
        %dma_start3A_663 = arith.constant 0 : i32
        %dma_start3A_664 = tpu.memref_slice %arg7[%add3A_552, %dma_start3A_663] : memref<100000x16xf32, #tpu.memory_space<hbm>> -> memref<320x16xf32, #tpu.memory_space<hbm>>
        %dma_start3A_665 = arith.constant 0 : i32
        %dma_start3A_666 = arith.constant 0 : i32
        %dma_start3A_667 = tpu.memref_slice %arg10[%run_scoped3A_655, %dma_start3A_665, %dma_start3A_666] : memref<2x512x16xf32, #tpu.memory_space<vmem>> -> memref<1x320x16xf32, #tpu.memory_space<vmem>>
        %dma_start3A_668 = tpu.memref_squeeze %dma_start3A_667 : memref<1x320x16xf32, #tpu.memory_space<vmem>> -> memref<320x16xf32, #tpu.memory_space<vmem>>
        tpu.enqueue_dma source(%dma_start3A_668 : memref<320x16xf32, #tpu.memory_space<vmem>>) target(%dma_start3A_664 : memref<320x16xf32, #tpu.memory_space<hbm>>) target_semaphore(%run_scoped3A_656 : memref<!tpu.dma_semaphore, #tpu.memory_space<semaphore_mem>>)
        %dma_wait3A_669 = arith.constant 0 : i32
        %dma_wait3A_670 = arith.constant 0 : i32
        %dma_wait3A_671 = tpu.memref_slice %arg10[%run_scoped3A_655, %dma_wait3A_669, %dma_wait3A_670] : memref<2x512x16xf32, #tpu.memory_space<vmem>> -> memref<1x320x16xf32, #tpu.memory_space<vmem>>
        %dma_wait3A_672 = tpu.memref_squeeze %dma_wait3A_671 : memref<1x320x16xf32, #tpu.memory_space<vmem>> -> memref<320x16xf32, #tpu.memory_space<vmem>>
        %dma_wait3A_673 = arith.constant 0 : i32
        %dma_wait3A_674 = tpu.memref_slice %arg7[%add3A_552, %dma_wait3A_673] : memref<100000x16xf32, #tpu.memory_space<hbm>> -> memref<320x16xf32, #tpu.memory_space<hbm>>
        %dma_wait3A_675 = arith.constant 0 : i32
        %dma_wait3A_676 = tpu.memref_slice %arg7[%add3A_552, %dma_wait3A_675] : memref<100000x16xf32, #tpu.memory_space<hbm>> -> memref<320x16xf32, #tpu.memory_space<hbm>>
        %dma_wait3A_677 = arith.constant 0 : i32
        %dma_wait3A_678 = arith.constant 0 : i32
        %dma_wait3A_679 = tpu.memref_slice %arg10[%run_scoped3A_655, %dma_wait3A_677, %dma_wait3A_678] : memref<2x512x16xf32, #tpu.memory_space<vmem>> -> memref<1x320x16xf32, #tpu.memory_space<vmem>>
        %dma_wait3A_680 = tpu.memref_squeeze %dma_wait3A_679 : memref<1x320x16xf32, #tpu.memory_space<vmem>> -> memref<320x16xf32, #tpu.memory_space<vmem>>
        tpu.wait_dma2 semaphore(%run_scoped3A_656 : memref<!tpu.dma_semaphore, #tpu.memory_space<semaphore_mem>>) src(%dma_wait3A_680 : memref<320x16xf32, #tpu.memory_space<vmem>>) dst(%dma_wait3A_676 : memref<320x16xf32, #tpu.memory_space<hbm>>)
        tpu.yield
      }) : () -> ()
    } else {
    }
    %add3A_564 = arith.constant 4160 : i32
    %add3A_565 = arith.addi %mul3A_0, %add3A_564 : i32
    %run_scoped3A_566 = arith.constant 0 : i32
    "tpu.region"() ({
      %run_scoped3A_655 = tpu.sem_alloc : memref<!tpu.dma_semaphore, #tpu.memory_space<semaphore_mem>>
      %dma_start3A_656 = arith.constant 0 : i32
      %dma_start3A_657 = arith.constant 0 : i32
      %dma_start3A_658 = tpu.memref_slice %arg10[%run_scoped3A_566, %dma_start3A_656, %dma_start3A_657] : memref<2x512x16xf32, #tpu.memory_space<vmem>> -> memref<1x320x16xf32, #tpu.memory_space<vmem>>
      %dma_start3A_659 = tpu.memref_squeeze %dma_start3A_658 : memref<1x320x16xf32, #tpu.memory_space<vmem>> -> memref<320x16xf32, #tpu.memory_space<vmem>>
      %dma_start3A_660 = arith.constant 0 : i32
      %dma_start3A_661 = tpu.memref_slice %arg8[%add3A_565, %dma_start3A_660] : memref<100008x16xf32, #tpu.memory_space<vmem_shared>> -> memref<320x16xf32, #tpu.memory_space<vmem_shared>>
      %dma_start3A_662 = arith.constant 0 : i32
      %dma_start3A_663 = arith.constant 0 : i32
      %dma_start3A_664 = tpu.memref_slice %arg10[%run_scoped3A_566, %dma_start3A_662, %dma_start3A_663] : memref<2x512x16xf32, #tpu.memory_space<vmem>> -> memref<1x320x16xf32, #tpu.memory_space<vmem>>
      %dma_start3A_665 = tpu.memref_squeeze %dma_start3A_664 : memref<1x320x16xf32, #tpu.memory_space<vmem>> -> memref<320x16xf32, #tpu.memory_space<vmem>>
      %dma_start3A_666 = arith.constant 0 : i32
      %dma_start3A_667 = tpu.memref_slice %arg8[%add3A_565, %dma_start3A_666] : memref<100008x16xf32, #tpu.memory_space<vmem_shared>> -> memref<320x16xf32, #tpu.memory_space<vmem_shared>>
      tpu.enqueue_dma source(%dma_start3A_667 : memref<320x16xf32, #tpu.memory_space<vmem_shared>>) target(%dma_start3A_665 : memref<320x16xf32, #tpu.memory_space<vmem>>) target_semaphore(%run_scoped3A_655 : memref<!tpu.dma_semaphore, #tpu.memory_space<semaphore_mem>>)
      %dma_wait3A_668 = arith.constant 0 : i32
      %dma_wait3A_669 = arith.constant 0 : i32
      %dma_wait3A_670 = tpu.memref_slice %arg10[%run_scoped3A_566, %dma_wait3A_668, %dma_wait3A_669] : memref<2x512x16xf32, #tpu.memory_space<vmem>> -> memref<1x320x16xf32, #tpu.memory_space<vmem>>
      %dma_wait3A_671 = tpu.memref_squeeze %dma_wait3A_670 : memref<1x320x16xf32, #tpu.memory_space<vmem>> -> memref<320x16xf32, #tpu.memory_space<vmem>>
      %dma_wait3A_672 = arith.constant 0 : i32
      %dma_wait3A_673 = tpu.memref_slice %arg8[%add3A_565, %dma_wait3A_672] : memref<100008x16xf32, #tpu.memory_space<vmem_shared>> -> memref<320x16xf32, #tpu.memory_space<vmem_shared>>
      %dma_wait3A_674 = arith.constant 0 : i32
      %dma_wait3A_675 = arith.constant 0 : i32
      %dma_wait3A_676 = tpu.memref_slice %arg10[%run_scoped3A_566, %dma_wait3A_674, %dma_wait3A_675] : memref<2x512x16xf32, #tpu.memory_space<vmem>> -> memref<1x320x16xf32, #tpu.memory_space<vmem>>
      %dma_wait3A_677 = tpu.memref_squeeze %dma_wait3A_676 : memref<1x320x16xf32, #tpu.memory_space<vmem>> -> memref<320x16xf32, #tpu.memory_space<vmem>>
      %dma_wait3A_678 = arith.constant 0 : i32
      %dma_wait3A_679 = tpu.memref_slice %arg8[%add3A_565, %dma_wait3A_678] : memref<100008x16xf32, #tpu.memory_space<vmem_shared>> -> memref<320x16xf32, #tpu.memory_space<vmem_shared>>
      tpu.wait_dma2 semaphore(%run_scoped3A_655 : memref<!tpu.dma_semaphore, #tpu.memory_space<semaphore_mem>>) src(%dma_wait3A_679 : memref<320x16xf32, #tpu.memory_space<vmem_shared>>) dst(%dma_wait3A_677 : memref<320x16xf32, #tpu.memory_space<vmem>>)
      tpu.yield
    }) : () -> ()
    %eq3A_567 = arith.constant 0 : i32
    %eq3A_568 = arith.cmpi eq, %arg0, %eq3A_567 : i32
    %convert_element_type3A_569 = arith.extui %eq3A_568 : i1 to i32
    %cond3A_570 = arith.constant 0 : i32
    %cond3A_571 = arith.cmpi ne, %convert_element_type3A_569, %cond3A_570 : i32
    scf.if %cond3A_571 {
      %run_scoped3A_655 = arith.constant 0 : i32
      "tpu.region"() ({
        %run_scoped3A_656 = tpu.sem_alloc : memref<!tpu.dma_semaphore, #tpu.memory_space<semaphore_mem>>
        %dma_start3A_657 = arith.constant 0 : i32
        %dma_start3A_658 = arith.constant 0 : i32
        %dma_start3A_659 = tpu.memref_slice %arg10[%run_scoped3A_655, %dma_start3A_657, %dma_start3A_658] : memref<2x512x16xf32, #tpu.memory_space<vmem>> -> memref<1x320x16xf32, #tpu.memory_space<vmem>>
        %dma_start3A_660 = tpu.memref_squeeze %dma_start3A_659 : memref<1x320x16xf32, #tpu.memory_space<vmem>> -> memref<320x16xf32, #tpu.memory_space<vmem>>
        %dma_start3A_661 = arith.constant 0 : i32
        %dma_start3A_662 = tpu.memref_slice %arg6[%add3A_565, %dma_start3A_661] : memref<100000x16xf32, #tpu.memory_space<hbm>> -> memref<320x16xf32, #tpu.memory_space<hbm>>
        %dma_start3A_663 = arith.constant 0 : i32
        %dma_start3A_664 = tpu.memref_slice %arg6[%add3A_565, %dma_start3A_663] : memref<100000x16xf32, #tpu.memory_space<hbm>> -> memref<320x16xf32, #tpu.memory_space<hbm>>
        %dma_start3A_665 = arith.constant 0 : i32
        %dma_start3A_666 = arith.constant 0 : i32
        %dma_start3A_667 = tpu.memref_slice %arg10[%run_scoped3A_655, %dma_start3A_665, %dma_start3A_666] : memref<2x512x16xf32, #tpu.memory_space<vmem>> -> memref<1x320x16xf32, #tpu.memory_space<vmem>>
        %dma_start3A_668 = tpu.memref_squeeze %dma_start3A_667 : memref<1x320x16xf32, #tpu.memory_space<vmem>> -> memref<320x16xf32, #tpu.memory_space<vmem>>
        tpu.enqueue_dma source(%dma_start3A_668 : memref<320x16xf32, #tpu.memory_space<vmem>>) target(%dma_start3A_664 : memref<320x16xf32, #tpu.memory_space<hbm>>) target_semaphore(%run_scoped3A_656 : memref<!tpu.dma_semaphore, #tpu.memory_space<semaphore_mem>>)
        %dma_wait3A_669 = arith.constant 0 : i32
        %dma_wait3A_670 = arith.constant 0 : i32
        %dma_wait3A_671 = tpu.memref_slice %arg10[%run_scoped3A_655, %dma_wait3A_669, %dma_wait3A_670] : memref<2x512x16xf32, #tpu.memory_space<vmem>> -> memref<1x320x16xf32, #tpu.memory_space<vmem>>
        %dma_wait3A_672 = tpu.memref_squeeze %dma_wait3A_671 : memref<1x320x16xf32, #tpu.memory_space<vmem>> -> memref<320x16xf32, #tpu.memory_space<vmem>>
        %dma_wait3A_673 = arith.constant 0 : i32
        %dma_wait3A_674 = tpu.memref_slice %arg6[%add3A_565, %dma_wait3A_673] : memref<100000x16xf32, #tpu.memory_space<hbm>> -> memref<320x16xf32, #tpu.memory_space<hbm>>
        %dma_wait3A_675 = arith.constant 0 : i32
        %dma_wait3A_676 = tpu.memref_slice %arg6[%add3A_565, %dma_wait3A_675] : memref<100000x16xf32, #tpu.memory_space<hbm>> -> memref<320x16xf32, #tpu.memory_space<hbm>>
        %dma_wait3A_677 = arith.constant 0 : i32
        %dma_wait3A_678 = arith.constant 0 : i32
        %dma_wait3A_679 = tpu.memref_slice %arg10[%run_scoped3A_655, %dma_wait3A_677, %dma_wait3A_678] : memref<2x512x16xf32, #tpu.memory_space<vmem>> -> memref<1x320x16xf32, #tpu.memory_space<vmem>>
        %dma_wait3A_680 = tpu.memref_squeeze %dma_wait3A_679 : memref<1x320x16xf32, #tpu.memory_space<vmem>> -> memref<320x16xf32, #tpu.memory_space<vmem>>
        tpu.wait_dma2 semaphore(%run_scoped3A_656 : memref<!tpu.dma_semaphore, #tpu.memory_space<semaphore_mem>>) src(%dma_wait3A_680 : memref<320x16xf32, #tpu.memory_space<vmem>>) dst(%dma_wait3A_676 : memref<320x16xf32, #tpu.memory_space<hbm>>)
        tpu.yield
      }) : () -> ()
    } else {
    }
    %eq3A_572 = arith.constant 1 : i32
    %eq3A_573 = arith.cmpi eq, %arg0, %eq3A_572 : i32
    %convert_element_type3A_574 = arith.extui %eq3A_573 : i1 to i32
    %cond3A_575 = arith.constant 0 : i32
    %cond3A_576 = arith.cmpi ne, %convert_element_type3A_574, %cond3A_575 : i32
    scf.if %cond3A_576 {
      %run_scoped3A_655 = arith.constant 0 : i32
      "tpu.region"() ({
        %run_scoped3A_656 = tpu.sem_alloc : memref<!tpu.dma_semaphore, #tpu.memory_space<semaphore_mem>>
        %dma_start3A_657 = arith.constant 0 : i32
        %dma_start3A_658 = arith.constant 0 : i32
        %dma_start3A_659 = tpu.memref_slice %arg10[%run_scoped3A_655, %dma_start3A_657, %dma_start3A_658] : memref<2x512x16xf32, #tpu.memory_space<vmem>> -> memref<1x320x16xf32, #tpu.memory_space<vmem>>
        %dma_start3A_660 = tpu.memref_squeeze %dma_start3A_659 : memref<1x320x16xf32, #tpu.memory_space<vmem>> -> memref<320x16xf32, #tpu.memory_space<vmem>>
        %dma_start3A_661 = arith.constant 0 : i32
        %dma_start3A_662 = tpu.memref_slice %arg7[%add3A_565, %dma_start3A_661] : memref<100000x16xf32, #tpu.memory_space<hbm>> -> memref<320x16xf32, #tpu.memory_space<hbm>>
        %dma_start3A_663 = arith.constant 0 : i32
        %dma_start3A_664 = tpu.memref_slice %arg7[%add3A_565, %dma_start3A_663] : memref<100000x16xf32, #tpu.memory_space<hbm>> -> memref<320x16xf32, #tpu.memory_space<hbm>>
        %dma_start3A_665 = arith.constant 0 : i32
        %dma_start3A_666 = arith.constant 0 : i32
        %dma_start3A_667 = tpu.memref_slice %arg10[%run_scoped3A_655, %dma_start3A_665, %dma_start3A_666] : memref<2x512x16xf32, #tpu.memory_space<vmem>> -> memref<1x320x16xf32, #tpu.memory_space<vmem>>
        %dma_start3A_668 = tpu.memref_squeeze %dma_start3A_667 : memref<1x320x16xf32, #tpu.memory_space<vmem>> -> memref<320x16xf32, #tpu.memory_space<vmem>>
        tpu.enqueue_dma source(%dma_start3A_668 : memref<320x16xf32, #tpu.memory_space<vmem>>) target(%dma_start3A_664 : memref<320x16xf32, #tpu.memory_space<hbm>>) target_semaphore(%run_scoped3A_656 : memref<!tpu.dma_semaphore, #tpu.memory_space<semaphore_mem>>)
        %dma_wait3A_669 = arith.constant 0 : i32
        %dma_wait3A_670 = arith.constant 0 : i32
        %dma_wait3A_671 = tpu.memref_slice %arg10[%run_scoped3A_655, %dma_wait3A_669, %dma_wait3A_670] : memref<2x512x16xf32, #tpu.memory_space<vmem>> -> memref<1x320x16xf32, #tpu.memory_space<vmem>>
        %dma_wait3A_672 = tpu.memref_squeeze %dma_wait3A_671 : memref<1x320x16xf32, #tpu.memory_space<vmem>> -> memref<320x16xf32, #tpu.memory_space<vmem>>
        %dma_wait3A_673 = arith.constant 0 : i32
        %dma_wait3A_674 = tpu.memref_slice %arg7[%add3A_565, %dma_wait3A_673] : memref<100000x16xf32, #tpu.memory_space<hbm>> -> memref<320x16xf32, #tpu.memory_space<hbm>>
        %dma_wait3A_675 = arith.constant 0 : i32
        %dma_wait3A_676 = tpu.memref_slice %arg7[%add3A_565, %dma_wait3A_675] : memref<100000x16xf32, #tpu.memory_space<hbm>> -> memref<320x16xf32, #tpu.memory_space<hbm>>
        %dma_wait3A_677 = arith.constant 0 : i32
        %dma_wait3A_678 = arith.constant 0 : i32
        %dma_wait3A_679 = tpu.memref_slice %arg10[%run_scoped3A_655, %dma_wait3A_677, %dma_wait3A_678] : memref<2x512x16xf32, #tpu.memory_space<vmem>> -> memref<1x320x16xf32, #tpu.memory_space<vmem>>
        %dma_wait3A_680 = tpu.memref_squeeze %dma_wait3A_679 : memref<1x320x16xf32, #tpu.memory_space<vmem>> -> memref<320x16xf32, #tpu.memory_space<vmem>>
        tpu.wait_dma2 semaphore(%run_scoped3A_656 : memref<!tpu.dma_semaphore, #tpu.memory_space<semaphore_mem>>) src(%dma_wait3A_680 : memref<320x16xf32, #tpu.memory_space<vmem>>) dst(%dma_wait3A_676 : memref<320x16xf32, #tpu.memory_space<hbm>>)
        tpu.yield
      }) : () -> ()
    } else {
    }
    %add3A_577 = arith.constant 4480 : i32
    %add3A_578 = arith.addi %mul3A_0, %add3A_577 : i32
    %run_scoped3A_579 = arith.constant 0 : i32
    "tpu.region"() ({
      %run_scoped3A_655 = tpu.sem_alloc : memref<!tpu.dma_semaphore, #tpu.memory_space<semaphore_mem>>
      %dma_start3A_656 = arith.constant 0 : i32
      %dma_start3A_657 = arith.constant 0 : i32
      %dma_start3A_658 = tpu.memref_slice %arg10[%run_scoped3A_579, %dma_start3A_656, %dma_start3A_657] : memref<2x512x16xf32, #tpu.memory_space<vmem>> -> memref<1x320x16xf32, #tpu.memory_space<vmem>>
      %dma_start3A_659 = tpu.memref_squeeze %dma_start3A_658 : memref<1x320x16xf32, #tpu.memory_space<vmem>> -> memref<320x16xf32, #tpu.memory_space<vmem>>
      %dma_start3A_660 = arith.constant 0 : i32
      %dma_start3A_661 = tpu.memref_slice %arg8[%add3A_578, %dma_start3A_660] : memref<100008x16xf32, #tpu.memory_space<vmem_shared>> -> memref<320x16xf32, #tpu.memory_space<vmem_shared>>
      %dma_start3A_662 = arith.constant 0 : i32
      %dma_start3A_663 = arith.constant 0 : i32
      %dma_start3A_664 = tpu.memref_slice %arg10[%run_scoped3A_579, %dma_start3A_662, %dma_start3A_663] : memref<2x512x16xf32, #tpu.memory_space<vmem>> -> memref<1x320x16xf32, #tpu.memory_space<vmem>>
      %dma_start3A_665 = tpu.memref_squeeze %dma_start3A_664 : memref<1x320x16xf32, #tpu.memory_space<vmem>> -> memref<320x16xf32, #tpu.memory_space<vmem>>
      %dma_start3A_666 = arith.constant 0 : i32
      %dma_start3A_667 = tpu.memref_slice %arg8[%add3A_578, %dma_start3A_666] : memref<100008x16xf32, #tpu.memory_space<vmem_shared>> -> memref<320x16xf32, #tpu.memory_space<vmem_shared>>
      tpu.enqueue_dma source(%dma_start3A_667 : memref<320x16xf32, #tpu.memory_space<vmem_shared>>) target(%dma_start3A_665 : memref<320x16xf32, #tpu.memory_space<vmem>>) target_semaphore(%run_scoped3A_655 : memref<!tpu.dma_semaphore, #tpu.memory_space<semaphore_mem>>)
      %dma_wait3A_668 = arith.constant 0 : i32
      %dma_wait3A_669 = arith.constant 0 : i32
      %dma_wait3A_670 = tpu.memref_slice %arg10[%run_scoped3A_579, %dma_wait3A_668, %dma_wait3A_669] : memref<2x512x16xf32, #tpu.memory_space<vmem>> -> memref<1x320x16xf32, #tpu.memory_space<vmem>>
      %dma_wait3A_671 = tpu.memref_squeeze %dma_wait3A_670 : memref<1x320x16xf32, #tpu.memory_space<vmem>> -> memref<320x16xf32, #tpu.memory_space<vmem>>
      %dma_wait3A_672 = arith.constant 0 : i32
      %dma_wait3A_673 = tpu.memref_slice %arg8[%add3A_578, %dma_wait3A_672] : memref<100008x16xf32, #tpu.memory_space<vmem_shared>> -> memref<320x16xf32, #tpu.memory_space<vmem_shared>>
      %dma_wait3A_674 = arith.constant 0 : i32
      %dma_wait3A_675 = arith.constant 0 : i32
      %dma_wait3A_676 = tpu.memref_slice %arg10[%run_scoped3A_579, %dma_wait3A_674, %dma_wait3A_675] : memref<2x512x16xf32, #tpu.memory_space<vmem>> -> memref<1x320x16xf32, #tpu.memory_space<vmem>>
      %dma_wait3A_677 = tpu.memref_squeeze %dma_wait3A_676 : memref<1x320x16xf32, #tpu.memory_space<vmem>> -> memref<320x16xf32, #tpu.memory_space<vmem>>
      %dma_wait3A_678 = arith.constant 0 : i32
      %dma_wait3A_679 = tpu.memref_slice %arg8[%add3A_578, %dma_wait3A_678] : memref<100008x16xf32, #tpu.memory_space<vmem_shared>> -> memref<320x16xf32, #tpu.memory_space<vmem_shared>>
      tpu.wait_dma2 semaphore(%run_scoped3A_655 : memref<!tpu.dma_semaphore, #tpu.memory_space<semaphore_mem>>) src(%dma_wait3A_679 : memref<320x16xf32, #tpu.memory_space<vmem_shared>>) dst(%dma_wait3A_677 : memref<320x16xf32, #tpu.memory_space<vmem>>)
      tpu.yield
    }) : () -> ()
    %eq3A_580 = arith.constant 0 : i32
    %eq3A_581 = arith.cmpi eq, %arg0, %eq3A_580 : i32
    %convert_element_type3A_582 = arith.extui %eq3A_581 : i1 to i32
    %cond3A_583 = arith.constant 0 : i32
    %cond3A_584 = arith.cmpi ne, %convert_element_type3A_582, %cond3A_583 : i32
    scf.if %cond3A_584 {
      %run_scoped3A_655 = arith.constant 0 : i32
      "tpu.region"() ({
        %run_scoped3A_656 = tpu.sem_alloc : memref<!tpu.dma_semaphore, #tpu.memory_space<semaphore_mem>>
        %dma_start3A_657 = arith.constant 0 : i32
        %dma_start3A_658 = arith.constant 0 : i32
        %dma_start3A_659 = tpu.memref_slice %arg10[%run_scoped3A_655, %dma_start3A_657, %dma_start3A_658] : memref<2x512x16xf32, #tpu.memory_space<vmem>> -> memref<1x320x16xf32, #tpu.memory_space<vmem>>
        %dma_start3A_660 = tpu.memref_squeeze %dma_start3A_659 : memref<1x320x16xf32, #tpu.memory_space<vmem>> -> memref<320x16xf32, #tpu.memory_space<vmem>>
        %dma_start3A_661 = arith.constant 0 : i32
        %dma_start3A_662 = tpu.memref_slice %arg6[%add3A_578, %dma_start3A_661] : memref<100000x16xf32, #tpu.memory_space<hbm>> -> memref<320x16xf32, #tpu.memory_space<hbm>>
        %dma_start3A_663 = arith.constant 0 : i32
        %dma_start3A_664 = tpu.memref_slice %arg6[%add3A_578, %dma_start3A_663] : memref<100000x16xf32, #tpu.memory_space<hbm>> -> memref<320x16xf32, #tpu.memory_space<hbm>>
        %dma_start3A_665 = arith.constant 0 : i32
        %dma_start3A_666 = arith.constant 0 : i32
        %dma_start3A_667 = tpu.memref_slice %arg10[%run_scoped3A_655, %dma_start3A_665, %dma_start3A_666] : memref<2x512x16xf32, #tpu.memory_space<vmem>> -> memref<1x320x16xf32, #tpu.memory_space<vmem>>
        %dma_start3A_668 = tpu.memref_squeeze %dma_start3A_667 : memref<1x320x16xf32, #tpu.memory_space<vmem>> -> memref<320x16xf32, #tpu.memory_space<vmem>>
        tpu.enqueue_dma source(%dma_start3A_668 : memref<320x16xf32, #tpu.memory_space<vmem>>) target(%dma_start3A_664 : memref<320x16xf32, #tpu.memory_space<hbm>>) target_semaphore(%run_scoped3A_656 : memref<!tpu.dma_semaphore, #tpu.memory_space<semaphore_mem>>)
        %dma_wait3A_669 = arith.constant 0 : i32
        %dma_wait3A_670 = arith.constant 0 : i32
        %dma_wait3A_671 = tpu.memref_slice %arg10[%run_scoped3A_655, %dma_wait3A_669, %dma_wait3A_670] : memref<2x512x16xf32, #tpu.memory_space<vmem>> -> memref<1x320x16xf32, #tpu.memory_space<vmem>>
        %dma_wait3A_672 = tpu.memref_squeeze %dma_wait3A_671 : memref<1x320x16xf32, #tpu.memory_space<vmem>> -> memref<320x16xf32, #tpu.memory_space<vmem>>
        %dma_wait3A_673 = arith.constant 0 : i32
        %dma_wait3A_674 = tpu.memref_slice %arg6[%add3A_578, %dma_wait3A_673] : memref<100000x16xf32, #tpu.memory_space<hbm>> -> memref<320x16xf32, #tpu.memory_space<hbm>>
        %dma_wait3A_675 = arith.constant 0 : i32
        %dma_wait3A_676 = tpu.memref_slice %arg6[%add3A_578, %dma_wait3A_675] : memref<100000x16xf32, #tpu.memory_space<hbm>> -> memref<320x16xf32, #tpu.memory_space<hbm>>
        %dma_wait3A_677 = arith.constant 0 : i32
        %dma_wait3A_678 = arith.constant 0 : i32
        %dma_wait3A_679 = tpu.memref_slice %arg10[%run_scoped3A_655, %dma_wait3A_677, %dma_wait3A_678] : memref<2x512x16xf32, #tpu.memory_space<vmem>> -> memref<1x320x16xf32, #tpu.memory_space<vmem>>
        %dma_wait3A_680 = tpu.memref_squeeze %dma_wait3A_679 : memref<1x320x16xf32, #tpu.memory_space<vmem>> -> memref<320x16xf32, #tpu.memory_space<vmem>>
        tpu.wait_dma2 semaphore(%run_scoped3A_656 : memref<!tpu.dma_semaphore, #tpu.memory_space<semaphore_mem>>) src(%dma_wait3A_680 : memref<320x16xf32, #tpu.memory_space<vmem>>) dst(%dma_wait3A_676 : memref<320x16xf32, #tpu.memory_space<hbm>>)
        tpu.yield
      }) : () -> ()
    } else {
    }
    %eq3A_585 = arith.constant 1 : i32
    %eq3A_586 = arith.cmpi eq, %arg0, %eq3A_585 : i32
    %convert_element_type3A_587 = arith.extui %eq3A_586 : i1 to i32
    %cond3A_588 = arith.constant 0 : i32
    %cond3A_589 = arith.cmpi ne, %convert_element_type3A_587, %cond3A_588 : i32
    scf.if %cond3A_589 {
      %run_scoped3A_655 = arith.constant 0 : i32
      "tpu.region"() ({
        %run_scoped3A_656 = tpu.sem_alloc : memref<!tpu.dma_semaphore, #tpu.memory_space<semaphore_mem>>
        %dma_start3A_657 = arith.constant 0 : i32
        %dma_start3A_658 = arith.constant 0 : i32
        %dma_start3A_659 = tpu.memref_slice %arg10[%run_scoped3A_655, %dma_start3A_657, %dma_start3A_658] : memref<2x512x16xf32, #tpu.memory_space<vmem>> -> memref<1x320x16xf32, #tpu.memory_space<vmem>>
        %dma_start3A_660 = tpu.memref_squeeze %dma_start3A_659 : memref<1x320x16xf32, #tpu.memory_space<vmem>> -> memref<320x16xf32, #tpu.memory_space<vmem>>
        %dma_start3A_661 = arith.constant 0 : i32
        %dma_start3A_662 = tpu.memref_slice %arg7[%add3A_578, %dma_start3A_661] : memref<100000x16xf32, #tpu.memory_space<hbm>> -> memref<320x16xf32, #tpu.memory_space<hbm>>
        %dma_start3A_663 = arith.constant 0 : i32
        %dma_start3A_664 = tpu.memref_slice %arg7[%add3A_578, %dma_start3A_663] : memref<100000x16xf32, #tpu.memory_space<hbm>> -> memref<320x16xf32, #tpu.memory_space<hbm>>
        %dma_start3A_665 = arith.constant 0 : i32
        %dma_start3A_666 = arith.constant 0 : i32
        %dma_start3A_667 = tpu.memref_slice %arg10[%run_scoped3A_655, %dma_start3A_665, %dma_start3A_666] : memref<2x512x16xf32, #tpu.memory_space<vmem>> -> memref<1x320x16xf32, #tpu.memory_space<vmem>>
        %dma_start3A_668 = tpu.memref_squeeze %dma_start3A_667 : memref<1x320x16xf32, #tpu.memory_space<vmem>> -> memref<320x16xf32, #tpu.memory_space<vmem>>
        tpu.enqueue_dma source(%dma_start3A_668 : memref<320x16xf32, #tpu.memory_space<vmem>>) target(%dma_start3A_664 : memref<320x16xf32, #tpu.memory_space<hbm>>) target_semaphore(%run_scoped3A_656 : memref<!tpu.dma_semaphore, #tpu.memory_space<semaphore_mem>>)
        %dma_wait3A_669 = arith.constant 0 : i32
        %dma_wait3A_670 = arith.constant 0 : i32
        %dma_wait3A_671 = tpu.memref_slice %arg10[%run_scoped3A_655, %dma_wait3A_669, %dma_wait3A_670] : memref<2x512x16xf32, #tpu.memory_space<vmem>> -> memref<1x320x16xf32, #tpu.memory_space<vmem>>
        %dma_wait3A_672 = tpu.memref_squeeze %dma_wait3A_671 : memref<1x320x16xf32, #tpu.memory_space<vmem>> -> memref<320x16xf32, #tpu.memory_space<vmem>>
        %dma_wait3A_673 = arith.constant 0 : i32
        %dma_wait3A_674 = tpu.memref_slice %arg7[%add3A_578, %dma_wait3A_673] : memref<100000x16xf32, #tpu.memory_space<hbm>> -> memref<320x16xf32, #tpu.memory_space<hbm>>
        %dma_wait3A_675 = arith.constant 0 : i32
        %dma_wait3A_676 = tpu.memref_slice %arg7[%add3A_578, %dma_wait3A_675] : memref<100000x16xf32, #tpu.memory_space<hbm>> -> memref<320x16xf32, #tpu.memory_space<hbm>>
        %dma_wait3A_677 = arith.constant 0 : i32
        %dma_wait3A_678 = arith.constant 0 : i32
        %dma_wait3A_679 = tpu.memref_slice %arg10[%run_scoped3A_655, %dma_wait3A_677, %dma_wait3A_678] : memref<2x512x16xf32, #tpu.memory_space<vmem>> -> memref<1x320x16xf32, #tpu.memory_space<vmem>>
        %dma_wait3A_680 = tpu.memref_squeeze %dma_wait3A_679 : memref<1x320x16xf32, #tpu.memory_space<vmem>> -> memref<320x16xf32, #tpu.memory_space<vmem>>
        tpu.wait_dma2 semaphore(%run_scoped3A_656 : memref<!tpu.dma_semaphore, #tpu.memory_space<semaphore_mem>>) src(%dma_wait3A_680 : memref<320x16xf32, #tpu.memory_space<vmem>>) dst(%dma_wait3A_676 : memref<320x16xf32, #tpu.memory_space<hbm>>)
        tpu.yield
      }) : () -> ()
    } else {
    }
    %add3A_590 = arith.constant 4800 : i32
    %add3A_591 = arith.addi %mul3A_0, %add3A_590 : i32
    %run_scoped3A_592 = arith.constant 0 : i32
    "tpu.region"() ({
      %run_scoped3A_655 = tpu.sem_alloc : memref<!tpu.dma_semaphore, #tpu.memory_space<semaphore_mem>>
      %dma_start3A_656 = arith.constant 0 : i32
      %dma_start3A_657 = arith.constant 0 : i32
      %dma_start3A_658 = tpu.memref_slice %arg10[%run_scoped3A_592, %dma_start3A_656, %dma_start3A_657] : memref<2x512x16xf32, #tpu.memory_space<vmem>> -> memref<1x320x16xf32, #tpu.memory_space<vmem>>
      %dma_start3A_659 = tpu.memref_squeeze %dma_start3A_658 : memref<1x320x16xf32, #tpu.memory_space<vmem>> -> memref<320x16xf32, #tpu.memory_space<vmem>>
      %dma_start3A_660 = arith.constant 0 : i32
      %dma_start3A_661 = tpu.memref_slice %arg8[%add3A_591, %dma_start3A_660] : memref<100008x16xf32, #tpu.memory_space<vmem_shared>> -> memref<320x16xf32, #tpu.memory_space<vmem_shared>>
      %dma_start3A_662 = arith.constant 0 : i32
      %dma_start3A_663 = arith.constant 0 : i32
      %dma_start3A_664 = tpu.memref_slice %arg10[%run_scoped3A_592, %dma_start3A_662, %dma_start3A_663] : memref<2x512x16xf32, #tpu.memory_space<vmem>> -> memref<1x320x16xf32, #tpu.memory_space<vmem>>
      %dma_start3A_665 = tpu.memref_squeeze %dma_start3A_664 : memref<1x320x16xf32, #tpu.memory_space<vmem>> -> memref<320x16xf32, #tpu.memory_space<vmem>>
      %dma_start3A_666 = arith.constant 0 : i32
      %dma_start3A_667 = tpu.memref_slice %arg8[%add3A_591, %dma_start3A_666] : memref<100008x16xf32, #tpu.memory_space<vmem_shared>> -> memref<320x16xf32, #tpu.memory_space<vmem_shared>>
      tpu.enqueue_dma source(%dma_start3A_667 : memref<320x16xf32, #tpu.memory_space<vmem_shared>>) target(%dma_start3A_665 : memref<320x16xf32, #tpu.memory_space<vmem>>) target_semaphore(%run_scoped3A_655 : memref<!tpu.dma_semaphore, #tpu.memory_space<semaphore_mem>>)
      %dma_wait3A_668 = arith.constant 0 : i32
      %dma_wait3A_669 = arith.constant 0 : i32
      %dma_wait3A_670 = tpu.memref_slice %arg10[%run_scoped3A_592, %dma_wait3A_668, %dma_wait3A_669] : memref<2x512x16xf32, #tpu.memory_space<vmem>> -> memref<1x320x16xf32, #tpu.memory_space<vmem>>
      %dma_wait3A_671 = tpu.memref_squeeze %dma_wait3A_670 : memref<1x320x16xf32, #tpu.memory_space<vmem>> -> memref<320x16xf32, #tpu.memory_space<vmem>>
      %dma_wait3A_672 = arith.constant 0 : i32
      %dma_wait3A_673 = tpu.memref_slice %arg8[%add3A_591, %dma_wait3A_672] : memref<100008x16xf32, #tpu.memory_space<vmem_shared>> -> memref<320x16xf32, #tpu.memory_space<vmem_shared>>
      %dma_wait3A_674 = arith.constant 0 : i32
      %dma_wait3A_675 = arith.constant 0 : i32
      %dma_wait3A_676 = tpu.memref_slice %arg10[%run_scoped3A_592, %dma_wait3A_674, %dma_wait3A_675] : memref<2x512x16xf32, #tpu.memory_space<vmem>> -> memref<1x320x16xf32, #tpu.memory_space<vmem>>
      %dma_wait3A_677 = tpu.memref_squeeze %dma_wait3A_676 : memref<1x320x16xf32, #tpu.memory_space<vmem>> -> memref<320x16xf32, #tpu.memory_space<vmem>>
      %dma_wait3A_678 = arith.constant 0 : i32
      %dma_wait3A_679 = tpu.memref_slice %arg8[%add3A_591, %dma_wait3A_678] : memref<100008x16xf32, #tpu.memory_space<vmem_shared>> -> memref<320x16xf32, #tpu.memory_space<vmem_shared>>
      tpu.wait_dma2 semaphore(%run_scoped3A_655 : memref<!tpu.dma_semaphore, #tpu.memory_space<semaphore_mem>>) src(%dma_wait3A_679 : memref<320x16xf32, #tpu.memory_space<vmem_shared>>) dst(%dma_wait3A_677 : memref<320x16xf32, #tpu.memory_space<vmem>>)
      tpu.yield
    }) : () -> ()
    %eq3A_593 = arith.constant 0 : i32
    %eq3A_594 = arith.cmpi eq, %arg0, %eq3A_593 : i32
    %convert_element_type3A_595 = arith.extui %eq3A_594 : i1 to i32
    %cond3A_596 = arith.constant 0 : i32
    %cond3A_597 = arith.cmpi ne, %convert_element_type3A_595, %cond3A_596 : i32
    scf.if %cond3A_597 {
      %run_scoped3A_655 = arith.constant 0 : i32
      "tpu.region"() ({
        %run_scoped3A_656 = tpu.sem_alloc : memref<!tpu.dma_semaphore, #tpu.memory_space<semaphore_mem>>
        %dma_start3A_657 = arith.constant 0 : i32
        %dma_start3A_658 = arith.constant 0 : i32
        %dma_start3A_659 = tpu.memref_slice %arg10[%run_scoped3A_655, %dma_start3A_657, %dma_start3A_658] : memref<2x512x16xf32, #tpu.memory_space<vmem>> -> memref<1x320x16xf32, #tpu.memory_space<vmem>>
        %dma_start3A_660 = tpu.memref_squeeze %dma_start3A_659 : memref<1x320x16xf32, #tpu.memory_space<vmem>> -> memref<320x16xf32, #tpu.memory_space<vmem>>
        %dma_start3A_661 = arith.constant 0 : i32
        %dma_start3A_662 = tpu.memref_slice %arg6[%add3A_591, %dma_start3A_661] : memref<100000x16xf32, #tpu.memory_space<hbm>> -> memref<320x16xf32, #tpu.memory_space<hbm>>
        %dma_start3A_663 = arith.constant 0 : i32
        %dma_start3A_664 = tpu.memref_slice %arg6[%add3A_591, %dma_start3A_663] : memref<100000x16xf32, #tpu.memory_space<hbm>> -> memref<320x16xf32, #tpu.memory_space<hbm>>
        %dma_start3A_665 = arith.constant 0 : i32
        %dma_start3A_666 = arith.constant 0 : i32
        %dma_start3A_667 = tpu.memref_slice %arg10[%run_scoped3A_655, %dma_start3A_665, %dma_start3A_666] : memref<2x512x16xf32, #tpu.memory_space<vmem>> -> memref<1x320x16xf32, #tpu.memory_space<vmem>>
        %dma_start3A_668 = tpu.memref_squeeze %dma_start3A_667 : memref<1x320x16xf32, #tpu.memory_space<vmem>> -> memref<320x16xf32, #tpu.memory_space<vmem>>
        tpu.enqueue_dma source(%dma_start3A_668 : memref<320x16xf32, #tpu.memory_space<vmem>>) target(%dma_start3A_664 : memref<320x16xf32, #tpu.memory_space<hbm>>) target_semaphore(%run_scoped3A_656 : memref<!tpu.dma_semaphore, #tpu.memory_space<semaphore_mem>>)
        %dma_wait3A_669 = arith.constant 0 : i32
        %dma_wait3A_670 = arith.constant 0 : i32
        %dma_wait3A_671 = tpu.memref_slice %arg10[%run_scoped3A_655, %dma_wait3A_669, %dma_wait3A_670] : memref<2x512x16xf32, #tpu.memory_space<vmem>> -> memref<1x320x16xf32, #tpu.memory_space<vmem>>
        %dma_wait3A_672 = tpu.memref_squeeze %dma_wait3A_671 : memref<1x320x16xf32, #tpu.memory_space<vmem>> -> memref<320x16xf32, #tpu.memory_space<vmem>>
        %dma_wait3A_673 = arith.constant 0 : i32
        %dma_wait3A_674 = tpu.memref_slice %arg6[%add3A_591, %dma_wait3A_673] : memref<100000x16xf32, #tpu.memory_space<hbm>> -> memref<320x16xf32, #tpu.memory_space<hbm>>
        %dma_wait3A_675 = arith.constant 0 : i32
        %dma_wait3A_676 = tpu.memref_slice %arg6[%add3A_591, %dma_wait3A_675] : memref<100000x16xf32, #tpu.memory_space<hbm>> -> memref<320x16xf32, #tpu.memory_space<hbm>>
        %dma_wait3A_677 = arith.constant 0 : i32
        %dma_wait3A_678 = arith.constant 0 : i32
        %dma_wait3A_679 = tpu.memref_slice %arg10[%run_scoped3A_655, %dma_wait3A_677, %dma_wait3A_678] : memref<2x512x16xf32, #tpu.memory_space<vmem>> -> memref<1x320x16xf32, #tpu.memory_space<vmem>>
        %dma_wait3A_680 = tpu.memref_squeeze %dma_wait3A_679 : memref<1x320x16xf32, #tpu.memory_space<vmem>> -> memref<320x16xf32, #tpu.memory_space<vmem>>
        tpu.wait_dma2 semaphore(%run_scoped3A_656 : memref<!tpu.dma_semaphore, #tpu.memory_space<semaphore_mem>>) src(%dma_wait3A_680 : memref<320x16xf32, #tpu.memory_space<vmem>>) dst(%dma_wait3A_676 : memref<320x16xf32, #tpu.memory_space<hbm>>)
        tpu.yield
      }) : () -> ()
    } else {
    }
    %eq3A_598 = arith.constant 1 : i32
    %eq3A_599 = arith.cmpi eq, %arg0, %eq3A_598 : i32
    %convert_element_type3A_600 = arith.extui %eq3A_599 : i1 to i32
    %cond3A_601 = arith.constant 0 : i32
    %cond3A_602 = arith.cmpi ne, %convert_element_type3A_600, %cond3A_601 : i32
    scf.if %cond3A_602 {
      %run_scoped3A_655 = arith.constant 0 : i32
      "tpu.region"() ({
        %run_scoped3A_656 = tpu.sem_alloc : memref<!tpu.dma_semaphore, #tpu.memory_space<semaphore_mem>>
        %dma_start3A_657 = arith.constant 0 : i32
        %dma_start3A_658 = arith.constant 0 : i32
        %dma_start3A_659 = tpu.memref_slice %arg10[%run_scoped3A_655, %dma_start3A_657, %dma_start3A_658] : memref<2x512x16xf32, #tpu.memory_space<vmem>> -> memref<1x320x16xf32, #tpu.memory_space<vmem>>
        %dma_start3A_660 = tpu.memref_squeeze %dma_start3A_659 : memref<1x320x16xf32, #tpu.memory_space<vmem>> -> memref<320x16xf32, #tpu.memory_space<vmem>>
        %dma_start3A_661 = arith.constant 0 : i32
        %dma_start3A_662 = tpu.memref_slice %arg7[%add3A_591, %dma_start3A_661] : memref<100000x16xf32, #tpu.memory_space<hbm>> -> memref<320x16xf32, #tpu.memory_space<hbm>>
        %dma_start3A_663 = arith.constant 0 : i32
        %dma_start3A_664 = tpu.memref_slice %arg7[%add3A_591, %dma_start3A_663] : memref<100000x16xf32, #tpu.memory_space<hbm>> -> memref<320x16xf32, #tpu.memory_space<hbm>>
        %dma_start3A_665 = arith.constant 0 : i32
        %dma_start3A_666 = arith.constant 0 : i32
        %dma_start3A_667 = tpu.memref_slice %arg10[%run_scoped3A_655, %dma_start3A_665, %dma_start3A_666] : memref<2x512x16xf32, #tpu.memory_space<vmem>> -> memref<1x320x16xf32, #tpu.memory_space<vmem>>
        %dma_start3A_668 = tpu.memref_squeeze %dma_start3A_667 : memref<1x320x16xf32, #tpu.memory_space<vmem>> -> memref<320x16xf32, #tpu.memory_space<vmem>>
        tpu.enqueue_dma source(%dma_start3A_668 : memref<320x16xf32, #tpu.memory_space<vmem>>) target(%dma_start3A_664 : memref<320x16xf32, #tpu.memory_space<hbm>>) target_semaphore(%run_scoped3A_656 : memref<!tpu.dma_semaphore, #tpu.memory_space<semaphore_mem>>)
        %dma_wait3A_669 = arith.constant 0 : i32
        %dma_wait3A_670 = arith.constant 0 : i32
        %dma_wait3A_671 = tpu.memref_slice %arg10[%run_scoped3A_655, %dma_wait3A_669, %dma_wait3A_670] : memref<2x512x16xf32, #tpu.memory_space<vmem>> -> memref<1x320x16xf32, #tpu.memory_space<vmem>>
        %dma_wait3A_672 = tpu.memref_squeeze %dma_wait3A_671 : memref<1x320x16xf32, #tpu.memory_space<vmem>> -> memref<320x16xf32, #tpu.memory_space<vmem>>
        %dma_wait3A_673 = arith.constant 0 : i32
        %dma_wait3A_674 = tpu.memref_slice %arg7[%add3A_591, %dma_wait3A_673] : memref<100000x16xf32, #tpu.memory_space<hbm>> -> memref<320x16xf32, #tpu.memory_space<hbm>>
        %dma_wait3A_675 = arith.constant 0 : i32
        %dma_wait3A_676 = tpu.memref_slice %arg7[%add3A_591, %dma_wait3A_675] : memref<100000x16xf32, #tpu.memory_space<hbm>> -> memref<320x16xf32, #tpu.memory_space<hbm>>
        %dma_wait3A_677 = arith.constant 0 : i32
        %dma_wait3A_678 = arith.constant 0 : i32
        %dma_wait3A_679 = tpu.memref_slice %arg10[%run_scoped3A_655, %dma_wait3A_677, %dma_wait3A_678] : memref<2x512x16xf32, #tpu.memory_space<vmem>> -> memref<1x320x16xf32, #tpu.memory_space<vmem>>
        %dma_wait3A_680 = tpu.memref_squeeze %dma_wait3A_679 : memref<1x320x16xf32, #tpu.memory_space<vmem>> -> memref<320x16xf32, #tpu.memory_space<vmem>>
        tpu.wait_dma2 semaphore(%run_scoped3A_656 : memref<!tpu.dma_semaphore, #tpu.memory_space<semaphore_mem>>) src(%dma_wait3A_680 : memref<320x16xf32, #tpu.memory_space<vmem>>) dst(%dma_wait3A_676 : memref<320x16xf32, #tpu.memory_space<hbm>>)
        tpu.yield
      }) : () -> ()
    } else {
    }
    %add3A_603 = arith.constant 5120 : i32
    %add3A_604 = arith.addi %mul3A_0, %add3A_603 : i32
    %run_scoped3A_605 = arith.constant 0 : i32
    "tpu.region"() ({
      %run_scoped3A_655 = tpu.sem_alloc : memref<!tpu.dma_semaphore, #tpu.memory_space<semaphore_mem>>
      %dma_start3A_656 = arith.constant 0 : i32
      %dma_start3A_657 = arith.constant 0 : i32
      %dma_start3A_658 = tpu.memref_slice %arg10[%run_scoped3A_605, %dma_start3A_656, %dma_start3A_657] : memref<2x512x16xf32, #tpu.memory_space<vmem>> -> memref<1x320x16xf32, #tpu.memory_space<vmem>>
      %dma_start3A_659 = tpu.memref_squeeze %dma_start3A_658 : memref<1x320x16xf32, #tpu.memory_space<vmem>> -> memref<320x16xf32, #tpu.memory_space<vmem>>
      %dma_start3A_660 = arith.constant 0 : i32
      %dma_start3A_661 = tpu.memref_slice %arg8[%add3A_604, %dma_start3A_660] : memref<100008x16xf32, #tpu.memory_space<vmem_shared>> -> memref<320x16xf32, #tpu.memory_space<vmem_shared>>
      %dma_start3A_662 = arith.constant 0 : i32
      %dma_start3A_663 = arith.constant 0 : i32
      %dma_start3A_664 = tpu.memref_slice %arg10[%run_scoped3A_605, %dma_start3A_662, %dma_start3A_663] : memref<2x512x16xf32, #tpu.memory_space<vmem>> -> memref<1x320x16xf32, #tpu.memory_space<vmem>>
      %dma_start3A_665 = tpu.memref_squeeze %dma_start3A_664 : memref<1x320x16xf32, #tpu.memory_space<vmem>> -> memref<320x16xf32, #tpu.memory_space<vmem>>
      %dma_start3A_666 = arith.constant 0 : i32
      %dma_start3A_667 = tpu.memref_slice %arg8[%add3A_604, %dma_start3A_666] : memref<100008x16xf32, #tpu.memory_space<vmem_shared>> -> memref<320x16xf32, #tpu.memory_space<vmem_shared>>
      tpu.enqueue_dma source(%dma_start3A_667 : memref<320x16xf32, #tpu.memory_space<vmem_shared>>) target(%dma_start3A_665 : memref<320x16xf32, #tpu.memory_space<vmem>>) target_semaphore(%run_scoped3A_655 : memref<!tpu.dma_semaphore, #tpu.memory_space<semaphore_mem>>)
      %dma_wait3A_668 = arith.constant 0 : i32
      %dma_wait3A_669 = arith.constant 0 : i32
      %dma_wait3A_670 = tpu.memref_slice %arg10[%run_scoped3A_605, %dma_wait3A_668, %dma_wait3A_669] : memref<2x512x16xf32, #tpu.memory_space<vmem>> -> memref<1x320x16xf32, #tpu.memory_space<vmem>>
      %dma_wait3A_671 = tpu.memref_squeeze %dma_wait3A_670 : memref<1x320x16xf32, #tpu.memory_space<vmem>> -> memref<320x16xf32, #tpu.memory_space<vmem>>
      %dma_wait3A_672 = arith.constant 0 : i32
      %dma_wait3A_673 = tpu.memref_slice %arg8[%add3A_604, %dma_wait3A_672] : memref<100008x16xf32, #tpu.memory_space<vmem_shared>> -> memref<320x16xf32, #tpu.memory_space<vmem_shared>>
      %dma_wait3A_674 = arith.constant 0 : i32
      %dma_wait3A_675 = arith.constant 0 : i32
      %dma_wait3A_676 = tpu.memref_slice %arg10[%run_scoped3A_605, %dma_wait3A_674, %dma_wait3A_675] : memref<2x512x16xf32, #tpu.memory_space<vmem>> -> memref<1x320x16xf32, #tpu.memory_space<vmem>>
      %dma_wait3A_677 = tpu.memref_squeeze %dma_wait3A_676 : memref<1x320x16xf32, #tpu.memory_space<vmem>> -> memref<320x16xf32, #tpu.memory_space<vmem>>
      %dma_wait3A_678 = arith.constant 0 : i32
      %dma_wait3A_679 = tpu.memref_slice %arg8[%add3A_604, %dma_wait3A_678] : memref<100008x16xf32, #tpu.memory_space<vmem_shared>> -> memref<320x16xf32, #tpu.memory_space<vmem_shared>>
      tpu.wait_dma2 semaphore(%run_scoped3A_655 : memref<!tpu.dma_semaphore, #tpu.memory_space<semaphore_mem>>) src(%dma_wait3A_679 : memref<320x16xf32, #tpu.memory_space<vmem_shared>>) dst(%dma_wait3A_677 : memref<320x16xf32, #tpu.memory_space<vmem>>)
      tpu.yield
    }) : () -> ()
    %eq3A_606 = arith.constant 0 : i32
    %eq3A_607 = arith.cmpi eq, %arg0, %eq3A_606 : i32
    %convert_element_type3A_608 = arith.extui %eq3A_607 : i1 to i32
    %cond3A_609 = arith.constant 0 : i32
    %cond3A_610 = arith.cmpi ne, %convert_element_type3A_608, %cond3A_609 : i32
    scf.if %cond3A_610 {
      %run_scoped3A_655 = arith.constant 0 : i32
      "tpu.region"() ({
        %run_scoped3A_656 = tpu.sem_alloc : memref<!tpu.dma_semaphore, #tpu.memory_space<semaphore_mem>>
        %dma_start3A_657 = arith.constant 0 : i32
        %dma_start3A_658 = arith.constant 0 : i32
        %dma_start3A_659 = tpu.memref_slice %arg10[%run_scoped3A_655, %dma_start3A_657, %dma_start3A_658] : memref<2x512x16xf32, #tpu.memory_space<vmem>> -> memref<1x320x16xf32, #tpu.memory_space<vmem>>
        %dma_start3A_660 = tpu.memref_squeeze %dma_start3A_659 : memref<1x320x16xf32, #tpu.memory_space<vmem>> -> memref<320x16xf32, #tpu.memory_space<vmem>>
        %dma_start3A_661 = arith.constant 0 : i32
        %dma_start3A_662 = tpu.memref_slice %arg6[%add3A_604, %dma_start3A_661] : memref<100000x16xf32, #tpu.memory_space<hbm>> -> memref<320x16xf32, #tpu.memory_space<hbm>>
        %dma_start3A_663 = arith.constant 0 : i32
        %dma_start3A_664 = tpu.memref_slice %arg6[%add3A_604, %dma_start3A_663] : memref<100000x16xf32, #tpu.memory_space<hbm>> -> memref<320x16xf32, #tpu.memory_space<hbm>>
        %dma_start3A_665 = arith.constant 0 : i32
        %dma_start3A_666 = arith.constant 0 : i32
        %dma_start3A_667 = tpu.memref_slice %arg10[%run_scoped3A_655, %dma_start3A_665, %dma_start3A_666] : memref<2x512x16xf32, #tpu.memory_space<vmem>> -> memref<1x320x16xf32, #tpu.memory_space<vmem>>
        %dma_start3A_668 = tpu.memref_squeeze %dma_start3A_667 : memref<1x320x16xf32, #tpu.memory_space<vmem>> -> memref<320x16xf32, #tpu.memory_space<vmem>>
        tpu.enqueue_dma source(%dma_start3A_668 : memref<320x16xf32, #tpu.memory_space<vmem>>) target(%dma_start3A_664 : memref<320x16xf32, #tpu.memory_space<hbm>>) target_semaphore(%run_scoped3A_656 : memref<!tpu.dma_semaphore, #tpu.memory_space<semaphore_mem>>)
        %dma_wait3A_669 = arith.constant 0 : i32
        %dma_wait3A_670 = arith.constant 0 : i32
        %dma_wait3A_671 = tpu.memref_slice %arg10[%run_scoped3A_655, %dma_wait3A_669, %dma_wait3A_670] : memref<2x512x16xf32, #tpu.memory_space<vmem>> -> memref<1x320x16xf32, #tpu.memory_space<vmem>>
        %dma_wait3A_672 = tpu.memref_squeeze %dma_wait3A_671 : memref<1x320x16xf32, #tpu.memory_space<vmem>> -> memref<320x16xf32, #tpu.memory_space<vmem>>
        %dma_wait3A_673 = arith.constant 0 : i32
        %dma_wait3A_674 = tpu.memref_slice %arg6[%add3A_604, %dma_wait3A_673] : memref<100000x16xf32, #tpu.memory_space<hbm>> -> memref<320x16xf32, #tpu.memory_space<hbm>>
        %dma_wait3A_675 = arith.constant 0 : i32
        %dma_wait3A_676 = tpu.memref_slice %arg6[%add3A_604, %dma_wait3A_675] : memref<100000x16xf32, #tpu.memory_space<hbm>> -> memref<320x16xf32, #tpu.memory_space<hbm>>
        %dma_wait3A_677 = arith.constant 0 : i32
        %dma_wait3A_678 = arith.constant 0 : i32
        %dma_wait3A_679 = tpu.memref_slice %arg10[%run_scoped3A_655, %dma_wait3A_677, %dma_wait3A_678] : memref<2x512x16xf32, #tpu.memory_space<vmem>> -> memref<1x320x16xf32, #tpu.memory_space<vmem>>
        %dma_wait3A_680 = tpu.memref_squeeze %dma_wait3A_679 : memref<1x320x16xf32, #tpu.memory_space<vmem>> -> memref<320x16xf32, #tpu.memory_space<vmem>>
        tpu.wait_dma2 semaphore(%run_scoped3A_656 : memref<!tpu.dma_semaphore, #tpu.memory_space<semaphore_mem>>) src(%dma_wait3A_680 : memref<320x16xf32, #tpu.memory_space<vmem>>) dst(%dma_wait3A_676 : memref<320x16xf32, #tpu.memory_space<hbm>>)
        tpu.yield
      }) : () -> ()
    } else {
    }
    %eq3A_611 = arith.constant 1 : i32
    %eq3A_612 = arith.cmpi eq, %arg0, %eq3A_611 : i32
    %convert_element_type3A_613 = arith.extui %eq3A_612 : i1 to i32
    %cond3A_614 = arith.constant 0 : i32
    %cond3A_615 = arith.cmpi ne, %convert_element_type3A_613, %cond3A_614 : i32
    scf.if %cond3A_615 {
      %run_scoped3A_655 = arith.constant 0 : i32
      "tpu.region"() ({
        %run_scoped3A_656 = tpu.sem_alloc : memref<!tpu.dma_semaphore, #tpu.memory_space<semaphore_mem>>
        %dma_start3A_657 = arith.constant 0 : i32
        %dma_start3A_658 = arith.constant 0 : i32
        %dma_start3A_659 = tpu.memref_slice %arg10[%run_scoped3A_655, %dma_start3A_657, %dma_start3A_658] : memref<2x512x16xf32, #tpu.memory_space<vmem>> -> memref<1x320x16xf32, #tpu.memory_space<vmem>>
        %dma_start3A_660 = tpu.memref_squeeze %dma_start3A_659 : memref<1x320x16xf32, #tpu.memory_space<vmem>> -> memref<320x16xf32, #tpu.memory_space<vmem>>
        %dma_start3A_661 = arith.constant 0 : i32
        %dma_start3A_662 = tpu.memref_slice %arg7[%add3A_604, %dma_start3A_661] : memref<100000x16xf32, #tpu.memory_space<hbm>> -> memref<320x16xf32, #tpu.memory_space<hbm>>
        %dma_start3A_663 = arith.constant 0 : i32
        %dma_start3A_664 = tpu.memref_slice %arg7[%add3A_604, %dma_start3A_663] : memref<100000x16xf32, #tpu.memory_space<hbm>> -> memref<320x16xf32, #tpu.memory_space<hbm>>
        %dma_start3A_665 = arith.constant 0 : i32
        %dma_start3A_666 = arith.constant 0 : i32
        %dma_start3A_667 = tpu.memref_slice %arg10[%run_scoped3A_655, %dma_start3A_665, %dma_start3A_666] : memref<2x512x16xf32, #tpu.memory_space<vmem>> -> memref<1x320x16xf32, #tpu.memory_space<vmem>>
        %dma_start3A_668 = tpu.memref_squeeze %dma_start3A_667 : memref<1x320x16xf32, #tpu.memory_space<vmem>> -> memref<320x16xf32, #tpu.memory_space<vmem>>
        tpu.enqueue_dma source(%dma_start3A_668 : memref<320x16xf32, #tpu.memory_space<vmem>>) target(%dma_start3A_664 : memref<320x16xf32, #tpu.memory_space<hbm>>) target_semaphore(%run_scoped3A_656 : memref<!tpu.dma_semaphore, #tpu.memory_space<semaphore_mem>>)
        %dma_wait3A_669 = arith.constant 0 : i32
        %dma_wait3A_670 = arith.constant 0 : i32
        %dma_wait3A_671 = tpu.memref_slice %arg10[%run_scoped3A_655, %dma_wait3A_669, %dma_wait3A_670] : memref<2x512x16xf32, #tpu.memory_space<vmem>> -> memref<1x320x16xf32, #tpu.memory_space<vmem>>
        %dma_wait3A_672 = tpu.memref_squeeze %dma_wait3A_671 : memref<1x320x16xf32, #tpu.memory_space<vmem>> -> memref<320x16xf32, #tpu.memory_space<vmem>>
        %dma_wait3A_673 = arith.constant 0 : i32
        %dma_wait3A_674 = tpu.memref_slice %arg7[%add3A_604, %dma_wait3A_673] : memref<100000x16xf32, #tpu.memory_space<hbm>> -> memref<320x16xf32, #tpu.memory_space<hbm>>
        %dma_wait3A_675 = arith.constant 0 : i32
        %dma_wait3A_676 = tpu.memref_slice %arg7[%add3A_604, %dma_wait3A_675] : memref<100000x16xf32, #tpu.memory_space<hbm>> -> memref<320x16xf32, #tpu.memory_space<hbm>>
        %dma_wait3A_677 = arith.constant 0 : i32
        %dma_wait3A_678 = arith.constant 0 : i32
        %dma_wait3A_679 = tpu.memref_slice %arg10[%run_scoped3A_655, %dma_wait3A_677, %dma_wait3A_678] : memref<2x512x16xf32, #tpu.memory_space<vmem>> -> memref<1x320x16xf32, #tpu.memory_space<vmem>>
        %dma_wait3A_680 = tpu.memref_squeeze %dma_wait3A_679 : memref<1x320x16xf32, #tpu.memory_space<vmem>> -> memref<320x16xf32, #tpu.memory_space<vmem>>
        tpu.wait_dma2 semaphore(%run_scoped3A_656 : memref<!tpu.dma_semaphore, #tpu.memory_space<semaphore_mem>>) src(%dma_wait3A_680 : memref<320x16xf32, #tpu.memory_space<vmem>>) dst(%dma_wait3A_676 : memref<320x16xf32, #tpu.memory_space<hbm>>)
        tpu.yield
      }) : () -> ()
    } else {
    }
    %add3A_616 = arith.constant 5440 : i32
    %add3A_617 = arith.addi %mul3A_0, %add3A_616 : i32
    %run_scoped3A_618 = arith.constant 0 : i32
    "tpu.region"() ({
      %run_scoped3A_655 = tpu.sem_alloc : memref<!tpu.dma_semaphore, #tpu.memory_space<semaphore_mem>>
      %dma_start3A_656 = arith.constant 0 : i32
      %dma_start3A_657 = arith.constant 0 : i32
      %dma_start3A_658 = tpu.memref_slice %arg10[%run_scoped3A_618, %dma_start3A_656, %dma_start3A_657] : memref<2x512x16xf32, #tpu.memory_space<vmem>> -> memref<1x320x16xf32, #tpu.memory_space<vmem>>
      %dma_start3A_659 = tpu.memref_squeeze %dma_start3A_658 : memref<1x320x16xf32, #tpu.memory_space<vmem>> -> memref<320x16xf32, #tpu.memory_space<vmem>>
      %dma_start3A_660 = arith.constant 0 : i32
      %dma_start3A_661 = tpu.memref_slice %arg8[%add3A_617, %dma_start3A_660] : memref<100008x16xf32, #tpu.memory_space<vmem_shared>> -> memref<320x16xf32, #tpu.memory_space<vmem_shared>>
      %dma_start3A_662 = arith.constant 0 : i32
      %dma_start3A_663 = arith.constant 0 : i32
      %dma_start3A_664 = tpu.memref_slice %arg10[%run_scoped3A_618, %dma_start3A_662, %dma_start3A_663] : memref<2x512x16xf32, #tpu.memory_space<vmem>> -> memref<1x320x16xf32, #tpu.memory_space<vmem>>
      %dma_start3A_665 = tpu.memref_squeeze %dma_start3A_664 : memref<1x320x16xf32, #tpu.memory_space<vmem>> -> memref<320x16xf32, #tpu.memory_space<vmem>>
      %dma_start3A_666 = arith.constant 0 : i32
      %dma_start3A_667 = tpu.memref_slice %arg8[%add3A_617, %dma_start3A_666] : memref<100008x16xf32, #tpu.memory_space<vmem_shared>> -> memref<320x16xf32, #tpu.memory_space<vmem_shared>>
      tpu.enqueue_dma source(%dma_start3A_667 : memref<320x16xf32, #tpu.memory_space<vmem_shared>>) target(%dma_start3A_665 : memref<320x16xf32, #tpu.memory_space<vmem>>) target_semaphore(%run_scoped3A_655 : memref<!tpu.dma_semaphore, #tpu.memory_space<semaphore_mem>>)
      %dma_wait3A_668 = arith.constant 0 : i32
      %dma_wait3A_669 = arith.constant 0 : i32
      %dma_wait3A_670 = tpu.memref_slice %arg10[%run_scoped3A_618, %dma_wait3A_668, %dma_wait3A_669] : memref<2x512x16xf32, #tpu.memory_space<vmem>> -> memref<1x320x16xf32, #tpu.memory_space<vmem>>
      %dma_wait3A_671 = tpu.memref_squeeze %dma_wait3A_670 : memref<1x320x16xf32, #tpu.memory_space<vmem>> -> memref<320x16xf32, #tpu.memory_space<vmem>>
      %dma_wait3A_672 = arith.constant 0 : i32
      %dma_wait3A_673 = tpu.memref_slice %arg8[%add3A_617, %dma_wait3A_672] : memref<100008x16xf32, #tpu.memory_space<vmem_shared>> -> memref<320x16xf32, #tpu.memory_space<vmem_shared>>
      %dma_wait3A_674 = arith.constant 0 : i32
      %dma_wait3A_675 = arith.constant 0 : i32
      %dma_wait3A_676 = tpu.memref_slice %arg10[%run_scoped3A_618, %dma_wait3A_674, %dma_wait3A_675] : memref<2x512x16xf32, #tpu.memory_space<vmem>> -> memref<1x320x16xf32, #tpu.memory_space<vmem>>
      %dma_wait3A_677 = tpu.memref_squeeze %dma_wait3A_676 : memref<1x320x16xf32, #tpu.memory_space<vmem>> -> memref<320x16xf32, #tpu.memory_space<vmem>>
      %dma_wait3A_678 = arith.constant 0 : i32
      %dma_wait3A_679 = tpu.memref_slice %arg8[%add3A_617, %dma_wait3A_678] : memref<100008x16xf32, #tpu.memory_space<vmem_shared>> -> memref<320x16xf32, #tpu.memory_space<vmem_shared>>
      tpu.wait_dma2 semaphore(%run_scoped3A_655 : memref<!tpu.dma_semaphore, #tpu.memory_space<semaphore_mem>>) src(%dma_wait3A_679 : memref<320x16xf32, #tpu.memory_space<vmem_shared>>) dst(%dma_wait3A_677 : memref<320x16xf32, #tpu.memory_space<vmem>>)
      tpu.yield
    }) : () -> ()
    %eq3A_619 = arith.constant 0 : i32
    %eq3A_620 = arith.cmpi eq, %arg0, %eq3A_619 : i32
    %convert_element_type3A_621 = arith.extui %eq3A_620 : i1 to i32
    %cond3A_622 = arith.constant 0 : i32
    %cond3A_623 = arith.cmpi ne, %convert_element_type3A_621, %cond3A_622 : i32
    scf.if %cond3A_623 {
      %run_scoped3A_655 = arith.constant 0 : i32
      "tpu.region"() ({
        %run_scoped3A_656 = tpu.sem_alloc : memref<!tpu.dma_semaphore, #tpu.memory_space<semaphore_mem>>
        %dma_start3A_657 = arith.constant 0 : i32
        %dma_start3A_658 = arith.constant 0 : i32
        %dma_start3A_659 = tpu.memref_slice %arg10[%run_scoped3A_655, %dma_start3A_657, %dma_start3A_658] : memref<2x512x16xf32, #tpu.memory_space<vmem>> -> memref<1x320x16xf32, #tpu.memory_space<vmem>>
        %dma_start3A_660 = tpu.memref_squeeze %dma_start3A_659 : memref<1x320x16xf32, #tpu.memory_space<vmem>> -> memref<320x16xf32, #tpu.memory_space<vmem>>
        %dma_start3A_661 = arith.constant 0 : i32
        %dma_start3A_662 = tpu.memref_slice %arg6[%add3A_617, %dma_start3A_661] : memref<100000x16xf32, #tpu.memory_space<hbm>> -> memref<320x16xf32, #tpu.memory_space<hbm>>
        %dma_start3A_663 = arith.constant 0 : i32
        %dma_start3A_664 = tpu.memref_slice %arg6[%add3A_617, %dma_start3A_663] : memref<100000x16xf32, #tpu.memory_space<hbm>> -> memref<320x16xf32, #tpu.memory_space<hbm>>
        %dma_start3A_665 = arith.constant 0 : i32
        %dma_start3A_666 = arith.constant 0 : i32
        %dma_start3A_667 = tpu.memref_slice %arg10[%run_scoped3A_655, %dma_start3A_665, %dma_start3A_666] : memref<2x512x16xf32, #tpu.memory_space<vmem>> -> memref<1x320x16xf32, #tpu.memory_space<vmem>>
        %dma_start3A_668 = tpu.memref_squeeze %dma_start3A_667 : memref<1x320x16xf32, #tpu.memory_space<vmem>> -> memref<320x16xf32, #tpu.memory_space<vmem>>
        tpu.enqueue_dma source(%dma_start3A_668 : memref<320x16xf32, #tpu.memory_space<vmem>>) target(%dma_start3A_664 : memref<320x16xf32, #tpu.memory_space<hbm>>) target_semaphore(%run_scoped3A_656 : memref<!tpu.dma_semaphore, #tpu.memory_space<semaphore_mem>>)
        %dma_wait3A_669 = arith.constant 0 : i32
        %dma_wait3A_670 = arith.constant 0 : i32
        %dma_wait3A_671 = tpu.memref_slice %arg10[%run_scoped3A_655, %dma_wait3A_669, %dma_wait3A_670] : memref<2x512x16xf32, #tpu.memory_space<vmem>> -> memref<1x320x16xf32, #tpu.memory_space<vmem>>
        %dma_wait3A_672 = tpu.memref_squeeze %dma_wait3A_671 : memref<1x320x16xf32, #tpu.memory_space<vmem>> -> memref<320x16xf32, #tpu.memory_space<vmem>>
        %dma_wait3A_673 = arith.constant 0 : i32
        %dma_wait3A_674 = tpu.memref_slice %arg6[%add3A_617, %dma_wait3A_673] : memref<100000x16xf32, #tpu.memory_space<hbm>> -> memref<320x16xf32, #tpu.memory_space<hbm>>
        %dma_wait3A_675 = arith.constant 0 : i32
        %dma_wait3A_676 = tpu.memref_slice %arg6[%add3A_617, %dma_wait3A_675] : memref<100000x16xf32, #tpu.memory_space<hbm>> -> memref<320x16xf32, #tpu.memory_space<hbm>>
        %dma_wait3A_677 = arith.constant 0 : i32
        %dma_wait3A_678 = arith.constant 0 : i32
        %dma_wait3A_679 = tpu.memref_slice %arg10[%run_scoped3A_655, %dma_wait3A_677, %dma_wait3A_678] : memref<2x512x16xf32, #tpu.memory_space<vmem>> -> memref<1x320x16xf32, #tpu.memory_space<vmem>>
        %dma_wait3A_680 = tpu.memref_squeeze %dma_wait3A_679 : memref<1x320x16xf32, #tpu.memory_space<vmem>> -> memref<320x16xf32, #tpu.memory_space<vmem>>
        tpu.wait_dma2 semaphore(%run_scoped3A_656 : memref<!tpu.dma_semaphore, #tpu.memory_space<semaphore_mem>>) src(%dma_wait3A_680 : memref<320x16xf32, #tpu.memory_space<vmem>>) dst(%dma_wait3A_676 : memref<320x16xf32, #tpu.memory_space<hbm>>)
        tpu.yield
      }) : () -> ()
    } else {
    }
    %eq3A_624 = arith.constant 1 : i32
    %eq3A_625 = arith.cmpi eq, %arg0, %eq3A_624 : i32
    %convert_element_type3A_626 = arith.extui %eq3A_625 : i1 to i32
    %cond3A_627 = arith.constant 0 : i32
    %cond3A_628 = arith.cmpi ne, %convert_element_type3A_626, %cond3A_627 : i32
    scf.if %cond3A_628 {
      %run_scoped3A_655 = arith.constant 0 : i32
      "tpu.region"() ({
        %run_scoped3A_656 = tpu.sem_alloc : memref<!tpu.dma_semaphore, #tpu.memory_space<semaphore_mem>>
        %dma_start3A_657 = arith.constant 0 : i32
        %dma_start3A_658 = arith.constant 0 : i32
        %dma_start3A_659 = tpu.memref_slice %arg10[%run_scoped3A_655, %dma_start3A_657, %dma_start3A_658] : memref<2x512x16xf32, #tpu.memory_space<vmem>> -> memref<1x320x16xf32, #tpu.memory_space<vmem>>
        %dma_start3A_660 = tpu.memref_squeeze %dma_start3A_659 : memref<1x320x16xf32, #tpu.memory_space<vmem>> -> memref<320x16xf32, #tpu.memory_space<vmem>>
        %dma_start3A_661 = arith.constant 0 : i32
        %dma_start3A_662 = tpu.memref_slice %arg7[%add3A_617, %dma_start3A_661] : memref<100000x16xf32, #tpu.memory_space<hbm>> -> memref<320x16xf32, #tpu.memory_space<hbm>>
        %dma_start3A_663 = arith.constant 0 : i32
        %dma_start3A_664 = tpu.memref_slice %arg7[%add3A_617, %dma_start3A_663] : memref<100000x16xf32, #tpu.memory_space<hbm>> -> memref<320x16xf32, #tpu.memory_space<hbm>>
        %dma_start3A_665 = arith.constant 0 : i32
        %dma_start3A_666 = arith.constant 0 : i32
        %dma_start3A_667 = tpu.memref_slice %arg10[%run_scoped3A_655, %dma_start3A_665, %dma_start3A_666] : memref<2x512x16xf32, #tpu.memory_space<vmem>> -> memref<1x320x16xf32, #tpu.memory_space<vmem>>
        %dma_start3A_668 = tpu.memref_squeeze %dma_start3A_667 : memref<1x320x16xf32, #tpu.memory_space<vmem>> -> memref<320x16xf32, #tpu.memory_space<vmem>>
        tpu.enqueue_dma source(%dma_start3A_668 : memref<320x16xf32, #tpu.memory_space<vmem>>) target(%dma_start3A_664 : memref<320x16xf32, #tpu.memory_space<hbm>>) target_semaphore(%run_scoped3A_656 : memref<!tpu.dma_semaphore, #tpu.memory_space<semaphore_mem>>)
        %dma_wait3A_669 = arith.constant 0 : i32
        %dma_wait3A_670 = arith.constant 0 : i32
        %dma_wait3A_671 = tpu.memref_slice %arg10[%run_scoped3A_655, %dma_wait3A_669, %dma_wait3A_670] : memref<2x512x16xf32, #tpu.memory_space<vmem>> -> memref<1x320x16xf32, #tpu.memory_space<vmem>>
        %dma_wait3A_672 = tpu.memref_squeeze %dma_wait3A_671 : memref<1x320x16xf32, #tpu.memory_space<vmem>> -> memref<320x16xf32, #tpu.memory_space<vmem>>
        %dma_wait3A_673 = arith.constant 0 : i32
        %dma_wait3A_674 = tpu.memref_slice %arg7[%add3A_617, %dma_wait3A_673] : memref<100000x16xf32, #tpu.memory_space<hbm>> -> memref<320x16xf32, #tpu.memory_space<hbm>>
        %dma_wait3A_675 = arith.constant 0 : i32
        %dma_wait3A_676 = tpu.memref_slice %arg7[%add3A_617, %dma_wait3A_675] : memref<100000x16xf32, #tpu.memory_space<hbm>> -> memref<320x16xf32, #tpu.memory_space<hbm>>
        %dma_wait3A_677 = arith.constant 0 : i32
        %dma_wait3A_678 = arith.constant 0 : i32
        %dma_wait3A_679 = tpu.memref_slice %arg10[%run_scoped3A_655, %dma_wait3A_677, %dma_wait3A_678] : memref<2x512x16xf32, #tpu.memory_space<vmem>> -> memref<1x320x16xf32, #tpu.memory_space<vmem>>
        %dma_wait3A_680 = tpu.memref_squeeze %dma_wait3A_679 : memref<1x320x16xf32, #tpu.memory_space<vmem>> -> memref<320x16xf32, #tpu.memory_space<vmem>>
        tpu.wait_dma2 semaphore(%run_scoped3A_656 : memref<!tpu.dma_semaphore, #tpu.memory_space<semaphore_mem>>) src(%dma_wait3A_680 : memref<320x16xf32, #tpu.memory_space<vmem>>) dst(%dma_wait3A_676 : memref<320x16xf32, #tpu.memory_space<hbm>>)
        tpu.yield
      }) : () -> ()
    } else {
    }
    %add3A_629 = arith.constant 5760 : i32
    %add3A_630 = arith.addi %mul3A_0, %add3A_629 : i32
    %run_scoped3A_631 = arith.constant 0 : i32
    "tpu.region"() ({
      %run_scoped3A_655 = tpu.sem_alloc : memref<!tpu.dma_semaphore, #tpu.memory_space<semaphore_mem>>
      %dma_start3A_656 = arith.constant 0 : i32
      %dma_start3A_657 = arith.constant 0 : i32
      %dma_start3A_658 = tpu.memref_slice %arg10[%run_scoped3A_631, %dma_start3A_656, %dma_start3A_657] : memref<2x512x16xf32, #tpu.memory_space<vmem>> -> memref<1x320x16xf32, #tpu.memory_space<vmem>>
      %dma_start3A_659 = tpu.memref_squeeze %dma_start3A_658 : memref<1x320x16xf32, #tpu.memory_space<vmem>> -> memref<320x16xf32, #tpu.memory_space<vmem>>
      %dma_start3A_660 = arith.constant 0 : i32
      %dma_start3A_661 = tpu.memref_slice %arg8[%add3A_630, %dma_start3A_660] : memref<100008x16xf32, #tpu.memory_space<vmem_shared>> -> memref<320x16xf32, #tpu.memory_space<vmem_shared>>
      %dma_start3A_662 = arith.constant 0 : i32
      %dma_start3A_663 = arith.constant 0 : i32
      %dma_start3A_664 = tpu.memref_slice %arg10[%run_scoped3A_631, %dma_start3A_662, %dma_start3A_663] : memref<2x512x16xf32, #tpu.memory_space<vmem>> -> memref<1x320x16xf32, #tpu.memory_space<vmem>>
      %dma_start3A_665 = tpu.memref_squeeze %dma_start3A_664 : memref<1x320x16xf32, #tpu.memory_space<vmem>> -> memref<320x16xf32, #tpu.memory_space<vmem>>
      %dma_start3A_666 = arith.constant 0 : i32
      %dma_start3A_667 = tpu.memref_slice %arg8[%add3A_630, %dma_start3A_666] : memref<100008x16xf32, #tpu.memory_space<vmem_shared>> -> memref<320x16xf32, #tpu.memory_space<vmem_shared>>
      tpu.enqueue_dma source(%dma_start3A_667 : memref<320x16xf32, #tpu.memory_space<vmem_shared>>) target(%dma_start3A_665 : memref<320x16xf32, #tpu.memory_space<vmem>>) target_semaphore(%run_scoped3A_655 : memref<!tpu.dma_semaphore, #tpu.memory_space<semaphore_mem>>)
      %dma_wait3A_668 = arith.constant 0 : i32
      %dma_wait3A_669 = arith.constant 0 : i32
      %dma_wait3A_670 = tpu.memref_slice %arg10[%run_scoped3A_631, %dma_wait3A_668, %dma_wait3A_669] : memref<2x512x16xf32, #tpu.memory_space<vmem>> -> memref<1x320x16xf32, #tpu.memory_space<vmem>>
      %dma_wait3A_671 = tpu.memref_squeeze %dma_wait3A_670 : memref<1x320x16xf32, #tpu.memory_space<vmem>> -> memref<320x16xf32, #tpu.memory_space<vmem>>
      %dma_wait3A_672 = arith.constant 0 : i32
      %dma_wait3A_673 = tpu.memref_slice %arg8[%add3A_630, %dma_wait3A_672] : memref<100008x16xf32, #tpu.memory_space<vmem_shared>> -> memref<320x16xf32, #tpu.memory_space<vmem_shared>>
      %dma_wait3A_674 = arith.constant 0 : i32
      %dma_wait3A_675 = arith.constant 0 : i32
      %dma_wait3A_676 = tpu.memref_slice %arg10[%run_scoped3A_631, %dma_wait3A_674, %dma_wait3A_675] : memref<2x512x16xf32, #tpu.memory_space<vmem>> -> memref<1x320x16xf32, #tpu.memory_space<vmem>>
      %dma_wait3A_677 = tpu.memref_squeeze %dma_wait3A_676 : memref<1x320x16xf32, #tpu.memory_space<vmem>> -> memref<320x16xf32, #tpu.memory_space<vmem>>
      %dma_wait3A_678 = arith.constant 0 : i32
      %dma_wait3A_679 = tpu.memref_slice %arg8[%add3A_630, %dma_wait3A_678] : memref<100008x16xf32, #tpu.memory_space<vmem_shared>> -> memref<320x16xf32, #tpu.memory_space<vmem_shared>>
      tpu.wait_dma2 semaphore(%run_scoped3A_655 : memref<!tpu.dma_semaphore, #tpu.memory_space<semaphore_mem>>) src(%dma_wait3A_679 : memref<320x16xf32, #tpu.memory_space<vmem_shared>>) dst(%dma_wait3A_677 : memref<320x16xf32, #tpu.memory_space<vmem>>)
      tpu.yield
    }) : () -> ()
    %eq3A_632 = arith.constant 0 : i32
    %eq3A_633 = arith.cmpi eq, %arg0, %eq3A_632 : i32
    %convert_element_type3A_634 = arith.extui %eq3A_633 : i1 to i32
    %cond3A_635 = arith.constant 0 : i32
    %cond3A_636 = arith.cmpi ne, %convert_element_type3A_634, %cond3A_635 : i32
    scf.if %cond3A_636 {
      %run_scoped3A_655 = arith.constant 0 : i32
      "tpu.region"() ({
        %run_scoped3A_656 = tpu.sem_alloc : memref<!tpu.dma_semaphore, #tpu.memory_space<semaphore_mem>>
        %dma_start3A_657 = arith.constant 0 : i32
        %dma_start3A_658 = arith.constant 0 : i32
        %dma_start3A_659 = tpu.memref_slice %arg10[%run_scoped3A_655, %dma_start3A_657, %dma_start3A_658] : memref<2x512x16xf32, #tpu.memory_space<vmem>> -> memref<1x320x16xf32, #tpu.memory_space<vmem>>
        %dma_start3A_660 = tpu.memref_squeeze %dma_start3A_659 : memref<1x320x16xf32, #tpu.memory_space<vmem>> -> memref<320x16xf32, #tpu.memory_space<vmem>>
        %dma_start3A_661 = arith.constant 0 : i32
        %dma_start3A_662 = tpu.memref_slice %arg6[%add3A_630, %dma_start3A_661] : memref<100000x16xf32, #tpu.memory_space<hbm>> -> memref<320x16xf32, #tpu.memory_space<hbm>>
        %dma_start3A_663 = arith.constant 0 : i32
        %dma_start3A_664 = tpu.memref_slice %arg6[%add3A_630, %dma_start3A_663] : memref<100000x16xf32, #tpu.memory_space<hbm>> -> memref<320x16xf32, #tpu.memory_space<hbm>>
        %dma_start3A_665 = arith.constant 0 : i32
        %dma_start3A_666 = arith.constant 0 : i32
        %dma_start3A_667 = tpu.memref_slice %arg10[%run_scoped3A_655, %dma_start3A_665, %dma_start3A_666] : memref<2x512x16xf32, #tpu.memory_space<vmem>> -> memref<1x320x16xf32, #tpu.memory_space<vmem>>
        %dma_start3A_668 = tpu.memref_squeeze %dma_start3A_667 : memref<1x320x16xf32, #tpu.memory_space<vmem>> -> memref<320x16xf32, #tpu.memory_space<vmem>>
        tpu.enqueue_dma source(%dma_start3A_668 : memref<320x16xf32, #tpu.memory_space<vmem>>) target(%dma_start3A_664 : memref<320x16xf32, #tpu.memory_space<hbm>>) target_semaphore(%run_scoped3A_656 : memref<!tpu.dma_semaphore, #tpu.memory_space<semaphore_mem>>)
        %dma_wait3A_669 = arith.constant 0 : i32
        %dma_wait3A_670 = arith.constant 0 : i32
        %dma_wait3A_671 = tpu.memref_slice %arg10[%run_scoped3A_655, %dma_wait3A_669, %dma_wait3A_670] : memref<2x512x16xf32, #tpu.memory_space<vmem>> -> memref<1x320x16xf32, #tpu.memory_space<vmem>>
        %dma_wait3A_672 = tpu.memref_squeeze %dma_wait3A_671 : memref<1x320x16xf32, #tpu.memory_space<vmem>> -> memref<320x16xf32, #tpu.memory_space<vmem>>
        %dma_wait3A_673 = arith.constant 0 : i32
        %dma_wait3A_674 = tpu.memref_slice %arg6[%add3A_630, %dma_wait3A_673] : memref<100000x16xf32, #tpu.memory_space<hbm>> -> memref<320x16xf32, #tpu.memory_space<hbm>>
        %dma_wait3A_675 = arith.constant 0 : i32
        %dma_wait3A_676 = tpu.memref_slice %arg6[%add3A_630, %dma_wait3A_675] : memref<100000x16xf32, #tpu.memory_space<hbm>> -> memref<320x16xf32, #tpu.memory_space<hbm>>
        %dma_wait3A_677 = arith.constant 0 : i32
        %dma_wait3A_678 = arith.constant 0 : i32
        %dma_wait3A_679 = tpu.memref_slice %arg10[%run_scoped3A_655, %dma_wait3A_677, %dma_wait3A_678] : memref<2x512x16xf32, #tpu.memory_space<vmem>> -> memref<1x320x16xf32, #tpu.memory_space<vmem>>
        %dma_wait3A_680 = tpu.memref_squeeze %dma_wait3A_679 : memref<1x320x16xf32, #tpu.memory_space<vmem>> -> memref<320x16xf32, #tpu.memory_space<vmem>>
        tpu.wait_dma2 semaphore(%run_scoped3A_656 : memref<!tpu.dma_semaphore, #tpu.memory_space<semaphore_mem>>) src(%dma_wait3A_680 : memref<320x16xf32, #tpu.memory_space<vmem>>) dst(%dma_wait3A_676 : memref<320x16xf32, #tpu.memory_space<hbm>>)
        tpu.yield
      }) : () -> ()
    } else {
    }
    %eq3A_637 = arith.constant 1 : i32
    %eq3A_638 = arith.cmpi eq, %arg0, %eq3A_637 : i32
    %convert_element_type3A_639 = arith.extui %eq3A_638 : i1 to i32
    %cond3A_640 = arith.constant 0 : i32
    %cond3A_641 = arith.cmpi ne, %convert_element_type3A_639, %cond3A_640 : i32
    scf.if %cond3A_641 {
      %run_scoped3A_655 = arith.constant 0 : i32
      "tpu.region"() ({
        %run_scoped3A_656 = tpu.sem_alloc : memref<!tpu.dma_semaphore, #tpu.memory_space<semaphore_mem>>
        %dma_start3A_657 = arith.constant 0 : i32
        %dma_start3A_658 = arith.constant 0 : i32
        %dma_start3A_659 = tpu.memref_slice %arg10[%run_scoped3A_655, %dma_start3A_657, %dma_start3A_658] : memref<2x512x16xf32, #tpu.memory_space<vmem>> -> memref<1x320x16xf32, #tpu.memory_space<vmem>>
        %dma_start3A_660 = tpu.memref_squeeze %dma_start3A_659 : memref<1x320x16xf32, #tpu.memory_space<vmem>> -> memref<320x16xf32, #tpu.memory_space<vmem>>
        %dma_start3A_661 = arith.constant 0 : i32
        %dma_start3A_662 = tpu.memref_slice %arg7[%add3A_630, %dma_start3A_661] : memref<100000x16xf32, #tpu.memory_space<hbm>> -> memref<320x16xf32, #tpu.memory_space<hbm>>
        %dma_start3A_663 = arith.constant 0 : i32
        %dma_start3A_664 = tpu.memref_slice %arg7[%add3A_630, %dma_start3A_663] : memref<100000x16xf32, #tpu.memory_space<hbm>> -> memref<320x16xf32, #tpu.memory_space<hbm>>
        %dma_start3A_665 = arith.constant 0 : i32
        %dma_start3A_666 = arith.constant 0 : i32
        %dma_start3A_667 = tpu.memref_slice %arg10[%run_scoped3A_655, %dma_start3A_665, %dma_start3A_666] : memref<2x512x16xf32, #tpu.memory_space<vmem>> -> memref<1x320x16xf32, #tpu.memory_space<vmem>>
        %dma_start3A_668 = tpu.memref_squeeze %dma_start3A_667 : memref<1x320x16xf32, #tpu.memory_space<vmem>> -> memref<320x16xf32, #tpu.memory_space<vmem>>
        tpu.enqueue_dma source(%dma_start3A_668 : memref<320x16xf32, #tpu.memory_space<vmem>>) target(%dma_start3A_664 : memref<320x16xf32, #tpu.memory_space<hbm>>) target_semaphore(%run_scoped3A_656 : memref<!tpu.dma_semaphore, #tpu.memory_space<semaphore_mem>>)
        %dma_wait3A_669 = arith.constant 0 : i32
        %dma_wait3A_670 = arith.constant 0 : i32
        %dma_wait3A_671 = tpu.memref_slice %arg10[%run_scoped3A_655, %dma_wait3A_669, %dma_wait3A_670] : memref<2x512x16xf32, #tpu.memory_space<vmem>> -> memref<1x320x16xf32, #tpu.memory_space<vmem>>
        %dma_wait3A_672 = tpu.memref_squeeze %dma_wait3A_671 : memref<1x320x16xf32, #tpu.memory_space<vmem>> -> memref<320x16xf32, #tpu.memory_space<vmem>>
        %dma_wait3A_673 = arith.constant 0 : i32
        %dma_wait3A_674 = tpu.memref_slice %arg7[%add3A_630, %dma_wait3A_673] : memref<100000x16xf32, #tpu.memory_space<hbm>> -> memref<320x16xf32, #tpu.memory_space<hbm>>
        %dma_wait3A_675 = arith.constant 0 : i32
        %dma_wait3A_676 = tpu.memref_slice %arg7[%add3A_630, %dma_wait3A_675] : memref<100000x16xf32, #tpu.memory_space<hbm>> -> memref<320x16xf32, #tpu.memory_space<hbm>>
        %dma_wait3A_677 = arith.constant 0 : i32
        %dma_wait3A_678 = arith.constant 0 : i32
        %dma_wait3A_679 = tpu.memref_slice %arg10[%run_scoped3A_655, %dma_wait3A_677, %dma_wait3A_678] : memref<2x512x16xf32, #tpu.memory_space<vmem>> -> memref<1x320x16xf32, #tpu.memory_space<vmem>>
        %dma_wait3A_680 = tpu.memref_squeeze %dma_wait3A_679 : memref<1x320x16xf32, #tpu.memory_space<vmem>> -> memref<320x16xf32, #tpu.memory_space<vmem>>
        tpu.wait_dma2 semaphore(%run_scoped3A_656 : memref<!tpu.dma_semaphore, #tpu.memory_space<semaphore_mem>>) src(%dma_wait3A_680 : memref<320x16xf32, #tpu.memory_space<vmem>>) dst(%dma_wait3A_676 : memref<320x16xf32, #tpu.memory_space<hbm>>)
        tpu.yield
      }) : () -> ()
    } else {
    }
    %add3A_642 = arith.constant 6080 : i32
    %add3A_643 = arith.addi %mul3A_0, %add3A_642 : i32
    %run_scoped3A_644 = arith.constant 0 : i32
    "tpu.region"() ({
      %run_scoped3A_655 = tpu.sem_alloc : memref<!tpu.dma_semaphore, #tpu.memory_space<semaphore_mem>>
      %dma_start3A_656 = arith.constant 0 : i32
      %dma_start3A_657 = arith.constant 0 : i32
      %dma_start3A_658 = tpu.memref_slice %arg10[%run_scoped3A_644, %dma_start3A_656, %dma_start3A_657] : memref<2x512x16xf32, #tpu.memory_space<vmem>> -> memref<1x320x16xf32, #tpu.memory_space<vmem>>
      %dma_start3A_659 = tpu.memref_squeeze %dma_start3A_658 : memref<1x320x16xf32, #tpu.memory_space<vmem>> -> memref<320x16xf32, #tpu.memory_space<vmem>>
      %dma_start3A_660 = arith.constant 0 : i32
      %dma_start3A_661 = tpu.memref_slice %arg8[%add3A_643, %dma_start3A_660] : memref<100008x16xf32, #tpu.memory_space<vmem_shared>> -> memref<320x16xf32, #tpu.memory_space<vmem_shared>>
      %dma_start3A_662 = arith.constant 0 : i32
      %dma_start3A_663 = arith.constant 0 : i32
      %dma_start3A_664 = tpu.memref_slice %arg10[%run_scoped3A_644, %dma_start3A_662, %dma_start3A_663] : memref<2x512x16xf32, #tpu.memory_space<vmem>> -> memref<1x320x16xf32, #tpu.memory_space<vmem>>
      %dma_start3A_665 = tpu.memref_squeeze %dma_start3A_664 : memref<1x320x16xf32, #tpu.memory_space<vmem>> -> memref<320x16xf32, #tpu.memory_space<vmem>>
      %dma_start3A_666 = arith.constant 0 : i32
      %dma_start3A_667 = tpu.memref_slice %arg8[%add3A_643, %dma_start3A_666] : memref<100008x16xf32, #tpu.memory_space<vmem_shared>> -> memref<320x16xf32, #tpu.memory_space<vmem_shared>>
      tpu.enqueue_dma source(%dma_start3A_667 : memref<320x16xf32, #tpu.memory_space<vmem_shared>>) target(%dma_start3A_665 : memref<320x16xf32, #tpu.memory_space<vmem>>) target_semaphore(%run_scoped3A_655 : memref<!tpu.dma_semaphore, #tpu.memory_space<semaphore_mem>>)
      %dma_wait3A_668 = arith.constant 0 : i32
      %dma_wait3A_669 = arith.constant 0 : i32
      %dma_wait3A_670 = tpu.memref_slice %arg10[%run_scoped3A_644, %dma_wait3A_668, %dma_wait3A_669] : memref<2x512x16xf32, #tpu.memory_space<vmem>> -> memref<1x320x16xf32, #tpu.memory_space<vmem>>
      %dma_wait3A_671 = tpu.memref_squeeze %dma_wait3A_670 : memref<1x320x16xf32, #tpu.memory_space<vmem>> -> memref<320x16xf32, #tpu.memory_space<vmem>>
      %dma_wait3A_672 = arith.constant 0 : i32
      %dma_wait3A_673 = tpu.memref_slice %arg8[%add3A_643, %dma_wait3A_672] : memref<100008x16xf32, #tpu.memory_space<vmem_shared>> -> memref<320x16xf32, #tpu.memory_space<vmem_shared>>
      %dma_wait3A_674 = arith.constant 0 : i32
      %dma_wait3A_675 = arith.constant 0 : i32
      %dma_wait3A_676 = tpu.memref_slice %arg10[%run_scoped3A_644, %dma_wait3A_674, %dma_wait3A_675] : memref<2x512x16xf32, #tpu.memory_space<vmem>> -> memref<1x320x16xf32, #tpu.memory_space<vmem>>
      %dma_wait3A_677 = tpu.memref_squeeze %dma_wait3A_676 : memref<1x320x16xf32, #tpu.memory_space<vmem>> -> memref<320x16xf32, #tpu.memory_space<vmem>>
      %dma_wait3A_678 = arith.constant 0 : i32
      %dma_wait3A_679 = tpu.memref_slice %arg8[%add3A_643, %dma_wait3A_678] : memref<100008x16xf32, #tpu.memory_space<vmem_shared>> -> memref<320x16xf32, #tpu.memory_space<vmem_shared>>
      tpu.wait_dma2 semaphore(%run_scoped3A_655 : memref<!tpu.dma_semaphore, #tpu.memory_space<semaphore_mem>>) src(%dma_wait3A_679 : memref<320x16xf32, #tpu.memory_space<vmem_shared>>) dst(%dma_wait3A_677 : memref<320x16xf32, #tpu.memory_space<vmem>>)
      tpu.yield
    }) : () -> ()
    %eq3A_645 = arith.constant 0 : i32
    %eq3A_646 = arith.cmpi eq, %arg0, %eq3A_645 : i32
    %convert_element_type3A_647 = arith.extui %eq3A_646 : i1 to i32
    %cond3A_648 = arith.constant 0 : i32
    %cond3A_649 = arith.cmpi ne, %convert_element_type3A_647, %cond3A_648 : i32
    scf.if %cond3A_649 {
      %run_scoped3A_655 = arith.constant 0 : i32
      "tpu.region"() ({
        %run_scoped3A_656 = tpu.sem_alloc : memref<!tpu.dma_semaphore, #tpu.memory_space<semaphore_mem>>
        %dma_start3A_657 = arith.constant 0 : i32
        %dma_start3A_658 = arith.constant 0 : i32
        %dma_start3A_659 = tpu.memref_slice %arg10[%run_scoped3A_655, %dma_start3A_657, %dma_start3A_658] : memref<2x512x16xf32, #tpu.memory_space<vmem>> -> memref<1x320x16xf32, #tpu.memory_space<vmem>>
        %dma_start3A_660 = tpu.memref_squeeze %dma_start3A_659 : memref<1x320x16xf32, #tpu.memory_space<vmem>> -> memref<320x16xf32, #tpu.memory_space<vmem>>
        %dma_start3A_661 = arith.constant 0 : i32
        %dma_start3A_662 = tpu.memref_slice %arg6[%add3A_643, %dma_start3A_661] : memref<100000x16xf32, #tpu.memory_space<hbm>> -> memref<320x16xf32, #tpu.memory_space<hbm>>
        %dma_start3A_663 = arith.constant 0 : i32
        %dma_start3A_664 = tpu.memref_slice %arg6[%add3A_643, %dma_start3A_663] : memref<100000x16xf32, #tpu.memory_space<hbm>> -> memref<320x16xf32, #tpu.memory_space<hbm>>
        %dma_start3A_665 = arith.constant 0 : i32
        %dma_start3A_666 = arith.constant 0 : i32
        %dma_start3A_667 = tpu.memref_slice %arg10[%run_scoped3A_655, %dma_start3A_665, %dma_start3A_666] : memref<2x512x16xf32, #tpu.memory_space<vmem>> -> memref<1x320x16xf32, #tpu.memory_space<vmem>>
        %dma_start3A_668 = tpu.memref_squeeze %dma_start3A_667 : memref<1x320x16xf32, #tpu.memory_space<vmem>> -> memref<320x16xf32, #tpu.memory_space<vmem>>
        tpu.enqueue_dma source(%dma_start3A_668 : memref<320x16xf32, #tpu.memory_space<vmem>>) target(%dma_start3A_664 : memref<320x16xf32, #tpu.memory_space<hbm>>) target_semaphore(%run_scoped3A_656 : memref<!tpu.dma_semaphore, #tpu.memory_space<semaphore_mem>>)
        %dma_wait3A_669 = arith.constant 0 : i32
        %dma_wait3A_670 = arith.constant 0 : i32
        %dma_wait3A_671 = tpu.memref_slice %arg10[%run_scoped3A_655, %dma_wait3A_669, %dma_wait3A_670] : memref<2x512x16xf32, #tpu.memory_space<vmem>> -> memref<1x320x16xf32, #tpu.memory_space<vmem>>
        %dma_wait3A_672 = tpu.memref_squeeze %dma_wait3A_671 : memref<1x320x16xf32, #tpu.memory_space<vmem>> -> memref<320x16xf32, #tpu.memory_space<vmem>>
        %dma_wait3A_673 = arith.constant 0 : i32
        %dma_wait3A_674 = tpu.memref_slice %arg6[%add3A_643, %dma_wait3A_673] : memref<100000x16xf32, #tpu.memory_space<hbm>> -> memref<320x16xf32, #tpu.memory_space<hbm>>
        %dma_wait3A_675 = arith.constant 0 : i32
        %dma_wait3A_676 = tpu.memref_slice %arg6[%add3A_643, %dma_wait3A_675] : memref<100000x16xf32, #tpu.memory_space<hbm>> -> memref<320x16xf32, #tpu.memory_space<hbm>>
        %dma_wait3A_677 = arith.constant 0 : i32
        %dma_wait3A_678 = arith.constant 0 : i32
        %dma_wait3A_679 = tpu.memref_slice %arg10[%run_scoped3A_655, %dma_wait3A_677, %dma_wait3A_678] : memref<2x512x16xf32, #tpu.memory_space<vmem>> -> memref<1x320x16xf32, #tpu.memory_space<vmem>>
        %dma_wait3A_680 = tpu.memref_squeeze %dma_wait3A_679 : memref<1x320x16xf32, #tpu.memory_space<vmem>> -> memref<320x16xf32, #tpu.memory_space<vmem>>
        tpu.wait_dma2 semaphore(%run_scoped3A_656 : memref<!tpu.dma_semaphore, #tpu.memory_space<semaphore_mem>>) src(%dma_wait3A_680 : memref<320x16xf32, #tpu.memory_space<vmem>>) dst(%dma_wait3A_676 : memref<320x16xf32, #tpu.memory_space<hbm>>)
        tpu.yield
      }) : () -> ()
    } else {
    }
    %eq3A_650 = arith.constant 1 : i32
    %eq3A_651 = arith.cmpi eq, %arg0, %eq3A_650 : i32
    %convert_element_type3A_652 = arith.extui %eq3A_651 : i1 to i32
    %cond3A_653 = arith.constant 0 : i32
    %cond3A_654 = arith.cmpi ne, %convert_element_type3A_652, %cond3A_653 : i32
    scf.if %cond3A_654 {
      %run_scoped3A_655 = arith.constant 0 : i32
      "tpu.region"() ({
        %run_scoped3A_656 = tpu.sem_alloc : memref<!tpu.dma_semaphore, #tpu.memory_space<semaphore_mem>>
        %dma_start3A_657 = arith.constant 0 : i32
        %dma_start3A_658 = arith.constant 0 : i32
        %dma_start3A_659 = tpu.memref_slice %arg10[%run_scoped3A_655, %dma_start3A_657, %dma_start3A_658] : memref<2x512x16xf32, #tpu.memory_space<vmem>> -> memref<1x320x16xf32, #tpu.memory_space<vmem>>
        %dma_start3A_660 = tpu.memref_squeeze %dma_start3A_659 : memref<1x320x16xf32, #tpu.memory_space<vmem>> -> memref<320x16xf32, #tpu.memory_space<vmem>>
        %dma_start3A_661 = arith.constant 0 : i32
        %dma_start3A_662 = tpu.memref_slice %arg7[%add3A_643, %dma_start3A_661] : memref<100000x16xf32, #tpu.memory_space<hbm>> -> memref<320x16xf32, #tpu.memory_space<hbm>>
        %dma_start3A_663 = arith.constant 0 : i32
        %dma_start3A_664 = tpu.memref_slice %arg7[%add3A_643, %dma_start3A_663] : memref<100000x16xf32, #tpu.memory_space<hbm>> -> memref<320x16xf32, #tpu.memory_space<hbm>>
        %dma_start3A_665 = arith.constant 0 : i32
        %dma_start3A_666 = arith.constant 0 : i32
        %dma_start3A_667 = tpu.memref_slice %arg10[%run_scoped3A_655, %dma_start3A_665, %dma_start3A_666] : memref<2x512x16xf32, #tpu.memory_space<vmem>> -> memref<1x320x16xf32, #tpu.memory_space<vmem>>
        %dma_start3A_668 = tpu.memref_squeeze %dma_start3A_667 : memref<1x320x16xf32, #tpu.memory_space<vmem>> -> memref<320x16xf32, #tpu.memory_space<vmem>>
        tpu.enqueue_dma source(%dma_start3A_668 : memref<320x16xf32, #tpu.memory_space<vmem>>) target(%dma_start3A_664 : memref<320x16xf32, #tpu.memory_space<hbm>>) target_semaphore(%run_scoped3A_656 : memref<!tpu.dma_semaphore, #tpu.memory_space<semaphore_mem>>)
        %dma_wait3A_669 = arith.constant 0 : i32
        %dma_wait3A_670 = arith.constant 0 : i32
        %dma_wait3A_671 = tpu.memref_slice %arg10[%run_scoped3A_655, %dma_wait3A_669, %dma_wait3A_670] : memref<2x512x16xf32, #tpu.memory_space<vmem>> -> memref<1x320x16xf32, #tpu.memory_space<vmem>>
        %dma_wait3A_672 = tpu.memref_squeeze %dma_wait3A_671 : memref<1x320x16xf32, #tpu.memory_space<vmem>> -> memref<320x16xf32, #tpu.memory_space<vmem>>
        %dma_wait3A_673 = arith.constant 0 : i32
        %dma_wait3A_674 = tpu.memref_slice %arg7[%add3A_643, %dma_wait3A_673] : memref<100000x16xf32, #tpu.memory_space<hbm>> -> memref<320x16xf32, #tpu.memory_space<hbm>>
        %dma_wait3A_675 = arith.constant 0 : i32
        %dma_wait3A_676 = tpu.memref_slice %arg7[%add3A_643, %dma_wait3A_675] : memref<100000x16xf32, #tpu.memory_space<hbm>> -> memref<320x16xf32, #tpu.memory_space<hbm>>
        %dma_wait3A_677 = arith.constant 0 : i32
        %dma_wait3A_678 = arith.constant 0 : i32
        %dma_wait3A_679 = tpu.memref_slice %arg10[%run_scoped3A_655, %dma_wait3A_677, %dma_wait3A_678] : memref<2x512x16xf32, #tpu.memory_space<vmem>> -> memref<1x320x16xf32, #tpu.memory_space<vmem>>
        %dma_wait3A_680 = tpu.memref_squeeze %dma_wait3A_679 : memref<1x320x16xf32, #tpu.memory_space<vmem>> -> memref<320x16xf32, #tpu.memory_space<vmem>>
        tpu.wait_dma2 semaphore(%run_scoped3A_656 : memref<!tpu.dma_semaphore, #tpu.memory_space<semaphore_mem>>) src(%dma_wait3A_680 : memref<320x16xf32, #tpu.memory_space<vmem>>) dst(%dma_wait3A_676 : memref<320x16xf32, #tpu.memory_space<hbm>>)
        tpu.yield
      }) : () -> ()
    } else {
    }
    return
  }
}

module attributes {stable_mosaic.version = 14 : i64} {
  func.func @_mlp_body(%arg0: i32, %arg1: memref<4096x128xf32, #tpu.memory_space<vmem>>, %arg2: memref<4096x16xf32, #tpu.memory_space<vmem>>, %arg3: memref<4096x16xf32, #tpu.memory_space<vmem>>, %arg4: memref<128x128xf32, #tpu.memory_space<vmem>>, %arg5: memref<16x128xf32, #tpu.memory_space<vmem>>, %arg6: memref<1x128xf32, #tpu.memory_space<vmem>>, %arg7: memref<128x128xf32, #tpu.memory_space<vmem>>, %arg8: memref<1x128xf32, #tpu.memory_space<vmem>>, %arg9: memref<128x1xf32, #tpu.memory_space<vmem>>, %arg10: memref<1x1xf32, #tpu.memory_space<vmem>>, %arg11: memref<128x128xf32, #tpu.memory_space<vmem>>, %arg12: memref<128x128xf32, #tpu.memory_space<vmem>>, %arg13: memref<1x128xf32, #tpu.memory_space<vmem>>, %arg14: memref<128x128xf32, #tpu.memory_space<vmem>>, %arg15: memref<1x128xf32, #tpu.memory_space<vmem>>, %arg16: memref<4096x128xf32, #tpu.memory_space<vmem>>) attributes {dimension_semantics = [#tpu.dimension_semantics<arbitrary>], iteration_bounds = array<i64: 25>, scalar_prefetch = 0 : i64, scratch_operands = 0 : i64, tpu.core_type = #tpu.core_type<tc>, window_params = [{transform_indices = @transform_0, window_bounds = array<i64: 4096, 128>}, {transform_indices = @transform_1, window_bounds = array<i64: 4096, 16>}, {transform_indices = @transform_2, window_bounds = array<i64: 4096, 16>}, {pipeline_mode = #tpu.pipeline_mode<synchronous>, transform_indices = @transform_3, window_bounds = array<i64: 128, 128>}, {pipeline_mode = #tpu.pipeline_mode<synchronous>, transform_indices = @transform_4, window_bounds = array<i64: 16, 128>}, {pipeline_mode = #tpu.pipeline_mode<synchronous>, transform_indices = @transform_5, window_bounds = array<i64: 1, 128>}, {pipeline_mode = #tpu.pipeline_mode<synchronous>, transform_indices = @transform_6, window_bounds = array<i64: 128, 128>}, {pipeline_mode = #tpu.pipeline_mode<synchronous>, transform_indices = @transform_7, window_bounds = array<i64: 1, 128>}, {pipeline_mode = #tpu.pipeline_mode<synchronous>, transform_indices = @transform_8, window_bounds = array<i64: 128, 1>}, {pipeline_mode = #tpu.pipeline_mode<synchronous>, transform_indices = @transform_9, window_bounds = array<i64: 1, 1>}, {pipeline_mode = #tpu.pipeline_mode<synchronous>, transform_indices = @transform_10, window_bounds = array<i64: 128, 128>}, {pipeline_mode = #tpu.pipeline_mode<synchronous>, transform_indices = @transform_11, window_bounds = array<i64: 128, 128>}, {pipeline_mode = #tpu.pipeline_mode<synchronous>, transform_indices = @transform_12, window_bounds = array<i64: 1, 128>}, {pipeline_mode = #tpu.pipeline_mode<synchronous>, transform_indices = @transform_13, window_bounds = array<i64: 128, 128>}, {pipeline_mode = #tpu.pipeline_mode<synchronous>, transform_indices = @transform_14, window_bounds = array<i64: 1, 128>}, {transform_indices = @transform_15, window_bounds = array<i64: 4096, 128>}]} {
    %get3A = arith.constant 0 : index
    %get3A_0 = arith.constant 0 : index
    %get3A_1 = vector.load %arg1[%get3A, %get3A_0] : memref<4096x128xf32, #tpu.memory_space<vmem>>, vector<4096x128xf32>
    %get3A_2 = arith.constant 0 : index
    %get3A_3 = arith.constant 0 : index
    %get3A_4 = vector.load %arg2[%get3A_2, %get3A_3] : memref<4096x16xf32, #tpu.memory_space<vmem>>, vector<4096x16xf32>
    %get3A_5 = arith.constant 0 : index
    %get3A_6 = arith.constant 0 : index
    %get3A_7 = vector.load %arg3[%get3A_5, %get3A_6] : memref<4096x16xf32, #tpu.memory_space<vmem>>, vector<4096x1xf32>
    %max3A = arith.constant 1.000000e+00 : f32
    %max3A_8 = vector.broadcast %max3A : f32 to vector<4096x1xf32>
    %max3A_9 = arith.maximumf %get3A_7, %max3A_8 : vector<4096x1xf32>
    %div3A = vector.broadcast %max3A_9 : vector<4096x1xf32> to vector<4096x16xf32>
    %div3A_10 = arith.divf %get3A_4, %div3A : vector<4096x16xf32>
    %get3A_11 = arith.constant 0 : index
    %get3A_12 = arith.constant 0 : index
    %get3A_13 = vector.load %arg4[%get3A_11, %get3A_12] : memref<128x128xf32, #tpu.memory_space<vmem>>, vector<128x128xf32>
    %dot_general3A = arith.constant dense<0.000000e+00> : vector<4096x128xf32>
    %dot_general3A_14 = tpu.matmul %get3A_1, %get3A_13, %dot_general3A {dimension_numbers = #tpu.dot_dimension_numbers<[1], [0], [0], [1], [0, 0, 1, 1], [], []>, transpose_lhs_hint = false} : vector<4096x128xf32>, vector<128x128xf32>, vector<4096x128xf32> -> vector<4096x128xf32>
    %get3A_15 = arith.constant 0 : index
    %get3A_16 = arith.constant 0 : index
    %get3A_17 = vector.load %arg5[%get3A_15, %get3A_16] : memref<16x128xf32, #tpu.memory_space<vmem>>, vector<16x128xf32>
    %dot_general3A_18 = arith.constant dense<0.000000e+00> : vector<4096x128xf32>
    %dot_general3A_19 = tpu.matmul %div3A_10, %get3A_17, %dot_general3A_18 {dimension_numbers = #tpu.dot_dimension_numbers<[1], [0], [0], [1], [0, 0, 1, 1], [], []>, transpose_lhs_hint = false} : vector<4096x16xf32>, vector<16x128xf32>, vector<4096x128xf32> -> vector<4096x128xf32>
    %add3A = arith.addf %dot_general3A_14, %dot_general3A_19 : vector<4096x128xf32>
    %get3A_20 = arith.constant 0 : index
    %get3A_21 = arith.constant 0 : index
    %get3A_22 = vector.load %arg6[%get3A_20, %get3A_21] : memref<1x128xf32, #tpu.memory_space<vmem>>, vector<1x128xf32>
    %add3A_23 = vector.broadcast %get3A_22 : vector<1x128xf32> to vector<4096x128xf32>
    %add3A_24 = arith.addf %add3A, %add3A_23 : vector<4096x128xf32>
    %max3A_25 = arith.constant 0.000000e+00 : f32
    %max3A_26 = vector.broadcast %max3A_25 : f32 to vector<4096x128xf32>
    %max3A_27 = arith.maximumf %add3A_24, %max3A_26 : vector<4096x128xf32>
    %get3A_28 = arith.constant 0 : index
    %get3A_29 = arith.constant 0 : index
    %get3A_30 = vector.load %arg7[%get3A_28, %get3A_29] : memref<128x128xf32, #tpu.memory_space<vmem>>, vector<128x128xf32>
    %dot_general3A_31 = arith.constant dense<0.000000e+00> : vector<4096x128xf32>
    %dot_general3A_32 = tpu.matmul %max3A_27, %get3A_30, %dot_general3A_31 {dimension_numbers = #tpu.dot_dimension_numbers<[1], [0], [0], [1], [0, 0, 1, 1], [], []>, transpose_lhs_hint = false} : vector<4096x128xf32>, vector<128x128xf32>, vector<4096x128xf32> -> vector<4096x128xf32>
    %get3A_33 = arith.constant 0 : index
    %get3A_34 = arith.constant 0 : index
    %get3A_35 = vector.load %arg8[%get3A_33, %get3A_34] : memref<1x128xf32, #tpu.memory_space<vmem>>, vector<1x128xf32>
    %add3A_36 = vector.broadcast %get3A_35 : vector<1x128xf32> to vector<4096x128xf32>
    %add3A_37 = arith.addf %dot_general3A_32, %add3A_36 : vector<4096x128xf32>
    %get3A_38 = arith.constant 0 : index
    %get3A_39 = arith.constant 0 : index
    %get3A_40 = vector.load %arg9[%get3A_38, %get3A_39] : memref<128x1xf32, #tpu.memory_space<vmem>>, vector<128x1xf32>
    %dot_general3A_41 = arith.constant dense<0.000000e+00> : vector<4096x1xf32>
    %dot_general3A_42 = tpu.matmul %add3A_37, %get3A_40, %dot_general3A_41 {dimension_numbers = #tpu.dot_dimension_numbers<[1], [0], [0], [1], [0, 0, 1, 1], [], []>, transpose_lhs_hint = false} : vector<4096x128xf32>, vector<128x1xf32>, vector<4096x1xf32> -> vector<4096x1xf32>
    %get3A_43 = arith.constant 0 : index
    %get3A_44 = arith.constant 0 : index
    %get3A_45 = vector.load %arg10[%get3A_43, %get3A_44] : memref<1x1xf32, #tpu.memory_space<vmem>>, vector<1x1xf32>
    %add3A_46 = vector.broadcast %get3A_45 : vector<1x1xf32> to vector<4096x1xf32>
    %add3A_47 = arith.addf %dot_general3A_42, %add3A_46 : vector<4096x1xf32>
    %logistic3A = arith.negf %add3A_47 : vector<4096x1xf32>
    %logistic3A_48 = math.exp %logistic3A : vector<4096x1xf32>
    %logistic3A_49 = arith.constant 1.000000e+00 : f32
    %logistic3A_50 = vector.broadcast %logistic3A_49 : f32 to vector<4096x1xf32>
    %logistic3A_51 = arith.addf %logistic3A_50, %logistic3A_48 : vector<4096x1xf32>
    %logistic3A_52 = arith.divf %logistic3A_50, %logistic3A_51 : vector<4096x1xf32>
    %mul3A = vector.broadcast %logistic3A_52 : vector<4096x1xf32> to vector<4096x128xf32>
    %mul3A_53 = arith.mulf %add3A_37, %mul3A : vector<4096x128xf32>
    %get3A_54 = arith.constant 0 : index
    %get3A_55 = arith.constant 0 : index
    %get3A_56 = vector.load %arg11[%get3A_54, %get3A_55] : memref<128x128xf32, #tpu.memory_space<vmem>>, vector<128x128xf32>
    %dot_general3A_57 = arith.constant dense<0.000000e+00> : vector<4096x128xf32>
    %dot_general3A_58 = tpu.matmul %get3A_1, %get3A_56, %dot_general3A_57 {dimension_numbers = #tpu.dot_dimension_numbers<[1], [0], [0], [1], [0, 0, 1, 1], [], []>, transpose_lhs_hint = false} : vector<4096x128xf32>, vector<128x128xf32>, vector<4096x128xf32> -> vector<4096x128xf32>
    %get3A_59 = arith.constant 0 : index
    %get3A_60 = arith.constant 0 : index
    %get3A_61 = vector.load %arg12[%get3A_59, %get3A_60] : memref<128x128xf32, #tpu.memory_space<vmem>>, vector<128x128xf32>
    %dot_general3A_62 = arith.constant dense<0.000000e+00> : vector<4096x128xf32>
    %dot_general3A_63 = tpu.matmul %mul3A_53, %get3A_61, %dot_general3A_62 {dimension_numbers = #tpu.dot_dimension_numbers<[1], [0], [0], [1], [0, 0, 1, 1], [], []>, transpose_lhs_hint = false} : vector<4096x128xf32>, vector<128x128xf32>, vector<4096x128xf32> -> vector<4096x128xf32>
    %add3A_64 = arith.addf %dot_general3A_58, %dot_general3A_63 : vector<4096x128xf32>
    %get3A_65 = arith.constant 0 : index
    %get3A_66 = arith.constant 0 : index
    %get3A_67 = vector.load %arg13[%get3A_65, %get3A_66] : memref<1x128xf32, #tpu.memory_space<vmem>>, vector<1x128xf32>
    %add3A_68 = vector.broadcast %get3A_67 : vector<1x128xf32> to vector<4096x128xf32>
    %add3A_69 = arith.addf %add3A_64, %add3A_68 : vector<4096x128xf32>
    %max3A_70 = arith.constant 0.000000e+00 : f32
    %max3A_71 = vector.broadcast %max3A_70 : f32 to vector<4096x128xf32>
    %max3A_72 = arith.maximumf %add3A_69, %max3A_71 : vector<4096x128xf32>
    %get3A_73 = arith.constant 0 : index
    %get3A_74 = arith.constant 0 : index
    %get3A_75 = vector.load %arg14[%get3A_73, %get3A_74] : memref<128x128xf32, #tpu.memory_space<vmem>>, vector<128x128xf32>
    %dot_general3A_76 = arith.constant dense<0.000000e+00> : vector<4096x128xf32>
    %dot_general3A_77 = tpu.matmul %max3A_72, %get3A_75, %dot_general3A_76 {dimension_numbers = #tpu.dot_dimension_numbers<[1], [0], [0], [1], [0, 0, 1, 1], [], []>, transpose_lhs_hint = false} : vector<4096x128xf32>, vector<128x128xf32>, vector<4096x128xf32> -> vector<4096x128xf32>
    %get3A_78 = arith.constant 0 : index
    %get3A_79 = arith.constant 0 : index
    %get3A_80 = vector.load %arg15[%get3A_78, %get3A_79] : memref<1x128xf32, #tpu.memory_space<vmem>>, vector<1x128xf32>
    %add3A_81 = vector.broadcast %get3A_80 : vector<1x128xf32> to vector<4096x128xf32>
    %add3A_82 = arith.addf %dot_general3A_77, %add3A_81 : vector<4096x128xf32>
    %swap3A = arith.constant 0 : index
    %swap3A_83 = arith.constant 0 : index
    %swap3A_84 = vector.load %arg16[%swap3A, %swap3A_83] : memref<4096x128xf32, #tpu.memory_space<vmem>>, vector<4096x128xf32>
    tpu.vector_store %arg16[%swap3A, %swap3A_83], %add3A_82 {strides = array<i32>} : memref<4096x128xf32, #tpu.memory_space<vmem>>, vector<4096x128xf32>,
    return
  }
  func.func @transform_0(%arg0: i32) -> (i32, i32) {
    %c0_i32 = arith.constant 0 : i32
    %c0_i32_0 = arith.constant 0 : i32
    return %arg0, %c0_i32 : i32, i32
  }
  func.func @transform_1(%arg0: i32) -> (i32, i32) {
    %c0_i32 = arith.constant 0 : i32
    %c0_i32_0 = arith.constant 0 : i32
    return %arg0, %c0_i32 : i32, i32
  }
  func.func @transform_2(%arg0: i32) -> (i32, i32) {
    %c0_i32 = arith.constant 0 : i32
    %c0_i32_0 = arith.constant 0 : i32
    return %arg0, %c0_i32 : i32, i32
  }
  func.func @transform_3(%arg0: i32) -> (i32, i32) {
    %c0_i32 = arith.constant 0 : i32
    %c0_i32_0 = arith.constant 0 : i32
    %c0_i32_1 = arith.constant 0 : i32
    return %c0_i32, %c0_i32_0 : i32, i32
  }
  func.func @transform_4(%arg0: i32) -> (i32, i32) {
    %c0_i32 = arith.constant 0 : i32
    %c0_i32_0 = arith.constant 0 : i32
    %c0_i32_1 = arith.constant 0 : i32
    return %c0_i32, %c0_i32_0 : i32, i32
  }
  func.func @transform_5(%arg0: i32) -> (i32, i32) {
    %c0_i32 = arith.constant 0 : i32
    %c0_i32_0 = arith.constant 0 : i32
    %c0_i32_1 = arith.constant 0 : i32
    return %c0_i32, %c0_i32_0 : i32, i32
  }
  func.func @transform_6(%arg0: i32) -> (i32, i32) {
    %c0_i32 = arith.constant 0 : i32
    %c0_i32_0 = arith.constant 0 : i32
    %c0_i32_1 = arith.constant 0 : i32
    return %c0_i32, %c0_i32_0 : i32, i32
  }
  func.func @transform_7(%arg0: i32) -> (i32, i32) {
    %c0_i32 = arith.constant 0 : i32
    %c0_i32_0 = arith.constant 0 : i32
    %c0_i32_1 = arith.constant 0 : i32
    return %c0_i32, %c0_i32_0 : i32, i32
  }
  func.func @transform_8(%arg0: i32) -> (i32, i32) {
    %c0_i32 = arith.constant 0 : i32
    %c0_i32_0 = arith.constant 0 : i32
    %c0_i32_1 = arith.constant 0 : i32
    return %c0_i32, %c0_i32_0 : i32, i32
  }
  func.func @transform_9(%arg0: i32) -> (i32, i32) {
    %c0_i32 = arith.constant 0 : i32
    %c0_i32_0 = arith.constant 0 : i32
    %c0_i32_1 = arith.constant 0 : i32
    return %c0_i32, %c0_i32_0 : i32, i32
  }
  func.func @transform_10(%arg0: i32) -> (i32, i32) {
    %c0_i32 = arith.constant 0 : i32
    %c0_i32_0 = arith.constant 0 : i32
    %c0_i32_1 = arith.constant 0 : i32
    return %c0_i32, %c0_i32_0 : i32, i32
  }
  func.func @transform_11(%arg0: i32) -> (i32, i32) {
    %c0_i32 = arith.constant 0 : i32
    %c0_i32_0 = arith.constant 0 : i32
    %c0_i32_1 = arith.constant 0 : i32
    return %c0_i32, %c0_i32_0 : i32, i32
  }
  func.func @transform_12(%arg0: i32) -> (i32, i32) {
    %c0_i32 = arith.constant 0 : i32
    %c0_i32_0 = arith.constant 0 : i32
    %c0_i32_1 = arith.constant 0 : i32
    return %c0_i32, %c0_i32_0 : i32, i32
  }
  func.func @transform_13(%arg0: i32) -> (i32, i32) {
    %c0_i32 = arith.constant 0 : i32
    %c0_i32_0 = arith.constant 0 : i32
    %c0_i32_1 = arith.constant 0 : i32
    return %c0_i32, %c0_i32_0 : i32, i32
  }
  func.func @transform_14(%arg0: i32) -> (i32, i32) {
    %c0_i32 = arith.constant 0 : i32
    %c0_i32_0 = arith.constant 0 : i32
    %c0_i32_1 = arith.constant 0 : i32
    return %c0_i32, %c0_i32_0 : i32, i32
  }
  func.func @transform_15(%arg0: i32) -> (i32, i32) {
    %c0_i32 = arith.constant 0 : i32
    %c0_i32_0 = arith.constant 0 : i32
    return %arg0, %c0_i32 : i32, i32
  }
}

</mosaic_0001>

<sc_bundles>
// kernel: kernel.4.cloned.1.call-start
scs
__scs_entry_jumppad:
0x0: {  	(pc) =	sbr.rel $0x88, $3  }
0x1: {  	(tag) =	ssettag $0x0;
	lr =	simm.s32 $0x1  }
0x2: {  	[smem:$0x3F94] =	sst lr;
	_ =	strace $0xD0000000  }
0x3: {  	_ = 	snop  }
0x4: {  	_ = 	snop  }
0x5: {  	_ = 	snop  }
0x6: {  	_ = 	snop  }
0x7: {  	_ = 	snop  }
__scs_overlays_trampoline_lowered:
0x8: {  	[smem:$0x3FA3] =	sst s0  }
0x9: {  	[smem:$0x3FA4] =	sst s1  }
0xa: {  	[smem:$0x3FA5] =	sst s2  }
0xb: {  	[smem:$0x3FA6] =	sst s3  }
0xc: {  	[smem:$0x3FA7] =	sst s4  }
0xd: {  	[smem:$0x3FA8] =	sst s5  }
0xe: {  	[smem:$0x3FA9] =	sst s6  }
0xf: {  	[smem:$0x3FAA] =	sst s7  }
0x10: {  	[smem:$0x3FAB] =	sst s8  }
0x11: {  	[smem:$0x3FAC] =	sst s9;
	s0 =	simm.s32 @!p0 $0x0  }
0x12: {  	s1 =	sld [smem:$0x3F92];
	s0 =	simm.s32 @p0 $0x1  }
0x13: {  	[smem:$0x3FAD] =	sst s0;
	s0 =	simm.s32 @!p1 $0x0  }
0x14: {  	s2 =	sld [smem:$0x3F91];
	s0 =	simm.s32 @p1 $0x1  }
0x15: {  	[smem:$0x3FAE] =	sst s0;
	s0 =	simm.s32 @!p2 $0x0  }
0x16: {  	s3 =	sld [smem:$0x3FDB];
	s0 =	simm.s32 @p2 $0x1  }
0x17: {  	s4 =	simm.s32 $0x1BF5;
	[smem:$0x3FB0] =	sst s0  }
0x18: {  	s0 =	sld [smem:$0x3F93];
	_ =	swait.ge [sflag:s4], $0x0  }
0x19: {  	s7 =	sld [smem:$0x3F94]  }
0x1a: {  	s8 =	sadd.s32 $0xFFFFE003, lr  }
0x1b: {  	s9 =	sadd.s32 $0xFFFFFEF7, lr;
	s5 =	simm.s32 $0xFFFFFFFF;
	p2 =	slt.u32 s8, $0xFFFFF086  }
0x1c: {  	p1 =	slt.u32 s9, $0xF7A;
	s5 =	simm.s32 @!p2 $0x0  }
0x1d: {  	s5 =	simm.s32 @p1 $0x1;
	p0 =	seq.s32 s7, s2  }
0x1e: {  	s7 =	smul.u32 @!p0 $0xF7A, s2;
	p2 =	seq.s32 @!p0 s5, $0x0  }
0x1f: {  	s9 =	smul.u32 $0xF7A, s1;
	s8 =	simm.s32 @!p0 $0x1BF5;
	p2 =	por !p2, p0  }
0x20: {  	[sflag:s8] =	ssyncset.s32 @!p0 $0xFFFFF086;
	s6 =	sadd.s32 @!p0 s3, s7;
	s7 =	simm.s32 @!p0 $0x108  }
0x21: {  	s3 =	sadd.s32 s3, s9;
	s6 =	sadd.s32 @!p0 $0x88, s6;
	s7 =	simm.s32 @p2 $0x1082  }
0x22: {  	[simem:s7], [sflag:s8] =	dma.local @!p0 [hbm:s6], $0xF7A  }
0x23: {  	s9 =	sor.u32 $0xD0000000, s2;
	s6 =	simm.s32 $0x108;
	_ =	swait.ge @!p0 [sflag:s8], $0x0  }
0x24: {  	s3 =	sadd.s32 $0x88, s3;
	s6 =	simm.s32 @!p1 $0x1082;
	[sflag:s4] =	ssyncset.s32 $0xFFFFF086  }
0x25: {  	[simem:s6], [sflag:s4] =	dma.local [hbm:s3], $0xF7A  }
0x26: {  	[smem:$0x3F94] =	sst s1;
	(tag) =	ssettag s2;
	_ =	strace s9  }
0x27: {  	s1 =	sld [smem:$0x3FA4]  }
0x28: {  	s2 =	sld [smem:$0x3FA5]  }
0x29: {  	s4 =	sld [smem:$0x3FA7]  }
0x2a: {  	p0 =	seq.s32 s5, $0x0;
	s5 =	sld [smem:$0x3FA8]  }
0x2b: {  	s6 =	sld [smem:$0x3FA9]  }
0x2c: {  	s7 =	sld [smem:$0x3FAA]  }
0x2d: {  	s3 =	simm.s32 $0x108;
	s8 =	sld [smem:$0x3FAB]  }
0x2e: {  	s3 =	simm.s32 @!p0 $0x1082;
	s9 =	sld [smem:$0x3FAC]  }
0x2f: {  	lr =	sadd.s32 s0, s3;
	s0 =	sld [smem:$0x3FA3]  }
0x30: {  	s3 =	sld [smem:$0x3FA6]  }
0x31: {  	[smem:$0x3FAF] =	sst s10  }
0x32: {  	s10 =	sld [smem:$0x3FAD];
	_ =	sdelay $0x3  }
0x33: {  	p0 =	seq.s32 s10, $0x1;
	s10 =	sld [smem:$0x3FAF];
	_ =	sdelay $0x3  }
0x34: {  	[smem:$0x3FAF] =	sst s10  }
0x35: {  	s10 =	sld [smem:$0x3FAE];
	_ =	sdelay $0x3  }
0x36: {  	p1 =	seq.s32 s10, $0x1;
	s10 =	sld [smem:$0x3FAF];
	_ =	sdelay $0x3  }
0x37: {  	[smem:$0x3FAF] =	sst s10  }
0x38: {  	s10 =	sld [smem:$0x3FB0]  }
0x39: {  	_ = 	snop;
	(pc) =	sbr.ind lr, $3  }
0x3a: {  	_ = 	snop  }
0x3b: {  	_ = 	snop  }
0x3c: {  	p2 =	seq.s32 s10, $0x1;
	s10 =	sld [smem:$0x3FAF]  }
0x3d: {  	_ =	shalt  }
0x3e: {  	_ =	shalt  }
0x3f: {  	_ =	shalt  }
0x40: {  	_ =	shalt  }
0x41: {  	_ =	shalt  }
0x42: {  	_ =	shalt  }
0x43: {  	_ =	shalt  }
0x44: {  	_ =	shalt  }
0x45: {  	_ =	shalt  }
0x46: {  	_ =	shalt  }
0x47: {  	_ =	shalt  }
0x48: {  	_ =	shalt  }
0x49: {  	_ =	shalt  }
0x4a: {  	_ =	shalt  }
0x4b: {  	_ =	shalt  }
0x4c: {  	_ =	shalt  }
0x4d: {  	_ =	shalt  }
0x4e: {  	_ =	shalt  }
0x4f: {  	_ =	shalt  }
0x50: {  	_ =	shalt  }
0x51: {  	_ =	shalt  }
0x52: {  	_ =	shalt  }
0x53: {  	_ =	shalt  }
0x54: {  	_ =	shalt  }
0x55: {  	_ =	shalt  }
0x56: {  	_ =	shalt  }
0x57: {  	_ =	shalt  }
0x58: {  	_ =	shalt  }
0x59: {  	_ =	shalt  }
0x5a: {  	_ =	shalt  }
0x5b: {  	_ =	shalt  }
0x5c: {  	_ =	shalt  }
0x5d: {  	_ =	shalt  }
0x5e: {  	_ =	shalt  }
0x5f: {  	_ =	shalt  }
0x60: {  	_ =	shalt  }
0x61: {  	_ =	shalt  }
0x62: {  	_ =	shalt  }
0x63: {  	_ =	shalt  }
0x64: {  	_ =	shalt  }
0x65: {  	_ =	shalt  }
0x66: {  	_ =	shalt  }
0x67: {  	_ =	shalt  }
0x68: {  	_ =	shalt  }
0x69: {  	_ =	shalt  }
0x6a: {  	_ =	shalt  }
0x6b: {  	_ =	shalt  }
0x6c: {  	_ =	shalt  }
0x6d: {  	_ =	shalt  }
0x6e: {  	_ =	shalt  }
0x6f: {  	_ =	shalt  }
0x70: {  	_ =	shalt  }
0x71: {  	_ =	shalt  }
0x72: {  	_ =	shalt  }
0x73: {  	_ =	shalt  }
0x74: {  	_ =	shalt  }
0x75: {  	_ =	shalt  }
0x76: {  	_ =	shalt  }
0x77: {  	_ =	shalt  }
0x78: {  	_ =	shalt  }
0x79: {  	_ =	shalt  }
0x7a: {  	_ =	shalt  }
0x7b: {  	_ =	shalt  }
0x7c: {  	_ =	shalt  }
0x7d: {  	_ =	shalt  }
0x7e: {  	_ =	shalt  }
0x7f: {  	_ =	shalt  }
0x80: {  	_ =	shalt  }
0x81: {  	_ =	shalt  }
0x82: {  	_ =	shalt  }
0x83: {  	_ =	shalt  }
0x84: {  	_ =	shalt  }
0x85: {  	_ =	shalt  }
0x86: {  	_ =	shalt  }
0x87: {  	_ =	shalt  }
.Lfunc_end0:
.L_simem_size_0:
called_computation_lowered:
.L_overlay_start_0:
0x88: {  	s2 =	sld [smem:$0x3FD9]  }
0x89: {  	s3 =	sld [smem:$0x3FFE];
	_ =	sdelay $0x1  }
0x8a: {  	s1 =	srdreg.scid  }
0x8b: {  	s0 =	sand.u32 $0x1, s1  }
0x8c: {  	s17 =	sshll.u32 s0, $0xA;
	s2 =	sadd.s32 s3, s2  }
0x8d: {  	s2 =	sadd.s32 s2, s17  }
0x8e: {  	[smem:$0x3FBB] =	sst s2  }
0x8f: {  	_ = 	snop  }
0x90: {  	s2 =	sld [smem:$0x3FD0];
	(tm) =	ssettm $0x1  }
0x91: {  	s18 =	sld [smem:$0x3FFB];
	_ =	sdelay $0x3  }
0x92: {  	_ =	strace s18  }
0x93: {  	s3 =	sld [smem:$0x3FFC];
	_ =	sdelay $0x3  }
0x94: {  	_ =	strace s3  }
0x95: {  	s3 =	sld [smem:$0x3FFD];
	_ =	sdelay $0x3  }
0x96: {  	_ =	strace s3  }
0x97: {  	_ =	strace $0x8FFFFFFF  }
0x98: {  	s19 =	sld [smem:$0x3FDB];
	_ =	sdelay $0x1  }
0x99: {  	s4 =	simm.s32 $_scs_section_size  }
0x9a: {  	s5 =	simm.s32 $_size__tile_overlayer_lowered;
	s6 =	simm.s32 $_tile_overlayer_lowered  }
0x9b: {  	s22 =	simm.s32 $0x1BFF;
	s21 =	sshll.u32 s6, $0x1;
	s3 =	sadd.s32 s4, s19  }
0x9c: {  	s7 =	simm.s32 $0x0;
	s20 =	sshll.u32 s5, $0x1;
	s5 =	sadd.s32 s21, s3  }
0x9d: {  	[timem:s7], [sflag:s22] =	dma.local [hbm:s5], s20  }
0x9e: {  	_ =	swait.ge [sflag:s22], s20  }
0x9f: {  	s4 =	ssub.s32 $0x0, s20;
	[sflag:s22] =	ssyncset.done $0x0  }
0xa0: {  	[sflag:s22] =	ssyncadd.s32 s4;
	_ =	sdelay $0x1  }
0xa1: {  	s23 =	simm.s32 $0x1B8B  }
0xa2: {  	_ =	swait.ge [sflag:s23], $0x1  }
0xa3: {  	[sflag:s23] =	ssyncset.done $0x0  }
0xa4: {  	s25 =	simm.s32 $0x1B8E;
	s24 =	sld [smem:$0x3FFE];
	[sflag:s23] =	ssyncadd.s32 $0xFFFFFFFF  }
0xa5: {  	s26 =	simm.s32 $execute0_lowered;
	[smem:$0x3FD2] =	sst s25  }
0xa6: {  	s5 =	sshll.u32 s26, $0x1;
	_ =	strace $0x80000046;
	[dreg:$0x1] =	wrdreg $0xFFFFFFFF  }
0xa7: {  	s28 =	simm.s32 $_size_execute0_lowered;
	s3 =	sadd.s32 s3, s5;
	[dreg:$0x0] =	wrdreg $0x0  }
0xa8: {  	s5 =	sshll.u32 s28, $0x1;
	[dreg:$0x2] =	wrdreg s3  }
0xa9: {  	[dreg:$0x3] =	wrdreg s5  }
0xaa: {  	[dreg:$0x4] =	wrdreg $0xC0  }
0xab: {  	_ =	task [dreg:s7], $0x5FFFF  }
0xac: {  	[dreg:$0x1] =	wrdreg $0xFFFFFFFF  }
0xad: {  	[dreg:$0x0] =	wrdreg $0x60  }
0xae: {  	[dreg:$0x2] =	wrdreg s2  }
0xaf: {  	[dreg:$0x3] =	wrdreg s24  }
0xb0: {  	[dreg:$0x4] =	wrdreg $0x0  }
0xb1: {  	[dreg:$0x5] =	wrdreg $0x9  }
0xb2: {  	_ =	task.clear_ibuf [dreg:s7], $0x6FFFF;
	_ =	strace $0x90000046  }
0xb3: {  	s29 =	simm.s32 $0x9;
	_ =	strace $0x80000048  }
0xb4: {  	_ =	swait.ge [sflag:s29], $0x1  }
0xb5: {  	[sflag:s29] =	ssyncadd.s32 $0xFFFFFFFF  }
0xb6: {  	_ =	strace $0x90000048  }
0xb7: {  	_ =	sfence  }
0xb8: {  	s30 =	sld [smem:$0x0];
	_ =	sdelay $0x2  }
0xb9: {  	s31 =	sshll.u32 s1, $0xD;
	s1 =	sshrl.u32 s1, $0x2  }
0xba: {  	s3 =	sand.u32 $0x4000, s31;
	s1 =	sadd.s32 s1, s30  }
0xbb: {  	s0 =	sor.u32 s3, s0;
	s1 =	sshll.u32 s1, $0x11  }
0xbc: {  	s0 =	sor.u32 s1, s0  }
0xbd: {  	s0 =	sadd.s32 $0x8F2B, s0  }
0xbe: {  	[sflag:s0] =	ssyncadd.remote.s32 $0x1  }
0xbf: {  	_ =	sfence.sel $0xFFFF  }
0xc0: {  	[dreg:$0x0] =	wrdreg $0xFFFFFFFF;
	(pc) =	sbr.abs _section_cstart, $3  }
0xc1: {  	[dreg:$0x1] =	wrdreg $0xFFFFFFFF  }
0xc2: {  	_ =	task.clear_ibuf [dreg:s7], $0x2FFFF;
	_ =	strace $0x9FFFFFFF  }
0xc3: {  	(tm) =	ssettm $0x7FFFFFFF  }
tec
execute0_lowered:
.L_overlay_start_1:
0x0: {  	(tag) =	ssettag $0x1  }
0x1: {  	s15 =	rddreg [dreg:$0x0];
	s0 =	srdreg.scid  }
0x2: {  	s3 =	rddreg [dreg:$0x1];
	s30 =	simm.s32 $0x0;
	s29 =	stileid.u32  }
0x3: {  	s16 =	sand.u32 $0x1, s0;
	[smem:$0x7FF] =	sst s30;
	s5 =	smul.u32 $0x18600, s29  }
0x4: {  	s12 =	sadd.s32 $0x33800, s3;
	s17 =	sadd.s32 $0x2A00, s3;
	s2 =	smul.u32 $0x3100, s29  }
0x5: {  	s0 =	ssub.s32 $0x2, s16;
	p0 =	sne.s32 s16, $0x0;
	p1 =	seq.s32 s16, $0x0  }
0x6: {  	s1 =	sshrl.u32 s0, $0x1;
	s6 =	sadd.s32 $0x1400, s5;
	s7 =	sadd.s32 $0x2800, s5  }
0x7: {  	s8 =	sadd.s32 $0x3C00, s5;
	s9 =	sadd.s32 $0x5000, s5;
	s10 =	sadd.s32 $0x6400, s5  }
0x8: {  	s11 =	sadd.s32 $0x7800, s5;
	s13 =	sadd.s32 $0x8C00, s5;
	s14 =	sadd.s32 $0xA000, s5  }
0x9: {  	s2 =	sadd.s32 s15, s2;
	s25 =	sshrl.u32 s5, $0x3;
	s12 =	smov.u32 @p0 s17  }
0xa: {  	s16 =	sadd.s32 $0xC800, s5;
	s0 =	ssub.s32 s0, s1;
	s26 =	sshrl.u32 s6, $0x3  }
0xb: {  	s19 =	sshrl.u32 s7, $0x3;
	[smem:$0x7EE] =	sst s0;
	s0 =	smul.u32 $0x310, s29  }
0xc: {  	s20 =	sshrl.u32 s8, $0x3;
	s21 =	sshrl.u32 s9, $0x3;
	s19 =	sadd.s32 s12, s19  }
0xd: {  	s23 =	sadd.s32 s12, s20;
	[dreg:$0x7] =	wrdreg s19;
	s4 =	sadd.s32 $0x30C, s0  }
0xe: {  	s24 =	sadd.s32 s12, s21;
	[dreg:$0x8] =	wrdreg s23;
	s18 =	sshll.u32 s4, $0x4  }
0xf: {  	s22 =	sshrl.u32 s10, $0x3;
	[dreg:$0x9] =	wrdreg s24;
	s15 =	sadd.s32 s15, s18  }
0x10: {  	s1 =	sshrl.u32 s11, $0x3;
	s18 =	sadd.s32 s12, s26;
	[dreg:$0x4] =	wrdreg s15  }
0x11: {  	s17 =	sshrl.u32 s13, $0x3;
	s26 =	sadd.s32 s12, s1;
	[dreg:$0x6] =	wrdreg s18  }
0x12: {  	s1 =	sshrl.u32 s14, $0x3;
	s15 =	sadd.s32 s12, s25;
	[dreg:$0xb] =	wrdreg s26  }
0x13: {  	s25 =	sadd.s32 s12, s22;
	s18 =	sadd.s32 s12, s17;
	[dreg:$0x5] =	wrdreg s15  }
0x14: {  	s17 =	sadd.s32 $0xDC00, s5;
	[dreg:$0xa] =	wrdreg s25;
	s15 =	sadd.s32 s12, s1  }
0x15: {  	s21 =	sshrl.u32 s17, $0x3;
	[dreg:$0xd] =	wrdreg s15;
	s15 =	sadd.s32 $0xB400, s5  }
0x16: {  	[dreg:$0xc] =	wrdreg s18;
	s22 =	sadd.s32 s12, s21;
	s19 =	sshrl.u32 s15, $0x3  }
0x17: {  	s20 =	sshrl.u32 s16, $0x3;
	[dreg:$0x10] =	wrdreg s22;
	s18 =	sadd.s32 s12, s19  }
0x18: {  	s22 =	sadd.s32 $0x14000, s5;
	[dreg:$0xe] =	wrdreg s18;
	s18 =	sadd.s32 s12, s20  }
0x19: {  	s20 =	sadd.s32 $0x11800, s5;
	[dreg:$0xf] =	wrdreg s18;
	s18 =	sadd.s32 $0xF000, s5  }
0x1a: {  	s19 =	sadd.s32 $0x10400, s5;
	s25 =	sshrl.u32 s20, $0x3;
	s23 =	sshrl.u32 s18, $0x3  }
0x1b: {  	s24 =	sshrl.u32 s19, $0x3;
	s26 =	sadd.s32 s12, s25;
	s21 =	sadd.s32 s12, s23  }
0x1c: {  	[dreg:$0x11] =	wrdreg s21;
	s21 =	sadd.s32 s12, s24;
	s24 =	sadd.s32 $0x15400, s5  }
0x1d: {  	[dreg:$0x12] =	wrdreg s21;
	s21 =	sadd.s32 $0x12C00, s5;
	s25 =	sshrl.u32 s24, $0x3  }
0x1e: {  	[dreg:$0x13] =	wrdreg s26;
	s23 =	sshrl.u32 s21, $0x3;
	s26 =	sadd.s32 s12, s25  }
0x1f: {  	s1 =	sshrl.u32 s22, $0x3;
	s23 =	sadd.s32 s12, s23;
	[dreg:$0x16] =	wrdreg s26  }
0x20: {  	s25 =	sadd.s32 $0x16800, s5;
	[dreg:$0x14] =	wrdreg s23;
	s23 =	sadd.s32 s12, s1  }
0x21: {  	s28 =	sadd.s32 $0x17C00, s5;
	s26 =	sshrl.u32 s25, $0x3;
	[dreg:$0x15] =	wrdreg s23  }
0x22: {  	s26 =	sadd.s32 s12, s26;
	s1 =	sshrl.u32 s28, $0x3;
	s23 =	rddreg [dreg:$0x2]  }
0x23: {  	[dreg:$0x17] =	wrdreg s26;
	s12 =	sadd.s32 s12, s1  }
0x24: {  	s26 =	sadd.s32 $0x186C200, s3;
	s1 =	sadd.s32 $0x2600, s3;
	[dreg:$0x18] =	wrdreg s12  }
0x25: {  	s3 =	sadd.s32 $0x2200, s3;
	_ =	strace $0x80000047;
	[dreg:$0x19] =	wrdreg s1  }
0x26: {  	s5 =	sadd.s32 s5, s23;
	[dreg:$0x1a] =	wrdreg s3  }
0x27: {  	s7 =	sadd.s32 s7, s23;
	[dreg:$0x1b] =	wrdreg s5  }
0x28: {  	s8 =	sadd.s32 s8, s23;
	[dreg:$0x1d] =	wrdreg s7  }
0x29: {  	s9 =	sadd.s32 s9, s23;
	[dreg:$0x1e] =	wrdreg s8  }
0x2a: {  	s10 =	sadd.s32 s10, s23;
	[dreg:$0x1f] =	wrdreg s9  }
0x2b: {  	s0 =	sor.u32 $0x8, s0;
	s12 =	sadd.s32 s11, s23;
	[smem:$0x7E9] =	sst s10  }
0x2c: {  	s13 =	sadd.s32 s13, s23;
	s14 =	sadd.s32 s14, s23;
	[smem:$0x7EA] =	sst s12  }
0x2d: {  	s15 =	sadd.s32 s15, s23;
	s31 =	sadd.s32 s20, s23;
	[smem:$0x7EB] =	sst s13  }
0x2e: {  	s5 =	sadd.s32 s6, s23;
	s6 =	sadd.s32 s18, s23;
	[smem:$0x7F0] =	sst s0  }
0x2f: {  	s18 =	smov.u32 s14;
	s8 =	sadd.s32 s19, s23;
	[smem:$0x7F8] =	sst s31  }
0x30: {  	s19 =	smov.u32 s15;
	s15 =	sadd.s32 s22, s23;
	s22 =	sld [smem:$0x7EE]  }
0x31: {  	s16 =	sadd.s32 s16, s23;
	[smem:$0x7F2] =	sst s18  }
0x32: {  	s20 =	smov.u32 s16;
	[smem:$0x7F3] =	sst s19  }
0x33: {  	s11 =	simm.s32 $0x189A8;
	s7 =	sadd.s32 s21, s23;
	[smem:$0x7F4] =	sst s20  }
0x34: {  	s1 =	sadd.s32 s17, s23;
	s12 =	smin.u32 s4, $0x30D0;
	[smem:$0x7F9] =	sst s7  }
0x35: {  	s13 =	smul.u32 $0x31000, s29;
	s16 =	sadd.s32 s25, s23;
	[smem:$0x7FA] =	sst s15  }
0x36: {  	s3 =	sadd.s32 s28, s23;
	s28 =	simm.s32 $0x18AA8;
	[smem:$0x7FC] =	sst s16  }
0x37: {  	s9 =	simm.s32 $0x18928;
	s21 =	smov.u32 s1;
	[smem:$0x7FD] =	sst s3  }
0x38: {  	s10 =	simm.s32 $0x1B2A8;
	s25 =	smov.u32 s6;
	[smem:$0x7F5] =	sst s21  }
0x39: {  	s29 =	smov.u32 s8;
	s1 =	sadd.s32 s24, s23;
	[smem:$0x7F6] =	sst s25  }
0x3a: {  	s14 =	sshll.u32 s12, $0x8;
	s6 =	simm.s32 $0x2;
	[smem:$0x7F7] =	sst s29  }
0x3b: {  	s8 =	simm.s32 $0x1AAA8;
	s4 =	sadd.s32 s26, s13;
	[smem:$0x7FB] =	sst s1  }
0x3c: {  	s12 =	simm.s32 $0x1BAA8;
	s17 =	sadd.s32 s26, s14;
	[smem:$0x7EC] =	sst s4  }
0x3d: {  	s13 =	simm.s32 $0x18A28;
	[smem:$0x7ED] =	sst s17;
	s4 =	simm.s32 $0x0  }
0x3e: {  	s14 =	simm.s32 $0x1C2A8;
	s17 =	smov.u32 s5;
	[smem:$0x7F1] =	sst s4  }
0x3f: {  	s5 =	simm.s32 $0x5;
	s24 =	smax.u32 s22, $0x1;
	[dreg:$0x1c] =	wrdreg s17  }
0x40: {  	s22 =	simm.s32 $0x1;
	[smem:$0x7EF] =	sst s24;
	s24 =	simm.s32 $0x80  }
.LBB2_1:
0x41: {  	s4 =	simm.s32 $0x6;
	s0 =	rddreg [dreg:$0x19]  }
0x42: {  	[tilespmem:s28], [sflag:$0x6] =	stream.linear.gather [hbm4b:s0+s30], $0x1400, $0x38;
	[tilespmem:$0x1CAA8] =	vst v63  }
0x43: {  	_ =	swait.ge [sflag:s4], $0x1400  }
0x44: {  	[sflag:s4] =	ssyncset.done $0x0  }
0x45: {  	s0 =	rddreg [dreg:$0x1b];
	[sflag:s4] =	ssyncadd.s32 $0xFFFFEC00  }
0x46: {  	[spmem:s0] =	stream.linear.scatter [tilespmem:s28], [sflag:$0x6], $0x1400, $0x38;
	[tilespmem:$0x1CAA8] =	vst v63  }
0x47: {  	_ =	swait.ge [sflag:s4], $0x1400  }
0x48: {  	[sflag:s4] =	ssyncset.done $0x0  }
0x49: {  	[sflag:s4] =	ssyncadd.s32 $0xFFFFEC00  }
0x4a: {  	[spmem:s17] =	stream.linear.scatter [tilespmem:s28], [sflag:$0x6], $0x1400, $0x38;
	[tilespmem:$0x1CAA8] =	vst v63  }
0x4b: {  	_ =	swait.ge [sflag:s4], $0x1400  }
0x4c: {  	[sflag:s4] =	ssyncset.done $0x0  }
0x4d: {  	s17 =	rddreg [dreg:$0x1d];
	[sflag:s4] =	ssyncadd.s32 $0xFFFFEC00  }
0x4e: {  	[spmem:s17] =	stream.linear.scatter [tilespmem:s28], [sflag:$0x6], $0x1400, $0x38;
	[tilespmem:$0x1CAA8] =	vst v63  }
0x4f: {  	_ =	swait.ge [sflag:s4], $0x1400  }
0x50: {  	[sflag:s4] =	ssyncset.done $0x0  }
0x51: {  	s17 =	rddreg [dreg:$0x1e];
	[sflag:s4] =	ssyncadd.s32 $0xFFFFEC00  }
0x52: {  	[spmem:s17] =	stream.linear.scatter [tilespmem:s28], [sflag:$0x6], $0x1400, $0x38;
	[tilespmem:$0x1CAA8] =	vst v63  }
0x53: {  	_ =	swait.ge [sflag:s4], $0x1400  }
0x54: {  	[sflag:s4] =	ssyncset.done $0x0  }
0x55: {  	s17 =	rddreg [dreg:$0x1f];
	[sflag:s4] =	ssyncadd.s32 $0xFFFFEC00  }
0x56: {  	[spmem:s17] =	stream.linear.scatter [tilespmem:s28], [sflag:$0x6], $0x1400, $0x38;
	[tilespmem:$0x1CAA8] =	vst v63  }
0x57: {  	_ =	swait.ge [sflag:s4], $0x1400  }
0x58: {  	s17 =	sld [smem:$0x7E9]  }
0x59: {  	[sflag:s4] =	ssyncset.done $0x0  }
0x5a: {  	[sflag:s4] =	ssyncadd.s32 $0xFFFFEC00  }
0x5b: {  	[spmem:s17] =	stream.linear.scatter [tilespmem:s28], [sflag:$0x6], $0x1400, $0x38;
	[tilespmem:$0x1CAA8] =	vst v63  }
0x5c: {  	_ =	swait.ge [sflag:s4], $0x1400  }
0x5d: {  	s17 =	sld [smem:$0x7EA]  }
0x5e: {  	[sflag:s4] =	ssyncset.done $0x0  }
0x5f: {  	[sflag:s4] =	ssyncadd.s32 $0xFFFFEC00  }
0x60: {  	[spmem:s17] =	stream.linear.scatter [tilespmem:s28], [sflag:$0x6], $0x1400, $0x38;
	[tilespmem:$0x1CAA8] =	vst v63  }
0x61: {  	_ =	swait.ge [sflag:s4], $0x1400  }
0x62: {  	s17 =	sld [smem:$0x7EB]  }
0x63: {  	[sflag:s4] =	ssyncset.done $0x0  }
0x64: {  	[sflag:s4] =	ssyncadd.s32 $0xFFFFEC00  }
0x65: {  	[spmem:s17] =	stream.linear.scatter [tilespmem:s28], [sflag:$0x6], $0x1400, $0x38;
	[tilespmem:$0x1CAA8] =	vst v63  }
0x66: {  	_ =	swait.ge [sflag:s4], $0x1400  }
0x67: {  	[sflag:s4] =	ssyncset.done $0x0  }
0x68: {  	[sflag:s4] =	ssyncadd.s32 $0xFFFFEC00  }
0x69: {  	[spmem:s18] =	stream.linear.scatter [tilespmem:s28], [sflag:$0x6], $0x1400, $0x38;
	[tilespmem:$0x1CAA8] =	vst v63  }
0x6a: {  	_ =	swait.ge [sflag:s4], $0x1400  }
0x6b: {  	[sflag:s4] =	ssyncset.done $0x0  }
0x6c: {  	[sflag:s4] =	ssyncadd.s32 $0xFFFFEC00  }
0x6d: {  	[spmem:s19] =	stream.linear.scatter [tilespmem:s28], [sflag:$0x6], $0x1400, $0x38;
	[tilespmem:$0x1CAA8] =	vst v63  }
0x6e: {  	_ =	swait.ge [sflag:s4], $0x1400  }
0x6f: {  	[sflag:s4] =	ssyncset.done $0x0  }
0x70: {  	[sflag:s4] =	ssyncadd.s32 $0xFFFFEC00  }
0x71: {  	[spmem:s20] =	stream.linear.scatter [tilespmem:s28], [sflag:$0x6], $0x1400, $0x38;
	[tilespmem:$0x1CAA8] =	vst v63  }
0x72: {  	_ =	swait.ge [sflag:s4], $0x1400  }
0x73: {  	[sflag:s4] =	ssyncset.done $0x0  }
0x74: {  	[sflag:s4] =	ssyncadd.s32 $0xFFFFEC00  }
0x75: {  	[spmem:s21] =	stream.linear.scatter [tilespmem:s28], [sflag:$0x6], $0x1400, $0x38;
	[tilespmem:$0x1CAA8] =	vst v63  }
0x76: {  	_ =	swait.ge [sflag:s4], $0x1400  }
0x77: {  	[sflag:s4] =	ssyncset.done $0x0  }
0x78: {  	[sflag:s4] =	ssyncadd.s32 $0xFFFFEC00  }
0x79: {  	[spmem:s25] =	stream.linear.scatter [tilespmem:s28], [sflag:$0x6], $0x1400, $0x38;
	[tilespmem:$0x1CAA8] =	vst v63  }
0x7a: {  	_ =	swait.ge [sflag:s4], $0x1400  }
0x7b: {  	[sflag:s4] =	ssyncset.done $0x0  }
0x7c: {  	[sflag:s4] =	ssyncadd.s32 $0xFFFFEC00  }
0x7d: {  	[spmem:s29] =	stream.linear.scatter [tilespmem:s28], [sflag:$0x6], $0x1400, $0x38;
	[tilespmem:$0x1CAA8] =	vst v63  }
0x7e: {  	_ =	swait.ge [sflag:s4], $0x1400  }
0x7f: {  	[sflag:s4] =	ssyncset.done $0x0  }
0x80: {  	[sflag:s4] =	ssyncadd.s32 $0xFFFFEC00  }
0x81: {  	[spmem:s31] =	stream.linear.scatter [tilespmem:s28], [sflag:$0x6], $0x1400, $0x38;
	[tilespmem:$0x1CAA8] =	vst v63  }
0x82: {  	_ =	swait.ge [sflag:s4], $0x1400  }
0x83: {  	[sflag:s4] =	ssyncset.done $0x0  }
0x84: {  	[sflag:s4] =	ssyncadd.s32 $0xFFFFEC00  }
0x85: {  	[spmem:s7] =	stream.linear.scatter [tilespmem:s28], [sflag:$0x6], $0x1400, $0x38;
	[tilespmem:$0x1CAA8] =	vst v63  }
0x86: {  	_ =	swait.ge [sflag:s4], $0x1400  }
0x87: {  	[sflag:s4] =	ssyncset.done $0x0  }
0x88: {  	[sflag:s4] =	ssyncadd.s32 $0xFFFFEC00  }
0x89: {  	[spmem:s15] =	stream.linear.scatter [tilespmem:s28], [sflag:$0x6], $0x1400, $0x38;
	[tilespmem:$0x1CAA8] =	vst v63  }
0x8a: {  	_ =	swait.ge [sflag:s4], $0x1400  }
0x8b: {  	[sflag:s4] =	ssyncset.done $0x0  }
0x8c: {  	[sflag:s4] =	ssyncadd.s32 $0xFFFFEC00  }
0x8d: {  	[spmem:s1] =	stream.linear.scatter [tilespmem:s28], [sflag:$0x6], $0x1400, $0x38;
	[tilespmem:$0x1CAA8] =	vst v63  }
0x8e: {  	_ =	swait.ge [sflag:s4], $0x1400  }
0x8f: {  	[sflag:s4] =	ssyncset.done $0x0  }
0x90: {  	[sflag:s4] =	ssyncadd.s32 $0xFFFFEC00  }
0x91: {  	[spmem:s16] =	stream.linear.scatter [tilespmem:s28], [sflag:$0x6], $0x1400, $0x38;
	[tilespmem:$0x1CAA8] =	vst v63  }
0x92: {  	_ =	swait.ge [sflag:s4], $0x1400  }
0x93: {  	[sflag:s4] =	ssyncset.done $0x0  }
0x94: {  	[sflag:s4] =	ssyncadd.s32 $0xFFFFEC00  }
0x95: {  	[spmem:s3] =	stream.linear.scatter [tilespmem:s28], [sflag:$0x6], $0x1400, $0x38;
	[tilespmem:$0x1CAA8] =	vst v63  }
0x96: {  	_ =	swait.ge [sflag:s4], $0x1400  }
0x97: {  	[sflag:s4] =	ssyncset.done $0x0  }
0x98: {  	[sflag:s4] =	ssyncadd.s32 $0xFFFFEC00  }
0x99: {  	[bflag:$0x0] =	sbarrier.arrive @p1 $0xFFFF  }
0x9a: {  	s0 =	simm.s32 @p1 $0x0;
	s1 =	simm.s32 @p1 $0x186A8;
	s3 =	sld [smem:$0x7EC]  }
0x9b: {  	[tilespmem:s1], [sflag:$0x1] =	stream.linear.gather @p1 [hbm4b:s2+s0], $0x200, $0x38;
	[tilespmem:$0x1CAA8] =	vst v63  }
0x9c: {  	s1 =	simm.s32 @p1 $0x18AA8  }
0x9d: {  	[tilespmem:s1], [sflag:$0x3] =	stream.linear.gather @p1 [hbm4b:s3+s0], $0x2000, $0x38;
	[tilespmem:$0x1CAA8] =	vst v63  }
0x9e: {  	s4 =	rddreg [dreg:$0x1a];
	s0 =	simm.s32 @!p1 $0x0;
	s1 =	simm.s32 @!p1 $0x18AA8  }
0x9f: {  	[tilespmem:s1], [sflag:$0x6] =	stream.linear.gather @!p1 [hbm4b:s4+s0], $0x2000, $0x38;
	[tilespmem:$0x1CAA8] =	vst v63  }
0xa0: {  	s1 =	simm.s32 @!p1 $0x6  }
0xa1: {  	_ =	swait.ge @!p1 [sflag:s1], $0x2000  }
0xa2: {  	[sflag:s1] =	ssyncset.done @!p1 $0x0  }
0xa3: {  	s3 =	simm.s32 @!p1 $0x1AAA8;
	[sflag:s1] =	ssyncadd.s32 @!p1 $0xFFFFE000  }
0xa4: {  	[tilespmem:s3], [sflag:$0x6] =	stream.linear.gather @!p1 [hbm4b:s4+s0], $0x2000, $0x38;
	[tilespmem:$0x1CAA8] =	vst v63  }
0xa5: {  	_ =	swait.ge @!p1 [sflag:s1], $0x2000  }
0xa6: {  	[sflag:s1] =	ssyncset.done @!p1 $0x0  }
0xa7: {  	[sflag:s1] =	ssyncadd.s32 @!p1 $0xFFFFE000  }
0xa8: {  	s17 =	simm.s32 @!p0 $0x3;
	[bflag:$0x0] =	sbarrier.arrive @!p1 $0xFFFF  }
0xa9: {  	s18 =	simm.s32 @p0 $0x188A8;
	s1 =	simm.s32 @!p1 $0x186A8;
	s4 =	sld [smem:$0x7F0]  }
0xaa: {  	[tilespmem:s1], [sflag:$0x1] =	stream.linear.gather @!p1 [hbm4b:s2+s0], $0x200, $0x38;
	[tilespmem:$0x1CAA8] =	vst v63  }
0xab: {  	s19 =	simm.s32 @!p0 $0x0;
	s25 =	simm.s32 @p0 $0x0;
	_ =	swait.ge [sflag:s22], $0x200  }
0xac: {  	s1 =	sadd.s32 @p0 $0xFFFFCF80, s2;
	[sflag:s22] =	ssyncset.done $0x0;
	s0 =	sadd.s32 @!p0 $0xFFFFFFFC, s4  }
0xad: {  	s3 =	sadd.s32 @p0 $0x30C0, s1;
	[sflag:s22] =	ssyncadd.s32 $0xFFFFFE00;
	p2 =	slt.s32 @!p0 s0, $0x30D0  }
0xae: {  	[tilespmem:s18], [sflag:$0x2] =	stream.linear.gather @p0 [hbm4b:s3+s25], $0x200, $0x38;
	[tilespmem:$0x1CAA8] =	vst v63  }
0xaf: {  	s16 =	simm.s32 @!p0 $0x188A8;
	_ =	swait.ge @!p0 [sflag:s17], $0x2000;
	p2 =	por !p2, p0  }
0xb0: {  	s3 =	sadd.s32 @!p0 $0xFFFFCF80, s2;
	[sflag:s17] =	ssyncset.done @!p0 $0x0;
	s0 =	simm.s32 @p2 $0x30D0  }
0xb1: {  	s15 =	sadd.s32 @!p0 $0x30C0, s3;
	[sflag:s17] =	ssyncadd.s32 @!p0 $0xFFFFE000;
	s0 =	sshll.u32 @!p0 s0, $0x8  }
0xb2: {  	[tilespmem:s16], [sflag:$0x2] =	stream.linear.gather @!p0 [hbm4b:s15+s19], $0x200, $0x38;
	[tilespmem:$0x1CAA8] =	vst v63  }
0xb3: {  	s15 =	simm.s32 @!p0 $0x1AAA8;
	s0 =	sadd.s32 @!p0 s26, s0  }
0xb4: {  	[tilespmem:s15], [sflag:$0x4] =	stream.linear.gather @!p0 [hbm4b:s0+s19], $0x2000, $0x38;
	[tilespmem:$0x1CAA8] =	vst v63  }
0xb5: {  	s7 =	simm.s32 $0x186A8  }
0xb6: {  	[spmem:s23] =	stream.indirect.scatter.add.f32 [tilespmem:s28], [sflag:$0x5], $0x10, s7, s24, $0xb8;
	[tilespmem:$0x1CAA8] =	vst v63  }
0xb7: {  	s20 =	simm.s32 $0x18728;
	s21 =	simm.s32 $0x192A8  }
0xb8: {  	[spmem:s23] =	stream.indirect.scatter.add.f32 [tilespmem:s21], [sflag:$0x5], $0x10, s20, s24, $0xb8;
	[tilespmem:$0x1CAA8] =	vst v63  }
0xb9: {  	s20 =	simm.s32 $0x187A8;
	s21 =	simm.s32 $0x19AA8  }
0xba: {  	[spmem:s23] =	stream.indirect.scatter.add.f32 [tilespmem:s21], [sflag:$0x5], $0x10, s20, s24, $0xb8;
	[tilespmem:$0x1CAA8] =	vst v63  }
0xbb: {  	s7 =	simm.s32 $0x18828;
	s20 =	simm.s32 $0x1A2A8  }
0xbc: {  	[spmem:s23] =	stream.indirect.scatter.add.f32 [tilespmem:s20], [sflag:$0x5], $0x10, s7, s24, $0xb8;
	[tilespmem:$0x1CAA8] =	vst v63  }
0xbd: {  	_ =	swait.ge [sflag:s5], $0x800  }
0xbe: {  	[sflag:s5] =	ssyncset.done $0x0  }
0xbf: {  	[sflag:s5] =	ssyncadd.s32 $0xFFFFF800  }
0xc0: {  	_ =	swait.ge [sflag:s5], $0x800  }
0xc1: {  	[sflag:s5] =	ssyncset.done $0x0  }
0xc2: {  	[sflag:s5] =	ssyncadd.s32 $0xFFFFF800  }
0xc3: {  	_ =	swait.ge [sflag:s5], $0x800  }
0xc4: {  	[sflag:s5] =	ssyncset.done $0x0  }
0xc5: {  	[sflag:s5] =	ssyncadd.s32 $0xFFFFF800  }
0xc6: {  	_ =	swait.ge [sflag:s5], $0x800  }
0xc7: {  	[sflag:s5] =	ssyncset.done $0x0  }
0xc8: {  	[sflag:s5] =	ssyncadd.s32 $0xFFFFF800  }
0xc9: {  	_ =	swait.ge [sflag:s6], $0x200  }
0xca: {  	p2 =	slt.s32 @!p0 s4, $0x30D0;
	s0 =	sadd.s32 @p0 $0x3100, s1;
	[sflag:s6] =	ssyncset.done $0x0  }
0xcb: {  	s1 =	simm.s32 @!p0 $0x4;
	s20 =	simm.s32 @p0 $0x186A8;
	[sflag:s6] =	ssyncadd.s32 $0xFFFFFE00  }
0xcc: {  	[tilespmem:s20], [sflag:$0x1] =	stream.linear.gather @p0 [hbm4b:s0+s25], $0x200, $0x38;
	[tilespmem:$0x1CAA8] =	vst v63  }
0xcd: {  	p2 =	por !p2, p0;
	s0 =	smov.u32 s4;
	_ =	swait.ge @!p0 [sflag:s1], $0x2000  }
0xce: {  	s21 =	sadd.s32 @!p0 $0x3100, s3;
	s0 =	simm.s32 @p2 $0x30D0;
	[sflag:s1] =	ssyncset.done @!p0 $0x0  }
0xcf: {  	s3 =	simm.s32 @!p0 $0x186A8;
	s0 =	sshll.u32 @!p0 s0, $0x8;
	[sflag:s1] =	ssyncadd.s32 @!p0 $0xFFFFE000  }
0xd0: {  	[tilespmem:s3], [sflag:$0x1] =	stream.linear.gather @!p0 [hbm4b:s21+s19], $0x200, $0x38;
	[tilespmem:$0x1CAA8] =	vst v63  }
0xd1: {  	s29 =	simm.s32 @!p0 $0x18AA8;
	s0 =	sadd.s32 @!p0 s26, s0  }
0xd2: {  	[tilespmem:s29], [sflag:$0x3] =	stream.linear.gather @!p0 [hbm4b:s0+s19], $0x2000, $0x38;
	[tilespmem:$0x1CAA8] =	vst v63  }
0xd3: {  	s21 =	simm.s32 $0x188A8  }
0xd4: {  	[spmem:s23] =	stream.indirect.scatter.add.f32 [tilespmem:s8], [sflag:$0x5], $0x10, s21, s24, $0xb8;
	[tilespmem:$0x1CAA8] =	vst v63  }
0xd5: {  	_ = 	snop  }
0xd6: {  	[spmem:s23] =	stream.indirect.scatter.add.f32 [tilespmem:s10], [sflag:$0x5], $0x10, s9, s24, $0xb8;
	[tilespmem:$0x1CAA8] =	vst v63  }
0xd7: {  	_ = 	snop  }
0xd8: {  	[spmem:s23] =	stream.indirect.scatter.add.f32 [tilespmem:s12], [sflag:$0x5], $0x10, s11, s24, $0xb8;
	[tilespmem:$0x1CAA8] =	vst v63  }
0xd9: {  	_ = 	snop  }
0xda: {  	[spmem:s23] =	stream.indirect.scatter.add.f32 [tilespmem:s14], [sflag:$0x5], $0x10, s13, s24, $0xb8;
	[tilespmem:$0x1CAA8] =	vst v63  }
0xdb: {  	_ =	swait.ge [sflag:s5], $0x800  }
0xdc: {  	[sflag:s5] =	ssyncset.done $0x0  }
0xdd: {  	[sflag:s5] =	ssyncadd.s32 $0xFFFFF800  }
0xde: {  	_ =	swait.ge [sflag:s5], $0x800  }
0xdf: {  	[sflag:s5] =	ssyncset.done $0x0  }
0xe0: {  	[sflag:s5] =	ssyncadd.s32 $0xFFFFF800  }
0xe1: {  	_ =	swait.ge [sflag:s5], $0x800  }
0xe2: {  	[sflag:s5] =	ssyncset.done $0x0  }
0xe3: {  	[sflag:s5] =	ssyncadd.s32 $0xFFFFF800  }
0xe4: {  	s30 =	simm.s32 $0xFFFFD000;
	s31 =	sadd.s32 $0x8, s4;
	_ =	swait.ge [sflag:s5], $0x800  }
.LBB2_2:
0xe5: {  	[sflag:s5] =	ssyncset.done $0x0;
	s21 =	smov.u32 s30;
	s30 =	sadd.s32 $0x80, s30  }
0xe6: {  	s4 =	sadd.s32 @!p0 $0xFFFFFFFC, s31;
	[sflag:s5] =	ssyncadd.s32 $0xFFFFF800  }
0xe7: {  	s0 =	sadd.s32 @p0 s21, s2;
	_ =	swait.ge [sflag:s22], $0x200  }
0xe8: {  	s7 =	sadd.s32 @p0 $0x30C0, s0;
	[sflag:s22] =	ssyncset.done $0x0  }
0xe9: {  	p2 =	slt.s32 @!p0 s4, $0x30D0;
	[sflag:s22] =	ssyncadd.s32 $0xFFFFFE00  }
0xea: {  	[tilespmem:s18], [sflag:$0x2] =	stream.linear.gather @p0 [hbm4b:s7+s25], $0x200, $0x38;
	[tilespmem:$0x1CAA8] =	vst v63  }
0xeb: {  	s21 =	sadd.s32 @!p0 s21, s2;
	p2 =	por !p2, p0;
	_ =	swait.ge @!p0 [sflag:s17], $0x2000  }
0xec: {  	s4 =	simm.s32 @p2 $0x30D0;
	s7 =	sadd.s32 @!p0 $0x30C0, s21;
	[sflag:s17] =	ssyncset.done @!p0 $0x0  }
0xed: {  	s4 =	sshll.u32 @!p0 s4, $0x8;
	[sflag:s17] =	ssyncadd.s32 @!p0 $0xFFFFE000  }
0xee: {  	[tilespmem:s16], [sflag:$0x2] =	stream.linear.gather @!p0 [hbm4b:s7+s19], $0x200, $0x38;
	[tilespmem:$0x1CAA8] =	vst v63  }
0xef: {  	p2 =	sne.s32 s30, $0x0;
	s4 =	sadd.s32 @!p0 s26, s4  }
0xf0: {  	[tilespmem:s15], [sflag:$0x4] =	stream.linear.gather @!p0 [hbm4b:s4+s19], $0x2000, $0x38;
	[tilespmem:$0x1CAA8] =	vst v63  }
0xf1: {  	s4 =	simm.s32 $0x186A8  }
0xf2: {  	[spmem:s23] =	stream.indirect.scatter.add.f32 [tilespmem:s28], [sflag:$0x5], $0x10, s4, s24, $0xb8;
	[tilespmem:$0x1CAA8] =	vst v63  }
0xf3: {  	s7 =	simm.s32 $0x192A8;
	s4 =	simm.s32 $0x18728  }
0xf4: {  	[spmem:s23] =	stream.indirect.scatter.add.f32 [tilespmem:s7], [sflag:$0x5], $0x10, s4, s24, $0xb8;
	[tilespmem:$0x1CAA8] =	vst v63  }
0xf5: {  	s4 =	simm.s32 $0x187A8;
	s7 =	simm.s32 $0x19AA8  }
0xf6: {  	[spmem:s23] =	stream.indirect.scatter.add.f32 [tilespmem:s7], [sflag:$0x5], $0x10, s4, s24, $0xb8;
	[tilespmem:$0x1CAA8] =	vst v63  }
0xf7: {  	s4 =	simm.s32 $0x18828;
	s7 =	simm.s32 $0x1A2A8  }
0xf8: {  	[spmem:s23] =	stream.indirect.scatter.add.f32 [tilespmem:s7], [sflag:$0x5], $0x10, s4, s24, $0xb8;
	[tilespmem:$0x1CAA8] =	vst v63  }
0xf9: {  	_ =	swait.ge [sflag:s5], $0x800  }
0xfa: {  	[sflag:s5] =	ssyncset.done $0x0  }
0xfb: {  	[sflag:s5] =	ssyncadd.s32 $0xFFFFF800  }
0xfc: {  	_ =	swait.ge [sflag:s5], $0x800  }
0xfd: {  	[sflag:s5] =	ssyncset.done $0x0  }
0xfe: {  	[sflag:s5] =	ssyncadd.s32 $0xFFFFF800  }
0xff: {  	_ =	swait.ge [sflag:s5], $0x800  }
0x100: {  	[sflag:s5] =	ssyncset.done $0x0  }
0x101: {  	[sflag:s5] =	ssyncadd.s32 $0xFFFFF800  }
0x102: {  	_ =	swait.ge [sflag:s5], $0x800  }
0x103: {  	[sflag:s5] =	ssyncset.done $0x0  }
0x104: {  	[sflag:s5] =	ssyncadd.s32 $0xFFFFF800  }
0x105: {  	_ =	swait.ge [sflag:s6], $0x200  }
0x106: {  	s0 =	sadd.s32 @p0 $0x3100, s0;
	[sflag:s6] =	ssyncset.done $0x0  }
0x107: {  	p3 =	slt.s32 @!p0 s31, $0x30D0;
	[sflag:s6] =	ssyncadd.s32 $0xFFFFFE00  }
0x108: {  	[tilespmem:s20], [sflag:$0x1] =	stream.linear.gather @p0 [hbm4b:s0+s25], $0x200, $0x38;
	[tilespmem:$0x1CAA8] =	vst v63  }
0x109: {  	p3 =	por !p3, p0;
	s0 =	smov.u32 s31;
	_ =	swait.ge @!p0 [sflag:s1], $0x2000  }
0x10a: {  	s4 =	sadd.s32 @!p0 $0x3100, s21;
	s0 =	simm.s32 @p3 $0x30D0;
	[sflag:s1] =	ssyncset.done @!p0 $0x0  }
0x10b: {  	s0 =	sshll.u32 @!p0 s0, $0x8;
	[sflag:s1] =	ssyncadd.s32 @!p0 $0xFFFFE000  }
0x10c: {  	[tilespmem:s3], [sflag:$0x1] =	stream.linear.gather @!p0 [hbm4b:s4+s19], $0x200, $0x38;
	[tilespmem:$0x1CAA8] =	vst v63  }
0x10d: {  	s0 =	sadd.s32 @!p0 s26, s0  }
0x10e: {  	[tilespmem:s29], [sflag:$0x3] =	stream.linear.gather @!p0 [hbm4b:s0+s19], $0x2000, $0x38;
	[tilespmem:$0x1CAA8] =	vst v63  }
0x10f: {  	s0 =	simm.s32 $0x188A8  }
0x110: {  	[spmem:s23] =	stream.indirect.scatter.add.f32 [tilespmem:s8], [sflag:$0x5], $0x10, s0, s24, $0xb8;
	[tilespmem:$0x1CAA8] =	vst v63  }
0x111: {  	_ = 	snop  }
0x112: {  	[spmem:s23] =	stream.indirect.scatter.add.f32 [tilespmem:s10], [sflag:$0x5], $0x10, s9, s24, $0xb8;
	[tilespmem:$0x1CAA8] =	vst v63  }
0x113: {  	_ = 	snop  }
0x114: {  	[spmem:s23] =	stream.indirect.scatter.add.f32 [tilespmem:s12], [sflag:$0x5], $0x10, s11, s24, $0xb8;
	[tilespmem:$0x1CAA8] =	vst v63  }
0x115: {  	_ = 	snop  }
0x116: {  	[spmem:s23] =	stream.indirect.scatter.add.f32 [tilespmem:s14], [sflag:$0x5], $0x10, s13, s24, $0xb8;
	[tilespmem:$0x1CAA8] =	vst v63  }
0x117: {  	_ =	swait.ge [sflag:s5], $0x800  }
0x118: {  	[sflag:s5] =	ssyncset.done $0x0  }
0x119: {  	[sflag:s5] =	ssyncadd.s32 $0xFFFFF800  }
0x11a: {  	_ =	swait.ge [sflag:s5], $0x800  }
0x11b: {  	[sflag:s5] =	ssyncset.done $0x0  }
.Ltmp0:
0x11c: {  	[sflag:s5] =	ssyncadd.s32 $0xFFFFF800;
	(pc) =	sbr.rel @p2 .LBB2_2-.Ltmp0, $4  }
0x11d: {  	_ =	swait.ge [sflag:s5], $0x800  }
0x11e: {  	[sflag:s5] =	ssyncset.done $0x0  }
0x11f: {  	[sflag:s5] =	ssyncadd.s32 $0xFFFFF800  }
0x120: {  	s31 =	sadd.s32 $0x8, s31;
	_ =	swait.ge [sflag:s5], $0x800  }
0x121: {  	[sflag:s5] =	ssyncset.done $0x0  }
0x122: {  	[sflag:s5] =	ssyncadd.s32 $0xFFFFF800  }
0x123: {  	_ =	swait.ge [sflag:s22], $0x200  }
0x124: {  	[sflag:s22] =	ssyncset.done $0x0  }
0x125: {  	s0 =	rddreg [dreg:$0x4];
	[sflag:s22] =	ssyncadd.s32 $0xFFFFFE00  }
0x126: {  	[tilespmem:s18], [sflag:$0x2] =	stream.linear.gather @p0 [hbm4b:s0+s25], $0x200, $0x38;
	[tilespmem:$0x1CAA8] =	vst v63  }
0x127: {  	_ =	swait.ge @!p0 [sflag:s17], $0x2000  }
0x128: {  	[sflag:s17] =	ssyncset.done @!p0 $0x0  }
0x129: {  	[sflag:s17] =	ssyncadd.s32 @!p0 $0xFFFFE000  }
0x12a: {  	[tilespmem:s16], [sflag:$0x2] =	stream.linear.gather @!p0 [hbm4b:s0+s19], $0x200, $0x38;
	[tilespmem:$0x1CAA8] =	vst v63  }
0x12b: {  	s0 =	sld [smem:$0x7ED];
	_ =	sdelay $0x2  }
0x12c: {  	[tilespmem:s15], [sflag:$0x4] =	stream.linear.gather @!p0 [hbm4b:s0+s19], $0x2000, $0x38;
	[tilespmem:$0x1CAA8] =	vst v63  }
0x12d: {  	s17 =	simm.s32 $0x186A8  }
0x12e: {  	[spmem:s23] =	stream.indirect.scatter.add.f32 [tilespmem:s28], [sflag:$0x5], $0x10, s17, s24, $0xb8;
	[tilespmem:$0x1CAA8] =	vst v63  }
0x12f: {  	s3 =	simm.s32 $0x192A8;
	s18 =	simm.s32 $0x18728  }
0x130: {  	[spmem:s23] =	stream.indirect.scatter.add.f32 [tilespmem:s3], [sflag:$0x5], $0x10, s18, s24, $0xb8;
	[tilespmem:$0x1CAA8] =	vst v63  }
0x131: {  	s20 =	simm.s32 $0x19AA8;
	s19 =	simm.s32 $0x187A8  }
0x132: {  	[spmem:s23] =	stream.indirect.scatter.add.f32 [tilespmem:s20], [sflag:$0x5], $0x10, s19, s24, $0xb8;
	[tilespmem:$0x1CAA8] =	vst v63  }
0x133: {  	s21 =	simm.s32 $0x18828;
	s25 =	simm.s32 $0x1A2A8  }
0x134: {  	[spmem:s23] =	stream.indirect.scatter.add.f32 [tilespmem:s25], [sflag:$0x5], $0x10, s21, s24, $0xb8;
	[tilespmem:$0x1CAA8] =	vst v63  }
0x135: {  	_ =	swait.ge [sflag:s5], $0x800  }
0x136: {  	[sflag:s5] =	ssyncset.done $0x0  }
0x137: {  	[sflag:s5] =	ssyncadd.s32 $0xFFFFF800  }
0x138: {  	_ =	swait.ge [sflag:s5], $0x800  }
0x139: {  	[sflag:s5] =	ssyncset.done $0x0  }
0x13a: {  	[sflag:s5] =	ssyncadd.s32 $0xFFFFF800  }
0x13b: {  	_ =	swait.ge [sflag:s5], $0x800  }
0x13c: {  	[sflag:s5] =	ssyncset.done $0x0  }
0x13d: {  	[sflag:s5] =	ssyncadd.s32 $0xFFFFF800  }
0x13e: {  	_ =	swait.ge [sflag:s5], $0x800  }
0x13f: {  	[sflag:s5] =	ssyncset.done $0x0  }
0x140: {  	[sflag:s5] =	ssyncadd.s32 $0xFFFFF800  }
0x141: {  	_ =	swait.ge [sflag:s6], $0x200  }
0x142: {  	[sflag:s6] =	ssyncset.done $0x0  }
0x143: {  	[sflag:s6] =	ssyncadd.s32 $0xFFFFFE00  }
0x144: {  	_ =	swait.ge @!p0 [sflag:s1], $0x2000  }
0x145: {  	[sflag:s1] =	ssyncset.done @!p0 $0x0  }
0x146: {  	s4 =	simm.s32 $0x188A8;
	[sflag:s1] =	ssyncadd.s32 @!p0 $0xFFFFE000  }
0x147: {  	[spmem:s23] =	stream.indirect.scatter.add.f32 [tilespmem:s8], [sflag:$0x5], $0x10, s4, s24, $0xb8;
	[tilespmem:$0x1CAA8] =	vst v63  }
0x148: {  	_ = 	snop  }
0x149: {  	[spmem:s23] =	stream.indirect.scatter.add.f32 [tilespmem:s10], [sflag:$0x5], $0x10, s9, s24, $0xb8;
	[tilespmem:$0x1CAA8] =	vst v63  }
0x14a: {  	_ = 	snop  }
0x14b: {  	[spmem:s23] =	stream.indirect.scatter.add.f32 [tilespmem:s12], [sflag:$0x5], $0x10, s11, s24, $0xb8;
	[tilespmem:$0x1CAA8] =	vst v63  }
0x14c: {  	_ = 	snop  }
0x14d: {  	[spmem:s23] =	stream.indirect.scatter.add.f32 [tilespmem:s14], [sflag:$0x5], $0x10, s13, s24, $0xb8;
	[tilespmem:$0x1CAA8] =	vst v63  }
0x14e: {  	_ =	swait.ge [sflag:s5], $0x800  }
0x14f: {  	[sflag:s5] =	ssyncset.done $0x0  }
0x150: {  	[sflag:s5] =	ssyncadd.s32 $0xFFFFF800  }
0x151: {  	_ =	swait.ge [sflag:s5], $0x800  }
0x152: {  	[sflag:s5] =	ssyncset.done $0x0  }
0x153: {  	[sflag:s5] =	ssyncadd.s32 $0xFFFFF800  }
0x154: {  	_ =	swait.ge [sflag:s5], $0x800  }
0x155: {  	[sflag:s5] =	ssyncset.done $0x0  }
0x156: {  	[sflag:s5] =	ssyncadd.s32 $0xFFFFF800  }
0x157: {  	_ =	swait.ge [sflag:s5], $0x800  }
0x158: {  	[sflag:s5] =	ssyncset.done $0x0  }
0x159: {  	[sflag:s5] =	ssyncadd.s32 $0xFFFFF800  }
0x15a: {  	[bflag:$0x0] =	sbarrier.arrive $0xFFFF  }
0x15b: {  	s4 =	simm.s32 $0x6;
	s7 =	rddreg [dreg:$0x1b]  }
0x15c: {  	[tilespmem:s28], [sflag:$0x6] =	stream.linear.gather [spmem:s7], $0x1400, $0x38;
	[tilespmem:$0x1CAA8] =	vst v63  }
0x15d: {  	_ =	swait.ge [sflag:s4], $0x1400  }
0x15e: {  	[sflag:s4] =	ssyncset.done $0x0  }
0x15f: {  	s30 =	simm.s32 $0x0;
	s15 =	rddreg [dreg:$0x5];
	[sflag:s4] =	ssyncadd.s32 $0xFFFFEC00  }
0x160: {  	[hbm4b:s15+s30] =	stream.linear.scatter [tilespmem:s28], [sflag:$0x6], $0x1400, $0x38;
	[tilespmem:$0x1CAA8] =	vst v63  }
0x161: {  	_ =	swait.ge [sflag:s4], $0x1400  }
0x162: {  	[sflag:s4] =	ssyncset.done $0x0  }
0x163: {  	s16 =	rddreg [dreg:$0x1c];
	[sflag:s4] =	ssyncadd.s32 $0xFFFFEC00  }
0x164: {  	[tilespmem:s28], [sflag:$0x6] =	stream.linear.gather [spmem:s16], $0x1400, $0x38;
	[tilespmem:$0x1CAA8] =	vst v63  }
0x165: {  	_ =	swait.ge [sflag:s4], $0x1400  }
0x166: {  	[sflag:s4] =	ssyncset.done $0x0  }
0x167: {  	s17 =	rddreg [dreg:$0x6];
	[sflag:s4] =	ssyncadd.s32 $0xFFFFEC00  }
0x168: {  	[hbm4b:s17+s30] =	stream.linear.scatter [tilespmem:s28], [sflag:$0x6], $0x1400, $0x38;
	[tilespmem:$0x1CAA8] =	vst v63  }
0x169: {  	_ =	swait.ge [sflag:s4], $0x1400  }
0x16a: {  	[sflag:s4] =	ssyncset.done $0x0  }
0x16b: {  	s18 =	rddreg [dreg:$0x1d];
	[sflag:s4] =	ssyncadd.s32 $0xFFFFEC00  }
0x16c: {  	[tilespmem:s28], [sflag:$0x6] =	stream.linear.gather [spmem:s18], $0x1400, $0x38;
	[tilespmem:$0x1CAA8] =	vst v63  }
0x16d: {  	_ =	swait.ge [sflag:s4], $0x1400  }
0x16e: {  	[sflag:s4] =	ssyncset.done $0x0  }
0x16f: {  	s19 =	rddreg [dreg:$0x7];
	[sflag:s4] =	ssyncadd.s32 $0xFFFFEC00  }
0x170: {  	[hbm4b:s19+s30] =	stream.linear.scatter [tilespmem:s28], [sflag:$0x6], $0x1400, $0x38;
	[tilespmem:$0x1CAA8] =	vst v63  }
0x171: {  	_ =	swait.ge [sflag:s4], $0x1400  }
0x172: {  	[sflag:s4] =	ssyncset.done $0x0  }
0x173: {  	s20 =	rddreg [dreg:$0x1e];
	[sflag:s4] =	ssyncadd.s32 $0xFFFFEC00  }
0x174: {  	[tilespmem:s28], [sflag:$0x6] =	stream.linear.gather [spmem:s20], $0x1400, $0x38;
	[tilespmem:$0x1CAA8] =	vst v63  }
0x175: {  	_ =	swait.ge [sflag:s4], $0x1400  }
0x176: {  	[sflag:s4] =	ssyncset.done $0x0  }
0x177: {  	s21 =	rddreg [dreg:$0x8];
	[sflag:s4] =	ssyncadd.s32 $0xFFFFEC00  }
0x178: {  	[hbm4b:s21+s30] =	stream.linear.scatter [tilespmem:s28], [sflag:$0x6], $0x1400, $0x38;
	[tilespmem:$0x1CAA8] =	vst v63  }
0x179: {  	_ =	swait.ge [sflag:s4], $0x1400  }
0x17a: {  	[sflag:s4] =	ssyncset.done $0x0  }
0x17b: {  	s25 =	rddreg [dreg:$0x1f];
	[sflag:s4] =	ssyncadd.s32 $0xFFFFEC00  }
0x17c: {  	[tilespmem:s28], [sflag:$0x6] =	stream.linear.gather [spmem:s25], $0x1400, $0x38;
	[tilespmem:$0x1CAA8] =	vst v63  }
0x17d: {  	_ =	swait.ge [sflag:s4], $0x1400  }
0x17e: {  	[sflag:s4] =	ssyncset.done $0x0  }
0x17f: {  	s1 =	rddreg [dreg:$0x9];
	[sflag:s4] =	ssyncadd.s32 $0xFFFFEC00  }
0x180: {  	[hbm4b:s1+s30] =	stream.linear.scatter [tilespmem:s28], [sflag:$0x6], $0x1400, $0x38;
	[tilespmem:$0x1CAA8] =	vst v63  }
0x181: {  	_ =	swait.ge [sflag:s4], $0x1400  }
0x182: {  	s3 =	sld [smem:$0x7E9]  }
0x183: {  	[sflag:s4] =	ssyncset.done $0x0  }
0x184: {  	[sflag:s4] =	ssyncadd.s32 $0xFFFFEC00  }
0x185: {  	[tilespmem:s28], [sflag:$0x6] =	stream.linear.gather [spmem:s3], $0x1400, $0x38;
	[tilespmem:$0x1CAA8] =	vst v63  }
0x186: {  	_ =	swait.ge [sflag:s4], $0x1400  }
0x187: {  	[sflag:s4] =	ssyncset.done $0x0  }
0x188: {  	s7 =	rddreg [dreg:$0xa];
	[sflag:s4] =	ssyncadd.s32 $0xFFFFEC00  }
0x189: {  	[hbm4b:s7+s30] =	stream.linear.scatter [tilespmem:s28], [sflag:$0x6], $0x1400, $0x38;
	[tilespmem:$0x1CAA8] =	vst v63  }
0x18a: {  	_ =	swait.ge [sflag:s4], $0x1400  }
0x18b: {  	s15 =	sld [smem:$0x7EA]  }
0x18c: {  	[sflag:s4] =	ssyncset.done $0x0  }
0x18d: {  	[sflag:s4] =	ssyncadd.s32 $0xFFFFEC00  }
0x18e: {  	[tilespmem:s28], [sflag:$0x6] =	stream.linear.gather [spmem:s15], $0x1400, $0x38;
	[tilespmem:$0x1CAA8] =	vst v63  }
0x18f: {  	_ =	swait.ge [sflag:s4], $0x1400  }
0x190: {  	[sflag:s4] =	ssyncset.done $0x0  }
0x191: {  	s16 =	rddreg [dreg:$0xb];
	[sflag:s4] =	ssyncadd.s32 $0xFFFFEC00  }
0x192: {  	[hbm4b:s16+s30] =	stream.linear.scatter [tilespmem:s28], [sflag:$0x6], $0x1400, $0x38;
	[tilespmem:$0x1CAA8] =	vst v63  }
0x193: {  	_ =	swait.ge [sflag:s4], $0x1400  }
0x194: {  	s17 =	sld [smem:$0x7EB]  }
0x195: {  	[sflag:s4] =	ssyncset.done $0x0  }
0x196: {  	[sflag:s4] =	ssyncadd.s32 $0xFFFFEC00  }
0x197: {  	[tilespmem:s28], [sflag:$0x6] =	stream.linear.gather [spmem:s17], $0x1400, $0x38;
	[tilespmem:$0x1CAA8] =	vst v63  }
0x198: {  	_ =	swait.ge [sflag:s4], $0x1400  }
0x199: {  	[sflag:s4] =	ssyncset.done $0x0  }
0x19a: {  	s18 =	rddreg [dreg:$0xc];
	[sflag:s4] =	ssyncadd.s32 $0xFFFFEC00  }
0x19b: {  	[hbm4b:s18+s30] =	stream.linear.scatter [tilespmem:s28], [sflag:$0x6], $0x1400, $0x38;
	[tilespmem:$0x1CAA8] =	vst v63  }
0x19c: {  	_ =	swait.ge [sflag:s4], $0x1400  }
0x19d: {  	s18 =	sld [smem:$0x7F2]  }
0x19e: {  	[sflag:s4] =	ssyncset.done $0x0  }
0x19f: {  	[sflag:s4] =	ssyncadd.s32 $0xFFFFEC00  }
0x1a0: {  	[tilespmem:s28], [sflag:$0x6] =	stream.linear.gather [spmem:s18], $0x1400, $0x38;
	[tilespmem:$0x1CAA8] =	vst v63  }
0x1a1: {  	_ =	swait.ge [sflag:s4], $0x1400  }
0x1a2: {  	[sflag:s4] =	ssyncset.done $0x0  }
0x1a3: {  	s19 =	rddreg [dreg:$0xd];
	[sflag:s4] =	ssyncadd.s32 $0xFFFFEC00  }
0x1a4: {  	[hbm4b:s19+s30] =	stream.linear.scatter [tilespmem:s28], [sflag:$0x6], $0x1400, $0x38;
	[tilespmem:$0x1CAA8] =	vst v63  }
0x1a5: {  	_ =	swait.ge [sflag:s4], $0x1400  }
0x1a6: {  	s19 =	sld [smem:$0x7F3]  }
0x1a7: {  	[sflag:s4] =	ssyncset.done $0x0  }
0x1a8: {  	[sflag:s4] =	ssyncadd.s32 $0xFFFFEC00  }
0x1a9: {  	[tilespmem:s28], [sflag:$0x6] =	stream.linear.gather [spmem:s19], $0x1400, $0x38;
	[tilespmem:$0x1CAA8] =	vst v63  }
0x1aa: {  	_ =	swait.ge [sflag:s4], $0x1400  }
0x1ab: {  	[sflag:s4] =	ssyncset.done $0x0  }
0x1ac: {  	s20 =	rddreg [dreg:$0xe];
	[sflag:s4] =	ssyncadd.s32 $0xFFFFEC00  }
0x1ad: {  	[hbm4b:s20+s30] =	stream.linear.scatter [tilespmem:s28], [sflag:$0x6], $0x1400, $0x38;
	[tilespmem:$0x1CAA8] =	vst v63  }
0x1ae: {  	_ =	swait.ge [sflag:s4], $0x1400  }
0x1af: {  	s20 =	sld [smem:$0x7F4]  }
0x1b0: {  	[sflag:s4] =	ssyncset.done $0x0  }
0x1b1: {  	[sflag:s4] =	ssyncadd.s32 $0xFFFFEC00  }
0x1b2: {  	[tilespmem:s28], [sflag:$0x6] =	stream.linear.gather [spmem:s20], $0x1400, $0x38;
	[tilespmem:$0x1CAA8] =	vst v63  }
0x1b3: {  	_ =	swait.ge [sflag:s4], $0x1400  }
0x1b4: {  	[sflag:s4] =	ssyncset.done $0x0  }
0x1b5: {  	s21 =	rddreg [dreg:$0xf];
	[sflag:s4] =	ssyncadd.s32 $0xFFFFEC00  }
0x1b6: {  	[hbm4b:s21+s30] =	stream.linear.scatter [tilespmem:s28], [sflag:$0x6], $0x1400, $0x38;
	[tilespmem:$0x1CAA8] =	vst v63  }
0x1b7: {  	_ =	swait.ge [sflag:s4], $0x1400  }
0x1b8: {  	s21 =	sld [smem:$0x7F5]  }
0x1b9: {  	[sflag:s4] =	ssyncset.done $0x0  }
0x1ba: {  	[sflag:s4] =	ssyncadd.s32 $0xFFFFEC00  }
0x1bb: {  	[tilespmem:s28], [sflag:$0x6] =	stream.linear.gather [spmem:s21], $0x1400, $0x38;
	[tilespmem:$0x1CAA8] =	vst v63  }
0x1bc: {  	_ =	swait.ge [sflag:s4], $0x1400  }
0x1bd: {  	[sflag:s4] =	ssyncset.done $0x0  }
0x1be: {  	s25 =	rddreg [dreg:$0x10];
	[sflag:s4] =	ssyncadd.s32 $0xFFFFEC00  }
0x1bf: {  	[hbm4b:s25+s30] =	stream.linear.scatter [tilespmem:s28], [sflag:$0x6], $0x1400, $0x38;
	[tilespmem:$0x1CAA8] =	vst v63  }
0x1c0: {  	_ =	swait.ge [sflag:s4], $0x1400  }
0x1c1: {  	s25 =	sld [smem:$0x7F6]  }
0x1c2: {  	[sflag:s4] =	ssyncset.done $0x0  }
0x1c3: {  	[sflag:s4] =	ssyncadd.s32 $0xFFFFEC00  }
0x1c4: {  	[tilespmem:s28], [sflag:$0x6] =	stream.linear.gather [spmem:s25], $0x1400, $0x38;
	[tilespmem:$0x1CAA8] =	vst v63  }
0x1c5: {  	_ =	swait.ge [sflag:s4], $0x1400  }
0x1c6: {  	[sflag:s4] =	ssyncset.done $0x0  }
0x1c7: {  	s1 =	rddreg [dreg:$0x11];
	[sflag:s4] =	ssyncadd.s32 $0xFFFFEC00  }
0x1c8: {  	[hbm4b:s1+s30] =	stream.linear.scatter [tilespmem:s28], [sflag:$0x6], $0x1400, $0x38;
	[tilespmem:$0x1CAA8] =	vst v63  }
0x1c9: {  	_ =	swait.ge [sflag:s4], $0x1400  }
0x1ca: {  	s29 =	sld [smem:$0x7F7]  }
0x1cb: {  	[sflag:s4] =	ssyncset.done $0x0  }
0x1cc: {  	[sflag:s4] =	ssyncadd.s32 $0xFFFFEC00  }
0x1cd: {  	[tilespmem:s28], [sflag:$0x6] =	stream.linear.gather [spmem:s29], $0x1400, $0x38;
	[tilespmem:$0x1CAA8] =	vst v63  }
0x1ce: {  	_ =	swait.ge [sflag:s4], $0x1400  }
0x1cf: {  	[sflag:s4] =	ssyncset.done $0x0  }
0x1d0: {  	s3 =	rddreg [dreg:$0x12];
	[sflag:s4] =	ssyncadd.s32 $0xFFFFEC00  }
0x1d1: {  	[hbm4b:s3+s30] =	stream.linear.scatter [tilespmem:s28], [sflag:$0x6], $0x1400, $0x38;
	[tilespmem:$0x1CAA8] =	vst v63  }
0x1d2: {  	_ =	swait.ge [sflag:s4], $0x1400  }
0x1d3: {  	s31 =	sld [smem:$0x7F8]  }
0x1d4: {  	[sflag:s4] =	ssyncset.done $0x0  }
0x1d5: {  	[sflag:s4] =	ssyncadd.s32 $0xFFFFEC00  }
0x1d6: {  	[tilespmem:s28], [sflag:$0x6] =	stream.linear.gather [spmem:s31], $0x1400, $0x38;
	[tilespmem:$0x1CAA8] =	vst v63  }
0x1d7: {  	_ =	swait.ge [sflag:s4], $0x1400  }
0x1d8: {  	[sflag:s4] =	ssyncset.done $0x0  }
0x1d9: {  	s7 =	rddreg [dreg:$0x13];
	[sflag:s4] =	ssyncadd.s32 $0xFFFFEC00  }
0x1da: {  	[hbm4b:s7+s30] =	stream.linear.scatter [tilespmem:s28], [sflag:$0x6], $0x1400, $0x38;
	[tilespmem:$0x1CAA8] =	vst v63  }
0x1db: {  	_ =	swait.ge [sflag:s4], $0x1400  }
0x1dc: {  	s7 =	sld [smem:$0x7F9]  }
0x1dd: {  	[sflag:s4] =	ssyncset.done $0x0  }
0x1de: {  	[sflag:s4] =	ssyncadd.s32 $0xFFFFEC00  }
0x1df: {  	[tilespmem:s28], [sflag:$0x6] =	stream.linear.gather [spmem:s7], $0x1400, $0x38;
	[tilespmem:$0x1CAA8] =	vst v63  }
0x1e0: {  	_ =	swait.ge [sflag:s4], $0x1400  }
0x1e1: {  	[sflag:s4] =	ssyncset.done $0x0  }
0x1e2: {  	s15 =	rddreg [dreg:$0x14];
	[sflag:s4] =	ssyncadd.s32 $0xFFFFEC00  }
0x1e3: {  	[hbm4b:s15+s30] =	stream.linear.scatter [tilespmem:s28], [sflag:$0x6], $0x1400, $0x38;
	[tilespmem:$0x1CAA8] =	vst v63  }
0x1e4: {  	_ =	swait.ge [sflag:s4], $0x1400  }
0x1e5: {  	s15 =	sld [smem:$0x7FA]  }
0x1e6: {  	[sflag:s4] =	ssyncset.done $0x0  }
0x1e7: {  	[sflag:s4] =	ssyncadd.s32 $0xFFFFEC00  }
0x1e8: {  	[tilespmem:s28], [sflag:$0x6] =	stream.linear.gather [spmem:s15], $0x1400, $0x38;
	[tilespmem:$0x1CAA8] =	vst v63  }
0x1e9: {  	_ =	swait.ge [sflag:s4], $0x1400  }
0x1ea: {  	[sflag:s4] =	ssyncset.done $0x0  }
0x1eb: {  	s16 =	rddreg [dreg:$0x15];
	[sflag:s4] =	ssyncadd.s32 $0xFFFFEC00  }
0x1ec: {  	[hbm4b:s16+s30] =	stream.linear.scatter [tilespmem:s28], [sflag:$0x6], $0x1400, $0x38;
	[tilespmem:$0x1CAA8] =	vst v63  }
0x1ed: {  	_ =	swait.ge [sflag:s4], $0x1400  }
0x1ee: {  	s1 =	sld [smem:$0x7FB]  }
0x1ef: {  	[sflag:s4] =	ssyncset.done $0x0  }
0x1f0: {  	[sflag:s4] =	ssyncadd.s32 $0xFFFFEC00  }
0x1f1: {  	[tilespmem:s28], [sflag:$0x6] =	stream.linear.gather [spmem:s1], $0x1400, $0x38;
	[tilespmem:$0x1CAA8] =	vst v63  }
0x1f2: {  	_ =	swait.ge [sflag:s4], $0x1400  }
0x1f3: {  	[sflag:s4] =	ssyncset.done $0x0  }
0x1f4: {  	s17 =	rddreg [dreg:$0x16];
	[sflag:s4] =	ssyncadd.s32 $0xFFFFEC00  }
0x1f5: {  	[hbm4b:s17+s30] =	stream.linear.scatter [tilespmem:s28], [sflag:$0x6], $0x1400, $0x38;
	[tilespmem:$0x1CAA8] =	vst v63  }
0x1f6: {  	_ =	swait.ge [sflag:s4], $0x1400  }
0x1f7: {  	s16 =	sld [smem:$0x7FC]  }
0x1f8: {  	[sflag:s4] =	ssyncset.done $0x0  }
0x1f9: {  	[sflag:s4] =	ssyncadd.s32 $0xFFFFEC00  }
0x1fa: {  	[tilespmem:s28], [sflag:$0x6] =	stream.linear.gather [spmem:s16], $0x1400, $0x38;
	[tilespmem:$0x1CAA8] =	vst v63  }
0x1fb: {  	_ =	swait.ge [sflag:s4], $0x1400  }
0x1fc: {  	[sflag:s4] =	ssyncset.done $0x0  }
0x1fd: {  	s3 =	rddreg [dreg:$0x17];
	[sflag:s4] =	ssyncadd.s32 $0xFFFFEC00  }
0x1fe: {  	[hbm4b:s3+s30] =	stream.linear.scatter [tilespmem:s28], [sflag:$0x6], $0x1400, $0x38;
	[tilespmem:$0x1CAA8] =	vst v63  }
0x1ff: {  	_ =	swait.ge [sflag:s4], $0x1400  }
0x200: {  	s3 =	sld [smem:$0x7FD]  }
0x201: {  	[sflag:s4] =	ssyncset.done $0x0  }
0x202: {  	[sflag:s4] =	ssyncadd.s32 $0xFFFFEC00  }
0x203: {  	[tilespmem:s28], [sflag:$0x6] =	stream.linear.gather [spmem:s3], $0x1400, $0x38;
	[tilespmem:$0x1CAA8] =	vst v63  }
0x204: {  	_ =	swait.ge [sflag:s4], $0x1400  }
0x205: {  	[sflag:s4] =	ssyncset.done $0x0  }
0x206: {  	s17 =	rddreg [dreg:$0x18];
	[sflag:s4] =	ssyncadd.s32 $0xFFFFEC00  }
0x207: {  	[hbm4b:s17+s30] =	stream.linear.scatter [tilespmem:s28], [sflag:$0x6], $0x1400, $0x38;
	[tilespmem:$0x1CAA8] =	vst v63  }
0x208: {  	_ =	swait.ge [sflag:s4], $0x1400  }
0x209: {  	s0 =	sld [smem:$0x7F1]  }
0x20a: {  	[sflag:s4] =	ssyncset.done $0x0;
	s4 =	sld [smem:$0x7EF];
	_ =	sdelay $0x1  }
0x20b: {  	s17 =	sadd.s32 $0x1, s0  }
0x20c: {  	p2 =	sne.s32 s17, s4  }
.Ltmp1:
0x20d: {  	_ = 	snop;
	(pc) =	sbr.rel @p2 .LBB2_1-.Ltmp1, $3  }
0x20e: {  	_ =	sdelay $0x1  }
0x20f: {  	[smem:$0x7F1] =	sst s17;
	s4 =	simm.s32 $0x6  }
0x210: {  	s17 =	rddreg [dreg:$0x1c];
	[sflag:s4] =	ssyncadd.s32 $0xFFFFEC00  }
0x211: {  	_ =	sfence.sel $0x180000  }
0x212: {  	[bflag:$0x0] =	sbarrier.arrive $0xFFFF  }
0x213: {  	_ =	strace $0x90000047  }
0x214: {  	s0 =	stileid.u32;
	[bflag:$0x2] =	sbarrier.arrive $0xFFFF  }
0x215: {  	p0 =	sne.s32 s0, $0x0;
	s0 =	rddreg [dreg:$0x3]  }
0x216: {  	s0 =	sadd.s32 @!p0 $0x100000, s0  }
0x217: {  	[sflag:s0] =	ssyncadd.tile.s32 @!p0 $0x1;
	_ =	shalt  }
.Lfunc_end2:
_tile_overlayer_lowered:
.L_overlay_start_2:
0x218: {  	(tag) =	ssettag $0x2  }
0x219: {  	s0 =	rddreg [dreg:$0x0];
	s2 =	stileid.u32  }
0x21a: {  	s1 =	rddreg [dreg:$0x1];
	p0 =	sne.s32 s2, $0x0  }
0x21b: {  	s3 =	rddreg [dreg:$0x2];
	[bflag:$0x3] =	sbarrier.arrive $0xFFFF;
	s2 =	simm.s32 @!p0 $0x1C06  }
0x21c: {  	[timem:s3], [sflag:s2] =	dma.local @!p0 [hbm:s0], s1  }
0x21d: {  	s0 =	simm.s32 @!p0 $0x6  }
0x21e: {  	_ =	swait.ge @!p0 [sflag:s0], s1  }
0x21f: {  	s1 =	ssub.s32 @!p0 $0x0, s1;
	[sflag:s0] =	ssyncset.done @!p0 $0x0  }
0x220: {  	[sflag:s0] =	ssyncadd.s32 @!p0 s1  }
0x221: {  	[bflag:$0x3] =	sbarrier.arrive $0xFFFF  }
0x222: {  	_ =	shalt  }

</sc_bundles>
